<compile_context>
chip_gen: v7x
topology: tpu7x:2x2x1
jax: 0.10.2.dev20260603
libtpu: 0.0.44.dev20260713+nightly
codegen_flags: <defaults>
</compile_context>

<pallas_src>
import functools

import jax
import jax.numpy as jnp
from jax import lax
from jax.experimental import pallas as pl
from jax.experimental.pallas import tpu as pltpu
from jax.experimental.pallas import tpu_sc as plsc

N = 10000
E = 320000
IN_DIM = 128
HID = 256
Q = 4
QD = HID // Q
NC = 2
NS = 16
B = 128
ROWS = 2560
RPS = ROWS // NS
RPH = ROWS // (NC * NS)
ACC_ROWS = 10112
RPT = ACC_ROWS // NS
RB = 2000
AA_DIM = 64


def _mesh():
    return plsc.VectorSubcoreMesh(core_axis_name="c", subcore_axis_name="s")


def _make_hist():
    @functools.partial(
        pl.kernel,
        out_type=jax.ShapeDtypeStruct((NC, ACC_ROWS, 16), jnp.float32),
        mesh=_mesh(),
        compiler_params=pltpu.CompilerParams(use_tc_tiling_on_sc=False),
        scratch_types=[
            pltpu.VMEM((RPH, B), jnp.int32),
            pltpu.VMEM((B, 16), jnp.float32),
            pltpu.VMEM((RPT, 16), jnp.float32),
            pltpu.VMEM_SHARED((ACC_ROWS, 16), jnp.float32),
        ],
    )
    def hist(c2, out, cidx, ones_v, zeros_v, acc):
        cid = lax.axis_index("c")
        sid = lax.axis_index("s")

        def fill_ones(i, _):
            ones_v[i, :] = jnp.full((16,), 1.0, jnp.float32)
            return 0
        lax.fori_loop(0, B, fill_ones, 0)

        def fill_zeros(i, _):
            zeros_v[i, :] = jnp.zeros((16,), jnp.float32)
            return 0
        lax.fori_loop(0, RPT, fill_zeros, 0)

        pltpu.sync_copy(zeros_v, acc.at[pl.ds(sid * RPT, RPT)])
        plsc.subcore_barrier()

        base = cid * (NS * RPH) + sid * RPH
        pltpu.sync_copy(c2.at[pl.ds(base, RPH)], cidx)

        def body(b, _):
            pltpu.sync_copy(ones_v, acc.at[cidx.at[b]], add=True)
            return 0
        lax.fori_loop(0, RPH, body, 0)

        plsc.subcore_barrier()
        pltpu.sync_copy(acc.at[pl.ds(sid * RPT, RPT)],
                        out.at[cid, pl.ds(sid * RPT, RPT)])

    return hist


_hist = _make_hist()


def _make_spmm():
    @functools.partial(
        pl.kernel,
        out_type=jax.ShapeDtypeStruct((Q, ACC_ROWS, QD), jnp.float32),
        mesh=_mesh(),
        compiler_params=pltpu.CompilerParams(use_tc_tiling_on_sc=False),
        scratch_types=[
            pltpu.VMEM((RPS, B), jnp.int32),
            pltpu.VMEM((RPS, B), jnp.int32),
            pltpu.VMEM((4, B, QD), jnp.float32),
            pltpu.VMEM((64, QD), jnp.float32),
            pltpu.VMEM_SHARED((ACC_ROWS, QD), jnp.float32),
            pltpu.SemaphoreType.DMA((4,)),
            pltpu.SemaphoreType.DMA((4,)),
        ],
    )
    def spmm(g, r4, c2, out, ridx, cidx, ring, zb, acc, gsems, ssems):
        bufs = [ring.at[s] for s in range(4)]
        gsem = [gsems.at[s] for s in range(4)]
        ssem = [ssems.at[s] for s in range(4)]
        cid = lax.axis_index("c")
        sid = lax.axis_index("s")
        NSL = 4
        NR = RPS // NSL

        def fill_zb(i, _):
            for j in range(QD // 16):
                zb[i, pl.ds(j * 16, 16)] = jnp.zeros((16,), jnp.float32)
            return 0
        lax.fori_loop(0, 64, fill_zb, 0)

        pltpu.sync_copy(c2.at[pl.ds(sid * RPS, RPS)], cidx)
        row0 = sid * RPT

        for p in range(2):
            for k in range(RPT // 64):
                pltpu.sync_copy(zb, acc.at[pl.ds(row0 + k * 64, 64)])
            rem = RPT - (RPT // 64) * 64
            pltpu.sync_copy(zb.at[pl.ds(0, rem)],
                            acc.at[pl.ds(row0 + (RPT // 64) * 64, rem)])

            qid = cid * 2 + p
            pltpu.sync_copy(r4.at[qid, pl.ds(sid * RPS, RPS)], ridx)
            plsc.subcore_barrier()

            for s in range(NSL):
                pltpu.async_copy(g.at[ridx.at[s]], bufs[s], gsem[s])

            def round_body(i, _):
                base = i * NSL
                for s in range(NSL):
                    b = base + s
                    pltpu.make_async_copy(
                        g.at[ridx.at[b]], bufs[s], gsem[s]).wait()
                    pltpu.sync_copy(bufs[s], acc.at[cidx.at[b]], add=True)

                    @pl.when(i < NR - 1)
                    def _():
                        pltpu.async_copy(
                            g.at[ridx.at[b + NSL]], bufs[s], gsem[s])
                return 0
            lax.fori_loop(0, NR, round_body, 0)

            plsc.subcore_barrier()
            pltpu.sync_copy(acc.at[pl.ds(row0, RPT)],
                            out.at[qid, pl.ds(row0, RPT)])

    return spmm


_spmm = _make_spmm()


def _dis_from_cnt(cnt_blk):
    return lax.rsqrt(1.0 + cnt_blk[0, :, 0] + cnt_blk[1, :, 0])


def _mm1_body(x_ref, w_ref, cnt_ref, g_ref):
    dis = _dis_from_cnt(cnt_ref[...])
    u = jnp.dot(x_ref[...], w_ref[0], preferred_element_type=jnp.float32)
    g_ref[0] = dis[:, None] * u


def _mm1(x, w1q, cnts):
    return pl.pallas_call(
        _mm1_body,
        grid=(N // RB, Q),
        in_specs=[
            pl.BlockSpec((RB, IN_DIM), lambda i, q: (i, 0)),
            pl.BlockSpec((1, IN_DIM, QD), lambda i, q: (q, 0, 0)),
            pl.BlockSpec((NC, RB, 16), lambda i, q: (0, i, 0)),
        ],
        out_specs=pl.BlockSpec((1, RB, QD), lambda i, q: (q, i, 0)),
        out_shape=jax.ShapeDtypeStruct((Q, N, QD), jnp.float32),
    )(x, w1q, cnts)


def _hsum(s_ref, g_ref):
    return jnp.concatenate(
        [s_ref[q] + g_ref[q] for q in range(Q)], axis=1)


def _mm2_body(s_ref, g_ref, cnt_ref, b1_ref, w_ref, out_ref):
    dis = _dis_from_cnt(cnt_ref[...])
    h = _hsum(s_ref, g_ref)
    b1row = jnp.concatenate([b1_ref[q] for q in range(Q)], axis=0)
    h = jnp.maximum(dis[:, None] * h + b1row[None, :], 0.0)
    u = jnp.dot(h, w_ref[0], preferred_element_type=jnp.float32)
    out_ref[0] = dis[:, None] * u


def _mm2(s1, g1, cnts, b1q, w2q):
    return pl.pallas_call(
        _mm2_body,
        grid=(N // RB, Q),
        in_specs=[
            pl.BlockSpec((Q, RB, QD), lambda i, q: (0, i, 0)),
            pl.BlockSpec((Q, RB, QD), lambda i, q: (0, i, 0)),
            pl.BlockSpec((NC, RB, 16), lambda i, q: (0, i, 0)),
            pl.BlockSpec((Q, QD), lambda i, q: (0, 0)),
            pl.BlockSpec((1, HID, QD), lambda i, q: (q, 0, 0)),
        ],
        out_specs=pl.BlockSpec((1, RB, QD), lambda i, q: (q, i, 0)),
        out_shape=jax.ShapeDtypeStruct((Q, N, QD), jnp.float32),
    )(s1, g1, cnts, b1q, w2q)


def _zred_body(s_ref, g_ref, cnt_ref, b2_ref, m_ref, z_ref):
    i = pl.program_id(0)
    dis = _dis_from_cnt(cnt_ref[...])
    h = _hsum(s_ref, g_ref)
    b2row = jnp.concatenate([b2_ref[q] for q in range(Q)], axis=0)
    h = jnp.maximum(dis[:, None] * h + b2row[None, :], 0.0)
    zp = jnp.sum(m_ref[0, 0][:, None] * h, axis=0)

    @pl.when(i == 0)
    def _():
        z_ref[...] = jnp.zeros_like(z_ref)

    z_ref[...] += zp[None, :]


def _zred(s2, g2, cnts, b2q, mmr):
    return pl.pallas_call(
        _zred_body,
        grid=(N // RB,),
        in_specs=[
            pl.BlockSpec((Q, RB, QD), lambda i: (0, i, 0)),
            pl.BlockSpec((Q, RB, QD), lambda i: (0, i, 0)),
            pl.BlockSpec((NC, RB, 16), lambda i: (0, i, 0)),
            pl.BlockSpec((Q, QD), lambda i: (0, 0)),
            pl.BlockSpec((1, 1, RB), lambda i: (i, 0, 0)),
        ],
        out_specs=pl.BlockSpec((1, HID), lambda i: (0, 0)),
        out_shape=jax.ShapeDtypeStruct((1, HID), jnp.float32),
    )(s2, g2, cnts, b2q, mmr)


def _head_body(z_ref, m_ref, wti_ref, mti_ref, aa_ref, pe_ref,
               hw1_ref, hb1_ref, hw2_ref, hb2_ref, hw3_ref, hb3_ref, o_ref):
    mm = m_ref[0]
    p = jnp.minimum(jnp.argmax(mm).astype(jnp.int32), 511)
    wt_i = wti_ref[0, 0]
    mut_i = mti_ref[0, 0]
    rows_aa = lax.broadcasted_iota(jnp.int32, (32, AA_DIM), 0)
    aa = aa_ref[...]
    wt = jnp.sum(jnp.where(rows_aa == wt_i, aa, 0.0), axis=0)
    mut = jnp.sum(jnp.where(rows_aa == mut_i, aa, 0.0), axis=0)
    rows_pe = lax.broadcasted_iota(jnp.int32, (512, 32), 0)
    pe = jnp.sum(jnp.where(rows_pe == p, pe_ref[...], 0.0), axis=0)
    feat = jnp.concatenate([z_ref[0], wt, mut, mut - wt, pe], axis=0)[None, :]
    o = jnp.maximum(
        jnp.dot(feat, hw1_ref[...], preferred_element_type=jnp.float32)
        + hb1_ref[...], 0.0)
    o = jnp.maximum(
        jnp.dot(o, hw2_ref[...], preferred_element_type=jnp.float32)
        + hb2_ref[...], 0.0)
    o_ref[...] = (jnp.sum(o * hw3_ref[...], axis=1, keepdims=True)
                  + hb3_ref[...])


def _head(z, mm1r, wti, mti, aa_pad, pos_emb, hw1, hb1r, hw2, hb2r,
          hw3r, hb3r):
    return pl.pallas_call(
        _head_body,
        out_shape=jax.ShapeDtypeStruct((1, 1), jnp.float32),
    )(z, mm1r, wti, mti, aa_pad, pos_emb, hw1, hb1r, hw2, hb2r, hw3r, hb3r)


def kernel(x, edge_index, mut_mask, wt_idx, mut_idx, W1, b1, W2, b2,
           aa_emb, pos_emb, HW1, Hb1, HW2, Hb2, HW3, Hb3):
    r = edge_index[0]
    c = edge_index[1]
    pad = ROWS * B - E
    r_pad = jnp.concatenate([r, jnp.zeros((pad,), jnp.int32)])
    c_pad = jnp.concatenate([c, jnp.full((pad,), N, jnp.int32)])
    r4 = jnp.stack([r_pad + q * N for q in range(Q)]).reshape(Q, ROWS, B)
    c2 = c_pad.reshape(ROWS, B)

    w1q = jnp.moveaxis(W1.reshape(IN_DIM, Q, QD), 1, 0)
    w2q = jnp.moveaxis(W2.reshape(HID, Q, QD), 1, 0)
    b1q = b1.reshape(Q, QD)
    b2q = b2.reshape(Q, QD)
    mmr = mut_mask.reshape(N // RB, 1, RB)
    aa_pad = jnp.concatenate(
        [aa_emb, jnp.zeros((12, AA_DIM), jnp.float32)], axis=0)
    wti = wt_idx.reshape(1, 1)
    mti = mut_idx.reshape(1, 1)
    hb1r = Hb1.reshape(1, -1)
    hb2r = Hb2.reshape(1, -1)
    hw3r = HW3.reshape(1, -1)
    hb3r = Hb3.reshape(1, 1)

    cnts = _hist(c2)
    g1 = _mm1(x, w1q, cnts)
    s1 = _spmm(g1.reshape(Q * N, QD), r4, c2)
    g2 = _mm2(s1, g1, cnts, b1q, w2q)
    s2 = _spmm(g2.reshape(Q * N, QD), r4, c2)
    z = _zred(s2, g2, cnts, b2q, mmr)
    o = _head(z, mut_mask.reshape(1, N), wti, mti, aa_pad, pos_emb,
              HW1, hb1r, HW2, hb2r, hw3r, hb3r)
    return o[0, 0]

# --- scband reference (transcript-rebuilt; emitter-appended) ---
"""Pipeline reference for scband-hgnn-32134945309312 (READ-ONLY COPY).

The authoritative reference and input builder live on the scoring server;
editing this copy changes nothing except your own understanding.
"""

import jax, jax.numpy as jnp
import numpy as np

N = 10000
E = 320000
IN_DIM = 128
HID = 256
AA = 64
POSD = 32
MAX_POS = 512


def setup_inputs(seed: int = 0) -> dict:
    key = jax.random.key(seed)
    ks = jax.random.split(key, 20)
    x = jax.random.normal(ks[0], (N, IN_DIM), dtype=jnp.float32)
    edge_index = jax.random.randint(ks[1], (2, E), 0, N, dtype=jnp.int32)
    mut_mask = jax.random.uniform(ks[2], (N,), dtype=jnp.float32)
    wt_idx = jax.random.randint(ks[3], (1,), 0, 20, dtype=jnp.int32)
    mut_idx = jax.random.randint(ks[4], (1,), 0, 20, dtype=jnp.int32)
    W1 = jax.random.normal(ks[5], (IN_DIM, HID), dtype=jnp.float32) * 0.05
    b1 = jnp.zeros((HID,), dtype=jnp.float32)
    W2 = jax.random.normal(ks[6], (HID, HID), dtype=jnp.float32) * 0.05
    b2 = jnp.zeros((HID,), dtype=jnp.float32)
    aa_emb = jax.random.normal(ks[7], (20, AA), dtype=jnp.float32) * 0.05
    pos_emb = jax.random.normal(ks[8], (MAX_POS, POSD), dtype=jnp.float32) * 0.05
    feat_dim = HID + AA * 3 + POSD
    HW1 = jax.random.normal(ks[9], (feat_dim, 512), dtype=jnp.float32) * 0.05
    Hb1 = jnp.zeros((512,), dtype=jnp.float32)
    HW2 = jax.random.normal(ks[10], (512, 128), dtype=jnp.float32) * 0.05
    Hb2 = jnp.zeros((128,), dtype=jnp.float32)
    HW3 = jax.random.normal(ks[11], (128, 1), dtype=jnp.float32) * 0.05
    Hb3 = jnp.zeros((1,), dtype=jnp.float32)
    return {"x": x, "edge_index": edge_index, "mut_mask": mut_mask, "wt_idx": wt_idx,
            "mut_idx": mut_idx, "W1": W1, "b1": b1, "W2": W2, "b2": b2,
            "aa_emb": aa_emb, "pos_emb": pos_emb, "HW1": HW1, "Hb1": Hb1,
            "HW2": HW2, "Hb2": Hb2, "HW3": HW3, "Hb3": Hb3}


def reference(x, edge_index, mut_mask, wt_idx, mut_idx, W1, b1, W2, b2,
              aa_emb, pos_emb, HW1, Hb1, HW2, Hb2, HW3, Hb3):
    n = x.shape[0]
    loop = jnp.arange(n, dtype=edge_index.dtype)
    r = jnp.concatenate([edge_index[0], loop])
    c = jnp.concatenate([edge_index[1], loop])
    # GCN symmetric normalization with self-loops, unit edge weights
    deg = jnp.zeros((n,), dtype=x.dtype).at[c].add(1.0)
    dis = jnp.where(deg > 0, 1.0 / jnp.sqrt(deg), 0.0)
    norm = dis[r] * dis[c]

    def conv(h, W, b):
        h = h @ W
        msg = h[r] * norm[:, None]
        out = jnp.zeros((n, W.shape[1]), dtype=h.dtype).at[c].add(msg)
        return out + b

    h = jax.nn.relu(conv(x, W1, b1))
    h = jax.nn.relu(conv(h, W2, b2))  # dropout is identity in eval mode
    z = (h * mut_mask[:, None]).sum(axis=0, keepdims=True)
    wt = aa_emb[wt_idx.reshape(-1)]
    mut = aa_emb[mut_idx.reshape(-1)]
    delta = mut - wt
    pos = jnp.clip(jnp.argmax(mut_mask).reshape(1), 0, MAX_POS - 1)
    pe = pos_emb[pos]
    feat = jnp.concatenate([z, wt, mut, delta, pe], axis=1)
    o = jax.nn.relu(feat @ HW1 + Hb1)
    o = jax.nn.relu(o @ HW2 + Hb2)
    o = o @ HW3 + Hb3
    return o.squeeze(1).squeeze(0)

if __name__ == "__main__":
    import jax
    _d = setup_inputs()
    print(jax.jit(kernel)(*tuple(_d.values())))

</pallas_src>

<mosaic_0001>
#map = affine_map<(d0, d1) -> (0, 0)>
#map1 = affine_map<(d0, d1) -> (0, 0, 0)>
module attributes {stable_mosaic.version = 14 : i64} {
  func.func @spmm(%arg0: i32, %arg1: i32, %arg2: memref<40000x64xf32, #tpu.memory_space<hbm>>, %arg3: memref<4x2560x128xi32, #tpu.memory_space<hbm>>, %arg4: memref<2560x128xi32, #tpu.memory_space<hbm>>, %arg5: memref<4x10112x64xf32, #tpu.memory_space<hbm>>, %arg6: memref<160x128xi32, #tpu.memory_space<vmem>>, %arg7: memref<160x128xi32, #tpu.memory_space<vmem>>, %arg8: memref<4x128x64xf32, #tpu.memory_space<vmem>>, %arg9: memref<64x64xf32, #tpu.memory_space<vmem>>, %arg10: memref<10112x64xf32, #tpu.memory_space<vmem_shared>>, %arg11: memref<4x!tpu.dma_semaphore, #tpu.memory_space<semaphore_mem>>, %arg12: memref<4x!tpu.dma_semaphore, #tpu.memory_space<semaphore_mem>>) attributes {dimension_semantics = [#tpu.dimension_semantics<core_parallel>, #tpu.dimension_semantics<subcore_parallel>], iteration_bounds = array<i64: 2, 16>, scalar_prefetch = 0 : i64, scratch_operands = 7 : i64, tpu.core_type = #tpu.core_type<sc_vector_subcore>, window_params = [{transform_indices = #map}, {transform_indices = #map1}, {transform_indices = #map}, {transform_indices = #map1}]} {
    %scan3A = arith.constant 0 : i32
    %scan3A_0 = arith.constant 0 : i32
    %scan3A_1 = arith.constant 64 : i32
    %scan3A_2 = arith.addi %scan3A_0, %scan3A_1 : i32
    %scan3A_3 = arith.constant 1 : i32
    %scan3A_4 = scf.for %scan3A_212 = %scan3A_0 to %scan3A_2 step %scan3A_3 iter_args(%scan3A_213 = %scan3A) -> (i32)  : i32 {
      %broadcast_in_dim3A = arith.constant 0.000000e+00 : f32
      %broadcast_in_dim3A_214 = vector.broadcast %broadcast_in_dim3A : f32 to vector<16xf32>
      %swap3A = arith.index_cast %scan3A_212 : i32 to index
      %swap3A_215 = arith.constant 0 : index
      %swap3A_216 = tpu.vector_load %arg9[%swap3A, %swap3A_215] {strides = array<i32>} : memref<64x64xf32, #tpu.memory_space<vmem>>, vector<1x16xf32>,
      %swap3A_217 = vector.shape_cast %swap3A_216 : vector<1x16xf32> to vector<16xf32>
      %swap3A_218 = vector.shape_cast %broadcast_in_dim3A_214 : vector<16xf32> to vector<1x16xf32>
      tpu.vector_store %arg9[%swap3A, %swap3A_215], %swap3A_218 {strides = array<i32>} : memref<64x64xf32, #tpu.memory_space<vmem>>, vector<1x16xf32>,
      %broadcast_in_dim3A_219 = arith.constant 0.000000e+00 : f32
      %broadcast_in_dim3A_220 = vector.broadcast %broadcast_in_dim3A_219 : f32 to vector<16xf32>
      %swap3A_221 = arith.index_cast %scan3A_212 : i32 to index
      %swap3A_222 = arith.constant 16 : index
      %swap3A_223 = tpu.vector_load %arg9[%swap3A_221, %swap3A_222] {strides = array<i32>} : memref<64x64xf32, #tpu.memory_space<vmem>>, vector<1x16xf32>,
      %swap3A_224 = vector.shape_cast %swap3A_223 : vector<1x16xf32> to vector<16xf32>
      %swap3A_225 = vector.shape_cast %broadcast_in_dim3A_220 : vector<16xf32> to vector<1x16xf32>
      tpu.vector_store %arg9[%swap3A_221, %swap3A_222], %swap3A_225 {strides = array<i32>} : memref<64x64xf32, #tpu.memory_space<vmem>>, vector<1x16xf32>,
      %broadcast_in_dim3A_226 = arith.constant 0.000000e+00 : f32
      %broadcast_in_dim3A_227 = vector.broadcast %broadcast_in_dim3A_226 : f32 to vector<16xf32>
      %swap3A_228 = arith.index_cast %scan3A_212 : i32 to index
      %swap3A_229 = arith.constant 32 : index
      %swap3A_230 = tpu.vector_load %arg9[%swap3A_228, %swap3A_229] {strides = array<i32>} : memref<64x64xf32, #tpu.memory_space<vmem>>, vector<1x16xf32>,
      %swap3A_231 = vector.shape_cast %swap3A_230 : vector<1x16xf32> to vector<16xf32>
      %swap3A_232 = vector.shape_cast %broadcast_in_dim3A_227 : vector<16xf32> to vector<1x16xf32>
      tpu.vector_store %arg9[%swap3A_228, %swap3A_229], %swap3A_232 {strides = array<i32>} : memref<64x64xf32, #tpu.memory_space<vmem>>, vector<1x16xf32>,
      %broadcast_in_dim3A_233 = arith.constant 0.000000e+00 : f32
      %broadcast_in_dim3A_234 = vector.broadcast %broadcast_in_dim3A_233 : f32 to vector<16xf32>
      %swap3A_235 = arith.index_cast %scan3A_212 : i32 to index
      %swap3A_236 = arith.constant 48 : index
      %swap3A_237 = tpu.vector_load %arg9[%swap3A_235, %swap3A_236] {strides = array<i32>} : memref<64x64xf32, #tpu.memory_space<vmem>>, vector<1x16xf32>,
      %swap3A_238 = vector.shape_cast %swap3A_237 : vector<1x16xf32> to vector<16xf32>
      %swap3A_239 = vector.shape_cast %broadcast_in_dim3A_234 : vector<16xf32> to vector<1x16xf32>
      tpu.vector_store %arg9[%swap3A_235, %swap3A_236], %swap3A_239 {strides = array<i32>} : memref<64x64xf32, #tpu.memory_space<vmem>>, vector<1x16xf32>,
      %scan3A_240 = arith.constant 0 : i32
      scf.yield %scan3A_240 : i32
    }
    %scan3A_5 = arith.constant 64 : i32
    %mul3A = arith.constant 160 : i32
    %mul3A_6 = arith.muli %arg1, %mul3A : i32
    "tpu.region"() ({
      %run_scoped3A = tpu.sem_alloc : memref<!tpu.dma_semaphore, #tpu.memory_space<semaphore_mem>>
      %dma_start3A_212 = arith.constant 0 : i32
      %dma_start3A_213 = tpu.memref_slice %arg4[%mul3A_6, %dma_start3A_212] : memref<2560x128xi32, #tpu.memory_space<hbm>> -> memref<160x128xi32, #tpu.memory_space<hbm>>
      %dma_start3A_214 = arith.constant 0 : i32
      %dma_start3A_215 = tpu.memref_slice %arg4[%mul3A_6, %dma_start3A_214] : memref<2560x128xi32, #tpu.memory_space<hbm>> -> memref<160x128xi32, #tpu.memory_space<hbm>>
      tpu.enqueue_dma source(%dma_start3A_215 : memref<160x128xi32, #tpu.memory_space<hbm>>) target(%arg7 : memref<160x128xi32, #tpu.memory_space<vmem>>) target_semaphore(%run_scoped3A : memref<!tpu.dma_semaphore, #tpu.memory_space<semaphore_mem>>)
      %dma_wait3A = arith.constant 0 : i32
      %dma_wait3A_216 = tpu.memref_slice %arg4[%mul3A_6, %dma_wait3A] : memref<2560x128xi32, #tpu.memory_space<hbm>> -> memref<160x128xi32, #tpu.memory_space<hbm>>
      %dma_wait3A_217 = arith.constant 0 : i32
      %dma_wait3A_218 = tpu.memref_slice %arg4[%mul3A_6, %dma_wait3A_217] : memref<2560x128xi32, #tpu.memory_space<hbm>> -> memref<160x128xi32, #tpu.memory_space<hbm>>
      tpu.wait_dma2 semaphore(%run_scoped3A : memref<!tpu.dma_semaphore, #tpu.memory_space<semaphore_mem>>) src(%dma_wait3A_218 : memref<160x128xi32, #tpu.memory_space<hbm>>) dst(%arg7 : memref<160x128xi32, #tpu.memory_space<vmem>>)
      tpu.yield
    }) : () -> ()
    %mul3A_7 = arith.constant 632 : i32
    %mul3A_8 = arith.muli %arg1, %mul3A_7 : i32
    %add3A = arith.constant 0 : i32
    %add3A_9 = arith.addi %mul3A_8, %add3A : i32
    "tpu.region"() ({
      %run_scoped3A = tpu.sem_alloc : memref<!tpu.dma_semaphore, #tpu.memory_space<semaphore_mem>>
      %dma_start3A_212 = arith.constant 0 : i32
      %dma_start3A_213 = tpu.memref_slice %arg10[%add3A_9, %dma_start3A_212] : memref<10112x64xf32, #tpu.memory_space<vmem_shared>> -> memref<64x64xf32, #tpu.memory_space<vmem_shared>>
      %dma_start3A_214 = arith.constant 0 : i32
      %dma_start3A_215 = tpu.memref_slice %arg10[%add3A_9, %dma_start3A_214] : memref<10112x64xf32, #tpu.memory_space<vmem_shared>> -> memref<64x64xf32, #tpu.memory_space<vmem_shared>>
      tpu.enqueue_dma source(%arg9 : memref<64x64xf32, #tpu.memory_space<vmem>>) target(%dma_start3A_215 : memref<64x64xf32, #tpu.memory_space<vmem_shared>>) target_semaphore(%run_scoped3A : memref<!tpu.dma_semaphore, #tpu.memory_space<semaphore_mem>>)
      %dma_wait3A = arith.constant 0 : i32
      %dma_wait3A_216 = tpu.memref_slice %arg10[%add3A_9, %dma_wait3A] : memref<10112x64xf32, #tpu.memory_space<vmem_shared>> -> memref<64x64xf32, #tpu.memory_space<vmem_shared>>
      %dma_wait3A_217 = arith.constant 0 : i32
      %dma_wait3A_218 = tpu.memref_slice %arg10[%add3A_9, %dma_wait3A_217] : memref<10112x64xf32, #tpu.memory_space<vmem_shared>> -> memref<64x64xf32, #tpu.memory_space<vmem_shared>>
      tpu.wait_dma2 semaphore(%run_scoped3A : memref<!tpu.dma_semaphore, #tpu.memory_space<semaphore_mem>>) src(%arg9 : memref<64x64xf32, #tpu.memory_space<vmem>>) dst(%dma_wait3A_218 : memref<64x64xf32, #tpu.memory_space<vmem_shared>>)
      tpu.yield
    }) : () -> ()
    %add3A_10 = arith.constant 64 : i32
    %add3A_11 = arith.addi %mul3A_8, %add3A_10 : i32
    "tpu.region"() ({
      %run_scoped3A = tpu.sem_alloc : memref<!tpu.dma_semaphore, #tpu.memory_space<semaphore_mem>>
      %dma_start3A_212 = arith.constant 0 : i32
      %dma_start3A_213 = tpu.memref_slice %arg10[%add3A_11, %dma_start3A_212] : memref<10112x64xf32, #tpu.memory_space<vmem_shared>> -> memref<64x64xf32, #tpu.memory_space<vmem_shared>>
      %dma_start3A_214 = arith.constant 0 : i32
      %dma_start3A_215 = tpu.memref_slice %arg10[%add3A_11, %dma_start3A_214] : memref<10112x64xf32, #tpu.memory_space<vmem_shared>> -> memref<64x64xf32, #tpu.memory_space<vmem_shared>>
      tpu.enqueue_dma source(%arg9 : memref<64x64xf32, #tpu.memory_space<vmem>>) target(%dma_start3A_215 : memref<64x64xf32, #tpu.memory_space<vmem_shared>>) target_semaphore(%run_scoped3A : memref<!tpu.dma_semaphore, #tpu.memory_space<semaphore_mem>>)
      %dma_wait3A = arith.constant 0 : i32
      %dma_wait3A_216 = tpu.memref_slice %arg10[%add3A_11, %dma_wait3A] : memref<10112x64xf32, #tpu.memory_space<vmem_shared>> -> memref<64x64xf32, #tpu.memory_space<vmem_shared>>
      %dma_wait3A_217 = arith.constant 0 : i32
      %dma_wait3A_218 = tpu.memref_slice %arg10[%add3A_11, %dma_wait3A_217] : memref<10112x64xf32, #tpu.memory_space<vmem_shared>> -> memref<64x64xf32, #tpu.memory_space<vmem_shared>>
      tpu.wait_dma2 semaphore(%run_scoped3A : memref<!tpu.dma_semaphore, #tpu.memory_space<semaphore_mem>>) src(%arg9 : memref<64x64xf32, #tpu.memory_space<vmem>>) dst(%dma_wait3A_218 : memref<64x64xf32, #tpu.memory_space<vmem_shared>>)
      tpu.yield
    }) : () -> ()
    %add3A_12 = arith.constant 128 : i32
    %add3A_13 = arith.addi %mul3A_8, %add3A_12 : i32
    "tpu.region"() ({
      %run_scoped3A = tpu.sem_alloc : memref<!tpu.dma_semaphore, #tpu.memory_space<semaphore_mem>>
      %dma_start3A_212 = arith.constant 0 : i32
      %dma_start3A_213 = tpu.memref_slice %arg10[%add3A_13, %dma_start3A_212] : memref<10112x64xf32, #tpu.memory_space<vmem_shared>> -> memref<64x64xf32, #tpu.memory_space<vmem_shared>>
      %dma_start3A_214 = arith.constant 0 : i32
      %dma_start3A_215 = tpu.memref_slice %arg10[%add3A_13, %dma_start3A_214] : memref<10112x64xf32, #tpu.memory_space<vmem_shared>> -> memref<64x64xf32, #tpu.memory_space<vmem_shared>>
      tpu.enqueue_dma source(%arg9 : memref<64x64xf32, #tpu.memory_space<vmem>>) target(%dma_start3A_215 : memref<64x64xf32, #tpu.memory_space<vmem_shared>>) target_semaphore(%run_scoped3A : memref<!tpu.dma_semaphore, #tpu.memory_space<semaphore_mem>>)
      %dma_wait3A = arith.constant 0 : i32
      %dma_wait3A_216 = tpu.memref_slice %arg10[%add3A_13, %dma_wait3A] : memref<10112x64xf32, #tpu.memory_space<vmem_shared>> -> memref<64x64xf32, #tpu.memory_space<vmem_shared>>
      %dma_wait3A_217 = arith.constant 0 : i32
      %dma_wait3A_218 = tpu.memref_slice %arg10[%add3A_13, %dma_wait3A_217] : memref<10112x64xf32, #tpu.memory_space<vmem_shared>> -> memref<64x64xf32, #tpu.memory_space<vmem_shared>>
      tpu.wait_dma2 semaphore(%run_scoped3A : memref<!tpu.dma_semaphore, #tpu.memory_space<semaphore_mem>>) src(%arg9 : memref<64x64xf32, #tpu.memory_space<vmem>>) dst(%dma_wait3A_218 : memref<64x64xf32, #tpu.memory_space<vmem_shared>>)
      tpu.yield
    }) : () -> ()
    %add3A_14 = arith.constant 192 : i32
    %add3A_15 = arith.addi %mul3A_8, %add3A_14 : i32
    "tpu.region"() ({
      %run_scoped3A = tpu.sem_alloc : memref<!tpu.dma_semaphore, #tpu.memory_space<semaphore_mem>>
      %dma_start3A_212 = arith.constant 0 : i32
      %dma_start3A_213 = tpu.memref_slice %arg10[%add3A_15, %dma_start3A_212] : memref<10112x64xf32, #tpu.memory_space<vmem_shared>> -> memref<64x64xf32, #tpu.memory_space<vmem_shared>>
      %dma_start3A_214 = arith.constant 0 : i32
      %dma_start3A_215 = tpu.memref_slice %arg10[%add3A_15, %dma_start3A_214] : memref<10112x64xf32, #tpu.memory_space<vmem_shared>> -> memref<64x64xf32, #tpu.memory_space<vmem_shared>>
      tpu.enqueue_dma source(%arg9 : memref<64x64xf32, #tpu.memory_space<vmem>>) target(%dma_start3A_215 : memref<64x64xf32, #tpu.memory_space<vmem_shared>>) target_semaphore(%run_scoped3A : memref<!tpu.dma_semaphore, #tpu.memory_space<semaphore_mem>>)
      %dma_wait3A = arith.constant 0 : i32
      %dma_wait3A_216 = tpu.memref_slice %arg10[%add3A_15, %dma_wait3A] : memref<10112x64xf32, #tpu.memory_space<vmem_shared>> -> memref<64x64xf32, #tpu.memory_space<vmem_shared>>
      %dma_wait3A_217 = arith.constant 0 : i32
      %dma_wait3A_218 = tpu.memref_slice %arg10[%add3A_15, %dma_wait3A_217] : memref<10112x64xf32, #tpu.memory_space<vmem_shared>> -> memref<64x64xf32, #tpu.memory_space<vmem_shared>>
      tpu.wait_dma2 semaphore(%run_scoped3A : memref<!tpu.dma_semaphore, #tpu.memory_space<semaphore_mem>>) src(%arg9 : memref<64x64xf32, #tpu.memory_space<vmem>>) dst(%dma_wait3A_218 : memref<64x64xf32, #tpu.memory_space<vmem_shared>>)
      tpu.yield
    }) : () -> ()
    %add3A_16 = arith.constant 256 : i32
    %add3A_17 = arith.addi %mul3A_8, %add3A_16 : i32
    "tpu.region"() ({
      %run_scoped3A = tpu.sem_alloc : memref<!tpu.dma_semaphore, #tpu.memory_space<semaphore_mem>>
      %dma_start3A_212 = arith.constant 0 : i32
      %dma_start3A_213 = tpu.memref_slice %arg10[%add3A_17, %dma_start3A_212] : memref<10112x64xf32, #tpu.memory_space<vmem_shared>> -> memref<64x64xf32, #tpu.memory_space<vmem_shared>>
      %dma_start3A_214 = arith.constant 0 : i32
      %dma_start3A_215 = tpu.memref_slice %arg10[%add3A_17, %dma_start3A_214] : memref<10112x64xf32, #tpu.memory_space<vmem_shared>> -> memref<64x64xf32, #tpu.memory_space<vmem_shared>>
      tpu.enqueue_dma source(%arg9 : memref<64x64xf32, #tpu.memory_space<vmem>>) target(%dma_start3A_215 : memref<64x64xf32, #tpu.memory_space<vmem_shared>>) target_semaphore(%run_scoped3A : memref<!tpu.dma_semaphore, #tpu.memory_space<semaphore_mem>>)
      %dma_wait3A = arith.constant 0 : i32
      %dma_wait3A_216 = tpu.memref_slice %arg10[%add3A_17, %dma_wait3A] : memref<10112x64xf32, #tpu.memory_space<vmem_shared>> -> memref<64x64xf32, #tpu.memory_space<vmem_shared>>
      %dma_wait3A_217 = arith.constant 0 : i32
      %dma_wait3A_218 = tpu.memref_slice %arg10[%add3A_17, %dma_wait3A_217] : memref<10112x64xf32, #tpu.memory_space<vmem_shared>> -> memref<64x64xf32, #tpu.memory_space<vmem_shared>>
      tpu.wait_dma2 semaphore(%run_scoped3A : memref<!tpu.dma_semaphore, #tpu.memory_space<semaphore_mem>>) src(%arg9 : memref<64x64xf32, #tpu.memory_space<vmem>>) dst(%dma_wait3A_218 : memref<64x64xf32, #tpu.memory_space<vmem_shared>>)
      tpu.yield
    }) : () -> ()
    %add3A_18 = arith.constant 320 : i32
    %add3A_19 = arith.addi %mul3A_8, %add3A_18 : i32
    "tpu.region"() ({
      %run_scoped3A = tpu.sem_alloc : memref<!tpu.dma_semaphore, #tpu.memory_space<semaphore_mem>>
      %dma_start3A_212 = arith.constant 0 : i32
      %dma_start3A_213 = tpu.memref_slice %arg10[%add3A_19, %dma_start3A_212] : memref<10112x64xf32, #tpu.memory_space<vmem_shared>> -> memref<64x64xf32, #tpu.memory_space<vmem_shared>>
      %dma_start3A_214 = arith.constant 0 : i32
      %dma_start3A_215 = tpu.memref_slice %arg10[%add3A_19, %dma_start3A_214] : memref<10112x64xf32, #tpu.memory_space<vmem_shared>> -> memref<64x64xf32, #tpu.memory_space<vmem_shared>>
      tpu.enqueue_dma source(%arg9 : memref<64x64xf32, #tpu.memory_space<vmem>>) target(%dma_start3A_215 : memref<64x64xf32, #tpu.memory_space<vmem_shared>>) target_semaphore(%run_scoped3A : memref<!tpu.dma_semaphore, #tpu.memory_space<semaphore_mem>>)
      %dma_wait3A = arith.constant 0 : i32
      %dma_wait3A_216 = tpu.memref_slice %arg10[%add3A_19, %dma_wait3A] : memref<10112x64xf32, #tpu.memory_space<vmem_shared>> -> memref<64x64xf32, #tpu.memory_space<vmem_shared>>
      %dma_wait3A_217 = arith.constant 0 : i32
      %dma_wait3A_218 = tpu.memref_slice %arg10[%add3A_19, %dma_wait3A_217] : memref<10112x64xf32, #tpu.memory_space<vmem_shared>> -> memref<64x64xf32, #tpu.memory_space<vmem_shared>>
      tpu.wait_dma2 semaphore(%run_scoped3A : memref<!tpu.dma_semaphore, #tpu.memory_space<semaphore_mem>>) src(%arg9 : memref<64x64xf32, #tpu.memory_space<vmem>>) dst(%dma_wait3A_218 : memref<64x64xf32, #tpu.memory_space<vmem_shared>>)
      tpu.yield
    }) : () -> ()
    %add3A_20 = arith.constant 384 : i32
    %add3A_21 = arith.addi %mul3A_8, %add3A_20 : i32
    "tpu.region"() ({
      %run_scoped3A = tpu.sem_alloc : memref<!tpu.dma_semaphore, #tpu.memory_space<semaphore_mem>>
      %dma_start3A_212 = arith.constant 0 : i32
      %dma_start3A_213 = tpu.memref_slice %arg10[%add3A_21, %dma_start3A_212] : memref<10112x64xf32, #tpu.memory_space<vmem_shared>> -> memref<64x64xf32, #tpu.memory_space<vmem_shared>>
      %dma_start3A_214 = arith.constant 0 : i32
      %dma_start3A_215 = tpu.memref_slice %arg10[%add3A_21, %dma_start3A_214] : memref<10112x64xf32, #tpu.memory_space<vmem_shared>> -> memref<64x64xf32, #tpu.memory_space<vmem_shared>>
      tpu.enqueue_dma source(%arg9 : memref<64x64xf32, #tpu.memory_space<vmem>>) target(%dma_start3A_215 : memref<64x64xf32, #tpu.memory_space<vmem_shared>>) target_semaphore(%run_scoped3A : memref<!tpu.dma_semaphore, #tpu.memory_space<semaphore_mem>>)
      %dma_wait3A = arith.constant 0 : i32
      %dma_wait3A_216 = tpu.memref_slice %arg10[%add3A_21, %dma_wait3A] : memref<10112x64xf32, #tpu.memory_space<vmem_shared>> -> memref<64x64xf32, #tpu.memory_space<vmem_shared>>
      %dma_wait3A_217 = arith.constant 0 : i32
      %dma_wait3A_218 = tpu.memref_slice %arg10[%add3A_21, %dma_wait3A_217] : memref<10112x64xf32, #tpu.memory_space<vmem_shared>> -> memref<64x64xf32, #tpu.memory_space<vmem_shared>>
      tpu.wait_dma2 semaphore(%run_scoped3A : memref<!tpu.dma_semaphore, #tpu.memory_space<semaphore_mem>>) src(%arg9 : memref<64x64xf32, #tpu.memory_space<vmem>>) dst(%dma_wait3A_218 : memref<64x64xf32, #tpu.memory_space<vmem_shared>>)
      tpu.yield
    }) : () -> ()
    %add3A_22 = arith.constant 448 : i32
    %add3A_23 = arith.addi %mul3A_8, %add3A_22 : i32
    "tpu.region"() ({
      %run_scoped3A = tpu.sem_alloc : memref<!tpu.dma_semaphore, #tpu.memory_space<semaphore_mem>>
      %dma_start3A_212 = arith.constant 0 : i32
      %dma_start3A_213 = tpu.memref_slice %arg10[%add3A_23, %dma_start3A_212] : memref<10112x64xf32, #tpu.memory_space<vmem_shared>> -> memref<64x64xf32, #tpu.memory_space<vmem_shared>>
      %dma_start3A_214 = arith.constant 0 : i32
      %dma_start3A_215 = tpu.memref_slice %arg10[%add3A_23, %dma_start3A_214] : memref<10112x64xf32, #tpu.memory_space<vmem_shared>> -> memref<64x64xf32, #tpu.memory_space<vmem_shared>>
      tpu.enqueue_dma source(%arg9 : memref<64x64xf32, #tpu.memory_space<vmem>>) target(%dma_start3A_215 : memref<64x64xf32, #tpu.memory_space<vmem_shared>>) target_semaphore(%run_scoped3A : memref<!tpu.dma_semaphore, #tpu.memory_space<semaphore_mem>>)
      %dma_wait3A = arith.constant 0 : i32
      %dma_wait3A_216 = tpu.memref_slice %arg10[%add3A_23, %dma_wait3A] : memref<10112x64xf32, #tpu.memory_space<vmem_shared>> -> memref<64x64xf32, #tpu.memory_space<vmem_shared>>
      %dma_wait3A_217 = arith.constant 0 : i32
      %dma_wait3A_218 = tpu.memref_slice %arg10[%add3A_23, %dma_wait3A_217] : memref<10112x64xf32, #tpu.memory_space<vmem_shared>> -> memref<64x64xf32, #tpu.memory_space<vmem_shared>>
      tpu.wait_dma2 semaphore(%run_scoped3A : memref<!tpu.dma_semaphore, #tpu.memory_space<semaphore_mem>>) src(%arg9 : memref<64x64xf32, #tpu.memory_space<vmem>>) dst(%dma_wait3A_218 : memref<64x64xf32, #tpu.memory_space<vmem_shared>>)
      tpu.yield
    }) : () -> ()
    %add3A_24 = arith.constant 512 : i32
    %add3A_25 = arith.addi %mul3A_8, %add3A_24 : i32
    "tpu.region"() ({
      %run_scoped3A = tpu.sem_alloc : memref<!tpu.dma_semaphore, #tpu.memory_space<semaphore_mem>>
      %dma_start3A_212 = arith.constant 0 : i32
      %dma_start3A_213 = tpu.memref_slice %arg10[%add3A_25, %dma_start3A_212] : memref<10112x64xf32, #tpu.memory_space<vmem_shared>> -> memref<64x64xf32, #tpu.memory_space<vmem_shared>>
      %dma_start3A_214 = arith.constant 0 : i32
      %dma_start3A_215 = tpu.memref_slice %arg10[%add3A_25, %dma_start3A_214] : memref<10112x64xf32, #tpu.memory_space<vmem_shared>> -> memref<64x64xf32, #tpu.memory_space<vmem_shared>>
      tpu.enqueue_dma source(%arg9 : memref<64x64xf32, #tpu.memory_space<vmem>>) target(%dma_start3A_215 : memref<64x64xf32, #tpu.memory_space<vmem_shared>>) target_semaphore(%run_scoped3A : memref<!tpu.dma_semaphore, #tpu.memory_space<semaphore_mem>>)
      %dma_wait3A = arith.constant 0 : i32
      %dma_wait3A_216 = tpu.memref_slice %arg10[%add3A_25, %dma_wait3A] : memref<10112x64xf32, #tpu.memory_space<vmem_shared>> -> memref<64x64xf32, #tpu.memory_space<vmem_shared>>
      %dma_wait3A_217 = arith.constant 0 : i32
      %dma_wait3A_218 = tpu.memref_slice %arg10[%add3A_25, %dma_wait3A_217] : memref<10112x64xf32, #tpu.memory_space<vmem_shared>> -> memref<64x64xf32, #tpu.memory_space<vmem_shared>>
      tpu.wait_dma2 semaphore(%run_scoped3A : memref<!tpu.dma_semaphore, #tpu.memory_space<semaphore_mem>>) src(%arg9 : memref<64x64xf32, #tpu.memory_space<vmem>>) dst(%dma_wait3A_218 : memref<64x64xf32, #tpu.memory_space<vmem_shared>>)
      tpu.yield
    }) : () -> ()
    %add3A_26 = arith.constant 576 : i32
    %add3A_27 = arith.addi %mul3A_8, %add3A_26 : i32
    "tpu.region"() ({
      %run_scoped3A = tpu.sem_alloc : memref<!tpu.dma_semaphore, #tpu.memory_space<semaphore_mem>>
      %dma_start3A_212 = arith.constant 0 : i32
      %dma_start3A_213 = arith.constant 0 : i32
      %dma_start3A_214 = tpu.memref_slice %arg9[%dma_start3A_212, %dma_start3A_213] : memref<64x64xf32, #tpu.memory_space<vmem>> -> memref<56x64xf32, #tpu.memory_space<vmem>>
      %dma_start3A_215 = arith.constant 0 : i32
      %dma_start3A_216 = tpu.memref_slice %arg10[%add3A_27, %dma_start3A_215] : memref<10112x64xf32, #tpu.memory_space<vmem_shared>> -> memref<56x64xf32, #tpu.memory_space<vmem_shared>>
      %dma_start3A_217 = arith.constant 0 : i32
      %dma_start3A_218 = tpu.memref_slice %arg10[%add3A_27, %dma_start3A_217] : memref<10112x64xf32, #tpu.memory_space<vmem_shared>> -> memref<56x64xf32, #tpu.memory_space<vmem_shared>>
      %dma_start3A_219 = arith.constant 0 : i32
      %dma_start3A_220 = arith.constant 0 : i32
      %dma_start3A_221 = tpu.memref_slice %arg9[%dma_start3A_219, %dma_start3A_220] : memref<64x64xf32, #tpu.memory_space<vmem>> -> memref<56x64xf32, #tpu.memory_space<vmem>>
      tpu.enqueue_dma source(%dma_start3A_221 : memref<56x64xf32, #tpu.memory_space<vmem>>) target(%dma_start3A_218 : memref<56x64xf32, #tpu.memory_space<vmem_shared>>) target_semaphore(%run_scoped3A : memref<!tpu.dma_semaphore, #tpu.memory_space<semaphore_mem>>)
      %dma_wait3A = arith.constant 0 : i32
      %dma_wait3A_222 = arith.constant 0 : i32
      %dma_wait3A_223 = tpu.memref_slice %arg9[%dma_wait3A, %dma_wait3A_222] : memref<64x64xf32, #tpu.memory_space<vmem>> -> memref<56x64xf32, #tpu.memory_space<vmem>>
      %dma_wait3A_224 = arith.constant 0 : i32
      %dma_wait3A_225 = tpu.memref_slice %arg10[%add3A_27, %dma_wait3A_224] : memref<10112x64xf32, #tpu.memory_space<vmem_shared>> -> memref<56x64xf32, #tpu.memory_space<vmem_shared>>
      %dma_wait3A_226 = arith.constant 0 : i32
      %dma_wait3A_227 = tpu.memref_slice %arg10[%add3A_27, %dma_wait3A_226] : memref<10112x64xf32, #tpu.memory_space<vmem_shared>> -> memref<56x64xf32, #tpu.memory_space<vmem_shared>>
      %dma_wait3A_228 = arith.constant 0 : i32
      %dma_wait3A_229 = arith.constant 0 : i32
      %dma_wait3A_230 = tpu.memref_slice %arg9[%dma_wait3A_228, %dma_wait3A_229] : memref<64x64xf32, #tpu.memory_space<vmem>> -> memref<56x64xf32, #tpu.memory_space<vmem>>
      tpu.wait_dma2 semaphore(%run_scoped3A : memref<!tpu.dma_semaphore, #tpu.memory_space<semaphore_mem>>) src(%dma_wait3A_230 : memref<56x64xf32, #tpu.memory_space<vmem>>) dst(%dma_wait3A_227 : memref<56x64xf32, #tpu.memory_space<vmem_shared>>)
      tpu.yield
    }) : () -> ()
    %mul3A_28 = arith.constant 2 : i32
    %mul3A_29 = arith.muli %arg0, %mul3A_28 : i32
    %add3A_30 = arith.constant 0 : i32
    %add3A_31 = arith.addi %mul3A_29, %add3A_30 : i32
    %mul3A_32 = arith.constant 160 : i32
    %mul3A_33 = arith.muli %arg1, %mul3A_32 : i32
    "tpu.region"() ({
      %run_scoped3A = tpu.sem_alloc : memref<!tpu.dma_semaphore, #tpu.memory_space<semaphore_mem>>
      %dma_start3A_212 = arith.constant 0 : i32
      %dma_start3A_213 = tpu.memref_slice %arg3[%add3A_31, %mul3A_33, %dma_start3A_212] : memref<4x2560x128xi32, #tpu.memory_space<hbm>> -> memref<1x160x128xi32, #tpu.memory_space<hbm>>
      %dma_start3A_214 = tpu.memref_squeeze %dma_start3A_213 : memref<1x160x128xi32, #tpu.memory_space<hbm>> -> memref<160x128xi32, #tpu.memory_space<hbm>>
      %dma_start3A_215 = arith.constant 0 : i32
      %dma_start3A_216 = tpu.memref_slice %arg3[%add3A_31, %mul3A_33, %dma_start3A_215] : memref<4x2560x128xi32, #tpu.memory_space<hbm>> -> memref<1x160x128xi32, #tpu.memory_space<hbm>>
      %dma_start3A_217 = tpu.memref_squeeze %dma_start3A_216 : memref<1x160x128xi32, #tpu.memory_space<hbm>> -> memref<160x128xi32, #tpu.memory_space<hbm>>
      tpu.enqueue_dma source(%dma_start3A_217 : memref<160x128xi32, #tpu.memory_space<hbm>>) target(%arg6 : memref<160x128xi32, #tpu.memory_space<vmem>>) target_semaphore(%run_scoped3A : memref<!tpu.dma_semaphore, #tpu.memory_space<semaphore_mem>>)
      %dma_wait3A = arith.constant 0 : i32
      %dma_wait3A_218 = tpu.memref_slice %arg3[%add3A_31, %mul3A_33, %dma_wait3A] : memref<4x2560x128xi32, #tpu.memory_space<hbm>> -> memref<1x160x128xi32, #tpu.memory_space<hbm>>
      %dma_wait3A_219 = tpu.memref_squeeze %dma_wait3A_218 : memref<1x160x128xi32, #tpu.memory_space<hbm>> -> memref<160x128xi32, #tpu.memory_space<hbm>>
      %dma_wait3A_220 = arith.constant 0 : i32
      %dma_wait3A_221 = tpu.memref_slice %arg3[%add3A_31, %mul3A_33, %dma_wait3A_220] : memref<4x2560x128xi32, #tpu.memory_space<hbm>> -> memref<1x160x128xi32, #tpu.memory_space<hbm>>
      %dma_wait3A_222 = tpu.memref_squeeze %dma_wait3A_221 : memref<1x160x128xi32, #tpu.memory_space<hbm>> -> memref<160x128xi32, #tpu.memory_space<hbm>>
      tpu.wait_dma2 semaphore(%run_scoped3A : memref<!tpu.dma_semaphore, #tpu.memory_space<semaphore_mem>>) src(%dma_wait3A_222 : memref<160x128xi32, #tpu.memory_space<hbm>>) dst(%arg6 : memref<160x128xi32, #tpu.memory_space<vmem>>)
      tpu.yield
    }) : () -> ()
    %barrier3A = arith.constant 0 : index
    tpu.barrier barrier_id(%barrier3A)
    %dma_start3A = arith.constant 0 : i32
    %dma_start3A_34 = arith.constant 0 : i32
    %dma_start3A_35 = arith.constant 0 : i32
    %dma_start3A_36 = arith.constant 0 : i32
    %dma_start3A_37 = arith.constant 0 : i32
    %dma_start3A_38 = tpu.memref_slice %arg8[%dma_start3A_34, %dma_start3A_36, %dma_start3A_37] : memref<4x128x64xf32, #tpu.memory_space<vmem>> -> memref<1x128x64xf32, #tpu.memory_space<vmem>>
    %dma_start3A_39 = tpu.memref_squeeze %dma_start3A_38 : memref<1x128x64xf32, #tpu.memory_space<vmem>> -> memref<128x64xf32, #tpu.memory_space<vmem>>
    %dma_start3A_40 = arith.constant 0 : i32
    %dma_start3A_41 = tpu.memref_slice %arg6[%dma_start3A, %dma_start3A_40] : memref<160x128xi32, #tpu.memory_space<vmem>> -> memref<1x128xi32, #tpu.memory_space<vmem>>
    %dma_start3A_42 = tpu.memref_squeeze %dma_start3A_41 : memref<1x128xi32, #tpu.memory_space<vmem>> -> memref<128xi32, #tpu.memory_space<vmem>>
    %dma_start3A_43 = arith.constant 0 : i32
    %dma_start3A_44 = arith.constant 0 : i32
    %dma_start3A_45 = tpu.memref_slice %arg2[%dma_start3A_43, %dma_start3A_44] : memref<40000x64xf32, #tpu.memory_space<hbm>> -> memref<40000x64xf32, #tpu.memory_space<hbm>>
    %dma_start3A_46 = tpu.memref_slice %arg11[%dma_start3A_35] : memref<4x!tpu.dma_semaphore, #tpu.memory_space<semaphore_mem>> -> memref<1x!tpu.dma_semaphore, #tpu.memory_space<semaphore_mem>>
    %dma_start3A_47 = tpu.memref_squeeze %dma_start3A_46 : memref<1x!tpu.dma_semaphore, #tpu.memory_space<semaphore_mem>> -> memref<!tpu.dma_semaphore, #tpu.memory_space<semaphore_mem>>
    tpu.enqueue_indirect_dma source(%dma_start3A_45 : memref<40000x64xf32, #tpu.memory_space<hbm>>) target(%dma_start3A_39 : memref<128x64xf32, #tpu.memory_space<vmem>>) offsets(%dma_start3A_42 : memref<128xi32, #tpu.memory_space<vmem>>) semaphore(%dma_start3A_47 : memref<!tpu.dma_semaphore, #tpu.memory_space<semaphore_mem>>)
    %dma_start3A_48 = arith.constant 1 : i32
    %dma_start3A_49 = arith.constant 1 : i32
    %dma_start3A_50 = arith.constant 1 : i32
    %dma_start3A_51 = arith.constant 0 : i32
    %dma_start3A_52 = arith.constant 0 : i32
    %dma_start3A_53 = tpu.memref_slice %arg8[%dma_start3A_49, %dma_start3A_51, %dma_start3A_52] : memref<4x128x64xf32, #tpu.memory_space<vmem>> -> memref<1x128x64xf32, #tpu.memory_space<vmem>>
    %dma_start3A_54 = tpu.memref_squeeze %dma_start3A_53 : memref<1x128x64xf32, #tpu.memory_space<vmem>> -> memref<128x64xf32, #tpu.memory_space<vmem>>
    %dma_start3A_55 = arith.constant 0 : i32
    %dma_start3A_56 = tpu.memref_slice %arg6[%dma_start3A_48, %dma_start3A_55] : memref<160x128xi32, #tpu.memory_space<vmem>> -> memref<1x128xi32, #tpu.memory_space<vmem>>
    %dma_start3A_57 = tpu.memref_squeeze %dma_start3A_56 : memref<1x128xi32, #tpu.memory_space<vmem>> -> memref<128xi32, #tpu.memory_space<vmem>>
    %dma_start3A_58 = arith.constant 0 : i32
    %dma_start3A_59 = arith.constant 0 : i32
    %dma_start3A_60 = tpu.memref_slice %arg2[%dma_start3A_58, %dma_start3A_59] : memref<40000x64xf32, #tpu.memory_space<hbm>> -> memref<40000x64xf32, #tpu.memory_space<hbm>>
    %dma_start3A_61 = tpu.memref_slice %arg11[%dma_start3A_50] : memref<4x!tpu.dma_semaphore, #tpu.memory_space<semaphore_mem>> -> memref<1x!tpu.dma_semaphore, #tpu.memory_space<semaphore_mem>>
    %dma_start3A_62 = tpu.memref_squeeze %dma_start3A_61 : memref<1x!tpu.dma_semaphore, #tpu.memory_space<semaphore_mem>> -> memref<!tpu.dma_semaphore, #tpu.memory_space<semaphore_mem>>
    tpu.enqueue_indirect_dma source(%dma_start3A_60 : memref<40000x64xf32, #tpu.memory_space<hbm>>) target(%dma_start3A_54 : memref<128x64xf32, #tpu.memory_space<vmem>>) offsets(%dma_start3A_57 : memref<128xi32, #tpu.memory_space<vmem>>) semaphore(%dma_start3A_62 : memref<!tpu.dma_semaphore, #tpu.memory_space<semaphore_mem>>)
    %dma_start3A_63 = arith.constant 2 : i32
    %dma_start3A_64 = arith.constant 2 : i32
    %dma_start3A_65 = arith.constant 2 : i32
    %dma_start3A_66 = arith.constant 0 : i32
    %dma_start3A_67 = arith.constant 0 : i32
    %dma_start3A_68 = tpu.memref_slice %arg8[%dma_start3A_64, %dma_start3A_66, %dma_start3A_67] : memref<4x128x64xf32, #tpu.memory_space<vmem>> -> memref<1x128x64xf32, #tpu.memory_space<vmem>>
    %dma_start3A_69 = tpu.memref_squeeze %dma_start3A_68 : memref<1x128x64xf32, #tpu.memory_space<vmem>> -> memref<128x64xf32, #tpu.memory_space<vmem>>
    %dma_start3A_70 = arith.constant 0 : i32
    %dma_start3A_71 = tpu.memref_slice %arg6[%dma_start3A_63, %dma_start3A_70] : memref<160x128xi32, #tpu.memory_space<vmem>> -> memref<1x128xi32, #tpu.memory_space<vmem>>
    %dma_start3A_72 = tpu.memref_squeeze %dma_start3A_71 : memref<1x128xi32, #tpu.memory_space<vmem>> -> memref<128xi32, #tpu.memory_space<vmem>>
    %dma_start3A_73 = arith.constant 0 : i32
    %dma_start3A_74 = arith.constant 0 : i32
    %dma_start3A_75 = tpu.memref_slice %arg2[%dma_start3A_73, %dma_start3A_74] : memref<40000x64xf32, #tpu.memory_space<hbm>> -> memref<40000x64xf32, #tpu.memory_space<hbm>>
    %dma_start3A_76 = tpu.memref_slice %arg11[%dma_start3A_65] : memref<4x!tpu.dma_semaphore, #tpu.memory_space<semaphore_mem>> -> memref<1x!tpu.dma_semaphore, #tpu.memory_space<semaphore_mem>>
    %dma_start3A_77 = tpu.memref_squeeze %dma_start3A_76 : memref<1x!tpu.dma_semaphore, #tpu.memory_space<semaphore_mem>> -> memref<!tpu.dma_semaphore, #tpu.memory_space<semaphore_mem>>
    tpu.enqueue_indirect_dma source(%dma_start3A_75 : memref<40000x64xf32, #tpu.memory_space<hbm>>) target(%dma_start3A_69 : memref<128x64xf32, #tpu.memory_space<vmem>>) offsets(%dma_start3A_72 : memref<128xi32, #tpu.memory_space<vmem>>) semaphore(%dma_start3A_77 : memref<!tpu.dma_semaphore, #tpu.memory_space<semaphore_mem>>)
    %dma_start3A_78 = arith.constant 3 : i32
    %dma_start3A_79 = arith.constant 3 : i32
    %dma_start3A_80 = arith.constant 3 : i32
    %dma_start3A_81 = arith.constant 0 : i32
    %dma_start3A_82 = arith.constant 0 : i32
    %dma_start3A_83 = tpu.memref_slice %arg8[%dma_start3A_79, %dma_start3A_81, %dma_start3A_82] : memref<4x128x64xf32, #tpu.memory_space<vmem>> -> memref<1x128x64xf32, #tpu.memory_space<vmem>>
    %dma_start3A_84 = tpu.memref_squeeze %dma_start3A_83 : memref<1x128x64xf32, #tpu.memory_space<vmem>> -> memref<128x64xf32, #tpu.memory_space<vmem>>
    %dma_start3A_85 = arith.constant 0 : i32
    %dma_start3A_86 = tpu.memref_slice %arg6[%dma_start3A_78, %dma_start3A_85] : memref<160x128xi32, #tpu.memory_space<vmem>> -> memref<1x128xi32, #tpu.memory_space<vmem>>
    %dma_start3A_87 = tpu.memref_squeeze %dma_start3A_86 : memref<1x128xi32, #tpu.memory_space<vmem>> -> memref<128xi32, #tpu.memory_space<vmem>>
    %dma_start3A_88 = arith.constant 0 : i32
    %dma_start3A_89 = arith.constant 0 : i32
    %dma_start3A_90 = tpu.memref_slice %arg2[%dma_start3A_88, %dma_start3A_89] : memref<40000x64xf32, #tpu.memory_space<hbm>> -> memref<40000x64xf32, #tpu.memory_space<hbm>>
    %dma_start3A_91 = tpu.memref_slice %arg11[%dma_start3A_80] : memref<4x!tpu.dma_semaphore, #tpu.memory_space<semaphore_mem>> -> memref<1x!tpu.dma_semaphore, #tpu.memory_space<semaphore_mem>>
    %dma_start3A_92 = tpu.memref_squeeze %dma_start3A_91 : memref<1x!tpu.dma_semaphore, #tpu.memory_space<semaphore_mem>> -> memref<!tpu.dma_semaphore, #tpu.memory_space<semaphore_mem>>
    tpu.enqueue_indirect_dma source(%dma_start3A_90 : memref<40000x64xf32, #tpu.memory_space<hbm>>) target(%dma_start3A_84 : memref<128x64xf32, #tpu.memory_space<vmem>>) offsets(%dma_start3A_87 : memref<128xi32, #tpu.memory_space<vmem>>) semaphore(%dma_start3A_92 : memref<!tpu.dma_semaphore, #tpu.memory_space<semaphore_mem>>)
    %scan3A_93 = arith.constant 0 : i32
    %scan3A_94 = arith.constant 0 : i32
    %scan3A_95 = arith.constant 1 : i32
    %scan3A_96 = arith.constant 1 : i32
    %scan3A_97 = arith.constant 2 : i32
    %scan3A_98 = arith.constant 2 : i32
    %scan3A_99 = arith.constant 3 : i32
    %scan3A_100 = arith.constant 3 : i32
    %scan3A_101 = arith.constant 0 : i32
    %scan3A_102 = arith.constant 0 : i32
    %scan3A_103 = arith.constant 40 : i32
    %scan3A_104 = arith.addi %scan3A_102, %scan3A_103 : i32
    %scan3A_105 = arith.constant 1 : i32
    %scan3A_106 = scf.for %scan3A_212 = %scan3A_102 to %scan3A_104 step %scan3A_105 iter_args(%scan3A_213 = %scan3A_101) -> (i32)  : i32 {
      %mul3A_214 = arith.constant 4 : i32
      %mul3A_215 = arith.muli %scan3A_212, %mul3A_214 : i32
      %add3A_216 = arith.constant 0 : i32
      %add3A_217 = arith.addi %mul3A_215, %add3A_216 : i32
      %dma_wait3A = arith.constant 0 : i32
      %dma_wait3A_218 = arith.constant 0 : i32
      %dma_wait3A_219 = tpu.memref_slice %arg8[%scan3A_93, %dma_wait3A, %dma_wait3A_218] : memref<4x128x64xf32, #tpu.memory_space<vmem>> -> memref<1x128x64xf32, #tpu.memory_space<vmem>>
      %dma_wait3A_220 = tpu.memref_squeeze %dma_wait3A_219 : memref<1x128x64xf32, #tpu.memory_space<vmem>> -> memref<128x64xf32, #tpu.memory_space<vmem>>
      %dma_wait3A_221 = arith.constant 0 : i32
      %dma_wait3A_222 = tpu.memref_slice %arg6[%add3A_217, %dma_wait3A_221] : memref<160x128xi32, #tpu.memory_space<vmem>> -> memref<1x128xi32, #tpu.memory_space<vmem>>
      %dma_wait3A_223 = tpu.memref_squeeze %dma_wait3A_222 : memref<1x128xi32, #tpu.memory_space<vmem>> -> memref<128xi32, #tpu.memory_space<vmem>>
      %dma_wait3A_224 = arith.constant 0 : i32
      %dma_wait3A_225 = arith.constant 0 : i32
      %dma_wait3A_226 = tpu.memref_slice %arg2[%dma_wait3A_224, %dma_wait3A_225] : memref<40000x64xf32, #tpu.memory_space<hbm>> -> memref<40000x64xf32, #tpu.memory_space<hbm>>
      %dma_wait3A_227 = tpu.memref_slice %arg11[%scan3A_94] : memref<4x!tpu.dma_semaphore, #tpu.memory_space<semaphore_mem>> -> memref<1x!tpu.dma_semaphore, #tpu.memory_space<semaphore_mem>>
      %dma_wait3A_228 = tpu.memref_squeeze %dma_wait3A_227 : memref<1x!tpu.dma_semaphore, #tpu.memory_space<semaphore_mem>> -> memref<!tpu.dma_semaphore, #tpu.memory_space<semaphore_mem>>
      tpu.wait_indirect_dma semaphore(%dma_wait3A_228 : memref<!tpu.dma_semaphore, #tpu.memory_space<semaphore_mem>>) src(%dma_wait3A_226 : memref<40000x64xf32, #tpu.memory_space<hbm>>) dst(%dma_wait3A_220 : memref<128x64xf32, #tpu.memory_space<vmem>>)
      "tpu.region"() ({
        %run_scoped3A = tpu.sem_alloc : memref<!tpu.dma_semaphore, #tpu.memory_space<semaphore_mem>>
        %dma_start3A_289 = arith.constant 0 : i32
        %dma_start3A_290 = arith.constant 0 : i32
        %dma_start3A_291 = tpu.memref_slice %arg8[%scan3A_93, %dma_start3A_289, %dma_start3A_290] : memref<4x128x64xf32, #tpu.memory_space<vmem>> -> memref<1x128x64xf32, #tpu.memory_space<vmem>>
        %dma_start3A_292 = tpu.memref_squeeze %dma_start3A_291 : memref<1x128x64xf32, #tpu.memory_space<vmem>> -> memref<128x64xf32, #tpu.memory_space<vmem>>
        %dma_start3A_293 = arith.constant 0 : i32
        %dma_start3A_294 = tpu.memref_slice %arg7[%add3A_217, %dma_start3A_293] : memref<160x128xi32, #tpu.memory_space<vmem>> -> memref<1x128xi32, #tpu.memory_space<vmem>>
        %dma_start3A_295 = tpu.memref_squeeze %dma_start3A_294 : memref<1x128xi32, #tpu.memory_space<vmem>> -> memref<128xi32, #tpu.memory_space<vmem>>
        %dma_start3A_296 = arith.constant 0 : i32
        %dma_start3A_297 = arith.constant 0 : i32
        %dma_start3A_298 = tpu.memref_slice %arg10[%dma_start3A_296, %dma_start3A_297] : memref<10112x64xf32, #tpu.memory_space<vmem_shared>> -> memref<10112x64xf32, #tpu.memory_space<vmem_shared>>
        tpu.enqueue_indirect_dma source(%dma_start3A_292 : memref<128x64xf32, #tpu.memory_space<vmem>>) target(%dma_start3A_298 : memref<10112x64xf32, #tpu.memory_space<vmem_shared>>) offsets(%dma_start3A_295 : memref<128xi32, #tpu.memory_space<vmem>>) semaphore(%run_scoped3A : memref<!tpu.dma_semaphore, #tpu.memory_space<semaphore_mem>>) {add = true}
        %dma_wait3A_299 = arith.constant 0 : i32
        %dma_wait3A_300 = arith.constant 0 : i32
        %dma_wait3A_301 = tpu.memref_slice %arg8[%scan3A_93, %dma_wait3A_299, %dma_wait3A_300] : memref<4x128x64xf32, #tpu.memory_space<vmem>> -> memref<1x128x64xf32, #tpu.memory_space<vmem>>
        %dma_wait3A_302 = tpu.memref_squeeze %dma_wait3A_301 : memref<1x128x64xf32, #tpu.memory_space<vmem>> -> memref<128x64xf32, #tpu.memory_space<vmem>>
        %dma_wait3A_303 = arith.constant 0 : i32
        %dma_wait3A_304 = tpu.memref_slice %arg7[%add3A_217, %dma_wait3A_303] : memref<160x128xi32, #tpu.memory_space<vmem>> -> memref<1x128xi32, #tpu.memory_space<vmem>>
        %dma_wait3A_305 = tpu.memref_squeeze %dma_wait3A_304 : memref<1x128xi32, #tpu.memory_space<vmem>> -> memref<128xi32, #tpu.memory_space<vmem>>
        %dma_wait3A_306 = arith.constant 0 : i32
        %dma_wait3A_307 = arith.constant 0 : i32
        %dma_wait3A_308 = tpu.memref_slice %arg10[%dma_wait3A_306, %dma_wait3A_307] : memref<10112x64xf32, #tpu.memory_space<vmem_shared>> -> memref<10112x64xf32, #tpu.memory_space<vmem_shared>>
        tpu.wait_indirect_dma semaphore(%run_scoped3A : memref<!tpu.dma_semaphore, #tpu.memory_space<semaphore_mem>>) src(%dma_wait3A_302 : memref<128x64xf32, #tpu.memory_space<vmem>>) dst(%dma_wait3A_308 : memref<10112x64xf32, #tpu.memory_space<vmem_shared>>)
        tpu.yield
      }) : () -> ()
      %lt3A = arith.constant 39 : i32
      %lt3A_229 = arith.cmpi slt, %scan3A_212, %lt3A : i32
      %convert_element_type3A = arith.extui %lt3A_229 : i1 to i32
      %cond3A = arith.constant 0 : i32
      %cond3A_230 = arith.cmpi ne, %convert_element_type3A, %cond3A : i32
      scf.if %cond3A_230 {
        %add3A_289 = arith.constant 4 : i32
        %add3A_290 = arith.addi %add3A_217, %add3A_289 : i32
        %dma_start3A_291 = arith.constant 0 : i32
        %dma_start3A_292 = arith.constant 0 : i32
        %dma_start3A_293 = tpu.memref_slice %arg8[%scan3A_93, %dma_start3A_291, %dma_start3A_292] : memref<4x128x64xf32, #tpu.memory_space<vmem>> -> memref<1x128x64xf32, #tpu.memory_space<vmem>>
        %dma_start3A_294 = tpu.memref_squeeze %dma_start3A_293 : memref<1x128x64xf32, #tpu.memory_space<vmem>> -> memref<128x64xf32, #tpu.memory_space<vmem>>
        %dma_start3A_295 = arith.constant 0 : i32
        %dma_start3A_296 = tpu.memref_slice %arg6[%add3A_290, %dma_start3A_295] : memref<160x128xi32, #tpu.memory_space<vmem>> -> memref<1x128xi32, #tpu.memory_space<vmem>>
        %dma_start3A_297 = tpu.memref_squeeze %dma_start3A_296 : memref<1x128xi32, #tpu.memory_space<vmem>> -> memref<128xi32, #tpu.memory_space<vmem>>
        %dma_start3A_298 = arith.constant 0 : i32
        %dma_start3A_299 = arith.constant 0 : i32
        %dma_start3A_300 = tpu.memref_slice %arg2[%dma_start3A_298, %dma_start3A_299] : memref<40000x64xf32, #tpu.memory_space<hbm>> -> memref<40000x64xf32, #tpu.memory_space<hbm>>
        %dma_start3A_301 = tpu.memref_slice %arg11[%scan3A_94] : memref<4x!tpu.dma_semaphore, #tpu.memory_space<semaphore_mem>> -> memref<1x!tpu.dma_semaphore, #tpu.memory_space<semaphore_mem>>
        %dma_start3A_302 = tpu.memref_squeeze %dma_start3A_301 : memref<1x!tpu.dma_semaphore, #tpu.memory_space<semaphore_mem>> -> memref<!tpu.dma_semaphore, #tpu.memory_space<semaphore_mem>>
        tpu.enqueue_indirect_dma source(%dma_start3A_300 : memref<40000x64xf32, #tpu.memory_space<hbm>>) target(%dma_start3A_294 : memref<128x64xf32, #tpu.memory_space<vmem>>) offsets(%dma_start3A_297 : memref<128xi32, #tpu.memory_space<vmem>>) semaphore(%dma_start3A_302 : memref<!tpu.dma_semaphore, #tpu.memory_space<semaphore_mem>>)
      } else {
      }
      %add3A_231 = arith.constant 1 : i32
      %add3A_232 = arith.addi %mul3A_215, %add3A_231 : i32
      %dma_wait3A_233 = arith.constant 0 : i32
      %dma_wait3A_234 = arith.constant 0 : i32
      %dma_wait3A_235 = tpu.memref_slice %arg8[%scan3A_95, %dma_wait3A_233, %dma_wait3A_234] : memref<4x128x64xf32, #tpu.memory_space<vmem>> -> memref<1x128x64xf32, #tpu.memory_space<vmem>>
      %dma_wait3A_236 = tpu.memref_squeeze %dma_wait3A_235 : memref<1x128x64xf32, #tpu.memory_space<vmem>> -> memref<128x64xf32, #tpu.memory_space<vmem>>
      %dma_wait3A_237 = arith.constant 0 : i32
      %dma_wait3A_238 = tpu.memref_slice %arg6[%add3A_232, %dma_wait3A_237] : memref<160x128xi32, #tpu.memory_space<vmem>> -> memref<1x128xi32, #tpu.memory_space<vmem>>
      %dma_wait3A_239 = tpu.memref_squeeze %dma_wait3A_238 : memref<1x128xi32, #tpu.memory_space<vmem>> -> memref<128xi32, #tpu.memory_space<vmem>>
      %dma_wait3A_240 = arith.constant 0 : i32
      %dma_wait3A_241 = arith.constant 0 : i32
      %dma_wait3A_242 = tpu.memref_slice %arg2[%dma_wait3A_240, %dma_wait3A_241] : memref<40000x64xf32, #tpu.memory_space<hbm>> -> memref<40000x64xf32, #tpu.memory_space<hbm>>
      %dma_wait3A_243 = tpu.memref_slice %arg11[%scan3A_96] : memref<4x!tpu.dma_semaphore, #tpu.memory_space<semaphore_mem>> -> memref<1x!tpu.dma_semaphore, #tpu.memory_space<semaphore_mem>>
      %dma_wait3A_244 = tpu.memref_squeeze %dma_wait3A_243 : memref<1x!tpu.dma_semaphore, #tpu.memory_space<semaphore_mem>> -> memref<!tpu.dma_semaphore, #tpu.memory_space<semaphore_mem>>
      tpu.wait_indirect_dma semaphore(%dma_wait3A_244 : memref<!tpu.dma_semaphore, #tpu.memory_space<semaphore_mem>>) src(%dma_wait3A_242 : memref<40000x64xf32, #tpu.memory_space<hbm>>) dst(%dma_wait3A_236 : memref<128x64xf32, #tpu.memory_space<vmem>>)
      "tpu.region"() ({
        %run_scoped3A = tpu.sem_alloc : memref<!tpu.dma_semaphore, #tpu.memory_space<semaphore_mem>>
        %dma_start3A_289 = arith.constant 0 : i32
        %dma_start3A_290 = arith.constant 0 : i32
        %dma_start3A_291 = tpu.memref_slice %arg8[%scan3A_95, %dma_start3A_289, %dma_start3A_290] : memref<4x128x64xf32, #tpu.memory_space<vmem>> -> memref<1x128x64xf32, #tpu.memory_space<vmem>>
        %dma_start3A_292 = tpu.memref_squeeze %dma_start3A_291 : memref<1x128x64xf32, #tpu.memory_space<vmem>> -> memref<128x64xf32, #tpu.memory_space<vmem>>
        %dma_start3A_293 = arith.constant 0 : i32
        %dma_start3A_294 = tpu.memref_slice %arg7[%add3A_232, %dma_start3A_293] : memref<160x128xi32, #tpu.memory_space<vmem>> -> memref<1x128xi32, #tpu.memory_space<vmem>>
        %dma_start3A_295 = tpu.memref_squeeze %dma_start3A_294 : memref<1x128xi32, #tpu.memory_space<vmem>> -> memref<128xi32, #tpu.memory_space<vmem>>
        %dma_start3A_296 = arith.constant 0 : i32
        %dma_start3A_297 = arith.constant 0 : i32
        %dma_start3A_298 = tpu.memref_slice %arg10[%dma_start3A_296, %dma_start3A_297] : memref<10112x64xf32, #tpu.memory_space<vmem_shared>> -> memref<10112x64xf32, #tpu.memory_space<vmem_shared>>
        tpu.enqueue_indirect_dma source(%dma_start3A_292 : memref<128x64xf32, #tpu.memory_space<vmem>>) target(%dma_start3A_298 : memref<10112x64xf32, #tpu.memory_space<vmem_shared>>) offsets(%dma_start3A_295 : memref<128xi32, #tpu.memory_space<vmem>>) semaphore(%run_scoped3A : memref<!tpu.dma_semaphore, #tpu.memory_space<semaphore_mem>>) {add = true}
        %dma_wait3A_299 = arith.constant 0 : i32
        %dma_wait3A_300 = arith.constant 0 : i32
        %dma_wait3A_301 = tpu.memref_slice %arg8[%scan3A_95, %dma_wait3A_299, %dma_wait3A_300] : memref<4x128x64xf32, #tpu.memory_space<vmem>> -> memref<1x128x64xf32, #tpu.memory_space<vmem>>
        %dma_wait3A_302 = tpu.memref_squeeze %dma_wait3A_301 : memref<1x128x64xf32, #tpu.memory_space<vmem>> -> memref<128x64xf32, #tpu.memory_space<vmem>>
        %dma_wait3A_303 = arith.constant 0 : i32
        %dma_wait3A_304 = tpu.memref_slice %arg7[%add3A_232, %dma_wait3A_303] : memref<160x128xi32, #tpu.memory_space<vmem>> -> memref<1x128xi32, #tpu.memory_space<vmem>>
        %dma_wait3A_305 = tpu.memref_squeeze %dma_wait3A_304 : memref<1x128xi32, #tpu.memory_space<vmem>> -> memref<128xi32, #tpu.memory_space<vmem>>
        %dma_wait3A_306 = arith.constant 0 : i32
        %dma_wait3A_307 = arith.constant 0 : i32
        %dma_wait3A_308 = tpu.memref_slice %arg10[%dma_wait3A_306, %dma_wait3A_307] : memref<10112x64xf32, #tpu.memory_space<vmem_shared>> -> memref<10112x64xf32, #tpu.memory_space<vmem_shared>>
        tpu.wait_indirect_dma semaphore(%run_scoped3A : memref<!tpu.dma_semaphore, #tpu.memory_space<semaphore_mem>>) src(%dma_wait3A_302 : memref<128x64xf32, #tpu.memory_space<vmem>>) dst(%dma_wait3A_308 : memref<10112x64xf32, #tpu.memory_space<vmem_shared>>)
        tpu.yield
      }) : () -> ()
      %lt3A_245 = arith.constant 39 : i32
      %lt3A_246 = arith.cmpi slt, %scan3A_212, %lt3A_245 : i32
      %convert_element_type3A_247 = arith.extui %lt3A_246 : i1 to i32
      %cond3A_248 = arith.constant 0 : i32
      %cond3A_249 = arith.cmpi ne, %convert_element_type3A_247, %cond3A_248 : i32
      scf.if %cond3A_249 {
        %add3A_289 = arith.constant 4 : i32
        %add3A_290 = arith.addi %add3A_232, %add3A_289 : i32
        %dma_start3A_291 = arith.constant 0 : i32
        %dma_start3A_292 = arith.constant 0 : i32
        %dma_start3A_293 = tpu.memref_slice %arg8[%scan3A_95, %dma_start3A_291, %dma_start3A_292] : memref<4x128x64xf32, #tpu.memory_space<vmem>> -> memref<1x128x64xf32, #tpu.memory_space<vmem>>
        %dma_start3A_294 = tpu.memref_squeeze %dma_start3A_293 : memref<1x128x64xf32, #tpu.memory_space<vmem>> -> memref<128x64xf32, #tpu.memory_space<vmem>>
        %dma_start3A_295 = arith.constant 0 : i32
        %dma_start3A_296 = tpu.memref_slice %arg6[%add3A_290, %dma_start3A_295] : memref<160x128xi32, #tpu.memory_space<vmem>> -> memref<1x128xi32, #tpu.memory_space<vmem>>
        %dma_start3A_297 = tpu.memref_squeeze %dma_start3A_296 : memref<1x128xi32, #tpu.memory_space<vmem>> -> memref<128xi32, #tpu.memory_space<vmem>>
        %dma_start3A_298 = arith.constant 0 : i32
        %dma_start3A_299 = arith.constant 0 : i32
        %dma_start3A_300 = tpu.memref_slice %arg2[%dma_start3A_298, %dma_start3A_299] : memref<40000x64xf32, #tpu.memory_space<hbm>> -> memref<40000x64xf32, #tpu.memory_space<hbm>>
        %dma_start3A_301 = tpu.memref_slice %arg11[%scan3A_96] : memref<4x!tpu.dma_semaphore, #tpu.memory_space<semaphore_mem>> -> memref<1x!tpu.dma_semaphore, #tpu.memory_space<semaphore_mem>>
        %dma_start3A_302 = tpu.memref_squeeze %dma_start3A_301 : memref<1x!tpu.dma_semaphore, #tpu.memory_space<semaphore_mem>> -> memref<!tpu.dma_semaphore, #tpu.memory_space<semaphore_mem>>
        tpu.enqueue_indirect_dma source(%dma_start3A_300 : memref<40000x64xf32, #tpu.memory_space<hbm>>) target(%dma_start3A_294 : memref<128x64xf32, #tpu.memory_space<vmem>>) offsets(%dma_start3A_297 : memref<128xi32, #tpu.memory_space<vmem>>) semaphore(%dma_start3A_302 : memref<!tpu.dma_semaphore, #tpu.memory_space<semaphore_mem>>)
      } else {
      }
      %add3A_250 = arith.constant 2 : i32
      %add3A_251 = arith.addi %mul3A_215, %add3A_250 : i32
      %dma_wait3A_252 = arith.constant 0 : i32
      %dma_wait3A_253 = arith.constant 0 : i32
      %dma_wait3A_254 = tpu.memref_slice %arg8[%scan3A_97, %dma_wait3A_252, %dma_wait3A_253] : memref<4x128x64xf32, #tpu.memory_space<vmem>> -> memref<1x128x64xf32, #tpu.memory_space<vmem>>
      %dma_wait3A_255 = tpu.memref_squeeze %dma_wait3A_254 : memref<1x128x64xf32, #tpu.memory_space<vmem>> -> memref<128x64xf32, #tpu.memory_space<vmem>>
      %dma_wait3A_256 = arith.constant 0 : i32
      %dma_wait3A_257 = tpu.memref_slice %arg6[%add3A_251, %dma_wait3A_256] : memref<160x128xi32, #tpu.memory_space<vmem>> -> memref<1x128xi32, #tpu.memory_space<vmem>>
      %dma_wait3A_258 = tpu.memref_squeeze %dma_wait3A_257 : memref<1x128xi32, #tpu.memory_space<vmem>> -> memref<128xi32, #tpu.memory_space<vmem>>
      %dma_wait3A_259 = arith.constant 0 : i32
      %dma_wait3A_260 = arith.constant 0 : i32
      %dma_wait3A_261 = tpu.memref_slice %arg2[%dma_wait3A_259, %dma_wait3A_260] : memref<40000x64xf32, #tpu.memory_space<hbm>> -> memref<40000x64xf32, #tpu.memory_space<hbm>>
      %dma_wait3A_262 = tpu.memref_slice %arg11[%scan3A_98] : memref<4x!tpu.dma_semaphore, #tpu.memory_space<semaphore_mem>> -> memref<1x!tpu.dma_semaphore, #tpu.memory_space<semaphore_mem>>
      %dma_wait3A_263 = tpu.memref_squeeze %dma_wait3A_262 : memref<1x!tpu.dma_semaphore, #tpu.memory_space<semaphore_mem>> -> memref<!tpu.dma_semaphore, #tpu.memory_space<semaphore_mem>>
      tpu.wait_indirect_dma semaphore(%dma_wait3A_263 : memref<!tpu.dma_semaphore, #tpu.memory_space<semaphore_mem>>) src(%dma_wait3A_261 : memref<40000x64xf32, #tpu.memory_space<hbm>>) dst(%dma_wait3A_255 : memref<128x64xf32, #tpu.memory_space<vmem>>)
      "tpu.region"() ({
        %run_scoped3A = tpu.sem_alloc : memref<!tpu.dma_semaphore, #tpu.memory_space<semaphore_mem>>
        %dma_start3A_289 = arith.constant 0 : i32
        %dma_start3A_290 = arith.constant 0 : i32
        %dma_start3A_291 = tpu.memref_slice %arg8[%scan3A_97, %dma_start3A_289, %dma_start3A_290] : memref<4x128x64xf32, #tpu.memory_space<vmem>> -> memref<1x128x64xf32, #tpu.memory_space<vmem>>
        %dma_start3A_292 = tpu.memref_squeeze %dma_start3A_291 : memref<1x128x64xf32, #tpu.memory_space<vmem>> -> memref<128x64xf32, #tpu.memory_space<vmem>>
        %dma_start3A_293 = arith.constant 0 : i32
        %dma_start3A_294 = tpu.memref_slice %arg7[%add3A_251, %dma_start3A_293] : memref<160x128xi32, #tpu.memory_space<vmem>> -> memref<1x128xi32, #tpu.memory_space<vmem>>
        %dma_start3A_295 = tpu.memref_squeeze %dma_start3A_294 : memref<1x128xi32, #tpu.memory_space<vmem>> -> memref<128xi32, #tpu.memory_space<vmem>>
        %dma_start3A_296 = arith.constant 0 : i32
        %dma_start3A_297 = arith.constant 0 : i32
        %dma_start3A_298 = tpu.memref_slice %arg10[%dma_start3A_296, %dma_start3A_297] : memref<10112x64xf32, #tpu.memory_space<vmem_shared>> -> memref<10112x64xf32, #tpu.memory_space<vmem_shared>>
        tpu.enqueue_indirect_dma source(%dma_start3A_292 : memref<128x64xf32, #tpu.memory_space<vmem>>) target(%dma_start3A_298 : memref<10112x64xf32, #tpu.memory_space<vmem_shared>>) offsets(%dma_start3A_295 : memref<128xi32, #tpu.memory_space<vmem>>) semaphore(%run_scoped3A : memref<!tpu.dma_semaphore, #tpu.memory_space<semaphore_mem>>) {add = true}
        %dma_wait3A_299 = arith.constant 0 : i32
        %dma_wait3A_300 = arith.constant 0 : i32
        %dma_wait3A_301 = tpu.memref_slice %arg8[%scan3A_97, %dma_wait3A_299, %dma_wait3A_300] : memref<4x128x64xf32, #tpu.memory_space<vmem>> -> memref<1x128x64xf32, #tpu.memory_space<vmem>>
        %dma_wait3A_302 = tpu.memref_squeeze %dma_wait3A_301 : memref<1x128x64xf32, #tpu.memory_space<vmem>> -> memref<128x64xf32, #tpu.memory_space<vmem>>
        %dma_wait3A_303 = arith.constant 0 : i32
        %dma_wait3A_304 = tpu.memref_slice %arg7[%add3A_251, %dma_wait3A_303] : memref<160x128xi32, #tpu.memory_space<vmem>> -> memref<1x128xi32, #tpu.memory_space<vmem>>
        %dma_wait3A_305 = tpu.memref_squeeze %dma_wait3A_304 : memref<1x128xi32, #tpu.memory_space<vmem>> -> memref<128xi32, #tpu.memory_space<vmem>>
        %dma_wait3A_306 = arith.constant 0 : i32
        %dma_wait3A_307 = arith.constant 0 : i32
        %dma_wait3A_308 = tpu.memref_slice %arg10[%dma_wait3A_306, %dma_wait3A_307] : memref<10112x64xf32, #tpu.memory_space<vmem_shared>> -> memref<10112x64xf32, #tpu.memory_space<vmem_shared>>
        tpu.wait_indirect_dma semaphore(%run_scoped3A : memref<!tpu.dma_semaphore, #tpu.memory_space<semaphore_mem>>) src(%dma_wait3A_302 : memref<128x64xf32, #tpu.memory_space<vmem>>) dst(%dma_wait3A_308 : memref<10112x64xf32, #tpu.memory_space<vmem_shared>>)
        tpu.yield
      }) : () -> ()
      %lt3A_264 = arith.constant 39 : i32
      %lt3A_265 = arith.cmpi slt, %scan3A_212, %lt3A_264 : i32
      %convert_element_type3A_266 = arith.extui %lt3A_265 : i1 to i32
      %cond3A_267 = arith.constant 0 : i32
      %cond3A_268 = arith.cmpi ne, %convert_element_type3A_266, %cond3A_267 : i32
      scf.if %cond3A_268 {
        %add3A_289 = arith.constant 4 : i32
        %add3A_290 = arith.addi %add3A_251, %add3A_289 : i32
        %dma_start3A_291 = arith.constant 0 : i32
        %dma_start3A_292 = arith.constant 0 : i32
        %dma_start3A_293 = tpu.memref_slice %arg8[%scan3A_97, %dma_start3A_291, %dma_start3A_292] : memref<4x128x64xf32, #tpu.memory_space<vmem>> -> memref<1x128x64xf32, #tpu.memory_space<vmem>>
        %dma_start3A_294 = tpu.memref_squeeze %dma_start3A_293 : memref<1x128x64xf32, #tpu.memory_space<vmem>> -> memref<128x64xf32, #tpu.memory_space<vmem>>
        %dma_start3A_295 = arith.constant 0 : i32
        %dma_start3A_296 = tpu.memref_slice %arg6[%add3A_290, %dma_start3A_295] : memref<160x128xi32, #tpu.memory_space<vmem>> -> memref<1x128xi32, #tpu.memory_space<vmem>>
        %dma_start3A_297 = tpu.memref_squeeze %dma_start3A_296 : memref<1x128xi32, #tpu.memory_space<vmem>> -> memref<128xi32, #tpu.memory_space<vmem>>
        %dma_start3A_298 = arith.constant 0 : i32
        %dma_start3A_299 = arith.constant 0 : i32
        %dma_start3A_300 = tpu.memref_slice %arg2[%dma_start3A_298, %dma_start3A_299] : memref<40000x64xf32, #tpu.memory_space<hbm>> -> memref<40000x64xf32, #tpu.memory_space<hbm>>
        %dma_start3A_301 = tpu.memref_slice %arg11[%scan3A_98] : memref<4x!tpu.dma_semaphore, #tpu.memory_space<semaphore_mem>> -> memref<1x!tpu.dma_semaphore, #tpu.memory_space<semaphore_mem>>
        %dma_start3A_302 = tpu.memref_squeeze %dma_start3A_301 : memref<1x!tpu.dma_semaphore, #tpu.memory_space<semaphore_mem>> -> memref<!tpu.dma_semaphore, #tpu.memory_space<semaphore_mem>>
        tpu.enqueue_indirect_dma source(%dma_start3A_300 : memref<40000x64xf32, #tpu.memory_space<hbm>>) target(%dma_start3A_294 : memref<128x64xf32, #tpu.memory_space<vmem>>) offsets(%dma_start3A_297 : memref<128xi32, #tpu.memory_space<vmem>>) semaphore(%dma_start3A_302 : memref<!tpu.dma_semaphore, #tpu.memory_space<semaphore_mem>>)
      } else {
      }
      %add3A_269 = arith.constant 3 : i32
      %add3A_270 = arith.addi %mul3A_215, %add3A_269 : i32
      %dma_wait3A_271 = arith.constant 0 : i32
      %dma_wait3A_272 = arith.constant 0 : i32
      %dma_wait3A_273 = tpu.memref_slice %arg8[%scan3A_99, %dma_wait3A_271, %dma_wait3A_272] : memref<4x128x64xf32, #tpu.memory_space<vmem>> -> memref<1x128x64xf32, #tpu.memory_space<vmem>>
      %dma_wait3A_274 = tpu.memref_squeeze %dma_wait3A_273 : memref<1x128x64xf32, #tpu.memory_space<vmem>> -> memref<128x64xf32, #tpu.memory_space<vmem>>
      %dma_wait3A_275 = arith.constant 0 : i32
      %dma_wait3A_276 = tpu.memref_slice %arg6[%add3A_270, %dma_wait3A_275] : memref<160x128xi32, #tpu.memory_space<vmem>> -> memref<1x128xi32, #tpu.memory_space<vmem>>
      %dma_wait3A_277 = tpu.memref_squeeze %dma_wait3A_276 : memref<1x128xi32, #tpu.memory_space<vmem>> -> memref<128xi32, #tpu.memory_space<vmem>>
      %dma_wait3A_278 = arith.constant 0 : i32
      %dma_wait3A_279 = arith.constant 0 : i32
      %dma_wait3A_280 = tpu.memref_slice %arg2[%dma_wait3A_278, %dma_wait3A_279] : memref<40000x64xf32, #tpu.memory_space<hbm>> -> memref<40000x64xf32, #tpu.memory_space<hbm>>
      %dma_wait3A_281 = tpu.memref_slice %arg11[%scan3A_100] : memref<4x!tpu.dma_semaphore, #tpu.memory_space<semaphore_mem>> -> memref<1x!tpu.dma_semaphore, #tpu.memory_space<semaphore_mem>>
      %dma_wait3A_282 = tpu.memref_squeeze %dma_wait3A_281 : memref<1x!tpu.dma_semaphore, #tpu.memory_space<semaphore_mem>> -> memref<!tpu.dma_semaphore, #tpu.memory_space<semaphore_mem>>
      tpu.wait_indirect_dma semaphore(%dma_wait3A_282 : memref<!tpu.dma_semaphore, #tpu.memory_space<semaphore_mem>>) src(%dma_wait3A_280 : memref<40000x64xf32, #tpu.memory_space<hbm>>) dst(%dma_wait3A_274 : memref<128x64xf32, #tpu.memory_space<vmem>>)
      "tpu.region"() ({
        %run_scoped3A = tpu.sem_alloc : memref<!tpu.dma_semaphore, #tpu.memory_space<semaphore_mem>>
        %dma_start3A_289 = arith.constant 0 : i32
        %dma_start3A_290 = arith.constant 0 : i32
        %dma_start3A_291 = tpu.memref_slice %arg8[%scan3A_99, %dma_start3A_289, %dma_start3A_290] : memref<4x128x64xf32, #tpu.memory_space<vmem>> -> memref<1x128x64xf32, #tpu.memory_space<vmem>>
        %dma_start3A_292 = tpu.memref_squeeze %dma_start3A_291 : memref<1x128x64xf32, #tpu.memory_space<vmem>> -> memref<128x64xf32, #tpu.memory_space<vmem>>
        %dma_start3A_293 = arith.constant 0 : i32
        %dma_start3A_294 = tpu.memref_slice %arg7[%add3A_270, %dma_start3A_293] : memref<160x128xi32, #tpu.memory_space<vmem>> -> memref<1x128xi32, #tpu.memory_space<vmem>>
        %dma_start3A_295 = tpu.memref_squeeze %dma_start3A_294 : memref<1x128xi32, #tpu.memory_space<vmem>> -> memref<128xi32, #tpu.memory_space<vmem>>
        %dma_start3A_296 = arith.constant 0 : i32
        %dma_start3A_297 = arith.constant 0 : i32
        %dma_start3A_298 = tpu.memref_slice %arg10[%dma_start3A_296, %dma_start3A_297] : memref<10112x64xf32, #tpu.memory_space<vmem_shared>> -> memref<10112x64xf32, #tpu.memory_space<vmem_shared>>
        tpu.enqueue_indirect_dma source(%dma_start3A_292 : memref<128x64xf32, #tpu.memory_space<vmem>>) target(%dma_start3A_298 : memref<10112x64xf32, #tpu.memory_space<vmem_shared>>) offsets(%dma_start3A_295 : memref<128xi32, #tpu.memory_space<vmem>>) semaphore(%run_scoped3A : memref<!tpu.dma_semaphore, #tpu.memory_space<semaphore_mem>>) {add = true}
        %dma_wait3A_299 = arith.constant 0 : i32
        %dma_wait3A_300 = arith.constant 0 : i32
        %dma_wait3A_301 = tpu.memref_slice %arg8[%scan3A_99, %dma_wait3A_299, %dma_wait3A_300] : memref<4x128x64xf32, #tpu.memory_space<vmem>> -> memref<1x128x64xf32, #tpu.memory_space<vmem>>
        %dma_wait3A_302 = tpu.memref_squeeze %dma_wait3A_301 : memref<1x128x64xf32, #tpu.memory_space<vmem>> -> memref<128x64xf32, #tpu.memory_space<vmem>>
        %dma_wait3A_303 = arith.constant 0 : i32
        %dma_wait3A_304 = tpu.memref_slice %arg7[%add3A_270, %dma_wait3A_303] : memref<160x128xi32, #tpu.memory_space<vmem>> -> memref<1x128xi32, #tpu.memory_space<vmem>>
        %dma_wait3A_305 = tpu.memref_squeeze %dma_wait3A_304 : memref<1x128xi32, #tpu.memory_space<vmem>> -> memref<128xi32, #tpu.memory_space<vmem>>
        %dma_wait3A_306 = arith.constant 0 : i32
        %dma_wait3A_307 = arith.constant 0 : i32
        %dma_wait3A_308 = tpu.memref_slice %arg10[%dma_wait3A_306, %dma_wait3A_307] : memref<10112x64xf32, #tpu.memory_space<vmem_shared>> -> memref<10112x64xf32, #tpu.memory_space<vmem_shared>>
        tpu.wait_indirect_dma semaphore(%run_scoped3A : memref<!tpu.dma_semaphore, #tpu.memory_space<semaphore_mem>>) src(%dma_wait3A_302 : memref<128x64xf32, #tpu.memory_space<vmem>>) dst(%dma_wait3A_308 : memref<10112x64xf32, #tpu.memory_space<vmem_shared>>)
        tpu.yield
      }) : () -> ()
      %lt3A_283 = arith.constant 39 : i32
      %lt3A_284 = arith.cmpi slt, %scan3A_212, %lt3A_283 : i32
      %convert_element_type3A_285 = arith.extui %lt3A_284 : i1 to i32
      %cond3A_286 = arith.constant 0 : i32
      %cond3A_287 = arith.cmpi ne, %convert_element_type3A_285, %cond3A_286 : i32
      scf.if %cond3A_287 {
        %add3A_289 = arith.constant 4 : i32
        %add3A_290 = arith.addi %add3A_270, %add3A_289 : i32
        %dma_start3A_291 = arith.constant 0 : i32
        %dma_start3A_292 = arith.constant 0 : i32
        %dma_start3A_293 = tpu.memref_slice %arg8[%scan3A_99, %dma_start3A_291, %dma_start3A_292] : memref<4x128x64xf32, #tpu.memory_space<vmem>> -> memref<1x128x64xf32, #tpu.memory_space<vmem>>
        %dma_start3A_294 = tpu.memref_squeeze %dma_start3A_293 : memref<1x128x64xf32, #tpu.memory_space<vmem>> -> memref<128x64xf32, #tpu.memory_space<vmem>>
        %dma_start3A_295 = arith.constant 0 : i32
        %dma_start3A_296 = tpu.memref_slice %arg6[%add3A_290, %dma_start3A_295] : memref<160x128xi32, #tpu.memory_space<vmem>> -> memref<1x128xi32, #tpu.memory_space<vmem>>
        %dma_start3A_297 = tpu.memref_squeeze %dma_start3A_296 : memref<1x128xi32, #tpu.memory_space<vmem>> -> memref<128xi32, #tpu.memory_space<vmem>>
        %dma_start3A_298 = arith.constant 0 : i32
        %dma_start3A_299 = arith.constant 0 : i32
        %dma_start3A_300 = tpu.memref_slice %arg2[%dma_start3A_298, %dma_start3A_299] : memref<40000x64xf32, #tpu.memory_space<hbm>> -> memref<40000x64xf32, #tpu.memory_space<hbm>>
        %dma_start3A_301 = tpu.memref_slice %arg11[%scan3A_100] : memref<4x!tpu.dma_semaphore, #tpu.memory_space<semaphore_mem>> -> memref<1x!tpu.dma_semaphore, #tpu.memory_space<semaphore_mem>>
        %dma_start3A_302 = tpu.memref_squeeze %dma_start3A_301 : memref<1x!tpu.dma_semaphore, #tpu.memory_space<semaphore_mem>> -> memref<!tpu.dma_semaphore, #tpu.memory_space<semaphore_mem>>
        tpu.enqueue_indirect_dma source(%dma_start3A_300 : memref<40000x64xf32, #tpu.memory_space<hbm>>) target(%dma_start3A_294 : memref<128x64xf32, #tpu.memory_space<vmem>>) offsets(%dma_start3A_297 : memref<128xi32, #tpu.memory_space<vmem>>) semaphore(%dma_start3A_302 : memref<!tpu.dma_semaphore, #tpu.memory_space<semaphore_mem>>)
      } else {
      }
      %scan3A_288 = arith.constant 0 : i32
      scf.yield %scan3A_288 : i32
    }
    %scan3A_107 = arith.constant 40 : i32
    %barrier3A_108 = arith.constant 0 : index
    tpu.barrier barrier_id(%barrier3A_108)
    "tpu.region"() ({
      %run_scoped3A = tpu.sem_alloc : memref<!tpu.dma_semaphore, #tpu.memory_space<semaphore_mem>>
      %dma_start3A_212 = arith.constant 0 : i32
      %dma_start3A_213 = tpu.memref_slice %arg5[%add3A_31, %mul3A_8, %dma_start3A_212] : memref<4x10112x64xf32, #tpu.memory_space<hbm>> -> memref<1x632x64xf32, #tpu.memory_space<hbm>>
      %dma_start3A_214 = tpu.memref_squeeze %dma_start3A_213 : memref<1x632x64xf32, #tpu.memory_space<hbm>> -> memref<632x64xf32, #tpu.memory_space<hbm>>
      %dma_start3A_215 = arith.constant 0 : i32
      %dma_start3A_216 = tpu.memref_slice %arg10[%mul3A_8, %dma_start3A_215] : memref<10112x64xf32, #tpu.memory_space<vmem_shared>> -> memref<632x64xf32, #tpu.memory_space<vmem_shared>>
      tpu.enqueue_dma source(%dma_start3A_216 : memref<632x64xf32, #tpu.memory_space<vmem_shared>>) target(%dma_start3A_214 : memref<632x64xf32, #tpu.memory_space<hbm>>) target_semaphore(%run_scoped3A : memref<!tpu.dma_semaphore, #tpu.memory_space<semaphore_mem>>)
      %dma_wait3A = arith.constant 0 : i32
      %dma_wait3A_217 = tpu.memref_slice %arg5[%add3A_31, %mul3A_8, %dma_wait3A] : memref<4x10112x64xf32, #tpu.memory_space<hbm>> -> memref<1x632x64xf32, #tpu.memory_space<hbm>>
      %dma_wait3A_218 = tpu.memref_squeeze %dma_wait3A_217 : memref<1x632x64xf32, #tpu.memory_space<hbm>> -> memref<632x64xf32, #tpu.memory_space<hbm>>
      %dma_wait3A_219 = arith.constant 0 : i32
      %dma_wait3A_220 = tpu.memref_slice %arg10[%mul3A_8, %dma_wait3A_219] : memref<10112x64xf32, #tpu.memory_space<vmem_shared>> -> memref<632x64xf32, #tpu.memory_space<vmem_shared>>
      tpu.wait_dma2 semaphore(%run_scoped3A : memref<!tpu.dma_semaphore, #tpu.memory_space<semaphore_mem>>) src(%dma_wait3A_220 : memref<632x64xf32, #tpu.memory_space<vmem_shared>>) dst(%dma_wait3A_218 : memref<632x64xf32, #tpu.memory_space<hbm>>)
      tpu.yield
    }) : () -> ()
    %add3A_109 = arith.constant 0 : i32
    %add3A_110 = arith.addi %mul3A_8, %add3A_109 : i32
    "tpu.region"() ({
      %run_scoped3A = tpu.sem_alloc : memref<!tpu.dma_semaphore, #tpu.memory_space<semaphore_mem>>
      %dma_start3A_212 = arith.constant 0 : i32
      %dma_start3A_213 = tpu.memref_slice %arg10[%add3A_110, %dma_start3A_212] : memref<10112x64xf32, #tpu.memory_space<vmem_shared>> -> memref<64x64xf32, #tpu.memory_space<vmem_shared>>
      %dma_start3A_214 = arith.constant 0 : i32
      %dma_start3A_215 = tpu.memref_slice %arg10[%add3A_110, %dma_start3A_214] : memref<10112x64xf32, #tpu.memory_space<vmem_shared>> -> memref<64x64xf32, #tpu.memory_space<vmem_shared>>
      tpu.enqueue_dma source(%arg9 : memref<64x64xf32, #tpu.memory_space<vmem>>) target(%dma_start3A_215 : memref<64x64xf32, #tpu.memory_space<vmem_shared>>) target_semaphore(%run_scoped3A : memref<!tpu.dma_semaphore, #tpu.memory_space<semaphore_mem>>)
      %dma_wait3A = arith.constant 0 : i32
      %dma_wait3A_216 = tpu.memref_slice %arg10[%add3A_110, %dma_wait3A] : memref<10112x64xf32, #tpu.memory_space<vmem_shared>> -> memref<64x64xf32, #tpu.memory_space<vmem_shared>>
      %dma_wait3A_217 = arith.constant 0 : i32
      %dma_wait3A_218 = tpu.memref_slice %arg10[%add3A_110, %dma_wait3A_217] : memref<10112x64xf32, #tpu.memory_space<vmem_shared>> -> memref<64x64xf32, #tpu.memory_space<vmem_shared>>
      tpu.wait_dma2 semaphore(%run_scoped3A : memref<!tpu.dma_semaphore, #tpu.memory_space<semaphore_mem>>) src(%arg9 : memref<64x64xf32, #tpu.memory_space<vmem>>) dst(%dma_wait3A_218 : memref<64x64xf32, #tpu.memory_space<vmem_shared>>)
      tpu.yield
    }) : () -> ()
    %add3A_111 = arith.constant 64 : i32
    %add3A_112 = arith.addi %mul3A_8, %add3A_111 : i32
    "tpu.region"() ({
      %run_scoped3A = tpu.sem_alloc : memref<!tpu.dma_semaphore, #tpu.memory_space<semaphore_mem>>
      %dma_start3A_212 = arith.constant 0 : i32
      %dma_start3A_213 = tpu.memref_slice %arg10[%add3A_112, %dma_start3A_212] : memref<10112x64xf32, #tpu.memory_space<vmem_shared>> -> memref<64x64xf32, #tpu.memory_space<vmem_shared>>
      %dma_start3A_214 = arith.constant 0 : i32
      %dma_start3A_215 = tpu.memref_slice %arg10[%add3A_112, %dma_start3A_214] : memref<10112x64xf32, #tpu.memory_space<vmem_shared>> -> memref<64x64xf32, #tpu.memory_space<vmem_shared>>
      tpu.enqueue_dma source(%arg9 : memref<64x64xf32, #tpu.memory_space<vmem>>) target(%dma_start3A_215 : memref<64x64xf32, #tpu.memory_space<vmem_shared>>) target_semaphore(%run_scoped3A : memref<!tpu.dma_semaphore, #tpu.memory_space<semaphore_mem>>)
      %dma_wait3A = arith.constant 0 : i32
      %dma_wait3A_216 = tpu.memref_slice %arg10[%add3A_112, %dma_wait3A] : memref<10112x64xf32, #tpu.memory_space<vmem_shared>> -> memref<64x64xf32, #tpu.memory_space<vmem_shared>>
      %dma_wait3A_217 = arith.constant 0 : i32
      %dma_wait3A_218 = tpu.memref_slice %arg10[%add3A_112, %dma_wait3A_217] : memref<10112x64xf32, #tpu.memory_space<vmem_shared>> -> memref<64x64xf32, #tpu.memory_space<vmem_shared>>
      tpu.wait_dma2 semaphore(%run_scoped3A : memref<!tpu.dma_semaphore, #tpu.memory_space<semaphore_mem>>) src(%arg9 : memref<64x64xf32, #tpu.memory_space<vmem>>) dst(%dma_wait3A_218 : memref<64x64xf32, #tpu.memory_space<vmem_shared>>)
      tpu.yield
    }) : () -> ()
    %add3A_113 = arith.constant 128 : i32
    %add3A_114 = arith.addi %mul3A_8, %add3A_113 : i32
    "tpu.region"() ({
      %run_scoped3A = tpu.sem_alloc : memref<!tpu.dma_semaphore, #tpu.memory_space<semaphore_mem>>
      %dma_start3A_212 = arith.constant 0 : i32
      %dma_start3A_213 = tpu.memref_slice %arg10[%add3A_114, %dma_start3A_212] : memref<10112x64xf32, #tpu.memory_space<vmem_shared>> -> memref<64x64xf32, #tpu.memory_space<vmem_shared>>
      %dma_start3A_214 = arith.constant 0 : i32
      %dma_start3A_215 = tpu.memref_slice %arg10[%add3A_114, %dma_start3A_214] : memref<10112x64xf32, #tpu.memory_space<vmem_shared>> -> memref<64x64xf32, #tpu.memory_space<vmem_shared>>
      tpu.enqueue_dma source(%arg9 : memref<64x64xf32, #tpu.memory_space<vmem>>) target(%dma_start3A_215 : memref<64x64xf32, #tpu.memory_space<vmem_shared>>) target_semaphore(%run_scoped3A : memref<!tpu.dma_semaphore, #tpu.memory_space<semaphore_mem>>)
      %dma_wait3A = arith.constant 0 : i32
      %dma_wait3A_216 = tpu.memref_slice %arg10[%add3A_114, %dma_wait3A] : memref<10112x64xf32, #tpu.memory_space<vmem_shared>> -> memref<64x64xf32, #tpu.memory_space<vmem_shared>>
      %dma_wait3A_217 = arith.constant 0 : i32
      %dma_wait3A_218 = tpu.memref_slice %arg10[%add3A_114, %dma_wait3A_217] : memref<10112x64xf32, #tpu.memory_space<vmem_shared>> -> memref<64x64xf32, #tpu.memory_space<vmem_shared>>
      tpu.wait_dma2 semaphore(%run_scoped3A : memref<!tpu.dma_semaphore, #tpu.memory_space<semaphore_mem>>) src(%arg9 : memref<64x64xf32, #tpu.memory_space<vmem>>) dst(%dma_wait3A_218 : memref<64x64xf32, #tpu.memory_space<vmem_shared>>)
      tpu.yield
    }) : () -> ()
    %add3A_115 = arith.constant 192 : i32
    %add3A_116 = arith.addi %mul3A_8, %add3A_115 : i32
    "tpu.region"() ({
      %run_scoped3A = tpu.sem_alloc : memref<!tpu.dma_semaphore, #tpu.memory_space<semaphore_mem>>
      %dma_start3A_212 = arith.constant 0 : i32
      %dma_start3A_213 = tpu.memref_slice %arg10[%add3A_116, %dma_start3A_212] : memref<10112x64xf32, #tpu.memory_space<vmem_shared>> -> memref<64x64xf32, #tpu.memory_space<vmem_shared>>
      %dma_start3A_214 = arith.constant 0 : i32
      %dma_start3A_215 = tpu.memref_slice %arg10[%add3A_116, %dma_start3A_214] : memref<10112x64xf32, #tpu.memory_space<vmem_shared>> -> memref<64x64xf32, #tpu.memory_space<vmem_shared>>
      tpu.enqueue_dma source(%arg9 : memref<64x64xf32, #tpu.memory_space<vmem>>) target(%dma_start3A_215 : memref<64x64xf32, #tpu.memory_space<vmem_shared>>) target_semaphore(%run_scoped3A : memref<!tpu.dma_semaphore, #tpu.memory_space<semaphore_mem>>)
      %dma_wait3A = arith.constant 0 : i32
      %dma_wait3A_216 = tpu.memref_slice %arg10[%add3A_116, %dma_wait3A] : memref<10112x64xf32, #tpu.memory_space<vmem_shared>> -> memref<64x64xf32, #tpu.memory_space<vmem_shared>>
      %dma_wait3A_217 = arith.constant 0 : i32
      %dma_wait3A_218 = tpu.memref_slice %arg10[%add3A_116, %dma_wait3A_217] : memref<10112x64xf32, #tpu.memory_space<vmem_shared>> -> memref<64x64xf32, #tpu.memory_space<vmem_shared>>
      tpu.wait_dma2 semaphore(%run_scoped3A : memref<!tpu.dma_semaphore, #tpu.memory_space<semaphore_mem>>) src(%arg9 : memref<64x64xf32, #tpu.memory_space<vmem>>) dst(%dma_wait3A_218 : memref<64x64xf32, #tpu.memory_space<vmem_shared>>)
      tpu.yield
    }) : () -> ()
    %add3A_117 = arith.constant 256 : i32
    %add3A_118 = arith.addi %mul3A_8, %add3A_117 : i32
    "tpu.region"() ({
      %run_scoped3A = tpu.sem_alloc : memref<!tpu.dma_semaphore, #tpu.memory_space<semaphore_mem>>
      %dma_start3A_212 = arith.constant 0 : i32
      %dma_start3A_213 = tpu.memref_slice %arg10[%add3A_118, %dma_start3A_212] : memref<10112x64xf32, #tpu.memory_space<vmem_shared>> -> memref<64x64xf32, #tpu.memory_space<vmem_shared>>
      %dma_start3A_214 = arith.constant 0 : i32
      %dma_start3A_215 = tpu.memref_slice %arg10[%add3A_118, %dma_start3A_214] : memref<10112x64xf32, #tpu.memory_space<vmem_shared>> -> memref<64x64xf32, #tpu.memory_space<vmem_shared>>
      tpu.enqueue_dma source(%arg9 : memref<64x64xf32, #tpu.memory_space<vmem>>) target(%dma_start3A_215 : memref<64x64xf32, #tpu.memory_space<vmem_shared>>) target_semaphore(%run_scoped3A : memref<!tpu.dma_semaphore, #tpu.memory_space<semaphore_mem>>)
      %dma_wait3A = arith.constant 0 : i32
      %dma_wait3A_216 = tpu.memref_slice %arg10[%add3A_118, %dma_wait3A] : memref<10112x64xf32, #tpu.memory_space<vmem_shared>> -> memref<64x64xf32, #tpu.memory_space<vmem_shared>>
      %dma_wait3A_217 = arith.constant 0 : i32
      %dma_wait3A_218 = tpu.memref_slice %arg10[%add3A_118, %dma_wait3A_217] : memref<10112x64xf32, #tpu.memory_space<vmem_shared>> -> memref<64x64xf32, #tpu.memory_space<vmem_shared>>
      tpu.wait_dma2 semaphore(%run_scoped3A : memref<!tpu.dma_semaphore, #tpu.memory_space<semaphore_mem>>) src(%arg9 : memref<64x64xf32, #tpu.memory_space<vmem>>) dst(%dma_wait3A_218 : memref<64x64xf32, #tpu.memory_space<vmem_shared>>)
      tpu.yield
    }) : () -> ()
    %add3A_119 = arith.constant 320 : i32
    %add3A_120 = arith.addi %mul3A_8, %add3A_119 : i32
    "tpu.region"() ({
      %run_scoped3A = tpu.sem_alloc : memref<!tpu.dma_semaphore, #tpu.memory_space<semaphore_mem>>
      %dma_start3A_212 = arith.constant 0 : i32
      %dma_start3A_213 = tpu.memref_slice %arg10[%add3A_120, %dma_start3A_212] : memref<10112x64xf32, #tpu.memory_space<vmem_shared>> -> memref<64x64xf32, #tpu.memory_space<vmem_shared>>
      %dma_start3A_214 = arith.constant 0 : i32
      %dma_start3A_215 = tpu.memref_slice %arg10[%add3A_120, %dma_start3A_214] : memref<10112x64xf32, #tpu.memory_space<vmem_shared>> -> memref<64x64xf32, #tpu.memory_space<vmem_shared>>
      tpu.enqueue_dma source(%arg9 : memref<64x64xf32, #tpu.memory_space<vmem>>) target(%dma_start3A_215 : memref<64x64xf32, #tpu.memory_space<vmem_shared>>) target_semaphore(%run_scoped3A : memref<!tpu.dma_semaphore, #tpu.memory_space<semaphore_mem>>)
      %dma_wait3A = arith.constant 0 : i32
      %dma_wait3A_216 = tpu.memref_slice %arg10[%add3A_120, %dma_wait3A] : memref<10112x64xf32, #tpu.memory_space<vmem_shared>> -> memref<64x64xf32, #tpu.memory_space<vmem_shared>>
      %dma_wait3A_217 = arith.constant 0 : i32
      %dma_wait3A_218 = tpu.memref_slice %arg10[%add3A_120, %dma_wait3A_217] : memref<10112x64xf32, #tpu.memory_space<vmem_shared>> -> memref<64x64xf32, #tpu.memory_space<vmem_shared>>
      tpu.wait_dma2 semaphore(%run_scoped3A : memref<!tpu.dma_semaphore, #tpu.memory_space<semaphore_mem>>) src(%arg9 : memref<64x64xf32, #tpu.memory_space<vmem>>) dst(%dma_wait3A_218 : memref<64x64xf32, #tpu.memory_space<vmem_shared>>)
      tpu.yield
    }) : () -> ()
    %add3A_121 = arith.constant 384 : i32
    %add3A_122 = arith.addi %mul3A_8, %add3A_121 : i32
    "tpu.region"() ({
      %run_scoped3A = tpu.sem_alloc : memref<!tpu.dma_semaphore, #tpu.memory_space<semaphore_mem>>
      %dma_start3A_212 = arith.constant 0 : i32
      %dma_start3A_213 = tpu.memref_slice %arg10[%add3A_122, %dma_start3A_212] : memref<10112x64xf32, #tpu.memory_space<vmem_shared>> -> memref<64x64xf32, #tpu.memory_space<vmem_shared>>
      %dma_start3A_214 = arith.constant 0 : i32
      %dma_start3A_215 = tpu.memref_slice %arg10[%add3A_122, %dma_start3A_214] : memref<10112x64xf32, #tpu.memory_space<vmem_shared>> -> memref<64x64xf32, #tpu.memory_space<vmem_shared>>
      tpu.enqueue_dma source(%arg9 : memref<64x64xf32, #tpu.memory_space<vmem>>) target(%dma_start3A_215 : memref<64x64xf32, #tpu.memory_space<vmem_shared>>) target_semaphore(%run_scoped3A : memref<!tpu.dma_semaphore, #tpu.memory_space<semaphore_mem>>)
      %dma_wait3A = arith.constant 0 : i32
      %dma_wait3A_216 = tpu.memref_slice %arg10[%add3A_122, %dma_wait3A] : memref<10112x64xf32, #tpu.memory_space<vmem_shared>> -> memref<64x64xf32, #tpu.memory_space<vmem_shared>>
      %dma_wait3A_217 = arith.constant 0 : i32
      %dma_wait3A_218 = tpu.memref_slice %arg10[%add3A_122, %dma_wait3A_217] : memref<10112x64xf32, #tpu.memory_space<vmem_shared>> -> memref<64x64xf32, #tpu.memory_space<vmem_shared>>
      tpu.wait_dma2 semaphore(%run_scoped3A : memref<!tpu.dma_semaphore, #tpu.memory_space<semaphore_mem>>) src(%arg9 : memref<64x64xf32, #tpu.memory_space<vmem>>) dst(%dma_wait3A_218 : memref<64x64xf32, #tpu.memory_space<vmem_shared>>)
      tpu.yield
    }) : () -> ()
    %add3A_123 = arith.constant 448 : i32
    %add3A_124 = arith.addi %mul3A_8, %add3A_123 : i32
    "tpu.region"() ({
      %run_scoped3A = tpu.sem_alloc : memref<!tpu.dma_semaphore, #tpu.memory_space<semaphore_mem>>
      %dma_start3A_212 = arith.constant 0 : i32
      %dma_start3A_213 = tpu.memref_slice %arg10[%add3A_124, %dma_start3A_212] : memref<10112x64xf32, #tpu.memory_space<vmem_shared>> -> memref<64x64xf32, #tpu.memory_space<vmem_shared>>
      %dma_start3A_214 = arith.constant 0 : i32
      %dma_start3A_215 = tpu.memref_slice %arg10[%add3A_124, %dma_start3A_214] : memref<10112x64xf32, #tpu.memory_space<vmem_shared>> -> memref<64x64xf32, #tpu.memory_space<vmem_shared>>
      tpu.enqueue_dma source(%arg9 : memref<64x64xf32, #tpu.memory_space<vmem>>) target(%dma_start3A_215 : memref<64x64xf32, #tpu.memory_space<vmem_shared>>) target_semaphore(%run_scoped3A : memref<!tpu.dma_semaphore, #tpu.memory_space<semaphore_mem>>)
      %dma_wait3A = arith.constant 0 : i32
      %dma_wait3A_216 = tpu.memref_slice %arg10[%add3A_124, %dma_wait3A] : memref<10112x64xf32, #tpu.memory_space<vmem_shared>> -> memref<64x64xf32, #tpu.memory_space<vmem_shared>>
      %dma_wait3A_217 = arith.constant 0 : i32
      %dma_wait3A_218 = tpu.memref_slice %arg10[%add3A_124, %dma_wait3A_217] : memref<10112x64xf32, #tpu.memory_space<vmem_shared>> -> memref<64x64xf32, #tpu.memory_space<vmem_shared>>
      tpu.wait_dma2 semaphore(%run_scoped3A : memref<!tpu.dma_semaphore, #tpu.memory_space<semaphore_mem>>) src(%arg9 : memref<64x64xf32, #tpu.memory_space<vmem>>) dst(%dma_wait3A_218 : memref<64x64xf32, #tpu.memory_space<vmem_shared>>)
      tpu.yield
    }) : () -> ()
    %add3A_125 = arith.constant 512 : i32
    %add3A_126 = arith.addi %mul3A_8, %add3A_125 : i32
    "tpu.region"() ({
      %run_scoped3A = tpu.sem_alloc : memref<!tpu.dma_semaphore, #tpu.memory_space<semaphore_mem>>
      %dma_start3A_212 = arith.constant 0 : i32
      %dma_start3A_213 = tpu.memref_slice %arg10[%add3A_126, %dma_start3A_212] : memref<10112x64xf32, #tpu.memory_space<vmem_shared>> -> memref<64x64xf32, #tpu.memory_space<vmem_shared>>
      %dma_start3A_214 = arith.constant 0 : i32
      %dma_start3A_215 = tpu.memref_slice %arg10[%add3A_126, %dma_start3A_214] : memref<10112x64xf32, #tpu.memory_space<vmem_shared>> -> memref<64x64xf32, #tpu.memory_space<vmem_shared>>
      tpu.enqueue_dma source(%arg9 : memref<64x64xf32, #tpu.memory_space<vmem>>) target(%dma_start3A_215 : memref<64x64xf32, #tpu.memory_space<vmem_shared>>) target_semaphore(%run_scoped3A : memref<!tpu.dma_semaphore, #tpu.memory_space<semaphore_mem>>)
      %dma_wait3A = arith.constant 0 : i32
      %dma_wait3A_216 = tpu.memref_slice %arg10[%add3A_126, %dma_wait3A] : memref<10112x64xf32, #tpu.memory_space<vmem_shared>> -> memref<64x64xf32, #tpu.memory_space<vmem_shared>>
      %dma_wait3A_217 = arith.constant 0 : i32
      %dma_wait3A_218 = tpu.memref_slice %arg10[%add3A_126, %dma_wait3A_217] : memref<10112x64xf32, #tpu.memory_space<vmem_shared>> -> memref<64x64xf32, #tpu.memory_space<vmem_shared>>
      tpu.wait_dma2 semaphore(%run_scoped3A : memref<!tpu.dma_semaphore, #tpu.memory_space<semaphore_mem>>) src(%arg9 : memref<64x64xf32, #tpu.memory_space<vmem>>) dst(%dma_wait3A_218 : memref<64x64xf32, #tpu.memory_space<vmem_shared>>)
      tpu.yield
    }) : () -> ()
    %add3A_127 = arith.constant 576 : i32
    %add3A_128 = arith.addi %mul3A_8, %add3A_127 : i32
    "tpu.region"() ({
      %run_scoped3A = tpu.sem_alloc : memref<!tpu.dma_semaphore, #tpu.memory_space<semaphore_mem>>
      %dma_start3A_212 = arith.constant 0 : i32
      %dma_start3A_213 = arith.constant 0 : i32
      %dma_start3A_214 = tpu.memref_slice %arg9[%dma_start3A_212, %dma_start3A_213] : memref<64x64xf32, #tpu.memory_space<vmem>> -> memref<56x64xf32, #tpu.memory_space<vmem>>
      %dma_start3A_215 = arith.constant 0 : i32
      %dma_start3A_216 = tpu.memref_slice %arg10[%add3A_128, %dma_start3A_215] : memref<10112x64xf32, #tpu.memory_space<vmem_shared>> -> memref<56x64xf32, #tpu.memory_space<vmem_shared>>
      %dma_start3A_217 = arith.constant 0 : i32
      %dma_start3A_218 = tpu.memref_slice %arg10[%add3A_128, %dma_start3A_217] : memref<10112x64xf32, #tpu.memory_space<vmem_shared>> -> memref<56x64xf32, #tpu.memory_space<vmem_shared>>
      %dma_start3A_219 = arith.constant 0 : i32
      %dma_start3A_220 = arith.constant 0 : i32
      %dma_start3A_221 = tpu.memref_slice %arg9[%dma_start3A_219, %dma_start3A_220] : memref<64x64xf32, #tpu.memory_space<vmem>> -> memref<56x64xf32, #tpu.memory_space<vmem>>
      tpu.enqueue_dma source(%dma_start3A_221 : memref<56x64xf32, #tpu.memory_space<vmem>>) target(%dma_start3A_218 : memref<56x64xf32, #tpu.memory_space<vmem_shared>>) target_semaphore(%run_scoped3A : memref<!tpu.dma_semaphore, #tpu.memory_space<semaphore_mem>>)
      %dma_wait3A = arith.constant 0 : i32
      %dma_wait3A_222 = arith.constant 0 : i32
      %dma_wait3A_223 = tpu.memref_slice %arg9[%dma_wait3A, %dma_wait3A_222] : memref<64x64xf32, #tpu.memory_space<vmem>> -> memref<56x64xf32, #tpu.memory_space<vmem>>
      %dma_wait3A_224 = arith.constant 0 : i32
      %dma_wait3A_225 = tpu.memref_slice %arg10[%add3A_128, %dma_wait3A_224] : memref<10112x64xf32, #tpu.memory_space<vmem_shared>> -> memref<56x64xf32, #tpu.memory_space<vmem_shared>>
      %dma_wait3A_226 = arith.constant 0 : i32
      %dma_wait3A_227 = tpu.memref_slice %arg10[%add3A_128, %dma_wait3A_226] : memref<10112x64xf32, #tpu.memory_space<vmem_shared>> -> memref<56x64xf32, #tpu.memory_space<vmem_shared>>
      %dma_wait3A_228 = arith.constant 0 : i32
      %dma_wait3A_229 = arith.constant 0 : i32
      %dma_wait3A_230 = tpu.memref_slice %arg9[%dma_wait3A_228, %dma_wait3A_229] : memref<64x64xf32, #tpu.memory_space<vmem>> -> memref<56x64xf32, #tpu.memory_space<vmem>>
      tpu.wait_dma2 semaphore(%run_scoped3A : memref<!tpu.dma_semaphore, #tpu.memory_space<semaphore_mem>>) src(%dma_wait3A_230 : memref<56x64xf32, #tpu.memory_space<vmem>>) dst(%dma_wait3A_227 : memref<56x64xf32, #tpu.memory_space<vmem_shared>>)
      tpu.yield
    }) : () -> ()
    %mul3A_129 = arith.constant 2 : i32
    %mul3A_130 = arith.muli %arg0, %mul3A_129 : i32
    %add3A_131 = arith.constant 1 : i32
    %add3A_132 = arith.addi %mul3A_130, %add3A_131 : i32
    %mul3A_133 = arith.constant 160 : i32
    %mul3A_134 = arith.muli %arg1, %mul3A_133 : i32
    "tpu.region"() ({
      %run_scoped3A = tpu.sem_alloc : memref<!tpu.dma_semaphore, #tpu.memory_space<semaphore_mem>>
      %dma_start3A_212 = arith.constant 0 : i32
      %dma_start3A_213 = tpu.memref_slice %arg3[%add3A_132, %mul3A_134, %dma_start3A_212] : memref<4x2560x128xi32, #tpu.memory_space<hbm>> -> memref<1x160x128xi32, #tpu.memory_space<hbm>>
      %dma_start3A_214 = tpu.memref_squeeze %dma_start3A_213 : memref<1x160x128xi32, #tpu.memory_space<hbm>> -> memref<160x128xi32, #tpu.memory_space<hbm>>
      %dma_start3A_215 = arith.constant 0 : i32
      %dma_start3A_216 = tpu.memref_slice %arg3[%add3A_132, %mul3A_134, %dma_start3A_215] : memref<4x2560x128xi32, #tpu.memory_space<hbm>> -> memref<1x160x128xi32, #tpu.memory_space<hbm>>
      %dma_start3A_217 = tpu.memref_squeeze %dma_start3A_216 : memref<1x160x128xi32, #tpu.memory_space<hbm>> -> memref<160x128xi32, #tpu.memory_space<hbm>>
      tpu.enqueue_dma source(%dma_start3A_217 : memref<160x128xi32, #tpu.memory_space<hbm>>) target(%arg6 : memref<160x128xi32, #tpu.memory_space<vmem>>) target_semaphore(%run_scoped3A : memref<!tpu.dma_semaphore, #tpu.memory_space<semaphore_mem>>)
      %dma_wait3A = arith.constant 0 : i32
      %dma_wait3A_218 = tpu.memref_slice %arg3[%add3A_132, %mul3A_134, %dma_wait3A] : memref<4x2560x128xi32, #tpu.memory_space<hbm>> -> memref<1x160x128xi32, #tpu.memory_space<hbm>>
      %dma_wait3A_219 = tpu.memref_squeeze %dma_wait3A_218 : memref<1x160x128xi32, #tpu.memory_space<hbm>> -> memref<160x128xi32, #tpu.memory_space<hbm>>
      %dma_wait3A_220 = arith.constant 0 : i32
      %dma_wait3A_221 = tpu.memref_slice %arg3[%add3A_132, %mul3A_134, %dma_wait3A_220] : memref<4x2560x128xi32, #tpu.memory_space<hbm>> -> memref<1x160x128xi32, #tpu.memory_space<hbm>>
      %dma_wait3A_222 = tpu.memref_squeeze %dma_wait3A_221 : memref<1x160x128xi32, #tpu.memory_space<hbm>> -> memref<160x128xi32, #tpu.memory_space<hbm>>
      tpu.wait_dma2 semaphore(%run_scoped3A : memref<!tpu.dma_semaphore, #tpu.memory_space<semaphore_mem>>) src(%dma_wait3A_222 : memref<160x128xi32, #tpu.memory_space<hbm>>) dst(%arg6 : memref<160x128xi32, #tpu.memory_space<vmem>>)
      tpu.yield
    }) : () -> ()
    %barrier3A_135 = arith.constant 0 : index
    tpu.barrier barrier_id(%barrier3A_135)
    %dma_start3A_136 = arith.constant 0 : i32
    %dma_start3A_137 = arith.constant 0 : i32
    %dma_start3A_138 = arith.constant 0 : i32
    %dma_start3A_139 = arith.constant 0 : i32
    %dma_start3A_140 = arith.constant 0 : i32
    %dma_start3A_141 = tpu.memref_slice %arg8[%dma_start3A_137, %dma_start3A_139, %dma_start3A_140] : memref<4x128x64xf32, #tpu.memory_space<vmem>> -> memref<1x128x64xf32, #tpu.memory_space<vmem>>
    %dma_start3A_142 = tpu.memref_squeeze %dma_start3A_141 : memref<1x128x64xf32, #tpu.memory_space<vmem>> -> memref<128x64xf32, #tpu.memory_space<vmem>>
    %dma_start3A_143 = arith.constant 0 : i32
    %dma_start3A_144 = tpu.memref_slice %arg6[%dma_start3A_136, %dma_start3A_143] : memref<160x128xi32, #tpu.memory_space<vmem>> -> memref<1x128xi32, #tpu.memory_space<vmem>>
    %dma_start3A_145 = tpu.memref_squeeze %dma_start3A_144 : memref<1x128xi32, #tpu.memory_space<vmem>> -> memref<128xi32, #tpu.memory_space<vmem>>
    %dma_start3A_146 = arith.constant 0 : i32
    %dma_start3A_147 = arith.constant 0 : i32
    %dma_start3A_148 = tpu.memref_slice %arg2[%dma_start3A_146, %dma_start3A_147] : memref<40000x64xf32, #tpu.memory_space<hbm>> -> memref<40000x64xf32, #tpu.memory_space<hbm>>
    %dma_start3A_149 = tpu.memref_slice %arg11[%dma_start3A_138] : memref<4x!tpu.dma_semaphore, #tpu.memory_space<semaphore_mem>> -> memref<1x!tpu.dma_semaphore, #tpu.memory_space<semaphore_mem>>
    %dma_start3A_150 = tpu.memref_squeeze %dma_start3A_149 : memref<1x!tpu.dma_semaphore, #tpu.memory_space<semaphore_mem>> -> memref<!tpu.dma_semaphore, #tpu.memory_space<semaphore_mem>>
    tpu.enqueue_indirect_dma source(%dma_start3A_148 : memref<40000x64xf32, #tpu.memory_space<hbm>>) target(%dma_start3A_142 : memref<128x64xf32, #tpu.memory_space<vmem>>) offsets(%dma_start3A_145 : memref<128xi32, #tpu.memory_space<vmem>>) semaphore(%dma_start3A_150 : memref<!tpu.dma_semaphore, #tpu.memory_space<semaphore_mem>>)
    %dma_start3A_151 = arith.constant 1 : i32
    %dma_start3A_152 = arith.constant 1 : i32
    %dma_start3A_153 = arith.constant 1 : i32
    %dma_start3A_154 = arith.constant 0 : i32
    %dma_start3A_155 = arith.constant 0 : i32
    %dma_start3A_156 = tpu.memref_slice %arg8[%dma_start3A_152, %dma_start3A_154, %dma_start3A_155] : memref<4x128x64xf32, #tpu.memory_space<vmem>> -> memref<1x128x64xf32, #tpu.memory_space<vmem>>
    %dma_start3A_157 = tpu.memref_squeeze %dma_start3A_156 : memref<1x128x64xf32, #tpu.memory_space<vmem>> -> memref<128x64xf32, #tpu.memory_space<vmem>>
    %dma_start3A_158 = arith.constant 0 : i32
    %dma_start3A_159 = tpu.memref_slice %arg6[%dma_start3A_151, %dma_start3A_158] : memref<160x128xi32, #tpu.memory_space<vmem>> -> memref<1x128xi32, #tpu.memory_space<vmem>>
    %dma_start3A_160 = tpu.memref_squeeze %dma_start3A_159 : memref<1x128xi32, #tpu.memory_space<vmem>> -> memref<128xi32, #tpu.memory_space<vmem>>
    %dma_start3A_161 = arith.constant 0 : i32
    %dma_start3A_162 = arith.constant 0 : i32
    %dma_start3A_163 = tpu.memref_slice %arg2[%dma_start3A_161, %dma_start3A_162] : memref<40000x64xf32, #tpu.memory_space<hbm>> -> memref<40000x64xf32, #tpu.memory_space<hbm>>
    %dma_start3A_164 = tpu.memref_slice %arg11[%dma_start3A_153] : memref<4x!tpu.dma_semaphore, #tpu.memory_space<semaphore_mem>> -> memref<1x!tpu.dma_semaphore, #tpu.memory_space<semaphore_mem>>
    %dma_start3A_165 = tpu.memref_squeeze %dma_start3A_164 : memref<1x!tpu.dma_semaphore, #tpu.memory_space<semaphore_mem>> -> memref<!tpu.dma_semaphore, #tpu.memory_space<semaphore_mem>>
    tpu.enqueue_indirect_dma source(%dma_start3A_163 : memref<40000x64xf32, #tpu.memory_space<hbm>>) target(%dma_start3A_157 : memref<128x64xf32, #tpu.memory_space<vmem>>) offsets(%dma_start3A_160 : memref<128xi32, #tpu.memory_space<vmem>>) semaphore(%dma_start3A_165 : memref<!tpu.dma_semaphore, #tpu.memory_space<semaphore_mem>>)
    %dma_start3A_166 = arith.constant 2 : i32
    %dma_start3A_167 = arith.constant 2 : i32
    %dma_start3A_168 = arith.constant 2 : i32
    %dma_start3A_169 = arith.constant 0 : i32
    %dma_start3A_170 = arith.constant 0 : i32
    %dma_start3A_171 = tpu.memref_slice %arg8[%dma_start3A_167, %dma_start3A_169, %dma_start3A_170] : memref<4x128x64xf32, #tpu.memory_space<vmem>> -> memref<1x128x64xf32, #tpu.memory_space<vmem>>
    %dma_start3A_172 = tpu.memref_squeeze %dma_start3A_171 : memref<1x128x64xf32, #tpu.memory_space<vmem>> -> memref<128x64xf32, #tpu.memory_space<vmem>>
    %dma_start3A_173 = arith.constant 0 : i32
    %dma_start3A_174 = tpu.memref_slice %arg6[%dma_start3A_166, %dma_start3A_173] : memref<160x128xi32, #tpu.memory_space<vmem>> -> memref<1x128xi32, #tpu.memory_space<vmem>>
    %dma_start3A_175 = tpu.memref_squeeze %dma_start3A_174 : memref<1x128xi32, #tpu.memory_space<vmem>> -> memref<128xi32, #tpu.memory_space<vmem>>
    %dma_start3A_176 = arith.constant 0 : i32
    %dma_start3A_177 = arith.constant 0 : i32
    %dma_start3A_178 = tpu.memref_slice %arg2[%dma_start3A_176, %dma_start3A_177] : memref<40000x64xf32, #tpu.memory_space<hbm>> -> memref<40000x64xf32, #tpu.memory_space<hbm>>
    %dma_start3A_179 = tpu.memref_slice %arg11[%dma_start3A_168] : memref<4x!tpu.dma_semaphore, #tpu.memory_space<semaphore_mem>> -> memref<1x!tpu.dma_semaphore, #tpu.memory_space<semaphore_mem>>
    %dma_start3A_180 = tpu.memref_squeeze %dma_start3A_179 : memref<1x!tpu.dma_semaphore, #tpu.memory_space<semaphore_mem>> -> memref<!tpu.dma_semaphore, #tpu.memory_space<semaphore_mem>>
    tpu.enqueue_indirect_dma source(%dma_start3A_178 : memref<40000x64xf32, #tpu.memory_space<hbm>>) target(%dma_start3A_172 : memref<128x64xf32, #tpu.memory_space<vmem>>) offsets(%dma_start3A_175 : memref<128xi32, #tpu.memory_space<vmem>>) semaphore(%dma_start3A_180 : memref<!tpu.dma_semaphore, #tpu.memory_space<semaphore_mem>>)
    %dma_start3A_181 = arith.constant 3 : i32
    %dma_start3A_182 = arith.constant 3 : i32
    %dma_start3A_183 = arith.constant 3 : i32
    %dma_start3A_184 = arith.constant 0 : i32
    %dma_start3A_185 = arith.constant 0 : i32
    %dma_start3A_186 = tpu.memref_slice %arg8[%dma_start3A_182, %dma_start3A_184, %dma_start3A_185] : memref<4x128x64xf32, #tpu.memory_space<vmem>> -> memref<1x128x64xf32, #tpu.memory_space<vmem>>
    %dma_start3A_187 = tpu.memref_squeeze %dma_start3A_186 : memref<1x128x64xf32, #tpu.memory_space<vmem>> -> memref<128x64xf32, #tpu.memory_space<vmem>>
    %dma_start3A_188 = arith.constant 0 : i32
    %dma_start3A_189 = tpu.memref_slice %arg6[%dma_start3A_181, %dma_start3A_188] : memref<160x128xi32, #tpu.memory_space<vmem>> -> memref<1x128xi32, #tpu.memory_space<vmem>>
    %dma_start3A_190 = tpu.memref_squeeze %dma_start3A_189 : memref<1x128xi32, #tpu.memory_space<vmem>> -> memref<128xi32, #tpu.memory_space<vmem>>
    %dma_start3A_191 = arith.constant 0 : i32
    %dma_start3A_192 = arith.constant 0 : i32
    %dma_start3A_193 = tpu.memref_slice %arg2[%dma_start3A_191, %dma_start3A_192] : memref<40000x64xf32, #tpu.memory_space<hbm>> -> memref<40000x64xf32, #tpu.memory_space<hbm>>
    %dma_start3A_194 = tpu.memref_slice %arg11[%dma_start3A_183] : memref<4x!tpu.dma_semaphore, #tpu.memory_space<semaphore_mem>> -> memref<1x!tpu.dma_semaphore, #tpu.memory_space<semaphore_mem>>
    %dma_start3A_195 = tpu.memref_squeeze %dma_start3A_194 : memref<1x!tpu.dma_semaphore, #tpu.memory_space<semaphore_mem>> -> memref<!tpu.dma_semaphore, #tpu.memory_space<semaphore_mem>>
    tpu.enqueue_indirect_dma source(%dma_start3A_193 : memref<40000x64xf32, #tpu.memory_space<hbm>>) target(%dma_start3A_187 : memref<128x64xf32, #tpu.memory_space<vmem>>) offsets(%dma_start3A_190 : memref<128xi32, #tpu.memory_space<vmem>>) semaphore(%dma_start3A_195 : memref<!tpu.dma_semaphore, #tpu.memory_space<semaphore_mem>>)
    %scan3A_196 = arith.constant 0 : i32
    %scan3A_197 = arith.constant 0 : i32
    %scan3A_198 = arith.constant 1 : i32
    %scan3A_199 = arith.constant 1 : i32
    %scan3A_200 = arith.constant 2 : i32
    %scan3A_201 = arith.constant 2 : i32
    %scan3A_202 = arith.constant 3 : i32
    %scan3A_203 = arith.constant 3 : i32
    %scan3A_204 = arith.constant 0 : i32
    %scan3A_205 = arith.constant 0 : i32
    %scan3A_206 = arith.constant 40 : i32
    %scan3A_207 = arith.addi %scan3A_205, %scan3A_206 : i32
    %scan3A_208 = arith.constant 1 : i32
    %scan3A_209 = scf.for %scan3A_212 = %scan3A_205 to %scan3A_207 step %scan3A_208 iter_args(%scan3A_213 = %scan3A_204) -> (i32)  : i32 {
      %mul3A_214 = arith.constant 4 : i32
      %mul3A_215 = arith.muli %scan3A_212, %mul3A_214 : i32
      %add3A_216 = arith.constant 0 : i32
      %add3A_217 = arith.addi %mul3A_215, %add3A_216 : i32
      %dma_wait3A = arith.constant 0 : i32
      %dma_wait3A_218 = arith.constant 0 : i32
      %dma_wait3A_219 = tpu.memref_slice %arg8[%scan3A_196, %dma_wait3A, %dma_wait3A_218] : memref<4x128x64xf32, #tpu.memory_space<vmem>> -> memref<1x128x64xf32, #tpu.memory_space<vmem>>
      %dma_wait3A_220 = tpu.memref_squeeze %dma_wait3A_219 : memref<1x128x64xf32, #tpu.memory_space<vmem>> -> memref<128x64xf32, #tpu.memory_space<vmem>>
      %dma_wait3A_221 = arith.constant 0 : i32
      %dma_wait3A_222 = tpu.memref_slice %arg6[%add3A_217, %dma_wait3A_221] : memref<160x128xi32, #tpu.memory_space<vmem>> -> memref<1x128xi32, #tpu.memory_space<vmem>>
      %dma_wait3A_223 = tpu.memref_squeeze %dma_wait3A_222 : memref<1x128xi32, #tpu.memory_space<vmem>> -> memref<128xi32, #tpu.memory_space<vmem>>
      %dma_wait3A_224 = arith.constant 0 : i32
      %dma_wait3A_225 = arith.constant 0 : i32
      %dma_wait3A_226 = tpu.memref_slice %arg2[%dma_wait3A_224, %dma_wait3A_225] : memref<40000x64xf32, #tpu.memory_space<hbm>> -> memref<40000x64xf32, #tpu.memory_space<hbm>>
      %dma_wait3A_227 = tpu.memref_slice %arg11[%scan3A_197] : memref<4x!tpu.dma_semaphore, #tpu.memory_space<semaphore_mem>> -> memref<1x!tpu.dma_semaphore, #tpu.memory_space<semaphore_mem>>
      %dma_wait3A_228 = tpu.memref_squeeze %dma_wait3A_227 : memref<1x!tpu.dma_semaphore, #tpu.memory_space<semaphore_mem>> -> memref<!tpu.dma_semaphore, #tpu.memory_space<semaphore_mem>>
      tpu.wait_indirect_dma semaphore(%dma_wait3A_228 : memref<!tpu.dma_semaphore, #tpu.memory_space<semaphore_mem>>) src(%dma_wait3A_226 : memref<40000x64xf32, #tpu.memory_space<hbm>>) dst(%dma_wait3A_220 : memref<128x64xf32, #tpu.memory_space<vmem>>)
      "tpu.region"() ({
        %run_scoped3A = tpu.sem_alloc : memref<!tpu.dma_semaphore, #tpu.memory_space<semaphore_mem>>
        %dma_start3A_289 = arith.constant 0 : i32
        %dma_start3A_290 = arith.constant 0 : i32
        %dma_start3A_291 = tpu.memref_slice %arg8[%scan3A_196, %dma_start3A_289, %dma_start3A_290] : memref<4x128x64xf32, #tpu.memory_space<vmem>> -> memref<1x128x64xf32, #tpu.memory_space<vmem>>
        %dma_start3A_292 = tpu.memref_squeeze %dma_start3A_291 : memref<1x128x64xf32, #tpu.memory_space<vmem>> -> memref<128x64xf32, #tpu.memory_space<vmem>>
        %dma_start3A_293 = arith.constant 0 : i32
        %dma_start3A_294 = tpu.memref_slice %arg7[%add3A_217, %dma_start3A_293] : memref<160x128xi32, #tpu.memory_space<vmem>> -> memref<1x128xi32, #tpu.memory_space<vmem>>
        %dma_start3A_295 = tpu.memref_squeeze %dma_start3A_294 : memref<1x128xi32, #tpu.memory_space<vmem>> -> memref<128xi32, #tpu.memory_space<vmem>>
        %dma_start3A_296 = arith.constant 0 : i32
        %dma_start3A_297 = arith.constant 0 : i32
        %dma_start3A_298 = tpu.memref_slice %arg10[%dma_start3A_296, %dma_start3A_297] : memref<10112x64xf32, #tpu.memory_space<vmem_shared>> -> memref<10112x64xf32, #tpu.memory_space<vmem_shared>>
        tpu.enqueue_indirect_dma source(%dma_start3A_292 : memref<128x64xf32, #tpu.memory_space<vmem>>) target(%dma_start3A_298 : memref<10112x64xf32, #tpu.memory_space<vmem_shared>>) offsets(%dma_start3A_295 : memref<128xi32, #tpu.memory_space<vmem>>) semaphore(%run_scoped3A : memref<!tpu.dma_semaphore, #tpu.memory_space<semaphore_mem>>) {add = true}
        %dma_wait3A_299 = arith.constant 0 : i32
        %dma_wait3A_300 = arith.constant 0 : i32
        %dma_wait3A_301 = tpu.memref_slice %arg8[%scan3A_196, %dma_wait3A_299, %dma_wait3A_300] : memref<4x128x64xf32, #tpu.memory_space<vmem>> -> memref<1x128x64xf32, #tpu.memory_space<vmem>>
        %dma_wait3A_302 = tpu.memref_squeeze %dma_wait3A_301 : memref<1x128x64xf32, #tpu.memory_space<vmem>> -> memref<128x64xf32, #tpu.memory_space<vmem>>
        %dma_wait3A_303 = arith.constant 0 : i32
        %dma_wait3A_304 = tpu.memref_slice %arg7[%add3A_217, %dma_wait3A_303] : memref<160x128xi32, #tpu.memory_space<vmem>> -> memref<1x128xi32, #tpu.memory_space<vmem>>
        %dma_wait3A_305 = tpu.memref_squeeze %dma_wait3A_304 : memref<1x128xi32, #tpu.memory_space<vmem>> -> memref<128xi32, #tpu.memory_space<vmem>>
        %dma_wait3A_306 = arith.constant 0 : i32
        %dma_wait3A_307 = arith.constant 0 : i32
        %dma_wait3A_308 = tpu.memref_slice %arg10[%dma_wait3A_306, %dma_wait3A_307] : memref<10112x64xf32, #tpu.memory_space<vmem_shared>> -> memref<10112x64xf32, #tpu.memory_space<vmem_shared>>
        tpu.wait_indirect_dma semaphore(%run_scoped3A : memref<!tpu.dma_semaphore, #tpu.memory_space<semaphore_mem>>) src(%dma_wait3A_302 : memref<128x64xf32, #tpu.memory_space<vmem>>) dst(%dma_wait3A_308 : memref<10112x64xf32, #tpu.memory_space<vmem_shared>>)
        tpu.yield
      }) : () -> ()
      %lt3A = arith.constant 39 : i32
      %lt3A_229 = arith.cmpi slt, %scan3A_212, %lt3A : i32
      %convert_element_type3A = arith.extui %lt3A_229 : i1 to i32
      %cond3A = arith.constant 0 : i32
      %cond3A_230 = arith.cmpi ne, %convert_element_type3A, %cond3A : i32
      scf.if %cond3A_230 {
        %add3A_289 = arith.constant 4 : i32
        %add3A_290 = arith.addi %add3A_217, %add3A_289 : i32
        %dma_start3A_291 = arith.constant 0 : i32
        %dma_start3A_292 = arith.constant 0 : i32
        %dma_start3A_293 = tpu.memref_slice %arg8[%scan3A_196, %dma_start3A_291, %dma_start3A_292] : memref<4x128x64xf32, #tpu.memory_space<vmem>> -> memref<1x128x64xf32, #tpu.memory_space<vmem>>
        %dma_start3A_294 = tpu.memref_squeeze %dma_start3A_293 : memref<1x128x64xf32, #tpu.memory_space<vmem>> -> memref<128x64xf32, #tpu.memory_space<vmem>>
        %dma_start3A_295 = arith.constant 0 : i32
        %dma_start3A_296 = tpu.memref_slice %arg6[%add3A_290, %dma_start3A_295] : memref<160x128xi32, #tpu.memory_space<vmem>> -> memref<1x128xi32, #tpu.memory_space<vmem>>
        %dma_start3A_297 = tpu.memref_squeeze %dma_start3A_296 : memref<1x128xi32, #tpu.memory_space<vmem>> -> memref<128xi32, #tpu.memory_space<vmem>>
        %dma_start3A_298 = arith.constant 0 : i32
        %dma_start3A_299 = arith.constant 0 : i32
        %dma_start3A_300 = tpu.memref_slice %arg2[%dma_start3A_298, %dma_start3A_299] : memref<40000x64xf32, #tpu.memory_space<hbm>> -> memref<40000x64xf32, #tpu.memory_space<hbm>>
        %dma_start3A_301 = tpu.memref_slice %arg11[%scan3A_197] : memref<4x!tpu.dma_semaphore, #tpu.memory_space<semaphore_mem>> -> memref<1x!tpu.dma_semaphore, #tpu.memory_space<semaphore_mem>>
        %dma_start3A_302 = tpu.memref_squeeze %dma_start3A_301 : memref<1x!tpu.dma_semaphore, #tpu.memory_space<semaphore_mem>> -> memref<!tpu.dma_semaphore, #tpu.memory_space<semaphore_mem>>
        tpu.enqueue_indirect_dma source(%dma_start3A_300 : memref<40000x64xf32, #tpu.memory_space<hbm>>) target(%dma_start3A_294 : memref<128x64xf32, #tpu.memory_space<vmem>>) offsets(%dma_start3A_297 : memref<128xi32, #tpu.memory_space<vmem>>) semaphore(%dma_start3A_302 : memref<!tpu.dma_semaphore, #tpu.memory_space<semaphore_mem>>)
      } else {
      }
      %add3A_231 = arith.constant 1 : i32
      %add3A_232 = arith.addi %mul3A_215, %add3A_231 : i32
      %dma_wait3A_233 = arith.constant 0 : i32
      %dma_wait3A_234 = arith.constant 0 : i32
      %dma_wait3A_235 = tpu.memref_slice %arg8[%scan3A_198, %dma_wait3A_233, %dma_wait3A_234] : memref<4x128x64xf32, #tpu.memory_space<vmem>> -> memref<1x128x64xf32, #tpu.memory_space<vmem>>
      %dma_wait3A_236 = tpu.memref_squeeze %dma_wait3A_235 : memref<1x128x64xf32, #tpu.memory_space<vmem>> -> memref<128x64xf32, #tpu.memory_space<vmem>>
      %dma_wait3A_237 = arith.constant 0 : i32
      %dma_wait3A_238 = tpu.memref_slice %arg6[%add3A_232, %dma_wait3A_237] : memref<160x128xi32, #tpu.memory_space<vmem>> -> memref<1x128xi32, #tpu.memory_space<vmem>>
      %dma_wait3A_239 = tpu.memref_squeeze %dma_wait3A_238 : memref<1x128xi32, #tpu.memory_space<vmem>> -> memref<128xi32, #tpu.memory_space<vmem>>
      %dma_wait3A_240 = arith.constant 0 : i32
      %dma_wait3A_241 = arith.constant 0 : i32
      %dma_wait3A_242 = tpu.memref_slice %arg2[%dma_wait3A_240, %dma_wait3A_241] : memref<40000x64xf32, #tpu.memory_space<hbm>> -> memref<40000x64xf32, #tpu.memory_space<hbm>>
      %dma_wait3A_243 = tpu.memref_slice %arg11[%scan3A_199] : memref<4x!tpu.dma_semaphore, #tpu.memory_space<semaphore_mem>> -> memref<1x!tpu.dma_semaphore, #tpu.memory_space<semaphore_mem>>
      %dma_wait3A_244 = tpu.memref_squeeze %dma_wait3A_243 : memref<1x!tpu.dma_semaphore, #tpu.memory_space<semaphore_mem>> -> memref<!tpu.dma_semaphore, #tpu.memory_space<semaphore_mem>>
      tpu.wait_indirect_dma semaphore(%dma_wait3A_244 : memref<!tpu.dma_semaphore, #tpu.memory_space<semaphore_mem>>) src(%dma_wait3A_242 : memref<40000x64xf32, #tpu.memory_space<hbm>>) dst(%dma_wait3A_236 : memref<128x64xf32, #tpu.memory_space<vmem>>)
      "tpu.region"() ({
        %run_scoped3A = tpu.sem_alloc : memref<!tpu.dma_semaphore, #tpu.memory_space<semaphore_mem>>
        %dma_start3A_289 = arith.constant 0 : i32
        %dma_start3A_290 = arith.constant 0 : i32
        %dma_start3A_291 = tpu.memref_slice %arg8[%scan3A_198, %dma_start3A_289, %dma_start3A_290] : memref<4x128x64xf32, #tpu.memory_space<vmem>> -> memref<1x128x64xf32, #tpu.memory_space<vmem>>
        %dma_start3A_292 = tpu.memref_squeeze %dma_start3A_291 : memref<1x128x64xf32, #tpu.memory_space<vmem>> -> memref<128x64xf32, #tpu.memory_space<vmem>>
        %dma_start3A_293 = arith.constant 0 : i32
        %dma_start3A_294 = tpu.memref_slice %arg7[%add3A_232, %dma_start3A_293] : memref<160x128xi32, #tpu.memory_space<vmem>> -> memref<1x128xi32, #tpu.memory_space<vmem>>
        %dma_start3A_295 = tpu.memref_squeeze %dma_start3A_294 : memref<1x128xi32, #tpu.memory_space<vmem>> -> memref<128xi32, #tpu.memory_space<vmem>>
        %dma_start3A_296 = arith.constant 0 : i32
        %dma_start3A_297 = arith.constant 0 : i32
        %dma_start3A_298 = tpu.memref_slice %arg10[%dma_start3A_296, %dma_start3A_297] : memref<10112x64xf32, #tpu.memory_space<vmem_shared>> -> memref<10112x64xf32, #tpu.memory_space<vmem_shared>>
        tpu.enqueue_indirect_dma source(%dma_start3A_292 : memref<128x64xf32, #tpu.memory_space<vmem>>) target(%dma_start3A_298 : memref<10112x64xf32, #tpu.memory_space<vmem_shared>>) offsets(%dma_start3A_295 : memref<128xi32, #tpu.memory_space<vmem>>) semaphore(%run_scoped3A : memref<!tpu.dma_semaphore, #tpu.memory_space<semaphore_mem>>) {add = true}
        %dma_wait3A_299 = arith.constant 0 : i32
        %dma_wait3A_300 = arith.constant 0 : i32
        %dma_wait3A_301 = tpu.memref_slice %arg8[%scan3A_198, %dma_wait3A_299, %dma_wait3A_300] : memref<4x128x64xf32, #tpu.memory_space<vmem>> -> memref<1x128x64xf32, #tpu.memory_space<vmem>>
        %dma_wait3A_302 = tpu.memref_squeeze %dma_wait3A_301 : memref<1x128x64xf32, #tpu.memory_space<vmem>> -> memref<128x64xf32, #tpu.memory_space<vmem>>
        %dma_wait3A_303 = arith.constant 0 : i32
        %dma_wait3A_304 = tpu.memref_slice %arg7[%add3A_232, %dma_wait3A_303] : memref<160x128xi32, #tpu.memory_space<vmem>> -> memref<1x128xi32, #tpu.memory_space<vmem>>
        %dma_wait3A_305 = tpu.memref_squeeze %dma_wait3A_304 : memref<1x128xi32, #tpu.memory_space<vmem>> -> memref<128xi32, #tpu.memory_space<vmem>>
        %dma_wait3A_306 = arith.constant 0 : i32
        %dma_wait3A_307 = arith.constant 0 : i32
        %dma_wait3A_308 = tpu.memref_slice %arg10[%dma_wait3A_306, %dma_wait3A_307] : memref<10112x64xf32, #tpu.memory_space<vmem_shared>> -> memref<10112x64xf32, #tpu.memory_space<vmem_shared>>
        tpu.wait_indirect_dma semaphore(%run_scoped3A : memref<!tpu.dma_semaphore, #tpu.memory_space<semaphore_mem>>) src(%dma_wait3A_302 : memref<128x64xf32, #tpu.memory_space<vmem>>) dst(%dma_wait3A_308 : memref<10112x64xf32, #tpu.memory_space<vmem_shared>>)
        tpu.yield
      }) : () -> ()
      %lt3A_245 = arith.constant 39 : i32
      %lt3A_246 = arith.cmpi slt, %scan3A_212, %lt3A_245 : i32
      %convert_element_type3A_247 = arith.extui %lt3A_246 : i1 to i32
      %cond3A_248 = arith.constant 0 : i32
      %cond3A_249 = arith.cmpi ne, %convert_element_type3A_247, %cond3A_248 : i32
      scf.if %cond3A_249 {
        %add3A_289 = arith.constant 4 : i32
        %add3A_290 = arith.addi %add3A_232, %add3A_289 : i32
        %dma_start3A_291 = arith.constant 0 : i32
        %dma_start3A_292 = arith.constant 0 : i32
        %dma_start3A_293 = tpu.memref_slice %arg8[%scan3A_198, %dma_start3A_291, %dma_start3A_292] : memref<4x128x64xf32, #tpu.memory_space<vmem>> -> memref<1x128x64xf32, #tpu.memory_space<vmem>>
        %dma_start3A_294 = tpu.memref_squeeze %dma_start3A_293 : memref<1x128x64xf32, #tpu.memory_space<vmem>> -> memref<128x64xf32, #tpu.memory_space<vmem>>
        %dma_start3A_295 = arith.constant 0 : i32
        %dma_start3A_296 = tpu.memref_slice %arg6[%add3A_290, %dma_start3A_295] : memref<160x128xi32, #tpu.memory_space<vmem>> -> memref<1x128xi32, #tpu.memory_space<vmem>>
        %dma_start3A_297 = tpu.memref_squeeze %dma_start3A_296 : memref<1x128xi32, #tpu.memory_space<vmem>> -> memref<128xi32, #tpu.memory_space<vmem>>
        %dma_start3A_298 = arith.constant 0 : i32
        %dma_start3A_299 = arith.constant 0 : i32
        %dma_start3A_300 = tpu.memref_slice %arg2[%dma_start3A_298, %dma_start3A_299] : memref<40000x64xf32, #tpu.memory_space<hbm>> -> memref<40000x64xf32, #tpu.memory_space<hbm>>
        %dma_start3A_301 = tpu.memref_slice %arg11[%scan3A_199] : memref<4x!tpu.dma_semaphore, #tpu.memory_space<semaphore_mem>> -> memref<1x!tpu.dma_semaphore, #tpu.memory_space<semaphore_mem>>
        %dma_start3A_302 = tpu.memref_squeeze %dma_start3A_301 : memref<1x!tpu.dma_semaphore, #tpu.memory_space<semaphore_mem>> -> memref<!tpu.dma_semaphore, #tpu.memory_space<semaphore_mem>>
        tpu.enqueue_indirect_dma source(%dma_start3A_300 : memref<40000x64xf32, #tpu.memory_space<hbm>>) target(%dma_start3A_294 : memref<128x64xf32, #tpu.memory_space<vmem>>) offsets(%dma_start3A_297 : memref<128xi32, #tpu.memory_space<vmem>>) semaphore(%dma_start3A_302 : memref<!tpu.dma_semaphore, #tpu.memory_space<semaphore_mem>>)
      } else {
      }
      %add3A_250 = arith.constant 2 : i32
      %add3A_251 = arith.addi %mul3A_215, %add3A_250 : i32
      %dma_wait3A_252 = arith.constant 0 : i32
      %dma_wait3A_253 = arith.constant 0 : i32
      %dma_wait3A_254 = tpu.memref_slice %arg8[%scan3A_200, %dma_wait3A_252, %dma_wait3A_253] : memref<4x128x64xf32, #tpu.memory_space<vmem>> -> memref<1x128x64xf32, #tpu.memory_space<vmem>>
      %dma_wait3A_255 = tpu.memref_squeeze %dma_wait3A_254 : memref<1x128x64xf32, #tpu.memory_space<vmem>> -> memref<128x64xf32, #tpu.memory_space<vmem>>
      %dma_wait3A_256 = arith.constant 0 : i32
      %dma_wait3A_257 = tpu.memref_slice %arg6[%add3A_251, %dma_wait3A_256] : memref<160x128xi32, #tpu.memory_space<vmem>> -> memref<1x128xi32, #tpu.memory_space<vmem>>
      %dma_wait3A_258 = tpu.memref_squeeze %dma_wait3A_257 : memref<1x128xi32, #tpu.memory_space<vmem>> -> memref<128xi32, #tpu.memory_space<vmem>>
      %dma_wait3A_259 = arith.constant 0 : i32
      %dma_wait3A_260 = arith.constant 0 : i32
      %dma_wait3A_261 = tpu.memref_slice %arg2[%dma_wait3A_259, %dma_wait3A_260] : memref<40000x64xf32, #tpu.memory_space<hbm>> -> memref<40000x64xf32, #tpu.memory_space<hbm>>
      %dma_wait3A_262 = tpu.memref_slice %arg11[%scan3A_201] : memref<4x!tpu.dma_semaphore, #tpu.memory_space<semaphore_mem>> -> memref<1x!tpu.dma_semaphore, #tpu.memory_space<semaphore_mem>>
      %dma_wait3A_263 = tpu.memref_squeeze %dma_wait3A_262 : memref<1x!tpu.dma_semaphore, #tpu.memory_space<semaphore_mem>> -> memref<!tpu.dma_semaphore, #tpu.memory_space<semaphore_mem>>
      tpu.wait_indirect_dma semaphore(%dma_wait3A_263 : memref<!tpu.dma_semaphore, #tpu.memory_space<semaphore_mem>>) src(%dma_wait3A_261 : memref<40000x64xf32, #tpu.memory_space<hbm>>) dst(%dma_wait3A_255 : memref<128x64xf32, #tpu.memory_space<vmem>>)
      "tpu.region"() ({
        %run_scoped3A = tpu.sem_alloc : memref<!tpu.dma_semaphore, #tpu.memory_space<semaphore_mem>>
        %dma_start3A_289 = arith.constant 0 : i32
        %dma_start3A_290 = arith.constant 0 : i32
        %dma_start3A_291 = tpu.memref_slice %arg8[%scan3A_200, %dma_start3A_289, %dma_start3A_290] : memref<4x128x64xf32, #tpu.memory_space<vmem>> -> memref<1x128x64xf32, #tpu.memory_space<vmem>>
        %dma_start3A_292 = tpu.memref_squeeze %dma_start3A_291 : memref<1x128x64xf32, #tpu.memory_space<vmem>> -> memref<128x64xf32, #tpu.memory_space<vmem>>
        %dma_start3A_293 = arith.constant 0 : i32
        %dma_start3A_294 = tpu.memref_slice %arg7[%add3A_251, %dma_start3A_293] : memref<160x128xi32, #tpu.memory_space<vmem>> -> memref<1x128xi32, #tpu.memory_space<vmem>>
        %dma_start3A_295 = tpu.memref_squeeze %dma_start3A_294 : memref<1x128xi32, #tpu.memory_space<vmem>> -> memref<128xi32, #tpu.memory_space<vmem>>
        %dma_start3A_296 = arith.constant 0 : i32
        %dma_start3A_297 = arith.constant 0 : i32
        %dma_start3A_298 = tpu.memref_slice %arg10[%dma_start3A_296, %dma_start3A_297] : memref<10112x64xf32, #tpu.memory_space<vmem_shared>> -> memref<10112x64xf32, #tpu.memory_space<vmem_shared>>
        tpu.enqueue_indirect_dma source(%dma_start3A_292 : memref<128x64xf32, #tpu.memory_space<vmem>>) target(%dma_start3A_298 : memref<10112x64xf32, #tpu.memory_space<vmem_shared>>) offsets(%dma_start3A_295 : memref<128xi32, #tpu.memory_space<vmem>>) semaphore(%run_scoped3A : memref<!tpu.dma_semaphore, #tpu.memory_space<semaphore_mem>>) {add = true}
        %dma_wait3A_299 = arith.constant 0 : i32
        %dma_wait3A_300 = arith.constant 0 : i32
        %dma_wait3A_301 = tpu.memref_slice %arg8[%scan3A_200, %dma_wait3A_299, %dma_wait3A_300] : memref<4x128x64xf32, #tpu.memory_space<vmem>> -> memref<1x128x64xf32, #tpu.memory_space<vmem>>
        %dma_wait3A_302 = tpu.memref_squeeze %dma_wait3A_301 : memref<1x128x64xf32, #tpu.memory_space<vmem>> -> memref<128x64xf32, #tpu.memory_space<vmem>>
        %dma_wait3A_303 = arith.constant 0 : i32
        %dma_wait3A_304 = tpu.memref_slice %arg7[%add3A_251, %dma_wait3A_303] : memref<160x128xi32, #tpu.memory_space<vmem>> -> memref<1x128xi32, #tpu.memory_space<vmem>>
        %dma_wait3A_305 = tpu.memref_squeeze %dma_wait3A_304 : memref<1x128xi32, #tpu.memory_space<vmem>> -> memref<128xi32, #tpu.memory_space<vmem>>
        %dma_wait3A_306 = arith.constant 0 : i32
        %dma_wait3A_307 = arith.constant 0 : i32
        %dma_wait3A_308 = tpu.memref_slice %arg10[%dma_wait3A_306, %dma_wait3A_307] : memref<10112x64xf32, #tpu.memory_space<vmem_shared>> -> memref<10112x64xf32, #tpu.memory_space<vmem_shared>>
        tpu.wait_indirect_dma semaphore(%run_scoped3A : memref<!tpu.dma_semaphore, #tpu.memory_space<semaphore_mem>>) src(%dma_wait3A_302 : memref<128x64xf32, #tpu.memory_space<vmem>>) dst(%dma_wait3A_308 : memref<10112x64xf32, #tpu.memory_space<vmem_shared>>)
        tpu.yield
      }) : () -> ()
      %lt3A_264 = arith.constant 39 : i32
      %lt3A_265 = arith.cmpi slt, %scan3A_212, %lt3A_264 : i32
      %convert_element_type3A_266 = arith.extui %lt3A_265 : i1 to i32
      %cond3A_267 = arith.constant 0 : i32
      %cond3A_268 = arith.cmpi ne, %convert_element_type3A_266, %cond3A_267 : i32
      scf.if %cond3A_268 {
        %add3A_289 = arith.constant 4 : i32
        %add3A_290 = arith.addi %add3A_251, %add3A_289 : i32
        %dma_start3A_291 = arith.constant 0 : i32
        %dma_start3A_292 = arith.constant 0 : i32
        %dma_start3A_293 = tpu.memref_slice %arg8[%scan3A_200, %dma_start3A_291, %dma_start3A_292] : memref<4x128x64xf32, #tpu.memory_space<vmem>> -> memref<1x128x64xf32, #tpu.memory_space<vmem>>
        %dma_start3A_294 = tpu.memref_squeeze %dma_start3A_293 : memref<1x128x64xf32, #tpu.memory_space<vmem>> -> memref<128x64xf32, #tpu.memory_space<vmem>>
        %dma_start3A_295 = arith.constant 0 : i32
        %dma_start3A_296 = tpu.memref_slice %arg6[%add3A_290, %dma_start3A_295] : memref<160x128xi32, #tpu.memory_space<vmem>> -> memref<1x128xi32, #tpu.memory_space<vmem>>
        %dma_start3A_297 = tpu.memref_squeeze %dma_start3A_296 : memref<1x128xi32, #tpu.memory_space<vmem>> -> memref<128xi32, #tpu.memory_space<vmem>>
        %dma_start3A_298 = arith.constant 0 : i32
        %dma_start3A_299 = arith.constant 0 : i32
        %dma_start3A_300 = tpu.memref_slice %arg2[%dma_start3A_298, %dma_start3A_299] : memref<40000x64xf32, #tpu.memory_space<hbm>> -> memref<40000x64xf32, #tpu.memory_space<hbm>>
        %dma_start3A_301 = tpu.memref_slice %arg11[%scan3A_201] : memref<4x!tpu.dma_semaphore, #tpu.memory_space<semaphore_mem>> -> memref<1x!tpu.dma_semaphore, #tpu.memory_space<semaphore_mem>>
        %dma_start3A_302 = tpu.memref_squeeze %dma_start3A_301 : memref<1x!tpu.dma_semaphore, #tpu.memory_space<semaphore_mem>> -> memref<!tpu.dma_semaphore, #tpu.memory_space<semaphore_mem>>
        tpu.enqueue_indirect_dma source(%dma_start3A_300 : memref<40000x64xf32, #tpu.memory_space<hbm>>) target(%dma_start3A_294 : memref<128x64xf32, #tpu.memory_space<vmem>>) offsets(%dma_start3A_297 : memref<128xi32, #tpu.memory_space<vmem>>) semaphore(%dma_start3A_302 : memref<!tpu.dma_semaphore, #tpu.memory_space<semaphore_mem>>)
      } else {
      }
      %add3A_269 = arith.constant 3 : i32
      %add3A_270 = arith.addi %mul3A_215, %add3A_269 : i32
      %dma_wait3A_271 = arith.constant 0 : i32
      %dma_wait3A_272 = arith.constant 0 : i32
      %dma_wait3A_273 = tpu.memref_slice %arg8[%scan3A_202, %dma_wait3A_271, %dma_wait3A_272] : memref<4x128x64xf32, #tpu.memory_space<vmem>> -> memref<1x128x64xf32, #tpu.memory_space<vmem>>
      %dma_wait3A_274 = tpu.memref_squeeze %dma_wait3A_273 : memref<1x128x64xf32, #tpu.memory_space<vmem>> -> memref<128x64xf32, #tpu.memory_space<vmem>>
      %dma_wait3A_275 = arith.constant 0 : i32
      %dma_wait3A_276 = tpu.memref_slice %arg6[%add3A_270, %dma_wait3A_275] : memref<160x128xi32, #tpu.memory_space<vmem>> -> memref<1x128xi32, #tpu.memory_space<vmem>>
      %dma_wait3A_277 = tpu.memref_squeeze %dma_wait3A_276 : memref<1x128xi32, #tpu.memory_space<vmem>> -> memref<128xi32, #tpu.memory_space<vmem>>
      %dma_wait3A_278 = arith.constant 0 : i32
      %dma_wait3A_279 = arith.constant 0 : i32
      %dma_wait3A_280 = tpu.memref_slice %arg2[%dma_wait3A_278, %dma_wait3A_279] : memref<40000x64xf32, #tpu.memory_space<hbm>> -> memref<40000x64xf32, #tpu.memory_space<hbm>>
      %dma_wait3A_281 = tpu.memref_slice %arg11[%scan3A_203] : memref<4x!tpu.dma_semaphore, #tpu.memory_space<semaphore_mem>> -> memref<1x!tpu.dma_semaphore, #tpu.memory_space<semaphore_mem>>
      %dma_wait3A_282 = tpu.memref_squeeze %dma_wait3A_281 : memref<1x!tpu.dma_semaphore, #tpu.memory_space<semaphore_mem>> -> memref<!tpu.dma_semaphore, #tpu.memory_space<semaphore_mem>>
      tpu.wait_indirect_dma semaphore(%dma_wait3A_282 : memref<!tpu.dma_semaphore, #tpu.memory_space<semaphore_mem>>) src(%dma_wait3A_280 : memref<40000x64xf32, #tpu.memory_space<hbm>>) dst(%dma_wait3A_274 : memref<128x64xf32, #tpu.memory_space<vmem>>)
      "tpu.region"() ({
        %run_scoped3A = tpu.sem_alloc : memref<!tpu.dma_semaphore, #tpu.memory_space<semaphore_mem>>
        %dma_start3A_289 = arith.constant 0 : i32
        %dma_start3A_290 = arith.constant 0 : i32
        %dma_start3A_291 = tpu.memref_slice %arg8[%scan3A_202, %dma_start3A_289, %dma_start3A_290] : memref<4x128x64xf32, #tpu.memory_space<vmem>> -> memref<1x128x64xf32, #tpu.memory_space<vmem>>
        %dma_start3A_292 = tpu.memref_squeeze %dma_start3A_291 : memref<1x128x64xf32, #tpu.memory_space<vmem>> -> memref<128x64xf32, #tpu.memory_space<vmem>>
        %dma_start3A_293 = arith.constant 0 : i32
        %dma_start3A_294 = tpu.memref_slice %arg7[%add3A_270, %dma_start3A_293] : memref<160x128xi32, #tpu.memory_space<vmem>> -> memref<1x128xi32, #tpu.memory_space<vmem>>
        %dma_start3A_295 = tpu.memref_squeeze %dma_start3A_294 : memref<1x128xi32, #tpu.memory_space<vmem>> -> memref<128xi32, #tpu.memory_space<vmem>>
        %dma_start3A_296 = arith.constant 0 : i32
        %dma_start3A_297 = arith.constant 0 : i32
        %dma_start3A_298 = tpu.memref_slice %arg10[%dma_start3A_296, %dma_start3A_297] : memref<10112x64xf32, #tpu.memory_space<vmem_shared>> -> memref<10112x64xf32, #tpu.memory_space<vmem_shared>>
        tpu.enqueue_indirect_dma source(%dma_start3A_292 : memref<128x64xf32, #tpu.memory_space<vmem>>) target(%dma_start3A_298 : memref<10112x64xf32, #tpu.memory_space<vmem_shared>>) offsets(%dma_start3A_295 : memref<128xi32, #tpu.memory_space<vmem>>) semaphore(%run_scoped3A : memref<!tpu.dma_semaphore, #tpu.memory_space<semaphore_mem>>) {add = true}
        %dma_wait3A_299 = arith.constant 0 : i32
        %dma_wait3A_300 = arith.constant 0 : i32
        %dma_wait3A_301 = tpu.memref_slice %arg8[%scan3A_202, %dma_wait3A_299, %dma_wait3A_300] : memref<4x128x64xf32, #tpu.memory_space<vmem>> -> memref<1x128x64xf32, #tpu.memory_space<vmem>>
        %dma_wait3A_302 = tpu.memref_squeeze %dma_wait3A_301 : memref<1x128x64xf32, #tpu.memory_space<vmem>> -> memref<128x64xf32, #tpu.memory_space<vmem>>
        %dma_wait3A_303 = arith.constant 0 : i32
        %dma_wait3A_304 = tpu.memref_slice %arg7[%add3A_270, %dma_wait3A_303] : memref<160x128xi32, #tpu.memory_space<vmem>> -> memref<1x128xi32, #tpu.memory_space<vmem>>
        %dma_wait3A_305 = tpu.memref_squeeze %dma_wait3A_304 : memref<1x128xi32, #tpu.memory_space<vmem>> -> memref<128xi32, #tpu.memory_space<vmem>>
        %dma_wait3A_306 = arith.constant 0 : i32
        %dma_wait3A_307 = arith.constant 0 : i32
        %dma_wait3A_308 = tpu.memref_slice %arg10[%dma_wait3A_306, %dma_wait3A_307] : memref<10112x64xf32, #tpu.memory_space<vmem_shared>> -> memref<10112x64xf32, #tpu.memory_space<vmem_shared>>
        tpu.wait_indirect_dma semaphore(%run_scoped3A : memref<!tpu.dma_semaphore, #tpu.memory_space<semaphore_mem>>) src(%dma_wait3A_302 : memref<128x64xf32, #tpu.memory_space<vmem>>) dst(%dma_wait3A_308 : memref<10112x64xf32, #tpu.memory_space<vmem_shared>>)
        tpu.yield
      }) : () -> ()
      %lt3A_283 = arith.constant 39 : i32
      %lt3A_284 = arith.cmpi slt, %scan3A_212, %lt3A_283 : i32
      %convert_element_type3A_285 = arith.extui %lt3A_284 : i1 to i32
      %cond3A_286 = arith.constant 0 : i32
      %cond3A_287 = arith.cmpi ne, %convert_element_type3A_285, %cond3A_286 : i32
      scf.if %cond3A_287 {
        %add3A_289 = arith.constant 4 : i32
        %add3A_290 = arith.addi %add3A_270, %add3A_289 : i32
        %dma_start3A_291 = arith.constant 0 : i32
        %dma_start3A_292 = arith.constant 0 : i32
        %dma_start3A_293 = tpu.memref_slice %arg8[%scan3A_202, %dma_start3A_291, %dma_start3A_292] : memref<4x128x64xf32, #tpu.memory_space<vmem>> -> memref<1x128x64xf32, #tpu.memory_space<vmem>>
        %dma_start3A_294 = tpu.memref_squeeze %dma_start3A_293 : memref<1x128x64xf32, #tpu.memory_space<vmem>> -> memref<128x64xf32, #tpu.memory_space<vmem>>
        %dma_start3A_295 = arith.constant 0 : i32
        %dma_start3A_296 = tpu.memref_slice %arg6[%add3A_290, %dma_start3A_295] : memref<160x128xi32, #tpu.memory_space<vmem>> -> memref<1x128xi32, #tpu.memory_space<vmem>>
        %dma_start3A_297 = tpu.memref_squeeze %dma_start3A_296 : memref<1x128xi32, #tpu.memory_space<vmem>> -> memref<128xi32, #tpu.memory_space<vmem>>
        %dma_start3A_298 = arith.constant 0 : i32
        %dma_start3A_299 = arith.constant 0 : i32
        %dma_start3A_300 = tpu.memref_slice %arg2[%dma_start3A_298, %dma_start3A_299] : memref<40000x64xf32, #tpu.memory_space<hbm>> -> memref<40000x64xf32, #tpu.memory_space<hbm>>
        %dma_start3A_301 = tpu.memref_slice %arg11[%scan3A_203] : memref<4x!tpu.dma_semaphore, #tpu.memory_space<semaphore_mem>> -> memref<1x!tpu.dma_semaphore, #tpu.memory_space<semaphore_mem>>
        %dma_start3A_302 = tpu.memref_squeeze %dma_start3A_301 : memref<1x!tpu.dma_semaphore, #tpu.memory_space<semaphore_mem>> -> memref<!tpu.dma_semaphore, #tpu.memory_space<semaphore_mem>>
        tpu.enqueue_indirect_dma source(%dma_start3A_300 : memref<40000x64xf32, #tpu.memory_space<hbm>>) target(%dma_start3A_294 : memref<128x64xf32, #tpu.memory_space<vmem>>) offsets(%dma_start3A_297 : memref<128xi32, #tpu.memory_space<vmem>>) semaphore(%dma_start3A_302 : memref<!tpu.dma_semaphore, #tpu.memory_space<semaphore_mem>>)
      } else {
      }
      %scan3A_288 = arith.constant 0 : i32
      scf.yield %scan3A_288 : i32
    }
    %scan3A_210 = arith.constant 40 : i32
    %barrier3A_211 = arith.constant 0 : index
    tpu.barrier barrier_id(%barrier3A_211)
    "tpu.region"() ({
      %run_scoped3A = tpu.sem_alloc : memref<!tpu.dma_semaphore, #tpu.memory_space<semaphore_mem>>
      %dma_start3A_212 = arith.constant 0 : i32
      %dma_start3A_213 = tpu.memref_slice %arg5[%add3A_132, %mul3A_8, %dma_start3A_212] : memref<4x10112x64xf32, #tpu.memory_space<hbm>> -> memref<1x632x64xf32, #tpu.memory_space<hbm>>
      %dma_start3A_214 = tpu.memref_squeeze %dma_start3A_213 : memref<1x632x64xf32, #tpu.memory_space<hbm>> -> memref<632x64xf32, #tpu.memory_space<hbm>>
      %dma_start3A_215 = arith.constant 0 : i32
      %dma_start3A_216 = tpu.memref_slice %arg10[%mul3A_8, %dma_start3A_215] : memref<10112x64xf32, #tpu.memory_space<vmem_shared>> -> memref<632x64xf32, #tpu.memory_space<vmem_shared>>
      tpu.enqueue_dma source(%dma_start3A_216 : memref<632x64xf32, #tpu.memory_space<vmem_shared>>) target(%dma_start3A_214 : memref<632x64xf32, #tpu.memory_space<hbm>>) target_semaphore(%run_scoped3A : memref<!tpu.dma_semaphore, #tpu.memory_space<semaphore_mem>>)
      %dma_wait3A = arith.constant 0 : i32
      %dma_wait3A_217 = tpu.memref_slice %arg5[%add3A_132, %mul3A_8, %dma_wait3A] : memref<4x10112x64xf32, #tpu.memory_space<hbm>> -> memref<1x632x64xf32, #tpu.memory_space<hbm>>
      %dma_wait3A_218 = tpu.memref_squeeze %dma_wait3A_217 : memref<1x632x64xf32, #tpu.memory_space<hbm>> -> memref<632x64xf32, #tpu.memory_space<hbm>>
      %dma_wait3A_219 = arith.constant 0 : i32
      %dma_wait3A_220 = tpu.memref_slice %arg10[%mul3A_8, %dma_wait3A_219] : memref<10112x64xf32, #tpu.memory_space<vmem_shared>> -> memref<632x64xf32, #tpu.memory_space<vmem_shared>>
      tpu.wait_dma2 semaphore(%run_scoped3A : memref<!tpu.dma_semaphore, #tpu.memory_space<semaphore_mem>>) src(%dma_wait3A_220 : memref<632x64xf32, #tpu.memory_space<vmem_shared>>) dst(%dma_wait3A_218 : memref<632x64xf32, #tpu.memory_space<hbm>>)
      tpu.yield
    }) : () -> ()
    return
  }
}

#map = affine_map<(d0, d1) -> (0, 0)>
#map1 = affine_map<(d0, d1) -> (0, 0, 0)>
module attributes {stable_mosaic.version = 14 : i64} {
  func.func @hist(%arg0: i32, %arg1: i32, %arg2: memref<2560x128xi32, #tpu.memory_space<hbm>>, %arg3: memref<2x10112x16xf32, #tpu.memory_space<hbm>>, %arg4: memref<80x128xi32, #tpu.memory_space<vmem>>, %arg5: memref<128x16xf32, #tpu.memory_space<vmem>>, %arg6: memref<632x16xf32, #tpu.memory_space<vmem>>, %arg7: memref<10112x16xf32, #tpu.memory_space<vmem_shared>>) attributes {dimension_semantics = [#tpu.dimension_semantics<core_parallel>, #tpu.dimension_semantics<subcore_parallel>], iteration_bounds = array<i64: 2, 16>, scalar_prefetch = 0 : i64, scratch_operands = 4 : i64, tpu.core_type = #tpu.core_type<sc_vector_subcore>, window_params = [{transform_indices = #map}, {transform_indices = #map1}]} {
    %scan3A = arith.constant 0 : i32
    %scan3A_0 = arith.constant 0 : i32
    %scan3A_1 = arith.constant 128 : i32
    %scan3A_2 = arith.addi %scan3A_0, %scan3A_1 : i32
    %scan3A_3 = arith.constant 1 : i32
    %scan3A_4 = scf.for %scan3A_30 = %scan3A_0 to %scan3A_2 step %scan3A_3 iter_args(%scan3A_31 = %scan3A) -> (i32)  : i32 {
      %broadcast_in_dim3A = arith.constant 1.000000e+00 : f32
      %broadcast_in_dim3A_32 = vector.broadcast %broadcast_in_dim3A : f32 to vector<16xf32>
      %swap3A = arith.index_cast %scan3A_30 : i32 to index
      %swap3A_33 = arith.constant 0 : index
      %swap3A_34 = tpu.vector_load %arg5[%swap3A, %swap3A_33] {strides = array<i32>} : memref<128x16xf32, #tpu.memory_space<vmem>>, vector<1x16xf32>,
      %swap3A_35 = vector.shape_cast %swap3A_34 : vector<1x16xf32> to vector<16xf32>
      %swap3A_36 = vector.shape_cast %broadcast_in_dim3A_32 : vector<16xf32> to vector<1x16xf32>
      tpu.vector_store %arg5[%swap3A, %swap3A_33], %swap3A_36 {strides = array<i32>} : memref<128x16xf32, #tpu.memory_space<vmem>>, vector<1x16xf32>,
      %scan3A_37 = arith.constant 0 : i32
      scf.yield %scan3A_37 : i32
    }
    %scan3A_5 = arith.constant 128 : i32
    %scan3A_6 = arith.constant 0 : i32
    %scan3A_7 = arith.constant 0 : i32
    %scan3A_8 = arith.constant 632 : i32
    %scan3A_9 = arith.addi %scan3A_7, %scan3A_8 : i32
    %scan3A_10 = arith.constant 1 : i32
    %scan3A_11 = scf.for %scan3A_30 = %scan3A_7 to %scan3A_9 step %scan3A_10 iter_args(%scan3A_31 = %scan3A_6) -> (i32)  : i32 {
      %broadcast_in_dim3A = arith.constant 0.000000e+00 : f32
      %broadcast_in_dim3A_32 = vector.broadcast %broadcast_in_dim3A : f32 to vector<16xf32>
      %swap3A = arith.index_cast %scan3A_30 : i32 to index
      %swap3A_33 = arith.constant 0 : index
      %swap3A_34 = tpu.vector_load %arg6[%swap3A, %swap3A_33] {strides = array<i32>} : memref<632x16xf32, #tpu.memory_space<vmem>>, vector<1x16xf32>,
      %swap3A_35 = vector.shape_cast %swap3A_34 : vector<1x16xf32> to vector<16xf32>
      %swap3A_36 = vector.shape_cast %broadcast_in_dim3A_32 : vector<16xf32> to vector<1x16xf32>
      tpu.vector_store %arg6[%swap3A, %swap3A_33], %swap3A_36 {strides = array<i32>} : memref<632x16xf32, #tpu.memory_space<vmem>>, vector<1x16xf32>,
      %scan3A_37 = arith.constant 0 : i32
      scf.yield %scan3A_37 : i32
    }
    %scan3A_12 = arith.constant 632 : i32
    %mul3A = arith.constant 632 : i32
    %mul3A_13 = arith.muli %arg1, %mul3A : i32
    "tpu.region"() ({
      %run_scoped3A = tpu.sem_alloc : memref<!tpu.dma_semaphore, #tpu.memory_space<semaphore_mem>>
      %dma_start3A = arith.constant 0 : i32
      %dma_start3A_30 = tpu.memref_slice %arg7[%mul3A_13, %dma_start3A] : memref<10112x16xf32, #tpu.memory_space<vmem_shared>> -> memref<632x16xf32, #tpu.memory_space<vmem_shared>>
      %dma_start3A_31 = arith.constant 0 : i32
      %dma_start3A_32 = tpu.memref_slice %arg7[%mul3A_13, %dma_start3A_31] : memref<10112x16xf32, #tpu.memory_space<vmem_shared>> -> memref<632x16xf32, #tpu.memory_space<vmem_shared>>
      tpu.enqueue_dma source(%arg6 : memref<632x16xf32, #tpu.memory_space<vmem>>) target(%dma_start3A_32 : memref<632x16xf32, #tpu.memory_space<vmem_shared>>) target_semaphore(%run_scoped3A : memref<!tpu.dma_semaphore, #tpu.memory_space<semaphore_mem>>)
      %dma_wait3A = arith.constant 0 : i32
      %dma_wait3A_33 = tpu.memref_slice %arg7[%mul3A_13, %dma_wait3A] : memref<10112x16xf32, #tpu.memory_space<vmem_shared>> -> memref<632x16xf32, #tpu.memory_space<vmem_shared>>
      %dma_wait3A_34 = arith.constant 0 : i32
      %dma_wait3A_35 = tpu.memref_slice %arg7[%mul3A_13, %dma_wait3A_34] : memref<10112x16xf32, #tpu.memory_space<vmem_shared>> -> memref<632x16xf32, #tpu.memory_space<vmem_shared>>
      tpu.wait_dma2 semaphore(%run_scoped3A : memref<!tpu.dma_semaphore, #tpu.memory_space<semaphore_mem>>) src(%arg6 : memref<632x16xf32, #tpu.memory_space<vmem>>) dst(%dma_wait3A_35 : memref<632x16xf32, #tpu.memory_space<vmem_shared>>)
      tpu.yield
    }) : () -> ()
    %barrier3A = arith.constant 0 : index
    tpu.barrier barrier_id(%barrier3A)
    %mul3A_14 = arith.constant 1280 : i32
    %mul3A_15 = arith.muli %arg0, %mul3A_14 : i32
    %mul3A_16 = arith.constant 80 : i32
    %mul3A_17 = arith.muli %arg1, %mul3A_16 : i32
    %add3A = arith.addi %mul3A_15, %mul3A_17 : i32
    "tpu.region"() ({
      %run_scoped3A = tpu.sem_alloc : memref<!tpu.dma_semaphore, #tpu.memory_space<semaphore_mem>>
      %dma_start3A = arith.constant 0 : i32
      %dma_start3A_30 = tpu.memref_slice %arg2[%add3A, %dma_start3A] : memref<2560x128xi32, #tpu.memory_space<hbm>> -> memref<80x128xi32, #tpu.memory_space<hbm>>
      %dma_start3A_31 = arith.constant 0 : i32
      %dma_start3A_32 = tpu.memref_slice %arg2[%add3A, %dma_start3A_31] : memref<2560x128xi32, #tpu.memory_space<hbm>> -> memref<80x128xi32, #tpu.memory_space<hbm>>
      tpu.enqueue_dma source(%dma_start3A_32 : memref<80x128xi32, #tpu.memory_space<hbm>>) target(%arg4 : memref<80x128xi32, #tpu.memory_space<vmem>>) target_semaphore(%run_scoped3A : memref<!tpu.dma_semaphore, #tpu.memory_space<semaphore_mem>>)
      %dma_wait3A = arith.constant 0 : i32
      %dma_wait3A_33 = tpu.memref_slice %arg2[%add3A, %dma_wait3A] : memref<2560x128xi32, #tpu.memory_space<hbm>> -> memref<80x128xi32, #tpu.memory_space<hbm>>
      %dma_wait3A_34 = arith.constant 0 : i32
      %dma_wait3A_35 = tpu.memref_slice %arg2[%add3A, %dma_wait3A_34] : memref<2560x128xi32, #tpu.memory_space<hbm>> -> memref<80x128xi32, #tpu.memory_space<hbm>>
      tpu.wait_dma2 semaphore(%run_scoped3A : memref<!tpu.dma_semaphore, #tpu.memory_space<semaphore_mem>>) src(%dma_wait3A_35 : memref<80x128xi32, #tpu.memory_space<hbm>>) dst(%arg4 : memref<80x128xi32, #tpu.memory_space<vmem>>)
      tpu.yield
    }) : () -> ()
    %scan3A_18 = arith.constant 0 : i32
    %scan3A_19 = arith.constant 0 : i32
    %scan3A_20 = arith.constant 80 : i32
    %scan3A_21 = arith.addi %scan3A_19, %scan3A_20 : i32
    %scan3A_22 = arith.constant 1 : i32
    %scan3A_23 = scf.for %scan3A_30 = %scan3A_19 to %scan3A_21 step %scan3A_22 iter_args(%scan3A_31 = %scan3A_18) -> (i32)  : i32 {
      "tpu.region"() ({
        %run_scoped3A = tpu.sem_alloc : memref<!tpu.dma_semaphore, #tpu.memory_space<semaphore_mem>>
        %dma_start3A = arith.constant 0 : i32
        %dma_start3A_33 = tpu.memref_slice %arg4[%scan3A_30, %dma_start3A] : memref<80x128xi32, #tpu.memory_space<vmem>> -> memref<1x128xi32, #tpu.memory_space<vmem>>
        %dma_start3A_34 = tpu.memref_squeeze %dma_start3A_33 : memref<1x128xi32, #tpu.memory_space<vmem>> -> memref<128xi32, #tpu.memory_space<vmem>>
        %dma_start3A_35 = arith.constant 0 : i32
        %dma_start3A_36 = arith.constant 0 : i32
        %dma_start3A_37 = tpu.memref_slice %arg7[%dma_start3A_35, %dma_start3A_36] : memref<10112x16xf32, #tpu.memory_space<vmem_shared>> -> memref<10112x16xf32, #tpu.memory_space<vmem_shared>>
        tpu.enqueue_indirect_dma source(%arg5 : memref<128x16xf32, #tpu.memory_space<vmem>>) target(%dma_start3A_37 : memref<10112x16xf32, #tpu.memory_space<vmem_shared>>) offsets(%dma_start3A_34 : memref<128xi32, #tpu.memory_space<vmem>>) semaphore(%run_scoped3A : memref<!tpu.dma_semaphore, #tpu.memory_space<semaphore_mem>>) {add = true}
        %dma_wait3A = arith.constant 0 : i32
        %dma_wait3A_38 = tpu.memref_slice %arg4[%scan3A_30, %dma_wait3A] : memref<80x128xi32, #tpu.memory_space<vmem>> -> memref<1x128xi32, #tpu.memory_space<vmem>>
        %dma_wait3A_39 = tpu.memref_squeeze %dma_wait3A_38 : memref<1x128xi32, #tpu.memory_space<vmem>> -> memref<128xi32, #tpu.memory_space<vmem>>
        %dma_wait3A_40 = arith.constant 0 : i32
        %dma_wait3A_41 = arith.constant 0 : i32
        %dma_wait3A_42 = tpu.memref_slice %arg7[%dma_wait3A_40, %dma_wait3A_41] : memref<10112x16xf32, #tpu.memory_space<vmem_shared>> -> memref<10112x16xf32, #tpu.memory_space<vmem_shared>>
        tpu.wait_indirect_dma semaphore(%run_scoped3A : memref<!tpu.dma_semaphore, #tpu.memory_space<semaphore_mem>>) src(%arg5 : memref<128x16xf32, #tpu.memory_space<vmem>>) dst(%dma_wait3A_42 : memref<10112x16xf32, #tpu.memory_space<vmem_shared>>)
        tpu.yield
      }) : () -> ()
      %scan3A_32 = arith.constant 0 : i32
      scf.yield %scan3A_32 : i32
    }
    %scan3A_24 = arith.constant 80 : i32
    %barrier3A_25 = arith.constant 0 : index
    tpu.barrier barrier_id(%barrier3A_25)
    %mul3A_26 = arith.constant 632 : i32
    %mul3A_27 = arith.muli %arg1, %mul3A_26 : i32
    %mul3A_28 = arith.constant 632 : i32
    %mul3A_29 = arith.muli %arg1, %mul3A_28 : i32
    "tpu.region"() ({
      %run_scoped3A = tpu.sem_alloc : memref<!tpu.dma_semaphore, #tpu.memory_space<semaphore_mem>>
      %dma_start3A = arith.constant 0 : i32
      %dma_start3A_30 = tpu.memref_slice %arg3[%arg0, %mul3A_29, %dma_start3A] : memref<2x10112x16xf32, #tpu.memory_space<hbm>> -> memref<1x632x16xf32, #tpu.memory_space<hbm>>
      %dma_start3A_31 = tpu.memref_squeeze %dma_start3A_30 : memref<1x632x16xf32, #tpu.memory_space<hbm>> -> memref<632x16xf32, #tpu.memory_space<hbm>>
      %dma_start3A_32 = arith.constant 0 : i32
      %dma_start3A_33 = tpu.memref_slice %arg7[%mul3A_27, %dma_start3A_32] : memref<10112x16xf32, #tpu.memory_space<vmem_shared>> -> memref<632x16xf32, #tpu.memory_space<vmem_shared>>
      tpu.enqueue_dma source(%dma_start3A_33 : memref<632x16xf32, #tpu.memory_space<vmem_shared>>) target(%dma_start3A_31 : memref<632x16xf32, #tpu.memory_space<hbm>>) target_semaphore(%run_scoped3A : memref<!tpu.dma_semaphore, #tpu.memory_space<semaphore_mem>>)
      %dma_wait3A = arith.constant 0 : i32
      %dma_wait3A_34 = tpu.memref_slice %arg3[%arg0, %mul3A_29, %dma_wait3A] : memref<2x10112x16xf32, #tpu.memory_space<hbm>> -> memref<1x632x16xf32, #tpu.memory_space<hbm>>
      %dma_wait3A_35 = tpu.memref_squeeze %dma_wait3A_34 : memref<1x632x16xf32, #tpu.memory_space<hbm>> -> memref<632x16xf32, #tpu.memory_space<hbm>>
      %dma_wait3A_36 = arith.constant 0 : i32
      %dma_wait3A_37 = tpu.memref_slice %arg7[%mul3A_27, %dma_wait3A_36] : memref<10112x16xf32, #tpu.memory_space<vmem_shared>> -> memref<632x16xf32, #tpu.memory_space<vmem_shared>>
      tpu.wait_dma2 semaphore(%run_scoped3A : memref<!tpu.dma_semaphore, #tpu.memory_space<semaphore_mem>>) src(%dma_wait3A_37 : memref<632x16xf32, #tpu.memory_space<vmem_shared>>) dst(%dma_wait3A_35 : memref<632x16xf32, #tpu.memory_space<hbm>>)
      tpu.yield
    }) : () -> ()
    return
  }
}

#map = affine_map<(d0, d1) -> (0, 0)>
#map1 = affine_map<(d0, d1) -> (0, 0, 0)>
module attributes {stable_mosaic.version = 14 : i64} {
  func.func @spmm(%arg0: i32, %arg1: i32, %arg2: memref<40000x64xf32, #tpu.memory_space<hbm>>, %arg3: memref<4x2560x128xi32, #tpu.memory_space<hbm>>, %arg4: memref<2560x128xi32, #tpu.memory_space<hbm>>, %arg5: memref<4x10112x64xf32, #tpu.memory_space<hbm>>, %arg6: memref<160x128xi32, #tpu.memory_space<vmem>>, %arg7: memref<160x128xi32, #tpu.memory_space<vmem>>, %arg8: memref<4x128x64xf32, #tpu.memory_space<vmem>>, %arg9: memref<64x64xf32, #tpu.memory_space<vmem>>, %arg10: memref<10112x64xf32, #tpu.memory_space<vmem_shared>>, %arg11: memref<4x!tpu.dma_semaphore, #tpu.memory_space<semaphore_mem>>, %arg12: memref<4x!tpu.dma_semaphore, #tpu.memory_space<semaphore_mem>>) attributes {dimension_semantics = [#tpu.dimension_semantics<core_parallel>, #tpu.dimension_semantics<subcore_parallel>], iteration_bounds = array<i64: 2, 16>, scalar_prefetch = 0 : i64, scratch_operands = 7 : i64, tpu.core_type = #tpu.core_type<sc_vector_subcore>, window_params = [{transform_indices = #map}, {transform_indices = #map1}, {transform_indices = #map}, {transform_indices = #map1}]} {
    %scan3A = arith.constant 0 : i32
    %scan3A_0 = arith.constant 0 : i32
    %scan3A_1 = arith.constant 64 : i32
    %scan3A_2 = arith.addi %scan3A_0, %scan3A_1 : i32
    %scan3A_3 = arith.constant 1 : i32
    %scan3A_4 = scf.for %scan3A_212 = %scan3A_0 to %scan3A_2 step %scan3A_3 iter_args(%scan3A_213 = %scan3A) -> (i32)  : i32 {
      %broadcast_in_dim3A = arith.constant 0.000000e+00 : f32
      %broadcast_in_dim3A_214 = vector.broadcast %broadcast_in_dim3A : f32 to vector<16xf32>
      %swap3A = arith.index_cast %scan3A_212 : i32 to index
      %swap3A_215 = arith.constant 0 : index
      %swap3A_216 = tpu.vector_load %arg9[%swap3A, %swap3A_215] {strides = array<i32>} : memref<64x64xf32, #tpu.memory_space<vmem>>, vector<1x16xf32>,
      %swap3A_217 = vector.shape_cast %swap3A_216 : vector<1x16xf32> to vector<16xf32>
      %swap3A_218 = vector.shape_cast %broadcast_in_dim3A_214 : vector<16xf32> to vector<1x16xf32>
      tpu.vector_store %arg9[%swap3A, %swap3A_215], %swap3A_218 {strides = array<i32>} : memref<64x64xf32, #tpu.memory_space<vmem>>, vector<1x16xf32>,
      %broadcast_in_dim3A_219 = arith.constant 0.000000e+00 : f32
      %broadcast_in_dim3A_220 = vector.broadcast %broadcast_in_dim3A_219 : f32 to vector<16xf32>
      %swap3A_221 = arith.index_cast %scan3A_212 : i32 to index
      %swap3A_222 = arith.constant 16 : index
      %swap3A_223 = tpu.vector_load %arg9[%swap3A_221, %swap3A_222] {strides = array<i32>} : memref<64x64xf32, #tpu.memory_space<vmem>>, vector<1x16xf32>,
      %swap3A_224 = vector.shape_cast %swap3A_223 : vector<1x16xf32> to vector<16xf32>
      %swap3A_225 = vector.shape_cast %broadcast_in_dim3A_220 : vector<16xf32> to vector<1x16xf32>
      tpu.vector_store %arg9[%swap3A_221, %swap3A_222], %swap3A_225 {strides = array<i32>} : memref<64x64xf32, #tpu.memory_space<vmem>>, vector<1x16xf32>,
      %broadcast_in_dim3A_226 = arith.constant 0.000000e+00 : f32
      %broadcast_in_dim3A_227 = vector.broadcast %broadcast_in_dim3A_226 : f32 to vector<16xf32>
      %swap3A_228 = arith.index_cast %scan3A_212 : i32 to index
      %swap3A_229 = arith.constant 32 : index
      %swap3A_230 = tpu.vector_load %arg9[%swap3A_228, %swap3A_229] {strides = array<i32>} : memref<64x64xf32, #tpu.memory_space<vmem>>, vector<1x16xf32>,
      %swap3A_231 = vector.shape_cast %swap3A_230 : vector<1x16xf32> to vector<16xf32>
      %swap3A_232 = vector.shape_cast %broadcast_in_dim3A_227 : vector<16xf32> to vector<1x16xf32>
      tpu.vector_store %arg9[%swap3A_228, %swap3A_229], %swap3A_232 {strides = array<i32>} : memref<64x64xf32, #tpu.memory_space<vmem>>, vector<1x16xf32>,
      %broadcast_in_dim3A_233 = arith.constant 0.000000e+00 : f32
      %broadcast_in_dim3A_234 = vector.broadcast %broadcast_in_dim3A_233 : f32 to vector<16xf32>
      %swap3A_235 = arith.index_cast %scan3A_212 : i32 to index
      %swap3A_236 = arith.constant 48 : index
      %swap3A_237 = tpu.vector_load %arg9[%swap3A_235, %swap3A_236] {strides = array<i32>} : memref<64x64xf32, #tpu.memory_space<vmem>>, vector<1x16xf32>,
      %swap3A_238 = vector.shape_cast %swap3A_237 : vector<1x16xf32> to vector<16xf32>
      %swap3A_239 = vector.shape_cast %broadcast_in_dim3A_234 : vector<16xf32> to vector<1x16xf32>
      tpu.vector_store %arg9[%swap3A_235, %swap3A_236], %swap3A_239 {strides = array<i32>} : memref<64x64xf32, #tpu.memory_space<vmem>>, vector<1x16xf32>,
      %scan3A_240 = arith.constant 0 : i32
      scf.yield %scan3A_240 : i32
    }
    %scan3A_5 = arith.constant 64 : i32
    %mul3A = arith.constant 160 : i32
    %mul3A_6 = arith.muli %arg1, %mul3A : i32
    "tpu.region"() ({
      %run_scoped3A = tpu.sem_alloc : memref<!tpu.dma_semaphore, #tpu.memory_space<semaphore_mem>>
      %dma_start3A_212 = arith.constant 0 : i32
      %dma_start3A_213 = tpu.memref_slice %arg4[%mul3A_6, %dma_start3A_212] : memref<2560x128xi32, #tpu.memory_space<hbm>> -> memref<160x128xi32, #tpu.memory_space<hbm>>
      %dma_start3A_214 = arith.constant 0 : i32
      %dma_start3A_215 = tpu.memref_slice %arg4[%mul3A_6, %dma_start3A_214] : memref<2560x128xi32, #tpu.memory_space<hbm>> -> memref<160x128xi32, #tpu.memory_space<hbm>>
      tpu.enqueue_dma source(%dma_start3A_215 : memref<160x128xi32, #tpu.memory_space<hbm>>) target(%arg7 : memref<160x128xi32, #tpu.memory_space<vmem>>) target_semaphore(%run_scoped3A : memref<!tpu.dma_semaphore, #tpu.memory_space<semaphore_mem>>)
      %dma_wait3A = arith.constant 0 : i32
      %dma_wait3A_216 = tpu.memref_slice %arg4[%mul3A_6, %dma_wait3A] : memref<2560x128xi32, #tpu.memory_space<hbm>> -> memref<160x128xi32, #tpu.memory_space<hbm>>
      %dma_wait3A_217 = arith.constant 0 : i32
      %dma_wait3A_218 = tpu.memref_slice %arg4[%mul3A_6, %dma_wait3A_217] : memref<2560x128xi32, #tpu.memory_space<hbm>> -> memref<160x128xi32, #tpu.memory_space<hbm>>
      tpu.wait_dma2 semaphore(%run_scoped3A : memref<!tpu.dma_semaphore, #tpu.memory_space<semaphore_mem>>) src(%dma_wait3A_218 : memref<160x128xi32, #tpu.memory_space<hbm>>) dst(%arg7 : memref<160x128xi32, #tpu.memory_space<vmem>>)
      tpu.yield
    }) : () -> ()
    %mul3A_7 = arith.constant 632 : i32
    %mul3A_8 = arith.muli %arg1, %mul3A_7 : i32
    %add3A = arith.constant 0 : i32
    %add3A_9 = arith.addi %mul3A_8, %add3A : i32
    "tpu.region"() ({
      %run_scoped3A = tpu.sem_alloc : memref<!tpu.dma_semaphore, #tpu.memory_space<semaphore_mem>>
      %dma_start3A_212 = arith.constant 0 : i32
      %dma_start3A_213 = tpu.memref_slice %arg10[%add3A_9, %dma_start3A_212] : memref<10112x64xf32, #tpu.memory_space<vmem_shared>> -> memref<64x64xf32, #tpu.memory_space<vmem_shared>>
      %dma_start3A_214 = arith.constant 0 : i32
      %dma_start3A_215 = tpu.memref_slice %arg10[%add3A_9, %dma_start3A_214] : memref<10112x64xf32, #tpu.memory_space<vmem_shared>> -> memref<64x64xf32, #tpu.memory_space<vmem_shared>>
      tpu.enqueue_dma source(%arg9 : memref<64x64xf32, #tpu.memory_space<vmem>>) target(%dma_start3A_215 : memref<64x64xf32, #tpu.memory_space<vmem_shared>>) target_semaphore(%run_scoped3A : memref<!tpu.dma_semaphore, #tpu.memory_space<semaphore_mem>>)
      %dma_wait3A = arith.constant 0 : i32
      %dma_wait3A_216 = tpu.memref_slice %arg10[%add3A_9, %dma_wait3A] : memref<10112x64xf32, #tpu.memory_space<vmem_shared>> -> memref<64x64xf32, #tpu.memory_space<vmem_shared>>
      %dma_wait3A_217 = arith.constant 0 : i32
      %dma_wait3A_218 = tpu.memref_slice %arg10[%add3A_9, %dma_wait3A_217] : memref<10112x64xf32, #tpu.memory_space<vmem_shared>> -> memref<64x64xf32, #tpu.memory_space<vmem_shared>>
      tpu.wait_dma2 semaphore(%run_scoped3A : memref<!tpu.dma_semaphore, #tpu.memory_space<semaphore_mem>>) src(%arg9 : memref<64x64xf32, #tpu.memory_space<vmem>>) dst(%dma_wait3A_218 : memref<64x64xf32, #tpu.memory_space<vmem_shared>>)
      tpu.yield
    }) : () -> ()
    %add3A_10 = arith.constant 64 : i32
    %add3A_11 = arith.addi %mul3A_8, %add3A_10 : i32
    "tpu.region"() ({
      %run_scoped3A = tpu.sem_alloc : memref<!tpu.dma_semaphore, #tpu.memory_space<semaphore_mem>>
      %dma_start3A_212 = arith.constant 0 : i32
      %dma_start3A_213 = tpu.memref_slice %arg10[%add3A_11, %dma_start3A_212] : memref<10112x64xf32, #tpu.memory_space<vmem_shared>> -> memref<64x64xf32, #tpu.memory_space<vmem_shared>>
      %dma_start3A_214 = arith.constant 0 : i32
      %dma_start3A_215 = tpu.memref_slice %arg10[%add3A_11, %dma_start3A_214] : memref<10112x64xf32, #tpu.memory_space<vmem_shared>> -> memref<64x64xf32, #tpu.memory_space<vmem_shared>>
      tpu.enqueue_dma source(%arg9 : memref<64x64xf32, #tpu.memory_space<vmem>>) target(%dma_start3A_215 : memref<64x64xf32, #tpu.memory_space<vmem_shared>>) target_semaphore(%run_scoped3A : memref<!tpu.dma_semaphore, #tpu.memory_space<semaphore_mem>>)
      %dma_wait3A = arith.constant 0 : i32
      %dma_wait3A_216 = tpu.memref_slice %arg10[%add3A_11, %dma_wait3A] : memref<10112x64xf32, #tpu.memory_space<vmem_shared>> -> memref<64x64xf32, #tpu.memory_space<vmem_shared>>
      %dma_wait3A_217 = arith.constant 0 : i32
      %dma_wait3A_218 = tpu.memref_slice %arg10[%add3A_11, %dma_wait3A_217] : memref<10112x64xf32, #tpu.memory_space<vmem_shared>> -> memref<64x64xf32, #tpu.memory_space<vmem_shared>>
      tpu.wait_dma2 semaphore(%run_scoped3A : memref<!tpu.dma_semaphore, #tpu.memory_space<semaphore_mem>>) src(%arg9 : memref<64x64xf32, #tpu.memory_space<vmem>>) dst(%dma_wait3A_218 : memref<64x64xf32, #tpu.memory_space<vmem_shared>>)
      tpu.yield
    }) : () -> ()
    %add3A_12 = arith.constant 128 : i32
    %add3A_13 = arith.addi %mul3A_8, %add3A_12 : i32
    "tpu.region"() ({
      %run_scoped3A = tpu.sem_alloc : memref<!tpu.dma_semaphore, #tpu.memory_space<semaphore_mem>>
      %dma_start3A_212 = arith.constant 0 : i32
      %dma_start3A_213 = tpu.memref_slice %arg10[%add3A_13, %dma_start3A_212] : memref<10112x64xf32, #tpu.memory_space<vmem_shared>> -> memref<64x64xf32, #tpu.memory_space<vmem_shared>>
      %dma_start3A_214 = arith.constant 0 : i32
      %dma_start3A_215 = tpu.memref_slice %arg10[%add3A_13, %dma_start3A_214] : memref<10112x64xf32, #tpu.memory_space<vmem_shared>> -> memref<64x64xf32, #tpu.memory_space<vmem_shared>>
      tpu.enqueue_dma source(%arg9 : memref<64x64xf32, #tpu.memory_space<vmem>>) target(%dma_start3A_215 : memref<64x64xf32, #tpu.memory_space<vmem_shared>>) target_semaphore(%run_scoped3A : memref<!tpu.dma_semaphore, #tpu.memory_space<semaphore_mem>>)
      %dma_wait3A = arith.constant 0 : i32
      %dma_wait3A_216 = tpu.memref_slice %arg10[%add3A_13, %dma_wait3A] : memref<10112x64xf32, #tpu.memory_space<vmem_shared>> -> memref<64x64xf32, #tpu.memory_space<vmem_shared>>
      %dma_wait3A_217 = arith.constant 0 : i32
      %dma_wait3A_218 = tpu.memref_slice %arg10[%add3A_13, %dma_wait3A_217] : memref<10112x64xf32, #tpu.memory_space<vmem_shared>> -> memref<64x64xf32, #tpu.memory_space<vmem_shared>>
      tpu.wait_dma2 semaphore(%run_scoped3A : memref<!tpu.dma_semaphore, #tpu.memory_space<semaphore_mem>>) src(%arg9 : memref<64x64xf32, #tpu.memory_space<vmem>>) dst(%dma_wait3A_218 : memref<64x64xf32, #tpu.memory_space<vmem_shared>>)
      tpu.yield
    }) : () -> ()
    %add3A_14 = arith.constant 192 : i32
    %add3A_15 = arith.addi %mul3A_8, %add3A_14 : i32
    "tpu.region"() ({
      %run_scoped3A = tpu.sem_alloc : memref<!tpu.dma_semaphore, #tpu.memory_space<semaphore_mem>>
      %dma_start3A_212 = arith.constant 0 : i32
      %dma_start3A_213 = tpu.memref_slice %arg10[%add3A_15, %dma_start3A_212] : memref<10112x64xf32, #tpu.memory_space<vmem_shared>> -> memref<64x64xf32, #tpu.memory_space<vmem_shared>>
      %dma_start3A_214 = arith.constant 0 : i32
      %dma_start3A_215 = tpu.memref_slice %arg10[%add3A_15, %dma_start3A_214] : memref<10112x64xf32, #tpu.memory_space<vmem_shared>> -> memref<64x64xf32, #tpu.memory_space<vmem_shared>>
      tpu.enqueue_dma source(%arg9 : memref<64x64xf32, #tpu.memory_space<vmem>>) target(%dma_start3A_215 : memref<64x64xf32, #tpu.memory_space<vmem_shared>>) target_semaphore(%run_scoped3A : memref<!tpu.dma_semaphore, #tpu.memory_space<semaphore_mem>>)
      %dma_wait3A = arith.constant 0 : i32
      %dma_wait3A_216 = tpu.memref_slice %arg10[%add3A_15, %dma_wait3A] : memref<10112x64xf32, #tpu.memory_space<vmem_shared>> -> memref<64x64xf32, #tpu.memory_space<vmem_shared>>
      %dma_wait3A_217 = arith.constant 0 : i32
      %dma_wait3A_218 = tpu.memref_slice %arg10[%add3A_15, %dma_wait3A_217] : memref<10112x64xf32, #tpu.memory_space<vmem_shared>> -> memref<64x64xf32, #tpu.memory_space<vmem_shared>>
      tpu.wait_dma2 semaphore(%run_scoped3A : memref<!tpu.dma_semaphore, #tpu.memory_space<semaphore_mem>>) src(%arg9 : memref<64x64xf32, #tpu.memory_space<vmem>>) dst(%dma_wait3A_218 : memref<64x64xf32, #tpu.memory_space<vmem_shared>>)
      tpu.yield
    }) : () -> ()
    %add3A_16 = arith.constant 256 : i32
    %add3A_17 = arith.addi %mul3A_8, %add3A_16 : i32
    "tpu.region"() ({
      %run_scoped3A = tpu.sem_alloc : memref<!tpu.dma_semaphore, #tpu.memory_space<semaphore_mem>>
      %dma_start3A_212 = arith.constant 0 : i32
      %dma_start3A_213 = tpu.memref_slice %arg10[%add3A_17, %dma_start3A_212] : memref<10112x64xf32, #tpu.memory_space<vmem_shared>> -> memref<64x64xf32, #tpu.memory_space<vmem_shared>>
      %dma_start3A_214 = arith.constant 0 : i32
      %dma_start3A_215 = tpu.memref_slice %arg10[%add3A_17, %dma_start3A_214] : memref<10112x64xf32, #tpu.memory_space<vmem_shared>> -> memref<64x64xf32, #tpu.memory_space<vmem_shared>>
      tpu.enqueue_dma source(%arg9 : memref<64x64xf32, #tpu.memory_space<vmem>>) target(%dma_start3A_215 : memref<64x64xf32, #tpu.memory_space<vmem_shared>>) target_semaphore(%run_scoped3A : memref<!tpu.dma_semaphore, #tpu.memory_space<semaphore_mem>>)
      %dma_wait3A = arith.constant 0 : i32
      %dma_wait3A_216 = tpu.memref_slice %arg10[%add3A_17, %dma_wait3A] : memref<10112x64xf32, #tpu.memory_space<vmem_shared>> -> memref<64x64xf32, #tpu.memory_space<vmem_shared>>
      %dma_wait3A_217 = arith.constant 0 : i32
      %dma_wait3A_218 = tpu.memref_slice %arg10[%add3A_17, %dma_wait3A_217] : memref<10112x64xf32, #tpu.memory_space<vmem_shared>> -> memref<64x64xf32, #tpu.memory_space<vmem_shared>>
      tpu.wait_dma2 semaphore(%run_scoped3A : memref<!tpu.dma_semaphore, #tpu.memory_space<semaphore_mem>>) src(%arg9 : memref<64x64xf32, #tpu.memory_space<vmem>>) dst(%dma_wait3A_218 : memref<64x64xf32, #tpu.memory_space<vmem_shared>>)
      tpu.yield
    }) : () -> ()
    %add3A_18 = arith.constant 320 : i32
    %add3A_19 = arith.addi %mul3A_8, %add3A_18 : i32
    "tpu.region"() ({
      %run_scoped3A = tpu.sem_alloc : memref<!tpu.dma_semaphore, #tpu.memory_space<semaphore_mem>>
      %dma_start3A_212 = arith.constant 0 : i32
      %dma_start3A_213 = tpu.memref_slice %arg10[%add3A_19, %dma_start3A_212] : memref<10112x64xf32, #tpu.memory_space<vmem_shared>> -> memref<64x64xf32, #tpu.memory_space<vmem_shared>>
      %dma_start3A_214 = arith.constant 0 : i32
      %dma_start3A_215 = tpu.memref_slice %arg10[%add3A_19, %dma_start3A_214] : memref<10112x64xf32, #tpu.memory_space<vmem_shared>> -> memref<64x64xf32, #tpu.memory_space<vmem_shared>>
      tpu.enqueue_dma source(%arg9 : memref<64x64xf32, #tpu.memory_space<vmem>>) target(%dma_start3A_215 : memref<64x64xf32, #tpu.memory_space<vmem_shared>>) target_semaphore(%run_scoped3A : memref<!tpu.dma_semaphore, #tpu.memory_space<semaphore_mem>>)
      %dma_wait3A = arith.constant 0 : i32
      %dma_wait3A_216 = tpu.memref_slice %arg10[%add3A_19, %dma_wait3A] : memref<10112x64xf32, #tpu.memory_space<vmem_shared>> -> memref<64x64xf32, #tpu.memory_space<vmem_shared>>
      %dma_wait3A_217 = arith.constant 0 : i32
      %dma_wait3A_218 = tpu.memref_slice %arg10[%add3A_19, %dma_wait3A_217] : memref<10112x64xf32, #tpu.memory_space<vmem_shared>> -> memref<64x64xf32, #tpu.memory_space<vmem_shared>>
      tpu.wait_dma2 semaphore(%run_scoped3A : memref<!tpu.dma_semaphore, #tpu.memory_space<semaphore_mem>>) src(%arg9 : memref<64x64xf32, #tpu.memory_space<vmem>>) dst(%dma_wait3A_218 : memref<64x64xf32, #tpu.memory_space<vmem_shared>>)
      tpu.yield
    }) : () -> ()
    %add3A_20 = arith.constant 384 : i32
    %add3A_21 = arith.addi %mul3A_8, %add3A_20 : i32
    "tpu.region"() ({
      %run_scoped3A = tpu.sem_alloc : memref<!tpu.dma_semaphore, #tpu.memory_space<semaphore_mem>>
      %dma_start3A_212 = arith.constant 0 : i32
      %dma_start3A_213 = tpu.memref_slice %arg10[%add3A_21, %dma_start3A_212] : memref<10112x64xf32, #tpu.memory_space<vmem_shared>> -> memref<64x64xf32, #tpu.memory_space<vmem_shared>>
      %dma_start3A_214 = arith.constant 0 : i32
      %dma_start3A_215 = tpu.memref_slice %arg10[%add3A_21, %dma_start3A_214] : memref<10112x64xf32, #tpu.memory_space<vmem_shared>> -> memref<64x64xf32, #tpu.memory_space<vmem_shared>>
      tpu.enqueue_dma source(%arg9 : memref<64x64xf32, #tpu.memory_space<vmem>>) target(%dma_start3A_215 : memref<64x64xf32, #tpu.memory_space<vmem_shared>>) target_semaphore(%run_scoped3A : memref<!tpu.dma_semaphore, #tpu.memory_space<semaphore_mem>>)
      %dma_wait3A = arith.constant 0 : i32
      %dma_wait3A_216 = tpu.memref_slice %arg10[%add3A_21, %dma_wait3A] : memref<10112x64xf32, #tpu.memory_space<vmem_shared>> -> memref<64x64xf32, #tpu.memory_space<vmem_shared>>
      %dma_wait3A_217 = arith.constant 0 : i32
      %dma_wait3A_218 = tpu.memref_slice %arg10[%add3A_21, %dma_wait3A_217] : memref<10112x64xf32, #tpu.memory_space<vmem_shared>> -> memref<64x64xf32, #tpu.memory_space<vmem_shared>>
      tpu.wait_dma2 semaphore(%run_scoped3A : memref<!tpu.dma_semaphore, #tpu.memory_space<semaphore_mem>>) src(%arg9 : memref<64x64xf32, #tpu.memory_space<vmem>>) dst(%dma_wait3A_218 : memref<64x64xf32, #tpu.memory_space<vmem_shared>>)
      tpu.yield
    }) : () -> ()
    %add3A_22 = arith.constant 448 : i32
    %add3A_23 = arith.addi %mul3A_8, %add3A_22 : i32
    "tpu.region"() ({
      %run_scoped3A = tpu.sem_alloc : memref<!tpu.dma_semaphore, #tpu.memory_space<semaphore_mem>>
      %dma_start3A_212 = arith.constant 0 : i32
      %dma_start3A_213 = tpu.memref_slice %arg10[%add3A_23, %dma_start3A_212] : memref<10112x64xf32, #tpu.memory_space<vmem_shared>> -> memref<64x64xf32, #tpu.memory_space<vmem_shared>>
      %dma_start3A_214 = arith.constant 0 : i32
      %dma_start3A_215 = tpu.memref_slice %arg10[%add3A_23, %dma_start3A_214] : memref<10112x64xf32, #tpu.memory_space<vmem_shared>> -> memref<64x64xf32, #tpu.memory_space<vmem_shared>>
      tpu.enqueue_dma source(%arg9 : memref<64x64xf32, #tpu.memory_space<vmem>>) target(%dma_start3A_215 : memref<64x64xf32, #tpu.memory_space<vmem_shared>>) target_semaphore(%run_scoped3A : memref<!tpu.dma_semaphore, #tpu.memory_space<semaphore_mem>>)
      %dma_wait3A = arith.constant 0 : i32
      %dma_wait3A_216 = tpu.memref_slice %arg10[%add3A_23, %dma_wait3A] : memref<10112x64xf32, #tpu.memory_space<vmem_shared>> -> memref<64x64xf32, #tpu.memory_space<vmem_shared>>
      %dma_wait3A_217 = arith.constant 0 : i32
      %dma_wait3A_218 = tpu.memref_slice %arg10[%add3A_23, %dma_wait3A_217] : memref<10112x64xf32, #tpu.memory_space<vmem_shared>> -> memref<64x64xf32, #tpu.memory_space<vmem_shared>>
      tpu.wait_dma2 semaphore(%run_scoped3A : memref<!tpu.dma_semaphore, #tpu.memory_space<semaphore_mem>>) src(%arg9 : memref<64x64xf32, #tpu.memory_space<vmem>>) dst(%dma_wait3A_218 : memref<64x64xf32, #tpu.memory_space<vmem_shared>>)
      tpu.yield
    }) : () -> ()
    %add3A_24 = arith.constant 512 : i32
    %add3A_25 = arith.addi %mul3A_8, %add3A_24 : i32
    "tpu.region"() ({
      %run_scoped3A = tpu.sem_alloc : memref<!tpu.dma_semaphore, #tpu.memory_space<semaphore_mem>>
      %dma_start3A_212 = arith.constant 0 : i32
      %dma_start3A_213 = tpu.memref_slice %arg10[%add3A_25, %dma_start3A_212] : memref<10112x64xf32, #tpu.memory_space<vmem_shared>> -> memref<64x64xf32, #tpu.memory_space<vmem_shared>>
      %dma_start3A_214 = arith.constant 0 : i32
      %dma_start3A_215 = tpu.memref_slice %arg10[%add3A_25, %dma_start3A_214] : memref<10112x64xf32, #tpu.memory_space<vmem_shared>> -> memref<64x64xf32, #tpu.memory_space<vmem_shared>>
      tpu.enqueue_dma source(%arg9 : memref<64x64xf32, #tpu.memory_space<vmem>>) target(%dma_start3A_215 : memref<64x64xf32, #tpu.memory_space<vmem_shared>>) target_semaphore(%run_scoped3A : memref<!tpu.dma_semaphore, #tpu.memory_space<semaphore_mem>>)
      %dma_wait3A = arith.constant 0 : i32
      %dma_wait3A_216 = tpu.memref_slice %arg10[%add3A_25, %dma_wait3A] : memref<10112x64xf32, #tpu.memory_space<vmem_shared>> -> memref<64x64xf32, #tpu.memory_space<vmem_shared>>
      %dma_wait3A_217 = arith.constant 0 : i32
      %dma_wait3A_218 = tpu.memref_slice %arg10[%add3A_25, %dma_wait3A_217] : memref<10112x64xf32, #tpu.memory_space<vmem_shared>> -> memref<64x64xf32, #tpu.memory_space<vmem_shared>>
      tpu.wait_dma2 semaphore(%run_scoped3A : memref<!tpu.dma_semaphore, #tpu.memory_space<semaphore_mem>>) src(%arg9 : memref<64x64xf32, #tpu.memory_space<vmem>>) dst(%dma_wait3A_218 : memref<64x64xf32, #tpu.memory_space<vmem_shared>>)
      tpu.yield
    }) : () -> ()
    %add3A_26 = arith.constant 576 : i32
    %add3A_27 = arith.addi %mul3A_8, %add3A_26 : i32
    "tpu.region"() ({
      %run_scoped3A = tpu.sem_alloc : memref<!tpu.dma_semaphore, #tpu.memory_space<semaphore_mem>>
      %dma_start3A_212 = arith.constant 0 : i32
      %dma_start3A_213 = arith.constant 0 : i32
      %dma_start3A_214 = tpu.memref_slice %arg9[%dma_start3A_212, %dma_start3A_213] : memref<64x64xf32, #tpu.memory_space<vmem>> -> memref<56x64xf32, #tpu.memory_space<vmem>>
      %dma_start3A_215 = arith.constant 0 : i32
      %dma_start3A_216 = tpu.memref_slice %arg10[%add3A_27, %dma_start3A_215] : memref<10112x64xf32, #tpu.memory_space<vmem_shared>> -> memref<56x64xf32, #tpu.memory_space<vmem_shared>>
      %dma_start3A_217 = arith.constant 0 : i32
      %dma_start3A_218 = tpu.memref_slice %arg10[%add3A_27, %dma_start3A_217] : memref<10112x64xf32, #tpu.memory_space<vmem_shared>> -> memref<56x64xf32, #tpu.memory_space<vmem_shared>>
      %dma_start3A_219 = arith.constant 0 : i32
      %dma_start3A_220 = arith.constant 0 : i32
      %dma_start3A_221 = tpu.memref_slice %arg9[%dma_start3A_219, %dma_start3A_220] : memref<64x64xf32, #tpu.memory_space<vmem>> -> memref<56x64xf32, #tpu.memory_space<vmem>>
      tpu.enqueue_dma source(%dma_start3A_221 : memref<56x64xf32, #tpu.memory_space<vmem>>) target(%dma_start3A_218 : memref<56x64xf32, #tpu.memory_space<vmem_shared>>) target_semaphore(%run_scoped3A : memref<!tpu.dma_semaphore, #tpu.memory_space<semaphore_mem>>)
      %dma_wait3A = arith.constant 0 : i32
      %dma_wait3A_222 = arith.constant 0 : i32
      %dma_wait3A_223 = tpu.memref_slice %arg9[%dma_wait3A, %dma_wait3A_222] : memref<64x64xf32, #tpu.memory_space<vmem>> -> memref<56x64xf32, #tpu.memory_space<vmem>>
      %dma_wait3A_224 = arith.constant 0 : i32
      %dma_wait3A_225 = tpu.memref_slice %arg10[%add3A_27, %dma_wait3A_224] : memref<10112x64xf32, #tpu.memory_space<vmem_shared>> -> memref<56x64xf32, #tpu.memory_space<vmem_shared>>
      %dma_wait3A_226 = arith.constant 0 : i32
      %dma_wait3A_227 = tpu.memref_slice %arg10[%add3A_27, %dma_wait3A_226] : memref<10112x64xf32, #tpu.memory_space<vmem_shared>> -> memref<56x64xf32, #tpu.memory_space<vmem_shared>>
      %dma_wait3A_228 = arith.constant 0 : i32
      %dma_wait3A_229 = arith.constant 0 : i32
      %dma_wait3A_230 = tpu.memref_slice %arg9[%dma_wait3A_228, %dma_wait3A_229] : memref<64x64xf32, #tpu.memory_space<vmem>> -> memref<56x64xf32, #tpu.memory_space<vmem>>
      tpu.wait_dma2 semaphore(%run_scoped3A : memref<!tpu.dma_semaphore, #tpu.memory_space<semaphore_mem>>) src(%dma_wait3A_230 : memref<56x64xf32, #tpu.memory_space<vmem>>) dst(%dma_wait3A_227 : memref<56x64xf32, #tpu.memory_space<vmem_shared>>)
      tpu.yield
    }) : () -> ()
    %mul3A_28 = arith.constant 2 : i32
    %mul3A_29 = arith.muli %arg0, %mul3A_28 : i32
    %add3A_30 = arith.constant 0 : i32
    %add3A_31 = arith.addi %mul3A_29, %add3A_30 : i32
    %mul3A_32 = arith.constant 160 : i32
    %mul3A_33 = arith.muli %arg1, %mul3A_32 : i32
    "tpu.region"() ({
      %run_scoped3A = tpu.sem_alloc : memref<!tpu.dma_semaphore, #tpu.memory_space<semaphore_mem>>
      %dma_start3A_212 = arith.constant 0 : i32
      %dma_start3A_213 = tpu.memref_slice %arg3[%add3A_31, %mul3A_33, %dma_start3A_212] : memref<4x2560x128xi32, #tpu.memory_space<hbm>> -> memref<1x160x128xi32, #tpu.memory_space<hbm>>
      %dma_start3A_214 = tpu.memref_squeeze %dma_start3A_213 : memref<1x160x128xi32, #tpu.memory_space<hbm>> -> memref<160x128xi32, #tpu.memory_space<hbm>>
      %dma_start3A_215 = arith.constant 0 : i32
      %dma_start3A_216 = tpu.memref_slice %arg3[%add3A_31, %mul3A_33, %dma_start3A_215] : memref<4x2560x128xi32, #tpu.memory_space<hbm>> -> memref<1x160x128xi32, #tpu.memory_space<hbm>>
      %dma_start3A_217 = tpu.memref_squeeze %dma_start3A_216 : memref<1x160x128xi32, #tpu.memory_space<hbm>> -> memref<160x128xi32, #tpu.memory_space<hbm>>
      tpu.enqueue_dma source(%dma_start3A_217 : memref<160x128xi32, #tpu.memory_space<hbm>>) target(%arg6 : memref<160x128xi32, #tpu.memory_space<vmem>>) target_semaphore(%run_scoped3A : memref<!tpu.dma_semaphore, #tpu.memory_space<semaphore_mem>>)
      %dma_wait3A = arith.constant 0 : i32
      %dma_wait3A_218 = tpu.memref_slice %arg3[%add3A_31, %mul3A_33, %dma_wait3A] : memref<4x2560x128xi32, #tpu.memory_space<hbm>> -> memref<1x160x128xi32, #tpu.memory_space<hbm>>
      %dma_wait3A_219 = tpu.memref_squeeze %dma_wait3A_218 : memref<1x160x128xi32, #tpu.memory_space<hbm>> -> memref<160x128xi32, #tpu.memory_space<hbm>>
      %dma_wait3A_220 = arith.constant 0 : i32
      %dma_wait3A_221 = tpu.memref_slice %arg3[%add3A_31, %mul3A_33, %dma_wait3A_220] : memref<4x2560x128xi32, #tpu.memory_space<hbm>> -> memref<1x160x128xi32, #tpu.memory_space<hbm>>
      %dma_wait3A_222 = tpu.memref_squeeze %dma_wait3A_221 : memref<1x160x128xi32, #tpu.memory_space<hbm>> -> memref<160x128xi32, #tpu.memory_space<hbm>>
      tpu.wait_dma2 semaphore(%run_scoped3A : memref<!tpu.dma_semaphore, #tpu.memory_space<semaphore_mem>>) src(%dma_wait3A_222 : memref<160x128xi32, #tpu.memory_space<hbm>>) dst(%arg6 : memref<160x128xi32, #tpu.memory_space<vmem>>)
      tpu.yield
    }) : () -> ()
    %barrier3A = arith.constant 0 : index
    tpu.barrier barrier_id(%barrier3A)
    %dma_start3A = arith.constant 0 : i32
    %dma_start3A_34 = arith.constant 0 : i32
    %dma_start3A_35 = arith.constant 0 : i32
    %dma_start3A_36 = arith.constant 0 : i32
    %dma_start3A_37 = arith.constant 0 : i32
    %dma_start3A_38 = tpu.memref_slice %arg8[%dma_start3A_34, %dma_start3A_36, %dma_start3A_37] : memref<4x128x64xf32, #tpu.memory_space<vmem>> -> memref<1x128x64xf32, #tpu.memory_space<vmem>>
    %dma_start3A_39 = tpu.memref_squeeze %dma_start3A_38 : memref<1x128x64xf32, #tpu.memory_space<vmem>> -> memref<128x64xf32, #tpu.memory_space<vmem>>
    %dma_start3A_40 = arith.constant 0 : i32
    %dma_start3A_41 = tpu.memref_slice %arg6[%dma_start3A, %dma_start3A_40] : memref<160x128xi32, #tpu.memory_space<vmem>> -> memref<1x128xi32, #tpu.memory_space<vmem>>
    %dma_start3A_42 = tpu.memref_squeeze %dma_start3A_41 : memref<1x128xi32, #tpu.memory_space<vmem>> -> memref<128xi32, #tpu.memory_space<vmem>>
    %dma_start3A_43 = arith.constant 0 : i32
    %dma_start3A_44 = arith.constant 0 : i32
    %dma_start3A_45 = tpu.memref_slice %arg2[%dma_start3A_43, %dma_start3A_44] : memref<40000x64xf32, #tpu.memory_space<hbm>> -> memref<40000x64xf32, #tpu.memory_space<hbm>>
    %dma_start3A_46 = tpu.memref_slice %arg11[%dma_start3A_35] : memref<4x!tpu.dma_semaphore, #tpu.memory_space<semaphore_mem>> -> memref<1x!tpu.dma_semaphore, #tpu.memory_space<semaphore_mem>>
    %dma_start3A_47 = tpu.memref_squeeze %dma_start3A_46 : memref<1x!tpu.dma_semaphore, #tpu.memory_space<semaphore_mem>> -> memref<!tpu.dma_semaphore, #tpu.memory_space<semaphore_mem>>
    tpu.enqueue_indirect_dma source(%dma_start3A_45 : memref<40000x64xf32, #tpu.memory_space<hbm>>) target(%dma_start3A_39 : memref<128x64xf32, #tpu.memory_space<vmem>>) offsets(%dma_start3A_42 : memref<128xi32, #tpu.memory_space<vmem>>) semaphore(%dma_start3A_47 : memref<!tpu.dma_semaphore, #tpu.memory_space<semaphore_mem>>)
    %dma_start3A_48 = arith.constant 1 : i32
    %dma_start3A_49 = arith.constant 1 : i32
    %dma_start3A_50 = arith.constant 1 : i32
    %dma_start3A_51 = arith.constant 0 : i32
    %dma_start3A_52 = arith.constant 0 : i32
    %dma_start3A_53 = tpu.memref_slice %arg8[%dma_start3A_49, %dma_start3A_51, %dma_start3A_52] : memref<4x128x64xf32, #tpu.memory_space<vmem>> -> memref<1x128x64xf32, #tpu.memory_space<vmem>>
    %dma_start3A_54 = tpu.memref_squeeze %dma_start3A_53 : memref<1x128x64xf32, #tpu.memory_space<vmem>> -> memref<128x64xf32, #tpu.memory_space<vmem>>
    %dma_start3A_55 = arith.constant 0 : i32
    %dma_start3A_56 = tpu.memref_slice %arg6[%dma_start3A_48, %dma_start3A_55] : memref<160x128xi32, #tpu.memory_space<vmem>> -> memref<1x128xi32, #tpu.memory_space<vmem>>
    %dma_start3A_57 = tpu.memref_squeeze %dma_start3A_56 : memref<1x128xi32, #tpu.memory_space<vmem>> -> memref<128xi32, #tpu.memory_space<vmem>>
    %dma_start3A_58 = arith.constant 0 : i32
    %dma_start3A_59 = arith.constant 0 : i32
    %dma_start3A_60 = tpu.memref_slice %arg2[%dma_start3A_58, %dma_start3A_59] : memref<40000x64xf32, #tpu.memory_space<hbm>> -> memref<40000x64xf32, #tpu.memory_space<hbm>>
    %dma_start3A_61 = tpu.memref_slice %arg11[%dma_start3A_50] : memref<4x!tpu.dma_semaphore, #tpu.memory_space<semaphore_mem>> -> memref<1x!tpu.dma_semaphore, #tpu.memory_space<semaphore_mem>>
    %dma_start3A_62 = tpu.memref_squeeze %dma_start3A_61 : memref<1x!tpu.dma_semaphore, #tpu.memory_space<semaphore_mem>> -> memref<!tpu.dma_semaphore, #tpu.memory_space<semaphore_mem>>
    tpu.enqueue_indirect_dma source(%dma_start3A_60 : memref<40000x64xf32, #tpu.memory_space<hbm>>) target(%dma_start3A_54 : memref<128x64xf32, #tpu.memory_space<vmem>>) offsets(%dma_start3A_57 : memref<128xi32, #tpu.memory_space<vmem>>) semaphore(%dma_start3A_62 : memref<!tpu.dma_semaphore, #tpu.memory_space<semaphore_mem>>)
    %dma_start3A_63 = arith.constant 2 : i32
    %dma_start3A_64 = arith.constant 2 : i32
    %dma_start3A_65 = arith.constant 2 : i32
    %dma_start3A_66 = arith.constant 0 : i32
    %dma_start3A_67 = arith.constant 0 : i32
    %dma_start3A_68 = tpu.memref_slice %arg8[%dma_start3A_64, %dma_start3A_66, %dma_start3A_67] : memref<4x128x64xf32, #tpu.memory_space<vmem>> -> memref<1x128x64xf32, #tpu.memory_space<vmem>>
    %dma_start3A_69 = tpu.memref_squeeze %dma_start3A_68 : memref<1x128x64xf32, #tpu.memory_space<vmem>> -> memref<128x64xf32, #tpu.memory_space<vmem>>
    %dma_start3A_70 = arith.constant 0 : i32
    %dma_start3A_71 = tpu.memref_slice %arg6[%dma_start3A_63, %dma_start3A_70] : memref<160x128xi32, #tpu.memory_space<vmem>> -> memref<1x128xi32, #tpu.memory_space<vmem>>
    %dma_start3A_72 = tpu.memref_squeeze %dma_start3A_71 : memref<1x128xi32, #tpu.memory_space<vmem>> -> memref<128xi32, #tpu.memory_space<vmem>>
    %dma_start3A_73 = arith.constant 0 : i32
    %dma_start3A_74 = arith.constant 0 : i32
    %dma_start3A_75 = tpu.memref_slice %arg2[%dma_start3A_73, %dma_start3A_74] : memref<40000x64xf32, #tpu.memory_space<hbm>> -> memref<40000x64xf32, #tpu.memory_space<hbm>>
    %dma_start3A_76 = tpu.memref_slice %arg11[%dma_start3A_65] : memref<4x!tpu.dma_semaphore, #tpu.memory_space<semaphore_mem>> -> memref<1x!tpu.dma_semaphore, #tpu.memory_space<semaphore_mem>>
    %dma_start3A_77 = tpu.memref_squeeze %dma_start3A_76 : memref<1x!tpu.dma_semaphore, #tpu.memory_space<semaphore_mem>> -> memref<!tpu.dma_semaphore, #tpu.memory_space<semaphore_mem>>
    tpu.enqueue_indirect_dma source(%dma_start3A_75 : memref<40000x64xf32, #tpu.memory_space<hbm>>) target(%dma_start3A_69 : memref<128x64xf32, #tpu.memory_space<vmem>>) offsets(%dma_start3A_72 : memref<128xi32, #tpu.memory_space<vmem>>) semaphore(%dma_start3A_77 : memref<!tpu.dma_semaphore, #tpu.memory_space<semaphore_mem>>)
    %dma_start3A_78 = arith.constant 3 : i32
    %dma_start3A_79 = arith.constant 3 : i32
    %dma_start3A_80 = arith.constant 3 : i32
    %dma_start3A_81 = arith.constant 0 : i32
    %dma_start3A_82 = arith.constant 0 : i32
    %dma_start3A_83 = tpu.memref_slice %arg8[%dma_start3A_79, %dma_start3A_81, %dma_start3A_82] : memref<4x128x64xf32, #tpu.memory_space<vmem>> -> memref<1x128x64xf32, #tpu.memory_space<vmem>>
    %dma_start3A_84 = tpu.memref_squeeze %dma_start3A_83 : memref<1x128x64xf32, #tpu.memory_space<vmem>> -> memref<128x64xf32, #tpu.memory_space<vmem>>
    %dma_start3A_85 = arith.constant 0 : i32
    %dma_start3A_86 = tpu.memref_slice %arg6[%dma_start3A_78, %dma_start3A_85] : memref<160x128xi32, #tpu.memory_space<vmem>> -> memref<1x128xi32, #tpu.memory_space<vmem>>
    %dma_start3A_87 = tpu.memref_squeeze %dma_start3A_86 : memref<1x128xi32, #tpu.memory_space<vmem>> -> memref<128xi32, #tpu.memory_space<vmem>>
    %dma_start3A_88 = arith.constant 0 : i32
    %dma_start3A_89 = arith.constant 0 : i32
    %dma_start3A_90 = tpu.memref_slice %arg2[%dma_start3A_88, %dma_start3A_89] : memref<40000x64xf32, #tpu.memory_space<hbm>> -> memref<40000x64xf32, #tpu.memory_space<hbm>>
    %dma_start3A_91 = tpu.memref_slice %arg11[%dma_start3A_80] : memref<4x!tpu.dma_semaphore, #tpu.memory_space<semaphore_mem>> -> memref<1x!tpu.dma_semaphore, #tpu.memory_space<semaphore_mem>>
    %dma_start3A_92 = tpu.memref_squeeze %dma_start3A_91 : memref<1x!tpu.dma_semaphore, #tpu.memory_space<semaphore_mem>> -> memref<!tpu.dma_semaphore, #tpu.memory_space<semaphore_mem>>
    tpu.enqueue_indirect_dma source(%dma_start3A_90 : memref<40000x64xf32, #tpu.memory_space<hbm>>) target(%dma_start3A_84 : memref<128x64xf32, #tpu.memory_space<vmem>>) offsets(%dma_start3A_87 : memref<128xi32, #tpu.memory_space<vmem>>) semaphore(%dma_start3A_92 : memref<!tpu.dma_semaphore, #tpu.memory_space<semaphore_mem>>)
    %scan3A_93 = arith.constant 0 : i32
    %scan3A_94 = arith.constant 0 : i32
    %scan3A_95 = arith.constant 1 : i32
    %scan3A_96 = arith.constant 1 : i32
    %scan3A_97 = arith.constant 2 : i32
    %scan3A_98 = arith.constant 2 : i32
    %scan3A_99 = arith.constant 3 : i32
    %scan3A_100 = arith.constant 3 : i32
    %scan3A_101 = arith.constant 0 : i32
    %scan3A_102 = arith.constant 0 : i32
    %scan3A_103 = arith.constant 40 : i32
    %scan3A_104 = arith.addi %scan3A_102, %scan3A_103 : i32
    %scan3A_105 = arith.constant 1 : i32
    %scan3A_106 = scf.for %scan3A_212 = %scan3A_102 to %scan3A_104 step %scan3A_105 iter_args(%scan3A_213 = %scan3A_101) -> (i32)  : i32 {
      %mul3A_214 = arith.constant 4 : i32
      %mul3A_215 = arith.muli %scan3A_212, %mul3A_214 : i32
      %add3A_216 = arith.constant 0 : i32
      %add3A_217 = arith.addi %mul3A_215, %add3A_216 : i32
      %dma_wait3A = arith.constant 0 : i32
      %dma_wait3A_218 = arith.constant 0 : i32
      %dma_wait3A_219 = tpu.memref_slice %arg8[%scan3A_93, %dma_wait3A, %dma_wait3A_218] : memref<4x128x64xf32, #tpu.memory_space<vmem>> -> memref<1x128x64xf32, #tpu.memory_space<vmem>>
      %dma_wait3A_220 = tpu.memref_squeeze %dma_wait3A_219 : memref<1x128x64xf32, #tpu.memory_space<vmem>> -> memref<128x64xf32, #tpu.memory_space<vmem>>
      %dma_wait3A_221 = arith.constant 0 : i32
      %dma_wait3A_222 = tpu.memref_slice %arg6[%add3A_217, %dma_wait3A_221] : memref<160x128xi32, #tpu.memory_space<vmem>> -> memref<1x128xi32, #tpu.memory_space<vmem>>
      %dma_wait3A_223 = tpu.memref_squeeze %dma_wait3A_222 : memref<1x128xi32, #tpu.memory_space<vmem>> -> memref<128xi32, #tpu.memory_space<vmem>>
      %dma_wait3A_224 = arith.constant 0 : i32
      %dma_wait3A_225 = arith.constant 0 : i32
      %dma_wait3A_226 = tpu.memref_slice %arg2[%dma_wait3A_224, %dma_wait3A_225] : memref<40000x64xf32, #tpu.memory_space<hbm>> -> memref<40000x64xf32, #tpu.memory_space<hbm>>
      %dma_wait3A_227 = tpu.memref_slice %arg11[%scan3A_94] : memref<4x!tpu.dma_semaphore, #tpu.memory_space<semaphore_mem>> -> memref<1x!tpu.dma_semaphore, #tpu.memory_space<semaphore_mem>>
      %dma_wait3A_228 = tpu.memref_squeeze %dma_wait3A_227 : memref<1x!tpu.dma_semaphore, #tpu.memory_space<semaphore_mem>> -> memref<!tpu.dma_semaphore, #tpu.memory_space<semaphore_mem>>
      tpu.wait_indirect_dma semaphore(%dma_wait3A_228 : memref<!tpu.dma_semaphore, #tpu.memory_space<semaphore_mem>>) src(%dma_wait3A_226 : memref<40000x64xf32, #tpu.memory_space<hbm>>) dst(%dma_wait3A_220 : memref<128x64xf32, #tpu.memory_space<vmem>>)
      "tpu.region"() ({
        %run_scoped3A = tpu.sem_alloc : memref<!tpu.dma_semaphore, #tpu.memory_space<semaphore_mem>>
        %dma_start3A_289 = arith.constant 0 : i32
        %dma_start3A_290 = arith.constant 0 : i32
        %dma_start3A_291 = tpu.memref_slice %arg8[%scan3A_93, %dma_start3A_289, %dma_start3A_290] : memref<4x128x64xf32, #tpu.memory_space<vmem>> -> memref<1x128x64xf32, #tpu.memory_space<vmem>>
        %dma_start3A_292 = tpu.memref_squeeze %dma_start3A_291 : memref<1x128x64xf32, #tpu.memory_space<vmem>> -> memref<128x64xf32, #tpu.memory_space<vmem>>
        %dma_start3A_293 = arith.constant 0 : i32
        %dma_start3A_294 = tpu.memref_slice %arg7[%add3A_217, %dma_start3A_293] : memref<160x128xi32, #tpu.memory_space<vmem>> -> memref<1x128xi32, #tpu.memory_space<vmem>>
        %dma_start3A_295 = tpu.memref_squeeze %dma_start3A_294 : memref<1x128xi32, #tpu.memory_space<vmem>> -> memref<128xi32, #tpu.memory_space<vmem>>
        %dma_start3A_296 = arith.constant 0 : i32
        %dma_start3A_297 = arith.constant 0 : i32
        %dma_start3A_298 = tpu.memref_slice %arg10[%dma_start3A_296, %dma_start3A_297] : memref<10112x64xf32, #tpu.memory_space<vmem_shared>> -> memref<10112x64xf32, #tpu.memory_space<vmem_shared>>
        tpu.enqueue_indirect_dma source(%dma_start3A_292 : memref<128x64xf32, #tpu.memory_space<vmem>>) target(%dma_start3A_298 : memref<10112x64xf32, #tpu.memory_space<vmem_shared>>) offsets(%dma_start3A_295 : memref<128xi32, #tpu.memory_space<vmem>>) semaphore(%run_scoped3A : memref<!tpu.dma_semaphore, #tpu.memory_space<semaphore_mem>>) {add = true}
        %dma_wait3A_299 = arith.constant 0 : i32
        %dma_wait3A_300 = arith.constant 0 : i32
        %dma_wait3A_301 = tpu.memref_slice %arg8[%scan3A_93, %dma_wait3A_299, %dma_wait3A_300] : memref<4x128x64xf32, #tpu.memory_space<vmem>> -> memref<1x128x64xf32, #tpu.memory_space<vmem>>
        %dma_wait3A_302 = tpu.memref_squeeze %dma_wait3A_301 : memref<1x128x64xf32, #tpu.memory_space<vmem>> -> memref<128x64xf32, #tpu.memory_space<vmem>>
        %dma_wait3A_303 = arith.constant 0 : i32
        %dma_wait3A_304 = tpu.memref_slice %arg7[%add3A_217, %dma_wait3A_303] : memref<160x128xi32, #tpu.memory_space<vmem>> -> memref<1x128xi32, #tpu.memory_space<vmem>>
        %dma_wait3A_305 = tpu.memref_squeeze %dma_wait3A_304 : memref<1x128xi32, #tpu.memory_space<vmem>> -> memref<128xi32, #tpu.memory_space<vmem>>
        %dma_wait3A_306 = arith.constant 0 : i32
        %dma_wait3A_307 = arith.constant 0 : i32
        %dma_wait3A_308 = tpu.memref_slice %arg10[%dma_wait3A_306, %dma_wait3A_307] : memref<10112x64xf32, #tpu.memory_space<vmem_shared>> -> memref<10112x64xf32, #tpu.memory_space<vmem_shared>>
        tpu.wait_indirect_dma semaphore(%run_scoped3A : memref<!tpu.dma_semaphore, #tpu.memory_space<semaphore_mem>>) src(%dma_wait3A_302 : memref<128x64xf32, #tpu.memory_space<vmem>>) dst(%dma_wait3A_308 : memref<10112x64xf32, #tpu.memory_space<vmem_shared>>)
        tpu.yield
      }) : () -> ()
      %lt3A = arith.constant 39 : i32
      %lt3A_229 = arith.cmpi slt, %scan3A_212, %lt3A : i32
      %convert_element_type3A = arith.extui %lt3A_229 : i1 to i32
      %cond3A = arith.constant 0 : i32
      %cond3A_230 = arith.cmpi ne, %convert_element_type3A, %cond3A : i32
      scf.if %cond3A_230 {
        %add3A_289 = arith.constant 4 : i32
        %add3A_290 = arith.addi %add3A_217, %add3A_289 : i32
        %dma_start3A_291 = arith.constant 0 : i32
        %dma_start3A_292 = arith.constant 0 : i32
        %dma_start3A_293 = tpu.memref_slice %arg8[%scan3A_93, %dma_start3A_291, %dma_start3A_292] : memref<4x128x64xf32, #tpu.memory_space<vmem>> -> memref<1x128x64xf32, #tpu.memory_space<vmem>>
        %dma_start3A_294 = tpu.memref_squeeze %dma_start3A_293 : memref<1x128x64xf32, #tpu.memory_space<vmem>> -> memref<128x64xf32, #tpu.memory_space<vmem>>
        %dma_start3A_295 = arith.constant 0 : i32
        %dma_start3A_296 = tpu.memref_slice %arg6[%add3A_290, %dma_start3A_295] : memref<160x128xi32, #tpu.memory_space<vmem>> -> memref<1x128xi32, #tpu.memory_space<vmem>>
        %dma_start3A_297 = tpu.memref_squeeze %dma_start3A_296 : memref<1x128xi32, #tpu.memory_space<vmem>> -> memref<128xi32, #tpu.memory_space<vmem>>
        %dma_start3A_298 = arith.constant 0 : i32
        %dma_start3A_299 = arith.constant 0 : i32
        %dma_start3A_300 = tpu.memref_slice %arg2[%dma_start3A_298, %dma_start3A_299] : memref<40000x64xf32, #tpu.memory_space<hbm>> -> memref<40000x64xf32, #tpu.memory_space<hbm>>
        %dma_start3A_301 = tpu.memref_slice %arg11[%scan3A_94] : memref<4x!tpu.dma_semaphore, #tpu.memory_space<semaphore_mem>> -> memref<1x!tpu.dma_semaphore, #tpu.memory_space<semaphore_mem>>
        %dma_start3A_302 = tpu.memref_squeeze %dma_start3A_301 : memref<1x!tpu.dma_semaphore, #tpu.memory_space<semaphore_mem>> -> memref<!tpu.dma_semaphore, #tpu.memory_space<semaphore_mem>>
        tpu.enqueue_indirect_dma source(%dma_start3A_300 : memref<40000x64xf32, #tpu.memory_space<hbm>>) target(%dma_start3A_294 : memref<128x64xf32, #tpu.memory_space<vmem>>) offsets(%dma_start3A_297 : memref<128xi32, #tpu.memory_space<vmem>>) semaphore(%dma_start3A_302 : memref<!tpu.dma_semaphore, #tpu.memory_space<semaphore_mem>>)
      } else {
      }
      %add3A_231 = arith.constant 1 : i32
      %add3A_232 = arith.addi %mul3A_215, %add3A_231 : i32
      %dma_wait3A_233 = arith.constant 0 : i32
      %dma_wait3A_234 = arith.constant 0 : i32
      %dma_wait3A_235 = tpu.memref_slice %arg8[%scan3A_95, %dma_wait3A_233, %dma_wait3A_234] : memref<4x128x64xf32, #tpu.memory_space<vmem>> -> memref<1x128x64xf32, #tpu.memory_space<vmem>>
      %dma_wait3A_236 = tpu.memref_squeeze %dma_wait3A_235 : memref<1x128x64xf32, #tpu.memory_space<vmem>> -> memref<128x64xf32, #tpu.memory_space<vmem>>
      %dma_wait3A_237 = arith.constant 0 : i32
      %dma_wait3A_238 = tpu.memref_slice %arg6[%add3A_232, %dma_wait3A_237] : memref<160x128xi32, #tpu.memory_space<vmem>> -> memref<1x128xi32, #tpu.memory_space<vmem>>
      %dma_wait3A_239 = tpu.memref_squeeze %dma_wait3A_238 : memref<1x128xi32, #tpu.memory_space<vmem>> -> memref<128xi32, #tpu.memory_space<vmem>>
      %dma_wait3A_240 = arith.constant 0 : i32
      %dma_wait3A_241 = arith.constant 0 : i32
      %dma_wait3A_242 = tpu.memref_slice %arg2[%dma_wait3A_240, %dma_wait3A_241] : memref<40000x64xf32, #tpu.memory_space<hbm>> -> memref<40000x64xf32, #tpu.memory_space<hbm>>
      %dma_wait3A_243 = tpu.memref_slice %arg11[%scan3A_96] : memref<4x!tpu.dma_semaphore, #tpu.memory_space<semaphore_mem>> -> memref<1x!tpu.dma_semaphore, #tpu.memory_space<semaphore_mem>>
      %dma_wait3A_244 = tpu.memref_squeeze %dma_wait3A_243 : memref<1x!tpu.dma_semaphore, #tpu.memory_space<semaphore_mem>> -> memref<!tpu.dma_semaphore, #tpu.memory_space<semaphore_mem>>
      tpu.wait_indirect_dma semaphore(%dma_wait3A_244 : memref<!tpu.dma_semaphore, #tpu.memory_space<semaphore_mem>>) src(%dma_wait3A_242 : memref<40000x64xf32, #tpu.memory_space<hbm>>) dst(%dma_wait3A_236 : memref<128x64xf32, #tpu.memory_space<vmem>>)
      "tpu.region"() ({
        %run_scoped3A = tpu.sem_alloc : memref<!tpu.dma_semaphore, #tpu.memory_space<semaphore_mem>>
        %dma_start3A_289 = arith.constant 0 : i32
        %dma_start3A_290 = arith.constant 0 : i32
        %dma_start3A_291 = tpu.memref_slice %arg8[%scan3A_95, %dma_start3A_289, %dma_start3A_290] : memref<4x128x64xf32, #tpu.memory_space<vmem>> -> memref<1x128x64xf32, #tpu.memory_space<vmem>>
        %dma_start3A_292 = tpu.memref_squeeze %dma_start3A_291 : memref<1x128x64xf32, #tpu.memory_space<vmem>> -> memref<128x64xf32, #tpu.memory_space<vmem>>
        %dma_start3A_293 = arith.constant 0 : i32
        %dma_start3A_294 = tpu.memref_slice %arg7[%add3A_232, %dma_start3A_293] : memref<160x128xi32, #tpu.memory_space<vmem>> -> memref<1x128xi32, #tpu.memory_space<vmem>>
        %dma_start3A_295 = tpu.memref_squeeze %dma_start3A_294 : memref<1x128xi32, #tpu.memory_space<vmem>> -> memref<128xi32, #tpu.memory_space<vmem>>
        %dma_start3A_296 = arith.constant 0 : i32
        %dma_start3A_297 = arith.constant 0 : i32
        %dma_start3A_298 = tpu.memref_slice %arg10[%dma_start3A_296, %dma_start3A_297] : memref<10112x64xf32, #tpu.memory_space<vmem_shared>> -> memref<10112x64xf32, #tpu.memory_space<vmem_shared>>
        tpu.enqueue_indirect_dma source(%dma_start3A_292 : memref<128x64xf32, #tpu.memory_space<vmem>>) target(%dma_start3A_298 : memref<10112x64xf32, #tpu.memory_space<vmem_shared>>) offsets(%dma_start3A_295 : memref<128xi32, #tpu.memory_space<vmem>>) semaphore(%run_scoped3A : memref<!tpu.dma_semaphore, #tpu.memory_space<semaphore_mem>>) {add = true}
        %dma_wait3A_299 = arith.constant 0 : i32
        %dma_wait3A_300 = arith.constant 0 : i32
        %dma_wait3A_301 = tpu.memref_slice %arg8[%scan3A_95, %dma_wait3A_299, %dma_wait3A_300] : memref<4x128x64xf32, #tpu.memory_space<vmem>> -> memref<1x128x64xf32, #tpu.memory_space<vmem>>
        %dma_wait3A_302 = tpu.memref_squeeze %dma_wait3A_301 : memref<1x128x64xf32, #tpu.memory_space<vmem>> -> memref<128x64xf32, #tpu.memory_space<vmem>>
        %dma_wait3A_303 = arith.constant 0 : i32
        %dma_wait3A_304 = tpu.memref_slice %arg7[%add3A_232, %dma_wait3A_303] : memref<160x128xi32, #tpu.memory_space<vmem>> -> memref<1x128xi32, #tpu.memory_space<vmem>>
        %dma_wait3A_305 = tpu.memref_squeeze %dma_wait3A_304 : memref<1x128xi32, #tpu.memory_space<vmem>> -> memref<128xi32, #tpu.memory_space<vmem>>
        %dma_wait3A_306 = arith.constant 0 : i32
        %dma_wait3A_307 = arith.constant 0 : i32
        %dma_wait3A_308 = tpu.memref_slice %arg10[%dma_wait3A_306, %dma_wait3A_307] : memref<10112x64xf32, #tpu.memory_space<vmem_shared>> -> memref<10112x64xf32, #tpu.memory_space<vmem_shared>>
        tpu.wait_indirect_dma semaphore(%run_scoped3A : memref<!tpu.dma_semaphore, #tpu.memory_space<semaphore_mem>>) src(%dma_wait3A_302 : memref<128x64xf32, #tpu.memory_space<vmem>>) dst(%dma_wait3A_308 : memref<10112x64xf32, #tpu.memory_space<vmem_shared>>)
        tpu.yield
      }) : () -> ()
      %lt3A_245 = arith.constant 39 : i32
      %lt3A_246 = arith.cmpi slt, %scan3A_212, %lt3A_245 : i32
      %convert_element_type3A_247 = arith.extui %lt3A_246 : i1 to i32
      %cond3A_248 = arith.constant 0 : i32
      %cond3A_249 = arith.cmpi ne, %convert_element_type3A_247, %cond3A_248 : i32
      scf.if %cond3A_249 {
        %add3A_289 = arith.constant 4 : i32
        %add3A_290 = arith.addi %add3A_232, %add3A_289 : i32
        %dma_start3A_291 = arith.constant 0 : i32
        %dma_start3A_292 = arith.constant 0 : i32
        %dma_start3A_293 = tpu.memref_slice %arg8[%scan3A_95, %dma_start3A_291, %dma_start3A_292] : memref<4x128x64xf32, #tpu.memory_space<vmem>> -> memref<1x128x64xf32, #tpu.memory_space<vmem>>
        %dma_start3A_294 = tpu.memref_squeeze %dma_start3A_293 : memref<1x128x64xf32, #tpu.memory_space<vmem>> -> memref<128x64xf32, #tpu.memory_space<vmem>>
        %dma_start3A_295 = arith.constant 0 : i32
        %dma_start3A_296 = tpu.memref_slice %arg6[%add3A_290, %dma_start3A_295] : memref<160x128xi32, #tpu.memory_space<vmem>> -> memref<1x128xi32, #tpu.memory_space<vmem>>
        %dma_start3A_297 = tpu.memref_squeeze %dma_start3A_296 : memref<1x128xi32, #tpu.memory_space<vmem>> -> memref<128xi32, #tpu.memory_space<vmem>>
        %dma_start3A_298 = arith.constant 0 : i32
        %dma_start3A_299 = arith.constant 0 : i32
        %dma_start3A_300 = tpu.memref_slice %arg2[%dma_start3A_298, %dma_start3A_299] : memref<40000x64xf32, #tpu.memory_space<hbm>> -> memref<40000x64xf32, #tpu.memory_space<hbm>>
        %dma_start3A_301 = tpu.memref_slice %arg11[%scan3A_96] : memref<4x!tpu.dma_semaphore, #tpu.memory_space<semaphore_mem>> -> memref<1x!tpu.dma_semaphore, #tpu.memory_space<semaphore_mem>>
        %dma_start3A_302 = tpu.memref_squeeze %dma_start3A_301 : memref<1x!tpu.dma_semaphore, #tpu.memory_space<semaphore_mem>> -> memref<!tpu.dma_semaphore, #tpu.memory_space<semaphore_mem>>
        tpu.enqueue_indirect_dma source(%dma_start3A_300 : memref<40000x64xf32, #tpu.memory_space<hbm>>) target(%dma_start3A_294 : memref<128x64xf32, #tpu.memory_space<vmem>>) offsets(%dma_start3A_297 : memref<128xi32, #tpu.memory_space<vmem>>) semaphore(%dma_start3A_302 : memref<!tpu.dma_semaphore, #tpu.memory_space<semaphore_mem>>)
      } else {
      }
      %add3A_250 = arith.constant 2 : i32
      %add3A_251 = arith.addi %mul3A_215, %add3A_250 : i32
      %dma_wait3A_252 = arith.constant 0 : i32
      %dma_wait3A_253 = arith.constant 0 : i32
      %dma_wait3A_254 = tpu.memref_slice %arg8[%scan3A_97, %dma_wait3A_252, %dma_wait3A_253] : memref<4x128x64xf32, #tpu.memory_space<vmem>> -> memref<1x128x64xf32, #tpu.memory_space<vmem>>
      %dma_wait3A_255 = tpu.memref_squeeze %dma_wait3A_254 : memref<1x128x64xf32, #tpu.memory_space<vmem>> -> memref<128x64xf32, #tpu.memory_space<vmem>>
      %dma_wait3A_256 = arith.constant 0 : i32
      %dma_wait3A_257 = tpu.memref_slice %arg6[%add3A_251, %dma_wait3A_256] : memref<160x128xi32, #tpu.memory_space<vmem>> -> memref<1x128xi32, #tpu.memory_space<vmem>>
      %dma_wait3A_258 = tpu.memref_squeeze %dma_wait3A_257 : memref<1x128xi32, #tpu.memory_space<vmem>> -> memref<128xi32, #tpu.memory_space<vmem>>
      %dma_wait3A_259 = arith.constant 0 : i32
      %dma_wait3A_260 = arith.constant 0 : i32
      %dma_wait3A_261 = tpu.memref_slice %arg2[%dma_wait3A_259, %dma_wait3A_260] : memref<40000x64xf32, #tpu.memory_space<hbm>> -> memref<40000x64xf32, #tpu.memory_space<hbm>>
      %dma_wait3A_262 = tpu.memref_slice %arg11[%scan3A_98] : memref<4x!tpu.dma_semaphore, #tpu.memory_space<semaphore_mem>> -> memref<1x!tpu.dma_semaphore, #tpu.memory_space<semaphore_mem>>
      %dma_wait3A_263 = tpu.memref_squeeze %dma_wait3A_262 : memref<1x!tpu.dma_semaphore, #tpu.memory_space<semaphore_mem>> -> memref<!tpu.dma_semaphore, #tpu.memory_space<semaphore_mem>>
      tpu.wait_indirect_dma semaphore(%dma_wait3A_263 : memref<!tpu.dma_semaphore, #tpu.memory_space<semaphore_mem>>) src(%dma_wait3A_261 : memref<40000x64xf32, #tpu.memory_space<hbm>>) dst(%dma_wait3A_255 : memref<128x64xf32, #tpu.memory_space<vmem>>)
      "tpu.region"() ({
        %run_scoped3A = tpu.sem_alloc : memref<!tpu.dma_semaphore, #tpu.memory_space<semaphore_mem>>
        %dma_start3A_289 = arith.constant 0 : i32
        %dma_start3A_290 = arith.constant 0 : i32
        %dma_start3A_291 = tpu.memref_slice %arg8[%scan3A_97, %dma_start3A_289, %dma_start3A_290] : memref<4x128x64xf32, #tpu.memory_space<vmem>> -> memref<1x128x64xf32, #tpu.memory_space<vmem>>
        %dma_start3A_292 = tpu.memref_squeeze %dma_start3A_291 : memref<1x128x64xf32, #tpu.memory_space<vmem>> -> memref<128x64xf32, #tpu.memory_space<vmem>>
        %dma_start3A_293 = arith.constant 0 : i32
        %dma_start3A_294 = tpu.memref_slice %arg7[%add3A_251, %dma_start3A_293] : memref<160x128xi32, #tpu.memory_space<vmem>> -> memref<1x128xi32, #tpu.memory_space<vmem>>
        %dma_start3A_295 = tpu.memref_squeeze %dma_start3A_294 : memref<1x128xi32, #tpu.memory_space<vmem>> -> memref<128xi32, #tpu.memory_space<vmem>>
        %dma_start3A_296 = arith.constant 0 : i32
        %dma_start3A_297 = arith.constant 0 : i32
        %dma_start3A_298 = tpu.memref_slice %arg10[%dma_start3A_296, %dma_start3A_297] : memref<10112x64xf32, #tpu.memory_space<vmem_shared>> -> memref<10112x64xf32, #tpu.memory_space<vmem_shared>>
        tpu.enqueue_indirect_dma source(%dma_start3A_292 : memref<128x64xf32, #tpu.memory_space<vmem>>) target(%dma_start3A_298 : memref<10112x64xf32, #tpu.memory_space<vmem_shared>>) offsets(%dma_start3A_295 : memref<128xi32, #tpu.memory_space<vmem>>) semaphore(%run_scoped3A : memref<!tpu.dma_semaphore, #tpu.memory_space<semaphore_mem>>) {add = true}
        %dma_wait3A_299 = arith.constant 0 : i32
        %dma_wait3A_300 = arith.constant 0 : i32
        %dma_wait3A_301 = tpu.memref_slice %arg8[%scan3A_97, %dma_wait3A_299, %dma_wait3A_300] : memref<4x128x64xf32, #tpu.memory_space<vmem>> -> memref<1x128x64xf32, #tpu.memory_space<vmem>>
        %dma_wait3A_302 = tpu.memref_squeeze %dma_wait3A_301 : memref<1x128x64xf32, #tpu.memory_space<vmem>> -> memref<128x64xf32, #tpu.memory_space<vmem>>
        %dma_wait3A_303 = arith.constant 0 : i32
        %dma_wait3A_304 = tpu.memref_slice %arg7[%add3A_251, %dma_wait3A_303] : memref<160x128xi32, #tpu.memory_space<vmem>> -> memref<1x128xi32, #tpu.memory_space<vmem>>
        %dma_wait3A_305 = tpu.memref_squeeze %dma_wait3A_304 : memref<1x128xi32, #tpu.memory_space<vmem>> -> memref<128xi32, #tpu.memory_space<vmem>>
        %dma_wait3A_306 = arith.constant 0 : i32
        %dma_wait3A_307 = arith.constant 0 : i32
        %dma_wait3A_308 = tpu.memref_slice %arg10[%dma_wait3A_306, %dma_wait3A_307] : memref<10112x64xf32, #tpu.memory_space<vmem_shared>> -> memref<10112x64xf32, #tpu.memory_space<vmem_shared>>
        tpu.wait_indirect_dma semaphore(%run_scoped3A : memref<!tpu.dma_semaphore, #tpu.memory_space<semaphore_mem>>) src(%dma_wait3A_302 : memref<128x64xf32, #tpu.memory_space<vmem>>) dst(%dma_wait3A_308 : memref<10112x64xf32, #tpu.memory_space<vmem_shared>>)
        tpu.yield
      }) : () -> ()
      %lt3A_264 = arith.constant 39 : i32
      %lt3A_265 = arith.cmpi slt, %scan3A_212, %lt3A_264 : i32
      %convert_element_type3A_266 = arith.extui %lt3A_265 : i1 to i32
      %cond3A_267 = arith.constant 0 : i32
      %cond3A_268 = arith.cmpi ne, %convert_element_type3A_266, %cond3A_267 : i32
      scf.if %cond3A_268 {
        %add3A_289 = arith.constant 4 : i32
        %add3A_290 = arith.addi %add3A_251, %add3A_289 : i32
        %dma_start3A_291 = arith.constant 0 : i32
        %dma_start3A_292 = arith.constant 0 : i32
        %dma_start3A_293 = tpu.memref_slice %arg8[%scan3A_97, %dma_start3A_291, %dma_start3A_292] : memref<4x128x64xf32, #tpu.memory_space<vmem>> -> memref<1x128x64xf32, #tpu.memory_space<vmem>>
        %dma_start3A_294 = tpu.memref_squeeze %dma_start3A_293 : memref<1x128x64xf32, #tpu.memory_space<vmem>> -> memref<128x64xf32, #tpu.memory_space<vmem>>
        %dma_start3A_295 = arith.constant 0 : i32
        %dma_start3A_296 = tpu.memref_slice %arg6[%add3A_290, %dma_start3A_295] : memref<160x128xi32, #tpu.memory_space<vmem>> -> memref<1x128xi32, #tpu.memory_space<vmem>>
        %dma_start3A_297 = tpu.memref_squeeze %dma_start3A_296 : memref<1x128xi32, #tpu.memory_space<vmem>> -> memref<128xi32, #tpu.memory_space<vmem>>
        %dma_start3A_298 = arith.constant 0 : i32
        %dma_start3A_299 = arith.constant 0 : i32
        %dma_start3A_300 = tpu.memref_slice %arg2[%dma_start3A_298, %dma_start3A_299] : memref<40000x64xf32, #tpu.memory_space<hbm>> -> memref<40000x64xf32, #tpu.memory_space<hbm>>
        %dma_start3A_301 = tpu.memref_slice %arg11[%scan3A_98] : memref<4x!tpu.dma_semaphore, #tpu.memory_space<semaphore_mem>> -> memref<1x!tpu.dma_semaphore, #tpu.memory_space<semaphore_mem>>
        %dma_start3A_302 = tpu.memref_squeeze %dma_start3A_301 : memref<1x!tpu.dma_semaphore, #tpu.memory_space<semaphore_mem>> -> memref<!tpu.dma_semaphore, #tpu.memory_space<semaphore_mem>>
        tpu.enqueue_indirect_dma source(%dma_start3A_300 : memref<40000x64xf32, #tpu.memory_space<hbm>>) target(%dma_start3A_294 : memref<128x64xf32, #tpu.memory_space<vmem>>) offsets(%dma_start3A_297 : memref<128xi32, #tpu.memory_space<vmem>>) semaphore(%dma_start3A_302 : memref<!tpu.dma_semaphore, #tpu.memory_space<semaphore_mem>>)
      } else {
      }
      %add3A_269 = arith.constant 3 : i32
      %add3A_270 = arith.addi %mul3A_215, %add3A_269 : i32
      %dma_wait3A_271 = arith.constant 0 : i32
      %dma_wait3A_272 = arith.constant 0 : i32
      %dma_wait3A_273 = tpu.memref_slice %arg8[%scan3A_99, %dma_wait3A_271, %dma_wait3A_272] : memref<4x128x64xf32, #tpu.memory_space<vmem>> -> memref<1x128x64xf32, #tpu.memory_space<vmem>>
      %dma_wait3A_274 = tpu.memref_squeeze %dma_wait3A_273 : memref<1x128x64xf32, #tpu.memory_space<vmem>> -> memref<128x64xf32, #tpu.memory_space<vmem>>
      %dma_wait3A_275 = arith.constant 0 : i32
      %dma_wait3A_276 = tpu.memref_slice %arg6[%add3A_270, %dma_wait3A_275] : memref<160x128xi32, #tpu.memory_space<vmem>> -> memref<1x128xi32, #tpu.memory_space<vmem>>
      %dma_wait3A_277 = tpu.memref_squeeze %dma_wait3A_276 : memref<1x128xi32, #tpu.memory_space<vmem>> -> memref<128xi32, #tpu.memory_space<vmem>>
      %dma_wait3A_278 = arith.constant 0 : i32
      %dma_wait3A_279 = arith.constant 0 : i32
      %dma_wait3A_280 = tpu.memref_slice %arg2[%dma_wait3A_278, %dma_wait3A_279] : memref<40000x64xf32, #tpu.memory_space<hbm>> -> memref<40000x64xf32, #tpu.memory_space<hbm>>
      %dma_wait3A_281 = tpu.memref_slice %arg11[%scan3A_100] : memref<4x!tpu.dma_semaphore, #tpu.memory_space<semaphore_mem>> -> memref<1x!tpu.dma_semaphore, #tpu.memory_space<semaphore_mem>>
      %dma_wait3A_282 = tpu.memref_squeeze %dma_wait3A_281 : memref<1x!tpu.dma_semaphore, #tpu.memory_space<semaphore_mem>> -> memref<!tpu.dma_semaphore, #tpu.memory_space<semaphore_mem>>
      tpu.wait_indirect_dma semaphore(%dma_wait3A_282 : memref<!tpu.dma_semaphore, #tpu.memory_space<semaphore_mem>>) src(%dma_wait3A_280 : memref<40000x64xf32, #tpu.memory_space<hbm>>) dst(%dma_wait3A_274 : memref<128x64xf32, #tpu.memory_space<vmem>>)
      "tpu.region"() ({
        %run_scoped3A = tpu.sem_alloc : memref<!tpu.dma_semaphore, #tpu.memory_space<semaphore_mem>>
        %dma_start3A_289 = arith.constant 0 : i32
        %dma_start3A_290 = arith.constant 0 : i32
        %dma_start3A_291 = tpu.memref_slice %arg8[%scan3A_99, %dma_start3A_289, %dma_start3A_290] : memref<4x128x64xf32, #tpu.memory_space<vmem>> -> memref<1x128x64xf32, #tpu.memory_space<vmem>>
        %dma_start3A_292 = tpu.memref_squeeze %dma_start3A_291 : memref<1x128x64xf32, #tpu.memory_space<vmem>> -> memref<128x64xf32, #tpu.memory_space<vmem>>
        %dma_start3A_293 = arith.constant 0 : i32
        %dma_start3A_294 = tpu.memref_slice %arg7[%add3A_270, %dma_start3A_293] : memref<160x128xi32, #tpu.memory_space<vmem>> -> memref<1x128xi32, #tpu.memory_space<vmem>>
        %dma_start3A_295 = tpu.memref_squeeze %dma_start3A_294 : memref<1x128xi32, #tpu.memory_space<vmem>> -> memref<128xi32, #tpu.memory_space<vmem>>
        %dma_start3A_296 = arith.constant 0 : i32
        %dma_start3A_297 = arith.constant 0 : i32
        %dma_start3A_298 = tpu.memref_slice %arg10[%dma_start3A_296, %dma_start3A_297] : memref<10112x64xf32, #tpu.memory_space<vmem_shared>> -> memref<10112x64xf32, #tpu.memory_space<vmem_shared>>
        tpu.enqueue_indirect_dma source(%dma_start3A_292 : memref<128x64xf32, #tpu.memory_space<vmem>>) target(%dma_start3A_298 : memref<10112x64xf32, #tpu.memory_space<vmem_shared>>) offsets(%dma_start3A_295 : memref<128xi32, #tpu.memory_space<vmem>>) semaphore(%run_scoped3A : memref<!tpu.dma_semaphore, #tpu.memory_space<semaphore_mem>>) {add = true}
        %dma_wait3A_299 = arith.constant 0 : i32
        %dma_wait3A_300 = arith.constant 0 : i32
        %dma_wait3A_301 = tpu.memref_slice %arg8[%scan3A_99, %dma_wait3A_299, %dma_wait3A_300] : memref<4x128x64xf32, #tpu.memory_space<vmem>> -> memref<1x128x64xf32, #tpu.memory_space<vmem>>
        %dma_wait3A_302 = tpu.memref_squeeze %dma_wait3A_301 : memref<1x128x64xf32, #tpu.memory_space<vmem>> -> memref<128x64xf32, #tpu.memory_space<vmem>>
        %dma_wait3A_303 = arith.constant 0 : i32
        %dma_wait3A_304 = tpu.memref_slice %arg7[%add3A_270, %dma_wait3A_303] : memref<160x128xi32, #tpu.memory_space<vmem>> -> memref<1x128xi32, #tpu.memory_space<vmem>>
        %dma_wait3A_305 = tpu.memref_squeeze %dma_wait3A_304 : memref<1x128xi32, #tpu.memory_space<vmem>> -> memref<128xi32, #tpu.memory_space<vmem>>
        %dma_wait3A_306 = arith.constant 0 : i32
        %dma_wait3A_307 = arith.constant 0 : i32
        %dma_wait3A_308 = tpu.memref_slice %arg10[%dma_wait3A_306, %dma_wait3A_307] : memref<10112x64xf32, #tpu.memory_space<vmem_shared>> -> memref<10112x64xf32, #tpu.memory_space<vmem_shared>>
        tpu.wait_indirect_dma semaphore(%run_scoped3A : memref<!tpu.dma_semaphore, #tpu.memory_space<semaphore_mem>>) src(%dma_wait3A_302 : memref<128x64xf32, #tpu.memory_space<vmem>>) dst(%dma_wait3A_308 : memref<10112x64xf32, #tpu.memory_space<vmem_shared>>)
        tpu.yield
      }) : () -> ()
      %lt3A_283 = arith.constant 39 : i32
      %lt3A_284 = arith.cmpi slt, %scan3A_212, %lt3A_283 : i32
      %convert_element_type3A_285 = arith.extui %lt3A_284 : i1 to i32
      %cond3A_286 = arith.constant 0 : i32
      %cond3A_287 = arith.cmpi ne, %convert_element_type3A_285, %cond3A_286 : i32
      scf.if %cond3A_287 {
        %add3A_289 = arith.constant 4 : i32
        %add3A_290 = arith.addi %add3A_270, %add3A_289 : i32
        %dma_start3A_291 = arith.constant 0 : i32
        %dma_start3A_292 = arith.constant 0 : i32
        %dma_start3A_293 = tpu.memref_slice %arg8[%scan3A_99, %dma_start3A_291, %dma_start3A_292] : memref<4x128x64xf32, #tpu.memory_space<vmem>> -> memref<1x128x64xf32, #tpu.memory_space<vmem>>
        %dma_start3A_294 = tpu.memref_squeeze %dma_start3A_293 : memref<1x128x64xf32, #tpu.memory_space<vmem>> -> memref<128x64xf32, #tpu.memory_space<vmem>>
        %dma_start3A_295 = arith.constant 0 : i32
        %dma_start3A_296 = tpu.memref_slice %arg6[%add3A_290, %dma_start3A_295] : memref<160x128xi32, #tpu.memory_space<vmem>> -> memref<1x128xi32, #tpu.memory_space<vmem>>
        %dma_start3A_297 = tpu.memref_squeeze %dma_start3A_296 : memref<1x128xi32, #tpu.memory_space<vmem>> -> memref<128xi32, #tpu.memory_space<vmem>>
        %dma_start3A_298 = arith.constant 0 : i32
        %dma_start3A_299 = arith.constant 0 : i32
        %dma_start3A_300 = tpu.memref_slice %arg2[%dma_start3A_298, %dma_start3A_299] : memref<40000x64xf32, #tpu.memory_space<hbm>> -> memref<40000x64xf32, #tpu.memory_space<hbm>>
        %dma_start3A_301 = tpu.memref_slice %arg11[%scan3A_100] : memref<4x!tpu.dma_semaphore, #tpu.memory_space<semaphore_mem>> -> memref<1x!tpu.dma_semaphore, #tpu.memory_space<semaphore_mem>>
        %dma_start3A_302 = tpu.memref_squeeze %dma_start3A_301 : memref<1x!tpu.dma_semaphore, #tpu.memory_space<semaphore_mem>> -> memref<!tpu.dma_semaphore, #tpu.memory_space<semaphore_mem>>
        tpu.enqueue_indirect_dma source(%dma_start3A_300 : memref<40000x64xf32, #tpu.memory_space<hbm>>) target(%dma_start3A_294 : memref<128x64xf32, #tpu.memory_space<vmem>>) offsets(%dma_start3A_297 : memref<128xi32, #tpu.memory_space<vmem>>) semaphore(%dma_start3A_302 : memref<!tpu.dma_semaphore, #tpu.memory_space<semaphore_mem>>)
      } else {
      }
      %scan3A_288 = arith.constant 0 : i32
      scf.yield %scan3A_288 : i32
    }
    %scan3A_107 = arith.constant 40 : i32
    %barrier3A_108 = arith.constant 0 : index
    tpu.barrier barrier_id(%barrier3A_108)
    "tpu.region"() ({
      %run_scoped3A = tpu.sem_alloc : memref<!tpu.dma_semaphore, #tpu.memory_space<semaphore_mem>>
      %dma_start3A_212 = arith.constant 0 : i32
      %dma_start3A_213 = tpu.memref_slice %arg5[%add3A_31, %mul3A_8, %dma_start3A_212] : memref<4x10112x64xf32, #tpu.memory_space<hbm>> -> memref<1x632x64xf32, #tpu.memory_space<hbm>>
      %dma_start3A_214 = tpu.memref_squeeze %dma_start3A_213 : memref<1x632x64xf32, #tpu.memory_space<hbm>> -> memref<632x64xf32, #tpu.memory_space<hbm>>
      %dma_start3A_215 = arith.constant 0 : i32
      %dma_start3A_216 = tpu.memref_slice %arg10[%mul3A_8, %dma_start3A_215] : memref<10112x64xf32, #tpu.memory_space<vmem_shared>> -> memref<632x64xf32, #tpu.memory_space<vmem_shared>>
      tpu.enqueue_dma source(%dma_start3A_216 : memref<632x64xf32, #tpu.memory_space<vmem_shared>>) target(%dma_start3A_214 : memref<632x64xf32, #tpu.memory_space<hbm>>) target_semaphore(%run_scoped3A : memref<!tpu.dma_semaphore, #tpu.memory_space<semaphore_mem>>)
      %dma_wait3A = arith.constant 0 : i32
      %dma_wait3A_217 = tpu.memref_slice %arg5[%add3A_31, %mul3A_8, %dma_wait3A] : memref<4x10112x64xf32, #tpu.memory_space<hbm>> -> memref<1x632x64xf32, #tpu.memory_space<hbm>>
      %dma_wait3A_218 = tpu.memref_squeeze %dma_wait3A_217 : memref<1x632x64xf32, #tpu.memory_space<hbm>> -> memref<632x64xf32, #tpu.memory_space<hbm>>
      %dma_wait3A_219 = arith.constant 0 : i32
      %dma_wait3A_220 = tpu.memref_slice %arg10[%mul3A_8, %dma_wait3A_219] : memref<10112x64xf32, #tpu.memory_space<vmem_shared>> -> memref<632x64xf32, #tpu.memory_space<vmem_shared>>
      tpu.wait_dma2 semaphore(%run_scoped3A : memref<!tpu.dma_semaphore, #tpu.memory_space<semaphore_mem>>) src(%dma_wait3A_220 : memref<632x64xf32, #tpu.memory_space<vmem_shared>>) dst(%dma_wait3A_218 : memref<632x64xf32, #tpu.memory_space<hbm>>)
      tpu.yield
    }) : () -> ()
    %add3A_109 = arith.constant 0 : i32
    %add3A_110 = arith.addi %mul3A_8, %add3A_109 : i32
    "tpu.region"() ({
      %run_scoped3A = tpu.sem_alloc : memref<!tpu.dma_semaphore, #tpu.memory_space<semaphore_mem>>
      %dma_start3A_212 = arith.constant 0 : i32
      %dma_start3A_213 = tpu.memref_slice %arg10[%add3A_110, %dma_start3A_212] : memref<10112x64xf32, #tpu.memory_space<vmem_shared>> -> memref<64x64xf32, #tpu.memory_space<vmem_shared>>
      %dma_start3A_214 = arith.constant 0 : i32
      %dma_start3A_215 = tpu.memref_slice %arg10[%add3A_110, %dma_start3A_214] : memref<10112x64xf32, #tpu.memory_space<vmem_shared>> -> memref<64x64xf32, #tpu.memory_space<vmem_shared>>
      tpu.enqueue_dma source(%arg9 : memref<64x64xf32, #tpu.memory_space<vmem>>) target(%dma_start3A_215 : memref<64x64xf32, #tpu.memory_space<vmem_shared>>) target_semaphore(%run_scoped3A : memref<!tpu.dma_semaphore, #tpu.memory_space<semaphore_mem>>)
      %dma_wait3A = arith.constant 0 : i32
      %dma_wait3A_216 = tpu.memref_slice %arg10[%add3A_110, %dma_wait3A] : memref<10112x64xf32, #tpu.memory_space<vmem_shared>> -> memref<64x64xf32, #tpu.memory_space<vmem_shared>>
      %dma_wait3A_217 = arith.constant 0 : i32
      %dma_wait3A_218 = tpu.memref_slice %arg10[%add3A_110, %dma_wait3A_217] : memref<10112x64xf32, #tpu.memory_space<vmem_shared>> -> memref<64x64xf32, #tpu.memory_space<vmem_shared>>
      tpu.wait_dma2 semaphore(%run_scoped3A : memref<!tpu.dma_semaphore, #tpu.memory_space<semaphore_mem>>) src(%arg9 : memref<64x64xf32, #tpu.memory_space<vmem>>) dst(%dma_wait3A_218 : memref<64x64xf32, #tpu.memory_space<vmem_shared>>)
      tpu.yield
    }) : () -> ()
    %add3A_111 = arith.constant 64 : i32
    %add3A_112 = arith.addi %mul3A_8, %add3A_111 : i32
    "tpu.region"() ({
      %run_scoped3A = tpu.sem_alloc : memref<!tpu.dma_semaphore, #tpu.memory_space<semaphore_mem>>
      %dma_start3A_212 = arith.constant 0 : i32
      %dma_start3A_213 = tpu.memref_slice %arg10[%add3A_112, %dma_start3A_212] : memref<10112x64xf32, #tpu.memory_space<vmem_shared>> -> memref<64x64xf32, #tpu.memory_space<vmem_shared>>
      %dma_start3A_214 = arith.constant 0 : i32
      %dma_start3A_215 = tpu.memref_slice %arg10[%add3A_112, %dma_start3A_214] : memref<10112x64xf32, #tpu.memory_space<vmem_shared>> -> memref<64x64xf32, #tpu.memory_space<vmem_shared>>
      tpu.enqueue_dma source(%arg9 : memref<64x64xf32, #tpu.memory_space<vmem>>) target(%dma_start3A_215 : memref<64x64xf32, #tpu.memory_space<vmem_shared>>) target_semaphore(%run_scoped3A : memref<!tpu.dma_semaphore, #tpu.memory_space<semaphore_mem>>)
      %dma_wait3A = arith.constant 0 : i32
      %dma_wait3A_216 = tpu.memref_slice %arg10[%add3A_112, %dma_wait3A] : memref<10112x64xf32, #tpu.memory_space<vmem_shared>> -> memref<64x64xf32, #tpu.memory_space<vmem_shared>>
      %dma_wait3A_217 = arith.constant 0 : i32
      %dma_wait3A_218 = tpu.memref_slice %arg10[%add3A_112, %dma_wait3A_217] : memref<10112x64xf32, #tpu.memory_space<vmem_shared>> -> memref<64x64xf32, #tpu.memory_space<vmem_shared>>
      tpu.wait_dma2 semaphore(%run_scoped3A : memref<!tpu.dma_semaphore, #tpu.memory_space<semaphore_mem>>) src(%arg9 : memref<64x64xf32, #tpu.memory_space<vmem>>) dst(%dma_wait3A_218 : memref<64x64xf32, #tpu.memory_space<vmem_shared>>)
      tpu.yield
    }) : () -> ()
    %add3A_113 = arith.constant 128 : i32
    %add3A_114 = arith.addi %mul3A_8, %add3A_113 : i32
    "tpu.region"() ({
      %run_scoped3A = tpu.sem_alloc : memref<!tpu.dma_semaphore, #tpu.memory_space<semaphore_mem>>
      %dma_start3A_212 = arith.constant 0 : i32
      %dma_start3A_213 = tpu.memref_slice %arg10[%add3A_114, %dma_start3A_212] : memref<10112x64xf32, #tpu.memory_space<vmem_shared>> -> memref<64x64xf32, #tpu.memory_space<vmem_shared>>
      %dma_start3A_214 = arith.constant 0 : i32
      %dma_start3A_215 = tpu.memref_slice %arg10[%add3A_114, %dma_start3A_214] : memref<10112x64xf32, #tpu.memory_space<vmem_shared>> -> memref<64x64xf32, #tpu.memory_space<vmem_shared>>
      tpu.enqueue_dma source(%arg9 : memref<64x64xf32, #tpu.memory_space<vmem>>) target(%dma_start3A_215 : memref<64x64xf32, #tpu.memory_space<vmem_shared>>) target_semaphore(%run_scoped3A : memref<!tpu.dma_semaphore, #tpu.memory_space<semaphore_mem>>)
      %dma_wait3A = arith.constant 0 : i32
      %dma_wait3A_216 = tpu.memref_slice %arg10[%add3A_114, %dma_wait3A] : memref<10112x64xf32, #tpu.memory_space<vmem_shared>> -> memref<64x64xf32, #tpu.memory_space<vmem_shared>>
      %dma_wait3A_217 = arith.constant 0 : i32
      %dma_wait3A_218 = tpu.memref_slice %arg10[%add3A_114, %dma_wait3A_217] : memref<10112x64xf32, #tpu.memory_space<vmem_shared>> -> memref<64x64xf32, #tpu.memory_space<vmem_shared>>
      tpu.wait_dma2 semaphore(%run_scoped3A : memref<!tpu.dma_semaphore, #tpu.memory_space<semaphore_mem>>) src(%arg9 : memref<64x64xf32, #tpu.memory_space<vmem>>) dst(%dma_wait3A_218 : memref<64x64xf32, #tpu.memory_space<vmem_shared>>)
      tpu.yield
    }) : () -> ()
    %add3A_115 = arith.constant 192 : i32
    %add3A_116 = arith.addi %mul3A_8, %add3A_115 : i32
    "tpu.region"() ({
      %run_scoped3A = tpu.sem_alloc : memref<!tpu.dma_semaphore, #tpu.memory_space<semaphore_mem>>
      %dma_start3A_212 = arith.constant 0 : i32
      %dma_start3A_213 = tpu.memref_slice %arg10[%add3A_116, %dma_start3A_212] : memref<10112x64xf32, #tpu.memory_space<vmem_shared>> -> memref<64x64xf32, #tpu.memory_space<vmem_shared>>
      %dma_start3A_214 = arith.constant 0 : i32
      %dma_start3A_215 = tpu.memref_slice %arg10[%add3A_116, %dma_start3A_214] : memref<10112x64xf32, #tpu.memory_space<vmem_shared>> -> memref<64x64xf32, #tpu.memory_space<vmem_shared>>
      tpu.enqueue_dma source(%arg9 : memref<64x64xf32, #tpu.memory_space<vmem>>) target(%dma_start3A_215 : memref<64x64xf32, #tpu.memory_space<vmem_shared>>) target_semaphore(%run_scoped3A : memref<!tpu.dma_semaphore, #tpu.memory_space<semaphore_mem>>)
      %dma_wait3A = arith.constant 0 : i32
      %dma_wait3A_216 = tpu.memref_slice %arg10[%add3A_116, %dma_wait3A] : memref<10112x64xf32, #tpu.memory_space<vmem_shared>> -> memref<64x64xf32, #tpu.memory_space<vmem_shared>>
      %dma_wait3A_217 = arith.constant 0 : i32
      %dma_wait3A_218 = tpu.memref_slice %arg10[%add3A_116, %dma_wait3A_217] : memref<10112x64xf32, #tpu.memory_space<vmem_shared>> -> memref<64x64xf32, #tpu.memory_space<vmem_shared>>
      tpu.wait_dma2 semaphore(%run_scoped3A : memref<!tpu.dma_semaphore, #tpu.memory_space<semaphore_mem>>) src(%arg9 : memref<64x64xf32, #tpu.memory_space<vmem>>) dst(%dma_wait3A_218 : memref<64x64xf32, #tpu.memory_space<vmem_shared>>)
      tpu.yield
    }) : () -> ()
    %add3A_117 = arith.constant 256 : i32
    %add3A_118 = arith.addi %mul3A_8, %add3A_117 : i32
    "tpu.region"() ({
      %run_scoped3A = tpu.sem_alloc : memref<!tpu.dma_semaphore, #tpu.memory_space<semaphore_mem>>
      %dma_start3A_212 = arith.constant 0 : i32
      %dma_start3A_213 = tpu.memref_slice %arg10[%add3A_118, %dma_start3A_212] : memref<10112x64xf32, #tpu.memory_space<vmem_shared>> -> memref<64x64xf32, #tpu.memory_space<vmem_shared>>
      %dma_start3A_214 = arith.constant 0 : i32
      %dma_start3A_215 = tpu.memref_slice %arg10[%add3A_118, %dma_start3A_214] : memref<10112x64xf32, #tpu.memory_space<vmem_shared>> -> memref<64x64xf32, #tpu.memory_space<vmem_shared>>
      tpu.enqueue_dma source(%arg9 : memref<64x64xf32, #tpu.memory_space<vmem>>) target(%dma_start3A_215 : memref<64x64xf32, #tpu.memory_space<vmem_shared>>) target_semaphore(%run_scoped3A : memref<!tpu.dma_semaphore, #tpu.memory_space<semaphore_mem>>)
      %dma_wait3A = arith.constant 0 : i32
      %dma_wait3A_216 = tpu.memref_slice %arg10[%add3A_118, %dma_wait3A] : memref<10112x64xf32, #tpu.memory_space<vmem_shared>> -> memref<64x64xf32, #tpu.memory_space<vmem_shared>>
      %dma_wait3A_217 = arith.constant 0 : i32
      %dma_wait3A_218 = tpu.memref_slice %arg10[%add3A_118, %dma_wait3A_217] : memref<10112x64xf32, #tpu.memory_space<vmem_shared>> -> memref<64x64xf32, #tpu.memory_space<vmem_shared>>
      tpu.wait_dma2 semaphore(%run_scoped3A : memref<!tpu.dma_semaphore, #tpu.memory_space<semaphore_mem>>) src(%arg9 : memref<64x64xf32, #tpu.memory_space<vmem>>) dst(%dma_wait3A_218 : memref<64x64xf32, #tpu.memory_space<vmem_shared>>)
      tpu.yield
    }) : () -> ()
    %add3A_119 = arith.constant 320 : i32
    %add3A_120 = arith.addi %mul3A_8, %add3A_119 : i32
    "tpu.region"() ({
      %run_scoped3A = tpu.sem_alloc : memref<!tpu.dma_semaphore, #tpu.memory_space<semaphore_mem>>
      %dma_start3A_212 = arith.constant 0 : i32
      %dma_start3A_213 = tpu.memref_slice %arg10[%add3A_120, %dma_start3A_212] : memref<10112x64xf32, #tpu.memory_space<vmem_shared>> -> memref<64x64xf32, #tpu.memory_space<vmem_shared>>
      %dma_start3A_214 = arith.constant 0 : i32
      %dma_start3A_215 = tpu.memref_slice %arg10[%add3A_120, %dma_start3A_214] : memref<10112x64xf32, #tpu.memory_space<vmem_shared>> -> memref<64x64xf32, #tpu.memory_space<vmem_shared>>
      tpu.enqueue_dma source(%arg9 : memref<64x64xf32, #tpu.memory_space<vmem>>) target(%dma_start3A_215 : memref<64x64xf32, #tpu.memory_space<vmem_shared>>) target_semaphore(%run_scoped3A : memref<!tpu.dma_semaphore, #tpu.memory_space<semaphore_mem>>)
      %dma_wait3A = arith.constant 0 : i32
      %dma_wait3A_216 = tpu.memref_slice %arg10[%add3A_120, %dma_wait3A] : memref<10112x64xf32, #tpu.memory_space<vmem_shared>> -> memref<64x64xf32, #tpu.memory_space<vmem_shared>>
      %dma_wait3A_217 = arith.constant 0 : i32
      %dma_wait3A_218 = tpu.memref_slice %arg10[%add3A_120, %dma_wait3A_217] : memref<10112x64xf32, #tpu.memory_space<vmem_shared>> -> memref<64x64xf32, #tpu.memory_space<vmem_shared>>
      tpu.wait_dma2 semaphore(%run_scoped3A : memref<!tpu.dma_semaphore, #tpu.memory_space<semaphore_mem>>) src(%arg9 : memref<64x64xf32, #tpu.memory_space<vmem>>) dst(%dma_wait3A_218 : memref<64x64xf32, #tpu.memory_space<vmem_shared>>)
      tpu.yield
    }) : () -> ()
    %add3A_121 = arith.constant 384 : i32
    %add3A_122 = arith.addi %mul3A_8, %add3A_121 : i32
    "tpu.region"() ({
      %run_scoped3A = tpu.sem_alloc : memref<!tpu.dma_semaphore, #tpu.memory_space<semaphore_mem>>
      %dma_start3A_212 = arith.constant 0 : i32
      %dma_start3A_213 = tpu.memref_slice %arg10[%add3A_122, %dma_start3A_212] : memref<10112x64xf32, #tpu.memory_space<vmem_shared>> -> memref<64x64xf32, #tpu.memory_space<vmem_shared>>
      %dma_start3A_214 = arith.constant 0 : i32
      %dma_start3A_215 = tpu.memref_slice %arg10[%add3A_122, %dma_start3A_214] : memref<10112x64xf32, #tpu.memory_space<vmem_shared>> -> memref<64x64xf32, #tpu.memory_space<vmem_shared>>
      tpu.enqueue_dma source(%arg9 : memref<64x64xf32, #tpu.memory_space<vmem>>) target(%dma_start3A_215 : memref<64x64xf32, #tpu.memory_space<vmem_shared>>) target_semaphore(%run_scoped3A : memref<!tpu.dma_semaphore, #tpu.memory_space<semaphore_mem>>)
      %dma_wait3A = arith.constant 0 : i32
      %dma_wait3A_216 = tpu.memref_slice %arg10[%add3A_122, %dma_wait3A] : memref<10112x64xf32, #tpu.memory_space<vmem_shared>> -> memref<64x64xf32, #tpu.memory_space<vmem_shared>>
      %dma_wait3A_217 = arith.constant 0 : i32
      %dma_wait3A_218 = tpu.memref_slice %arg10[%add3A_122, %dma_wait3A_217] : memref<10112x64xf32, #tpu.memory_space<vmem_shared>> -> memref<64x64xf32, #tpu.memory_space<vmem_shared>>
      tpu.wait_dma2 semaphore(%run_scoped3A : memref<!tpu.dma_semaphore, #tpu.memory_space<semaphore_mem>>) src(%arg9 : memref<64x64xf32, #tpu.memory_space<vmem>>) dst(%dma_wait3A_218 : memref<64x64xf32, #tpu.memory_space<vmem_shared>>)
      tpu.yield
    }) : () -> ()
    %add3A_123 = arith.constant 448 : i32
    %add3A_124 = arith.addi %mul3A_8, %add3A_123 : i32
    "tpu.region"() ({
      %run_scoped3A = tpu.sem_alloc : memref<!tpu.dma_semaphore, #tpu.memory_space<semaphore_mem>>
      %dma_start3A_212 = arith.constant 0 : i32
      %dma_start3A_213 = tpu.memref_slice %arg10[%add3A_124, %dma_start3A_212] : memref<10112x64xf32, #tpu.memory_space<vmem_shared>> -> memref<64x64xf32, #tpu.memory_space<vmem_shared>>
      %dma_start3A_214 = arith.constant 0 : i32
      %dma_start3A_215 = tpu.memref_slice %arg10[%add3A_124, %dma_start3A_214] : memref<10112x64xf32, #tpu.memory_space<vmem_shared>> -> memref<64x64xf32, #tpu.memory_space<vmem_shared>>
      tpu.enqueue_dma source(%arg9 : memref<64x64xf32, #tpu.memory_space<vmem>>) target(%dma_start3A_215 : memref<64x64xf32, #tpu.memory_space<vmem_shared>>) target_semaphore(%run_scoped3A : memref<!tpu.dma_semaphore, #tpu.memory_space<semaphore_mem>>)
      %dma_wait3A = arith.constant 0 : i32
      %dma_wait3A_216 = tpu.memref_slice %arg10[%add3A_124, %dma_wait3A] : memref<10112x64xf32, #tpu.memory_space<vmem_shared>> -> memref<64x64xf32, #tpu.memory_space<vmem_shared>>
      %dma_wait3A_217 = arith.constant 0 : i32
      %dma_wait3A_218 = tpu.memref_slice %arg10[%add3A_124, %dma_wait3A_217] : memref<10112x64xf32, #tpu.memory_space<vmem_shared>> -> memref<64x64xf32, #tpu.memory_space<vmem_shared>>
      tpu.wait_dma2 semaphore(%run_scoped3A : memref<!tpu.dma_semaphore, #tpu.memory_space<semaphore_mem>>) src(%arg9 : memref<64x64xf32, #tpu.memory_space<vmem>>) dst(%dma_wait3A_218 : memref<64x64xf32, #tpu.memory_space<vmem_shared>>)
      tpu.yield
    }) : () -> ()
    %add3A_125 = arith.constant 512 : i32
    %add3A_126 = arith.addi %mul3A_8, %add3A_125 : i32
    "tpu.region"() ({
      %run_scoped3A = tpu.sem_alloc : memref<!tpu.dma_semaphore, #tpu.memory_space<semaphore_mem>>
      %dma_start3A_212 = arith.constant 0 : i32
      %dma_start3A_213 = tpu.memref_slice %arg10[%add3A_126, %dma_start3A_212] : memref<10112x64xf32, #tpu.memory_space<vmem_shared>> -> memref<64x64xf32, #tpu.memory_space<vmem_shared>>
      %dma_start3A_214 = arith.constant 0 : i32
      %dma_start3A_215 = tpu.memref_slice %arg10[%add3A_126, %dma_start3A_214] : memref<10112x64xf32, #tpu.memory_space<vmem_shared>> -> memref<64x64xf32, #tpu.memory_space<vmem_shared>>
      tpu.enqueue_dma source(%arg9 : memref<64x64xf32, #tpu.memory_space<vmem>>) target(%dma_start3A_215 : memref<64x64xf32, #tpu.memory_space<vmem_shared>>) target_semaphore(%run_scoped3A : memref<!tpu.dma_semaphore, #tpu.memory_space<semaphore_mem>>)
      %dma_wait3A = arith.constant 0 : i32
      %dma_wait3A_216 = tpu.memref_slice %arg10[%add3A_126, %dma_wait3A] : memref<10112x64xf32, #tpu.memory_space<vmem_shared>> -> memref<64x64xf32, #tpu.memory_space<vmem_shared>>
      %dma_wait3A_217 = arith.constant 0 : i32
      %dma_wait3A_218 = tpu.memref_slice %arg10[%add3A_126, %dma_wait3A_217] : memref<10112x64xf32, #tpu.memory_space<vmem_shared>> -> memref<64x64xf32, #tpu.memory_space<vmem_shared>>
      tpu.wait_dma2 semaphore(%run_scoped3A : memref<!tpu.dma_semaphore, #tpu.memory_space<semaphore_mem>>) src(%arg9 : memref<64x64xf32, #tpu.memory_space<vmem>>) dst(%dma_wait3A_218 : memref<64x64xf32, #tpu.memory_space<vmem_shared>>)
      tpu.yield
    }) : () -> ()
    %add3A_127 = arith.constant 576 : i32
    %add3A_128 = arith.addi %mul3A_8, %add3A_127 : i32
    "tpu.region"() ({
      %run_scoped3A = tpu.sem_alloc : memref<!tpu.dma_semaphore, #tpu.memory_space<semaphore_mem>>
      %dma_start3A_212 = arith.constant 0 : i32
      %dma_start3A_213 = arith.constant 0 : i32
      %dma_start3A_214 = tpu.memref_slice %arg9[%dma_start3A_212, %dma_start3A_213] : memref<64x64xf32, #tpu.memory_space<vmem>> -> memref<56x64xf32, #tpu.memory_space<vmem>>
      %dma_start3A_215 = arith.constant 0 : i32
      %dma_start3A_216 = tpu.memref_slice %arg10[%add3A_128, %dma_start3A_215] : memref<10112x64xf32, #tpu.memory_space<vmem_shared>> -> memref<56x64xf32, #tpu.memory_space<vmem_shared>>
      %dma_start3A_217 = arith.constant 0 : i32
      %dma_start3A_218 = tpu.memref_slice %arg10[%add3A_128, %dma_start3A_217] : memref<10112x64xf32, #tpu.memory_space<vmem_shared>> -> memref<56x64xf32, #tpu.memory_space<vmem_shared>>
      %dma_start3A_219 = arith.constant 0 : i32
      %dma_start3A_220 = arith.constant 0 : i32
      %dma_start3A_221 = tpu.memref_slice %arg9[%dma_start3A_219, %dma_start3A_220] : memref<64x64xf32, #tpu.memory_space<vmem>> -> memref<56x64xf32, #tpu.memory_space<vmem>>
      tpu.enqueue_dma source(%dma_start3A_221 : memref<56x64xf32, #tpu.memory_space<vmem>>) target(%dma_start3A_218 : memref<56x64xf32, #tpu.memory_space<vmem_shared>>) target_semaphore(%run_scoped3A : memref<!tpu.dma_semaphore, #tpu.memory_space<semaphore_mem>>)
      %dma_wait3A = arith.constant 0 : i32
      %dma_wait3A_222 = arith.constant 0 : i32
      %dma_wait3A_223 = tpu.memref_slice %arg9[%dma_wait3A, %dma_wait3A_222] : memref<64x64xf32, #tpu.memory_space<vmem>> -> memref<56x64xf32, #tpu.memory_space<vmem>>
      %dma_wait3A_224 = arith.constant 0 : i32
      %dma_wait3A_225 = tpu.memref_slice %arg10[%add3A_128, %dma_wait3A_224] : memref<10112x64xf32, #tpu.memory_space<vmem_shared>> -> memref<56x64xf32, #tpu.memory_space<vmem_shared>>
      %dma_wait3A_226 = arith.constant 0 : i32
      %dma_wait3A_227 = tpu.memref_slice %arg10[%add3A_128, %dma_wait3A_226] : memref<10112x64xf32, #tpu.memory_space<vmem_shared>> -> memref<56x64xf32, #tpu.memory_space<vmem_shared>>
      %dma_wait3A_228 = arith.constant 0 : i32
      %dma_wait3A_229 = arith.constant 0 : i32
      %dma_wait3A_230 = tpu.memref_slice %arg9[%dma_wait3A_228, %dma_wait3A_229] : memref<64x64xf32, #tpu.memory_space<vmem>> -> memref<56x64xf32, #tpu.memory_space<vmem>>
      tpu.wait_dma2 semaphore(%run_scoped3A : memref<!tpu.dma_semaphore, #tpu.memory_space<semaphore_mem>>) src(%dma_wait3A_230 : memref<56x64xf32, #tpu.memory_space<vmem>>) dst(%dma_wait3A_227 : memref<56x64xf32, #tpu.memory_space<vmem_shared>>)
      tpu.yield
    }) : () -> ()
    %mul3A_129 = arith.constant 2 : i32
    %mul3A_130 = arith.muli %arg0, %mul3A_129 : i32
    %add3A_131 = arith.constant 1 : i32
    %add3A_132 = arith.addi %mul3A_130, %add3A_131 : i32
    %mul3A_133 = arith.constant 160 : i32
    %mul3A_134 = arith.muli %arg1, %mul3A_133 : i32
    "tpu.region"() ({
      %run_scoped3A = tpu.sem_alloc : memref<!tpu.dma_semaphore, #tpu.memory_space<semaphore_mem>>
      %dma_start3A_212 = arith.constant 0 : i32
      %dma_start3A_213 = tpu.memref_slice %arg3[%add3A_132, %mul3A_134, %dma_start3A_212] : memref<4x2560x128xi32, #tpu.memory_space<hbm>> -> memref<1x160x128xi32, #tpu.memory_space<hbm>>
      %dma_start3A_214 = tpu.memref_squeeze %dma_start3A_213 : memref<1x160x128xi32, #tpu.memory_space<hbm>> -> memref<160x128xi32, #tpu.memory_space<hbm>>
      %dma_start3A_215 = arith.constant 0 : i32
      %dma_start3A_216 = tpu.memref_slice %arg3[%add3A_132, %mul3A_134, %dma_start3A_215] : memref<4x2560x128xi32, #tpu.memory_space<hbm>> -> memref<1x160x128xi32, #tpu.memory_space<hbm>>
      %dma_start3A_217 = tpu.memref_squeeze %dma_start3A_216 : memref<1x160x128xi32, #tpu.memory_space<hbm>> -> memref<160x128xi32, #tpu.memory_space<hbm>>
      tpu.enqueue_dma source(%dma_start3A_217 : memref<160x128xi32, #tpu.memory_space<hbm>>) target(%arg6 : memref<160x128xi32, #tpu.memory_space<vmem>>) target_semaphore(%run_scoped3A : memref<!tpu.dma_semaphore, #tpu.memory_space<semaphore_mem>>)
      %dma_wait3A = arith.constant 0 : i32
      %dma_wait3A_218 = tpu.memref_slice %arg3[%add3A_132, %mul3A_134, %dma_wait3A] : memref<4x2560x128xi32, #tpu.memory_space<hbm>> -> memref<1x160x128xi32, #tpu.memory_space<hbm>>
      %dma_wait3A_219 = tpu.memref_squeeze %dma_wait3A_218 : memref<1x160x128xi32, #tpu.memory_space<hbm>> -> memref<160x128xi32, #tpu.memory_space<hbm>>
      %dma_wait3A_220 = arith.constant 0 : i32
      %dma_wait3A_221 = tpu.memref_slice %arg3[%add3A_132, %mul3A_134, %dma_wait3A_220] : memref<4x2560x128xi32, #tpu.memory_space<hbm>> -> memref<1x160x128xi32, #tpu.memory_space<hbm>>
      %dma_wait3A_222 = tpu.memref_squeeze %dma_wait3A_221 : memref<1x160x128xi32, #tpu.memory_space<hbm>> -> memref<160x128xi32, #tpu.memory_space<hbm>>
      tpu.wait_dma2 semaphore(%run_scoped3A : memref<!tpu.dma_semaphore, #tpu.memory_space<semaphore_mem>>) src(%dma_wait3A_222 : memref<160x128xi32, #tpu.memory_space<hbm>>) dst(%arg6 : memref<160x128xi32, #tpu.memory_space<vmem>>)
      tpu.yield
    }) : () -> ()
    %barrier3A_135 = arith.constant 0 : index
    tpu.barrier barrier_id(%barrier3A_135)
    %dma_start3A_136 = arith.constant 0 : i32
    %dma_start3A_137 = arith.constant 0 : i32
    %dma_start3A_138 = arith.constant 0 : i32
    %dma_start3A_139 = arith.constant 0 : i32
    %dma_start3A_140 = arith.constant 0 : i32
    %dma_start3A_141 = tpu.memref_slice %arg8[%dma_start3A_137, %dma_start3A_139, %dma_start3A_140] : memref<4x128x64xf32, #tpu.memory_space<vmem>> -> memref<1x128x64xf32, #tpu.memory_space<vmem>>
    %dma_start3A_142 = tpu.memref_squeeze %dma_start3A_141 : memref<1x128x64xf32, #tpu.memory_space<vmem>> -> memref<128x64xf32, #tpu.memory_space<vmem>>
    %dma_start3A_143 = arith.constant 0 : i32
    %dma_start3A_144 = tpu.memref_slice %arg6[%dma_start3A_136, %dma_start3A_143] : memref<160x128xi32, #tpu.memory_space<vmem>> -> memref<1x128xi32, #tpu.memory_space<vmem>>
    %dma_start3A_145 = tpu.memref_squeeze %dma_start3A_144 : memref<1x128xi32, #tpu.memory_space<vmem>> -> memref<128xi32, #tpu.memory_space<vmem>>
    %dma_start3A_146 = arith.constant 0 : i32
    %dma_start3A_147 = arith.constant 0 : i32
    %dma_start3A_148 = tpu.memref_slice %arg2[%dma_start3A_146, %dma_start3A_147] : memref<40000x64xf32, #tpu.memory_space<hbm>> -> memref<40000x64xf32, #tpu.memory_space<hbm>>
    %dma_start3A_149 = tpu.memref_slice %arg11[%dma_start3A_138] : memref<4x!tpu.dma_semaphore, #tpu.memory_space<semaphore_mem>> -> memref<1x!tpu.dma_semaphore, #tpu.memory_space<semaphore_mem>>
    %dma_start3A_150 = tpu.memref_squeeze %dma_start3A_149 : memref<1x!tpu.dma_semaphore, #tpu.memory_space<semaphore_mem>> -> memref<!tpu.dma_semaphore, #tpu.memory_space<semaphore_mem>>
    tpu.enqueue_indirect_dma source(%dma_start3A_148 : memref<40000x64xf32, #tpu.memory_space<hbm>>) target(%dma_start3A_142 : memref<128x64xf32, #tpu.memory_space<vmem>>) offsets(%dma_start3A_145 : memref<128xi32, #tpu.memory_space<vmem>>) semaphore(%dma_start3A_150 : memref<!tpu.dma_semaphore, #tpu.memory_space<semaphore_mem>>)
    %dma_start3A_151 = arith.constant 1 : i32
    %dma_start3A_152 = arith.constant 1 : i32
    %dma_start3A_153 = arith.constant 1 : i32
    %dma_start3A_154 = arith.constant 0 : i32
    %dma_start3A_155 = arith.constant 0 : i32
    %dma_start3A_156 = tpu.memref_slice %arg8[%dma_start3A_152, %dma_start3A_154, %dma_start3A_155] : memref<4x128x64xf32, #tpu.memory_space<vmem>> -> memref<1x128x64xf32, #tpu.memory_space<vmem>>
    %dma_start3A_157 = tpu.memref_squeeze %dma_start3A_156 : memref<1x128x64xf32, #tpu.memory_space<vmem>> -> memref<128x64xf32, #tpu.memory_space<vmem>>
    %dma_start3A_158 = arith.constant 0 : i32
    %dma_start3A_159 = tpu.memref_slice %arg6[%dma_start3A_151, %dma_start3A_158] : memref<160x128xi32, #tpu.memory_space<vmem>> -> memref<1x128xi32, #tpu.memory_space<vmem>>
    %dma_start3A_160 = tpu.memref_squeeze %dma_start3A_159 : memref<1x128xi32, #tpu.memory_space<vmem>> -> memref<128xi32, #tpu.memory_space<vmem>>
    %dma_start3A_161 = arith.constant 0 : i32
    %dma_start3A_162 = arith.constant 0 : i32
    %dma_start3A_163 = tpu.memref_slice %arg2[%dma_start3A_161, %dma_start3A_162] : memref<40000x64xf32, #tpu.memory_space<hbm>> -> memref<40000x64xf32, #tpu.memory_space<hbm>>
    %dma_start3A_164 = tpu.memref_slice %arg11[%dma_start3A_153] : memref<4x!tpu.dma_semaphore, #tpu.memory_space<semaphore_mem>> -> memref<1x!tpu.dma_semaphore, #tpu.memory_space<semaphore_mem>>
    %dma_start3A_165 = tpu.memref_squeeze %dma_start3A_164 : memref<1x!tpu.dma_semaphore, #tpu.memory_space<semaphore_mem>> -> memref<!tpu.dma_semaphore, #tpu.memory_space<semaphore_mem>>
    tpu.enqueue_indirect_dma source(%dma_start3A_163 : memref<40000x64xf32, #tpu.memory_space<hbm>>) target(%dma_start3A_157 : memref<128x64xf32, #tpu.memory_space<vmem>>) offsets(%dma_start3A_160 : memref<128xi32, #tpu.memory_space<vmem>>) semaphore(%dma_start3A_165 : memref<!tpu.dma_semaphore, #tpu.memory_space<semaphore_mem>>)
    %dma_start3A_166 = arith.constant 2 : i32
    %dma_start3A_167 = arith.constant 2 : i32
    %dma_start3A_168 = arith.constant 2 : i32
    %dma_start3A_169 = arith.constant 0 : i32
    %dma_start3A_170 = arith.constant 0 : i32
    %dma_start3A_171 = tpu.memref_slice %arg8[%dma_start3A_167, %dma_start3A_169, %dma_start3A_170] : memref<4x128x64xf32, #tpu.memory_space<vmem>> -> memref<1x128x64xf32, #tpu.memory_space<vmem>>
    %dma_start3A_172 = tpu.memref_squeeze %dma_start3A_171 : memref<1x128x64xf32, #tpu.memory_space<vmem>> -> memref<128x64xf32, #tpu.memory_space<vmem>>
    %dma_start3A_173 = arith.constant 0 : i32
    %dma_start3A_174 = tpu.memref_slice %arg6[%dma_start3A_166, %dma_start3A_173] : memref<160x128xi32, #tpu.memory_space<vmem>> -> memref<1x128xi32, #tpu.memory_space<vmem>>
    %dma_start3A_175 = tpu.memref_squeeze %dma_start3A_174 : memref<1x128xi32, #tpu.memory_space<vmem>> -> memref<128xi32, #tpu.memory_space<vmem>>
    %dma_start3A_176 = arith.constant 0 : i32
    %dma_start3A_177 = arith.constant 0 : i32
    %dma_start3A_178 = tpu.memref_slice %arg2[%dma_start3A_176, %dma_start3A_177] : memref<40000x64xf32, #tpu.memory_space<hbm>> -> memref<40000x64xf32, #tpu.memory_space<hbm>>
    %dma_start3A_179 = tpu.memref_slice %arg11[%dma_start3A_168] : memref<4x!tpu.dma_semaphore, #tpu.memory_space<semaphore_mem>> -> memref<1x!tpu.dma_semaphore, #tpu.memory_space<semaphore_mem>>
    %dma_start3A_180 = tpu.memref_squeeze %dma_start3A_179 : memref<1x!tpu.dma_semaphore, #tpu.memory_space<semaphore_mem>> -> memref<!tpu.dma_semaphore, #tpu.memory_space<semaphore_mem>>
    tpu.enqueue_indirect_dma source(%dma_start3A_178 : memref<40000x64xf32, #tpu.memory_space<hbm>>) target(%dma_start3A_172 : memref<128x64xf32, #tpu.memory_space<vmem>>) offsets(%dma_start3A_175 : memref<128xi32, #tpu.memory_space<vmem>>) semaphore(%dma_start3A_180 : memref<!tpu.dma_semaphore, #tpu.memory_space<semaphore_mem>>)
    %dma_start3A_181 = arith.constant 3 : i32
    %dma_start3A_182 = arith.constant 3 : i32
    %dma_start3A_183 = arith.constant 3 : i32
    %dma_start3A_184 = arith.constant 0 : i32
    %dma_start3A_185 = arith.constant 0 : i32
    %dma_start3A_186 = tpu.memref_slice %arg8[%dma_start3A_182, %dma_start3A_184, %dma_start3A_185] : memref<4x128x64xf32, #tpu.memory_space<vmem>> -> memref<1x128x64xf32, #tpu.memory_space<vmem>>
    %dma_start3A_187 = tpu.memref_squeeze %dma_start3A_186 : memref<1x128x64xf32, #tpu.memory_space<vmem>> -> memref<128x64xf32, #tpu.memory_space<vmem>>
    %dma_start3A_188 = arith.constant 0 : i32
    %dma_start3A_189 = tpu.memref_slice %arg6[%dma_start3A_181, %dma_start3A_188] : memref<160x128xi32, #tpu.memory_space<vmem>> -> memref<1x128xi32, #tpu.memory_space<vmem>>
    %dma_start3A_190 = tpu.memref_squeeze %dma_start3A_189 : memref<1x128xi32, #tpu.memory_space<vmem>> -> memref<128xi32, #tpu.memory_space<vmem>>
    %dma_start3A_191 = arith.constant 0 : i32
    %dma_start3A_192 = arith.constant 0 : i32
    %dma_start3A_193 = tpu.memref_slice %arg2[%dma_start3A_191, %dma_start3A_192] : memref<40000x64xf32, #tpu.memory_space<hbm>> -> memref<40000x64xf32, #tpu.memory_space<hbm>>
    %dma_start3A_194 = tpu.memref_slice %arg11[%dma_start3A_183] : memref<4x!tpu.dma_semaphore, #tpu.memory_space<semaphore_mem>> -> memref<1x!tpu.dma_semaphore, #tpu.memory_space<semaphore_mem>>
    %dma_start3A_195 = tpu.memref_squeeze %dma_start3A_194 : memref<1x!tpu.dma_semaphore, #tpu.memory_space<semaphore_mem>> -> memref<!tpu.dma_semaphore, #tpu.memory_space<semaphore_mem>>
    tpu.enqueue_indirect_dma source(%dma_start3A_193 : memref<40000x64xf32, #tpu.memory_space<hbm>>) target(%dma_start3A_187 : memref<128x64xf32, #tpu.memory_space<vmem>>) offsets(%dma_start3A_190 : memref<128xi32, #tpu.memory_space<vmem>>) semaphore(%dma_start3A_195 : memref<!tpu.dma_semaphore, #tpu.memory_space<semaphore_mem>>)
    %scan3A_196 = arith.constant 0 : i32
    %scan3A_197 = arith.constant 0 : i32
    %scan3A_198 = arith.constant 1 : i32
    %scan3A_199 = arith.constant 1 : i32
    %scan3A_200 = arith.constant 2 : i32
    %scan3A_201 = arith.constant 2 : i32
    %scan3A_202 = arith.constant 3 : i32
    %scan3A_203 = arith.constant 3 : i32
    %scan3A_204 = arith.constant 0 : i32
    %scan3A_205 = arith.constant 0 : i32
    %scan3A_206 = arith.constant 40 : i32
    %scan3A_207 = arith.addi %scan3A_205, %scan3A_206 : i32
    %scan3A_208 = arith.constant 1 : i32
    %scan3A_209 = scf.for %scan3A_212 = %scan3A_205 to %scan3A_207 step %scan3A_208 iter_args(%scan3A_213 = %scan3A_204) -> (i32)  : i32 {
      %mul3A_214 = arith.constant 4 : i32
      %mul3A_215 = arith.muli %scan3A_212, %mul3A_214 : i32
      %add3A_216 = arith.constant 0 : i32
      %add3A_217 = arith.addi %mul3A_215, %add3A_216 : i32
      %dma_wait3A = arith.constant 0 : i32
      %dma_wait3A_218 = arith.constant 0 : i32
      %dma_wait3A_219 = tpu.memref_slice %arg8[%scan3A_196, %dma_wait3A, %dma_wait3A_218] : memref<4x128x64xf32, #tpu.memory_space<vmem>> -> memref<1x128x64xf32, #tpu.memory_space<vmem>>
      %dma_wait3A_220 = tpu.memref_squeeze %dma_wait3A_219 : memref<1x128x64xf32, #tpu.memory_space<vmem>> -> memref<128x64xf32, #tpu.memory_space<vmem>>
      %dma_wait3A_221 = arith.constant 0 : i32
      %dma_wait3A_222 = tpu.memref_slice %arg6[%add3A_217, %dma_wait3A_221] : memref<160x128xi32, #tpu.memory_space<vmem>> -> memref<1x128xi32, #tpu.memory_space<vmem>>
      %dma_wait3A_223 = tpu.memref_squeeze %dma_wait3A_222 : memref<1x128xi32, #tpu.memory_space<vmem>> -> memref<128xi32, #tpu.memory_space<vmem>>
      %dma_wait3A_224 = arith.constant 0 : i32
      %dma_wait3A_225 = arith.constant 0 : i32
      %dma_wait3A_226 = tpu.memref_slice %arg2[%dma_wait3A_224, %dma_wait3A_225] : memref<40000x64xf32, #tpu.memory_space<hbm>> -> memref<40000x64xf32, #tpu.memory_space<hbm>>
      %dma_wait3A_227 = tpu.memref_slice %arg11[%scan3A_197] : memref<4x!tpu.dma_semaphore, #tpu.memory_space<semaphore_mem>> -> memref<1x!tpu.dma_semaphore, #tpu.memory_space<semaphore_mem>>
      %dma_wait3A_228 = tpu.memref_squeeze %dma_wait3A_227 : memref<1x!tpu.dma_semaphore, #tpu.memory_space<semaphore_mem>> -> memref<!tpu.dma_semaphore, #tpu.memory_space<semaphore_mem>>
      tpu.wait_indirect_dma semaphore(%dma_wait3A_228 : memref<!tpu.dma_semaphore, #tpu.memory_space<semaphore_mem>>) src(%dma_wait3A_226 : memref<40000x64xf32, #tpu.memory_space<hbm>>) dst(%dma_wait3A_220 : memref<128x64xf32, #tpu.memory_space<vmem>>)
      "tpu.region"() ({
        %run_scoped3A = tpu.sem_alloc : memref<!tpu.dma_semaphore, #tpu.memory_space<semaphore_mem>>
        %dma_start3A_289 = arith.constant 0 : i32
        %dma_start3A_290 = arith.constant 0 : i32
        %dma_start3A_291 = tpu.memref_slice %arg8[%scan3A_196, %dma_start3A_289, %dma_start3A_290] : memref<4x128x64xf32, #tpu.memory_space<vmem>> -> memref<1x128x64xf32, #tpu.memory_space<vmem>>
        %dma_start3A_292 = tpu.memref_squeeze %dma_start3A_291 : memref<1x128x64xf32, #tpu.memory_space<vmem>> -> memref<128x64xf32, #tpu.memory_space<vmem>>
        %dma_start3A_293 = arith.constant 0 : i32
        %dma_start3A_294 = tpu.memref_slice %arg7[%add3A_217, %dma_start3A_293] : memref<160x128xi32, #tpu.memory_space<vmem>> -> memref<1x128xi32, #tpu.memory_space<vmem>>
        %dma_start3A_295 = tpu.memref_squeeze %dma_start3A_294 : memref<1x128xi32, #tpu.memory_space<vmem>> -> memref<128xi32, #tpu.memory_space<vmem>>
        %dma_start3A_296 = arith.constant 0 : i32
        %dma_start3A_297 = arith.constant 0 : i32
        %dma_start3A_298 = tpu.memref_slice %arg10[%dma_start3A_296, %dma_start3A_297] : memref<10112x64xf32, #tpu.memory_space<vmem_shared>> -> memref<10112x64xf32, #tpu.memory_space<vmem_shared>>
        tpu.enqueue_indirect_dma source(%dma_start3A_292 : memref<128x64xf32, #tpu.memory_space<vmem>>) target(%dma_start3A_298 : memref<10112x64xf32, #tpu.memory_space<vmem_shared>>) offsets(%dma_start3A_295 : memref<128xi32, #tpu.memory_space<vmem>>) semaphore(%run_scoped3A : memref<!tpu.dma_semaphore, #tpu.memory_space<semaphore_mem>>) {add = true}
        %dma_wait3A_299 = arith.constant 0 : i32
        %dma_wait3A_300 = arith.constant 0 : i32
        %dma_wait3A_301 = tpu.memref_slice %arg8[%scan3A_196, %dma_wait3A_299, %dma_wait3A_300] : memref<4x128x64xf32, #tpu.memory_space<vmem>> -> memref<1x128x64xf32, #tpu.memory_space<vmem>>
        %dma_wait3A_302 = tpu.memref_squeeze %dma_wait3A_301 : memref<1x128x64xf32, #tpu.memory_space<vmem>> -> memref<128x64xf32, #tpu.memory_space<vmem>>
        %dma_wait3A_303 = arith.constant 0 : i32
        %dma_wait3A_304 = tpu.memref_slice %arg7[%add3A_217, %dma_wait3A_303] : memref<160x128xi32, #tpu.memory_space<vmem>> -> memref<1x128xi32, #tpu.memory_space<vmem>>
        %dma_wait3A_305 = tpu.memref_squeeze %dma_wait3A_304 : memref<1x128xi32, #tpu.memory_space<vmem>> -> memref<128xi32, #tpu.memory_space<vmem>>
        %dma_wait3A_306 = arith.constant 0 : i32
        %dma_wait3A_307 = arith.constant 0 : i32
        %dma_wait3A_308 = tpu.memref_slice %arg10[%dma_wait3A_306, %dma_wait3A_307] : memref<10112x64xf32, #tpu.memory_space<vmem_shared>> -> memref<10112x64xf32, #tpu.memory_space<vmem_shared>>
        tpu.wait_indirect_dma semaphore(%run_scoped3A : memref<!tpu.dma_semaphore, #tpu.memory_space<semaphore_mem>>) src(%dma_wait3A_302 : memref<128x64xf32, #tpu.memory_space<vmem>>) dst(%dma_wait3A_308 : memref<10112x64xf32, #tpu.memory_space<vmem_shared>>)
        tpu.yield
      }) : () -> ()
      %lt3A = arith.constant 39 : i32
      %lt3A_229 = arith.cmpi slt, %scan3A_212, %lt3A : i32
      %convert_element_type3A = arith.extui %lt3A_229 : i1 to i32
      %cond3A = arith.constant 0 : i32
      %cond3A_230 = arith.cmpi ne, %convert_element_type3A, %cond3A : i32
      scf.if %cond3A_230 {
        %add3A_289 = arith.constant 4 : i32
        %add3A_290 = arith.addi %add3A_217, %add3A_289 : i32
        %dma_start3A_291 = arith.constant 0 : i32
        %dma_start3A_292 = arith.constant 0 : i32
        %dma_start3A_293 = tpu.memref_slice %arg8[%scan3A_196, %dma_start3A_291, %dma_start3A_292] : memref<4x128x64xf32, #tpu.memory_space<vmem>> -> memref<1x128x64xf32, #tpu.memory_space<vmem>>
        %dma_start3A_294 = tpu.memref_squeeze %dma_start3A_293 : memref<1x128x64xf32, #tpu.memory_space<vmem>> -> memref<128x64xf32, #tpu.memory_space<vmem>>
        %dma_start3A_295 = arith.constant 0 : i32
        %dma_start3A_296 = tpu.memref_slice %arg6[%add3A_290, %dma_start3A_295] : memref<160x128xi32, #tpu.memory_space<vmem>> -> memref<1x128xi32, #tpu.memory_space<vmem>>
        %dma_start3A_297 = tpu.memref_squeeze %dma_start3A_296 : memref<1x128xi32, #tpu.memory_space<vmem>> -> memref<128xi32, #tpu.memory_space<vmem>>
        %dma_start3A_298 = arith.constant 0 : i32
        %dma_start3A_299 = arith.constant 0 : i32
        %dma_start3A_300 = tpu.memref_slice %arg2[%dma_start3A_298, %dma_start3A_299] : memref<40000x64xf32, #tpu.memory_space<hbm>> -> memref<40000x64xf32, #tpu.memory_space<hbm>>
        %dma_start3A_301 = tpu.memref_slice %arg11[%scan3A_197] : memref<4x!tpu.dma_semaphore, #tpu.memory_space<semaphore_mem>> -> memref<1x!tpu.dma_semaphore, #tpu.memory_space<semaphore_mem>>
        %dma_start3A_302 = tpu.memref_squeeze %dma_start3A_301 : memref<1x!tpu.dma_semaphore, #tpu.memory_space<semaphore_mem>> -> memref<!tpu.dma_semaphore, #tpu.memory_space<semaphore_mem>>
        tpu.enqueue_indirect_dma source(%dma_start3A_300 : memref<40000x64xf32, #tpu.memory_space<hbm>>) target(%dma_start3A_294 : memref<128x64xf32, #tpu.memory_space<vmem>>) offsets(%dma_start3A_297 : memref<128xi32, #tpu.memory_space<vmem>>) semaphore(%dma_start3A_302 : memref<!tpu.dma_semaphore, #tpu.memory_space<semaphore_mem>>)
      } else {
      }
      %add3A_231 = arith.constant 1 : i32
      %add3A_232 = arith.addi %mul3A_215, %add3A_231 : i32
      %dma_wait3A_233 = arith.constant 0 : i32
      %dma_wait3A_234 = arith.constant 0 : i32
      %dma_wait3A_235 = tpu.memref_slice %arg8[%scan3A_198, %dma_wait3A_233, %dma_wait3A_234] : memref<4x128x64xf32, #tpu.memory_space<vmem>> -> memref<1x128x64xf32, #tpu.memory_space<vmem>>
      %dma_wait3A_236 = tpu.memref_squeeze %dma_wait3A_235 : memref<1x128x64xf32, #tpu.memory_space<vmem>> -> memref<128x64xf32, #tpu.memory_space<vmem>>
      %dma_wait3A_237 = arith.constant 0 : i32
      %dma_wait3A_238 = tpu.memref_slice %arg6[%add3A_232, %dma_wait3A_237] : memref<160x128xi32, #tpu.memory_space<vmem>> -> memref<1x128xi32, #tpu.memory_space<vmem>>
      %dma_wait3A_239 = tpu.memref_squeeze %dma_wait3A_238 : memref<1x128xi32, #tpu.memory_space<vmem>> -> memref<128xi32, #tpu.memory_space<vmem>>
      %dma_wait3A_240 = arith.constant 0 : i32
      %dma_wait3A_241 = arith.constant 0 : i32
      %dma_wait3A_242 = tpu.memref_slice %arg2[%dma_wait3A_240, %dma_wait3A_241] : memref<40000x64xf32, #tpu.memory_space<hbm>> -> memref<40000x64xf32, #tpu.memory_space<hbm>>
      %dma_wait3A_243 = tpu.memref_slice %arg11[%scan3A_199] : memref<4x!tpu.dma_semaphore, #tpu.memory_space<semaphore_mem>> -> memref<1x!tpu.dma_semaphore, #tpu.memory_space<semaphore_mem>>
      %dma_wait3A_244 = tpu.memref_squeeze %dma_wait3A_243 : memref<1x!tpu.dma_semaphore, #tpu.memory_space<semaphore_mem>> -> memref<!tpu.dma_semaphore, #tpu.memory_space<semaphore_mem>>
      tpu.wait_indirect_dma semaphore(%dma_wait3A_244 : memref<!tpu.dma_semaphore, #tpu.memory_space<semaphore_mem>>) src(%dma_wait3A_242 : memref<40000x64xf32, #tpu.memory_space<hbm>>) dst(%dma_wait3A_236 : memref<128x64xf32, #tpu.memory_space<vmem>>)
      "tpu.region"() ({
        %run_scoped3A = tpu.sem_alloc : memref<!tpu.dma_semaphore, #tpu.memory_space<semaphore_mem>>
        %dma_start3A_289 = arith.constant 0 : i32
        %dma_start3A_290 = arith.constant 0 : i32
        %dma_start3A_291 = tpu.memref_slice %arg8[%scan3A_198, %dma_start3A_289, %dma_start3A_290] : memref<4x128x64xf32, #tpu.memory_space<vmem>> -> memref<1x128x64xf32, #tpu.memory_space<vmem>>
        %dma_start3A_292 = tpu.memref_squeeze %dma_start3A_291 : memref<1x128x64xf32, #tpu.memory_space<vmem>> -> memref<128x64xf32, #tpu.memory_space<vmem>>
        %dma_start3A_293 = arith.constant 0 : i32
        %dma_start3A_294 = tpu.memref_slice %arg7[%add3A_232, %dma_start3A_293] : memref<160x128xi32, #tpu.memory_space<vmem>> -> memref<1x128xi32, #tpu.memory_space<vmem>>
        %dma_start3A_295 = tpu.memref_squeeze %dma_start3A_294 : memref<1x128xi32, #tpu.memory_space<vmem>> -> memref<128xi32, #tpu.memory_space<vmem>>
        %dma_start3A_296 = arith.constant 0 : i32
        %dma_start3A_297 = arith.constant 0 : i32
        %dma_start3A_298 = tpu.memref_slice %arg10[%dma_start3A_296, %dma_start3A_297] : memref<10112x64xf32, #tpu.memory_space<vmem_shared>> -> memref<10112x64xf32, #tpu.memory_space<vmem_shared>>
        tpu.enqueue_indirect_dma source(%dma_start3A_292 : memref<128x64xf32, #tpu.memory_space<vmem>>) target(%dma_start3A_298 : memref<10112x64xf32, #tpu.memory_space<vmem_shared>>) offsets(%dma_start3A_295 : memref<128xi32, #tpu.memory_space<vmem>>) semaphore(%run_scoped3A : memref<!tpu.dma_semaphore, #tpu.memory_space<semaphore_mem>>) {add = true}
        %dma_wait3A_299 = arith.constant 0 : i32
        %dma_wait3A_300 = arith.constant 0 : i32
        %dma_wait3A_301 = tpu.memref_slice %arg8[%scan3A_198, %dma_wait3A_299, %dma_wait3A_300] : memref<4x128x64xf32, #tpu.memory_space<vmem>> -> memref<1x128x64xf32, #tpu.memory_space<vmem>>
        %dma_wait3A_302 = tpu.memref_squeeze %dma_wait3A_301 : memref<1x128x64xf32, #tpu.memory_space<vmem>> -> memref<128x64xf32, #tpu.memory_space<vmem>>
        %dma_wait3A_303 = arith.constant 0 : i32
        %dma_wait3A_304 = tpu.memref_slice %arg7[%add3A_232, %dma_wait3A_303] : memref<160x128xi32, #tpu.memory_space<vmem>> -> memref<1x128xi32, #tpu.memory_space<vmem>>
        %dma_wait3A_305 = tpu.memref_squeeze %dma_wait3A_304 : memref<1x128xi32, #tpu.memory_space<vmem>> -> memref<128xi32, #tpu.memory_space<vmem>>
        %dma_wait3A_306 = arith.constant 0 : i32
        %dma_wait3A_307 = arith.constant 0 : i32
        %dma_wait3A_308 = tpu.memref_slice %arg10[%dma_wait3A_306, %dma_wait3A_307] : memref<10112x64xf32, #tpu.memory_space<vmem_shared>> -> memref<10112x64xf32, #tpu.memory_space<vmem_shared>>
        tpu.wait_indirect_dma semaphore(%run_scoped3A : memref<!tpu.dma_semaphore, #tpu.memory_space<semaphore_mem>>) src(%dma_wait3A_302 : memref<128x64xf32, #tpu.memory_space<vmem>>) dst(%dma_wait3A_308 : memref<10112x64xf32, #tpu.memory_space<vmem_shared>>)
        tpu.yield
      }) : () -> ()
      %lt3A_245 = arith.constant 39 : i32
      %lt3A_246 = arith.cmpi slt, %scan3A_212, %lt3A_245 : i32
      %convert_element_type3A_247 = arith.extui %lt3A_246 : i1 to i32
      %cond3A_248 = arith.constant 0 : i32
      %cond3A_249 = arith.cmpi ne, %convert_element_type3A_247, %cond3A_248 : i32
      scf.if %cond3A_249 {
        %add3A_289 = arith.constant 4 : i32
        %add3A_290 = arith.addi %add3A_232, %add3A_289 : i32
        %dma_start3A_291 = arith.constant 0 : i32
        %dma_start3A_292 = arith.constant 0 : i32
        %dma_start3A_293 = tpu.memref_slice %arg8[%scan3A_198, %dma_start3A_291, %dma_start3A_292] : memref<4x128x64xf32, #tpu.memory_space<vmem>> -> memref<1x128x64xf32, #tpu.memory_space<vmem>>
        %dma_start3A_294 = tpu.memref_squeeze %dma_start3A_293 : memref<1x128x64xf32, #tpu.memory_space<vmem>> -> memref<128x64xf32, #tpu.memory_space<vmem>>
        %dma_start3A_295 = arith.constant 0 : i32
        %dma_start3A_296 = tpu.memref_slice %arg6[%add3A_290, %dma_start3A_295] : memref<160x128xi32, #tpu.memory_space<vmem>> -> memref<1x128xi32, #tpu.memory_space<vmem>>
        %dma_start3A_297 = tpu.memref_squeeze %dma_start3A_296 : memref<1x128xi32, #tpu.memory_space<vmem>> -> memref<128xi32, #tpu.memory_space<vmem>>
        %dma_start3A_298 = arith.constant 0 : i32
        %dma_start3A_299 = arith.constant 0 : i32
        %dma_start3A_300 = tpu.memref_slice %arg2[%dma_start3A_298, %dma_start3A_299] : memref<40000x64xf32, #tpu.memory_space<hbm>> -> memref<40000x64xf32, #tpu.memory_space<hbm>>
        %dma_start3A_301 = tpu.memref_slice %arg11[%scan3A_199] : memref<4x!tpu.dma_semaphore, #tpu.memory_space<semaphore_mem>> -> memref<1x!tpu.dma_semaphore, #tpu.memory_space<semaphore_mem>>
        %dma_start3A_302 = tpu.memref_squeeze %dma_start3A_301 : memref<1x!tpu.dma_semaphore, #tpu.memory_space<semaphore_mem>> -> memref<!tpu.dma_semaphore, #tpu.memory_space<semaphore_mem>>
        tpu.enqueue_indirect_dma source(%dma_start3A_300 : memref<40000x64xf32, #tpu.memory_space<hbm>>) target(%dma_start3A_294 : memref<128x64xf32, #tpu.memory_space<vmem>>) offsets(%dma_start3A_297 : memref<128xi32, #tpu.memory_space<vmem>>) semaphore(%dma_start3A_302 : memref<!tpu.dma_semaphore, #tpu.memory_space<semaphore_mem>>)
      } else {
      }
      %add3A_250 = arith.constant 2 : i32
      %add3A_251 = arith.addi %mul3A_215, %add3A_250 : i32
      %dma_wait3A_252 = arith.constant 0 : i32
      %dma_wait3A_253 = arith.constant 0 : i32
      %dma_wait3A_254 = tpu.memref_slice %arg8[%scan3A_200, %dma_wait3A_252, %dma_wait3A_253] : memref<4x128x64xf32, #tpu.memory_space<vmem>> -> memref<1x128x64xf32, #tpu.memory_space<vmem>>
      %dma_wait3A_255 = tpu.memref_squeeze %dma_wait3A_254 : memref<1x128x64xf32, #tpu.memory_space<vmem>> -> memref<128x64xf32, #tpu.memory_space<vmem>>
      %dma_wait3A_256 = arith.constant 0 : i32
      %dma_wait3A_257 = tpu.memref_slice %arg6[%add3A_251, %dma_wait3A_256] : memref<160x128xi32, #tpu.memory_space<vmem>> -> memref<1x128xi32, #tpu.memory_space<vmem>>
      %dma_wait3A_258 = tpu.memref_squeeze %dma_wait3A_257 : memref<1x128xi32, #tpu.memory_space<vmem>> -> memref<128xi32, #tpu.memory_space<vmem>>
      %dma_wait3A_259 = arith.constant 0 : i32
      %dma_wait3A_260 = arith.constant 0 : i32
      %dma_wait3A_261 = tpu.memref_slice %arg2[%dma_wait3A_259, %dma_wait3A_260] : memref<40000x64xf32, #tpu.memory_space<hbm>> -> memref<40000x64xf32, #tpu.memory_space<hbm>>
      %dma_wait3A_262 = tpu.memref_slice %arg11[%scan3A_201] : memref<4x!tpu.dma_semaphore, #tpu.memory_space<semaphore_mem>> -> memref<1x!tpu.dma_semaphore, #tpu.memory_space<semaphore_mem>>
      %dma_wait3A_263 = tpu.memref_squeeze %dma_wait3A_262 : memref<1x!tpu.dma_semaphore, #tpu.memory_space<semaphore_mem>> -> memref<!tpu.dma_semaphore, #tpu.memory_space<semaphore_mem>>
      tpu.wait_indirect_dma semaphore(%dma_wait3A_263 : memref<!tpu.dma_semaphore, #tpu.memory_space<semaphore_mem>>) src(%dma_wait3A_261 : memref<40000x64xf32, #tpu.memory_space<hbm>>) dst(%dma_wait3A_255 : memref<128x64xf32, #tpu.memory_space<vmem>>)
      "tpu.region"() ({
        %run_scoped3A = tpu.sem_alloc : memref<!tpu.dma_semaphore, #tpu.memory_space<semaphore_mem>>
        %dma_start3A_289 = arith.constant 0 : i32
        %dma_start3A_290 = arith.constant 0 : i32
        %dma_start3A_291 = tpu.memref_slice %arg8[%scan3A_200, %dma_start3A_289, %dma_start3A_290] : memref<4x128x64xf32, #tpu.memory_space<vmem>> -> memref<1x128x64xf32, #tpu.memory_space<vmem>>
        %dma_start3A_292 = tpu.memref_squeeze %dma_start3A_291 : memref<1x128x64xf32, #tpu.memory_space<vmem>> -> memref<128x64xf32, #tpu.memory_space<vmem>>
        %dma_start3A_293 = arith.constant 0 : i32
        %dma_start3A_294 = tpu.memref_slice %arg7[%add3A_251, %dma_start3A_293] : memref<160x128xi32, #tpu.memory_space<vmem>> -> memref<1x128xi32, #tpu.memory_space<vmem>>
        %dma_start3A_295 = tpu.memref_squeeze %dma_start3A_294 : memref<1x128xi32, #tpu.memory_space<vmem>> -> memref<128xi32, #tpu.memory_space<vmem>>
        %dma_start3A_296 = arith.constant 0 : i32
        %dma_start3A_297 = arith.constant 0 : i32
        %dma_start3A_298 = tpu.memref_slice %arg10[%dma_start3A_296, %dma_start3A_297] : memref<10112x64xf32, #tpu.memory_space<vmem_shared>> -> memref<10112x64xf32, #tpu.memory_space<vmem_shared>>
        tpu.enqueue_indirect_dma source(%dma_start3A_292 : memref<128x64xf32, #tpu.memory_space<vmem>>) target(%dma_start3A_298 : memref<10112x64xf32, #tpu.memory_space<vmem_shared>>) offsets(%dma_start3A_295 : memref<128xi32, #tpu.memory_space<vmem>>) semaphore(%run_scoped3A : memref<!tpu.dma_semaphore, #tpu.memory_space<semaphore_mem>>) {add = true}
        %dma_wait3A_299 = arith.constant 0 : i32
        %dma_wait3A_300 = arith.constant 0 : i32
        %dma_wait3A_301 = tpu.memref_slice %arg8[%scan3A_200, %dma_wait3A_299, %dma_wait3A_300] : memref<4x128x64xf32, #tpu.memory_space<vmem>> -> memref<1x128x64xf32, #tpu.memory_space<vmem>>
        %dma_wait3A_302 = tpu.memref_squeeze %dma_wait3A_301 : memref<1x128x64xf32, #tpu.memory_space<vmem>> -> memref<128x64xf32, #tpu.memory_space<vmem>>
        %dma_wait3A_303 = arith.constant 0 : i32
        %dma_wait3A_304 = tpu.memref_slice %arg7[%add3A_251, %dma_wait3A_303] : memref<160x128xi32, #tpu.memory_space<vmem>> -> memref<1x128xi32, #tpu.memory_space<vmem>>
        %dma_wait3A_305 = tpu.memref_squeeze %dma_wait3A_304 : memref<1x128xi32, #tpu.memory_space<vmem>> -> memref<128xi32, #tpu.memory_space<vmem>>
        %dma_wait3A_306 = arith.constant 0 : i32
        %dma_wait3A_307 = arith.constant 0 : i32
        %dma_wait3A_308 = tpu.memref_slice %arg10[%dma_wait3A_306, %dma_wait3A_307] : memref<10112x64xf32, #tpu.memory_space<vmem_shared>> -> memref<10112x64xf32, #tpu.memory_space<vmem_shared>>
        tpu.wait_indirect_dma semaphore(%run_scoped3A : memref<!tpu.dma_semaphore, #tpu.memory_space<semaphore_mem>>) src(%dma_wait3A_302 : memref<128x64xf32, #tpu.memory_space<vmem>>) dst(%dma_wait3A_308 : memref<10112x64xf32, #tpu.memory_space<vmem_shared>>)
        tpu.yield
      }) : () -> ()
      %lt3A_264 = arith.constant 39 : i32
      %lt3A_265 = arith.cmpi slt, %scan3A_212, %lt3A_264 : i32
      %convert_element_type3A_266 = arith.extui %lt3A_265 : i1 to i32
      %cond3A_267 = arith.constant 0 : i32
      %cond3A_268 = arith.cmpi ne, %convert_element_type3A_266, %cond3A_267 : i32
      scf.if %cond3A_268 {
        %add3A_289 = arith.constant 4 : i32
        %add3A_290 = arith.addi %add3A_251, %add3A_289 : i32
        %dma_start3A_291 = arith.constant 0 : i32
        %dma_start3A_292 = arith.constant 0 : i32
        %dma_start3A_293 = tpu.memref_slice %arg8[%scan3A_200, %dma_start3A_291, %dma_start3A_292] : memref<4x128x64xf32, #tpu.memory_space<vmem>> -> memref<1x128x64xf32, #tpu.memory_space<vmem>>
        %dma_start3A_294 = tpu.memref_squeeze %dma_start3A_293 : memref<1x128x64xf32, #tpu.memory_space<vmem>> -> memref<128x64xf32, #tpu.memory_space<vmem>>
        %dma_start3A_295 = arith.constant 0 : i32
        %dma_start3A_296 = tpu.memref_slice %arg6[%add3A_290, %dma_start3A_295] : memref<160x128xi32, #tpu.memory_space<vmem>> -> memref<1x128xi32, #tpu.memory_space<vmem>>
        %dma_start3A_297 = tpu.memref_squeeze %dma_start3A_296 : memref<1x128xi32, #tpu.memory_space<vmem>> -> memref<128xi32, #tpu.memory_space<vmem>>
        %dma_start3A_298 = arith.constant 0 : i32
        %dma_start3A_299 = arith.constant 0 : i32
        %dma_start3A_300 = tpu.memref_slice %arg2[%dma_start3A_298, %dma_start3A_299] : memref<40000x64xf32, #tpu.memory_space<hbm>> -> memref<40000x64xf32, #tpu.memory_space<hbm>>
        %dma_start3A_301 = tpu.memref_slice %arg11[%scan3A_201] : memref<4x!tpu.dma_semaphore, #tpu.memory_space<semaphore_mem>> -> memref<1x!tpu.dma_semaphore, #tpu.memory_space<semaphore_mem>>
        %dma_start3A_302 = tpu.memref_squeeze %dma_start3A_301 : memref<1x!tpu.dma_semaphore, #tpu.memory_space<semaphore_mem>> -> memref<!tpu.dma_semaphore, #tpu.memory_space<semaphore_mem>>
        tpu.enqueue_indirect_dma source(%dma_start3A_300 : memref<40000x64xf32, #tpu.memory_space<hbm>>) target(%dma_start3A_294 : memref<128x64xf32, #tpu.memory_space<vmem>>) offsets(%dma_start3A_297 : memref<128xi32, #tpu.memory_space<vmem>>) semaphore(%dma_start3A_302 : memref<!tpu.dma_semaphore, #tpu.memory_space<semaphore_mem>>)
      } else {
      }
      %add3A_269 = arith.constant 3 : i32
      %add3A_270 = arith.addi %mul3A_215, %add3A_269 : i32
      %dma_wait3A_271 = arith.constant 0 : i32
      %dma_wait3A_272 = arith.constant 0 : i32
      %dma_wait3A_273 = tpu.memref_slice %arg8[%scan3A_202, %dma_wait3A_271, %dma_wait3A_272] : memref<4x128x64xf32, #tpu.memory_space<vmem>> -> memref<1x128x64xf32, #tpu.memory_space<vmem>>
      %dma_wait3A_274 = tpu.memref_squeeze %dma_wait3A_273 : memref<1x128x64xf32, #tpu.memory_space<vmem>> -> memref<128x64xf32, #tpu.memory_space<vmem>>
      %dma_wait3A_275 = arith.constant 0 : i32
      %dma_wait3A_276 = tpu.memref_slice %arg6[%add3A_270, %dma_wait3A_275] : memref<160x128xi32, #tpu.memory_space<vmem>> -> memref<1x128xi32, #tpu.memory_space<vmem>>
      %dma_wait3A_277 = tpu.memref_squeeze %dma_wait3A_276 : memref<1x128xi32, #tpu.memory_space<vmem>> -> memref<128xi32, #tpu.memory_space<vmem>>
      %dma_wait3A_278 = arith.constant 0 : i32
      %dma_wait3A_279 = arith.constant 0 : i32
      %dma_wait3A_280 = tpu.memref_slice %arg2[%dma_wait3A_278, %dma_wait3A_279] : memref<40000x64xf32, #tpu.memory_space<hbm>> -> memref<40000x64xf32, #tpu.memory_space<hbm>>
      %dma_wait3A_281 = tpu.memref_slice %arg11[%scan3A_203] : memref<4x!tpu.dma_semaphore, #tpu.memory_space<semaphore_mem>> -> memref<1x!tpu.dma_semaphore, #tpu.memory_space<semaphore_mem>>
      %dma_wait3A_282 = tpu.memref_squeeze %dma_wait3A_281 : memref<1x!tpu.dma_semaphore, #tpu.memory_space<semaphore_mem>> -> memref<!tpu.dma_semaphore, #tpu.memory_space<semaphore_mem>>
      tpu.wait_indirect_dma semaphore(%dma_wait3A_282 : memref<!tpu.dma_semaphore, #tpu.memory_space<semaphore_mem>>) src(%dma_wait3A_280 : memref<40000x64xf32, #tpu.memory_space<hbm>>) dst(%dma_wait3A_274 : memref<128x64xf32, #tpu.memory_space<vmem>>)
      "tpu.region"() ({
        %run_scoped3A = tpu.sem_alloc : memref<!tpu.dma_semaphore, #tpu.memory_space<semaphore_mem>>
        %dma_start3A_289 = arith.constant 0 : i32
        %dma_start3A_290 = arith.constant 0 : i32
        %dma_start3A_291 = tpu.memref_slice %arg8[%scan3A_202, %dma_start3A_289, %dma_start3A_290] : memref<4x128x64xf32, #tpu.memory_space<vmem>> -> memref<1x128x64xf32, #tpu.memory_space<vmem>>
        %dma_start3A_292 = tpu.memref_squeeze %dma_start3A_291 : memref<1x128x64xf32, #tpu.memory_space<vmem>> -> memref<128x64xf32, #tpu.memory_space<vmem>>
        %dma_start3A_293 = arith.constant 0 : i32
        %dma_start3A_294 = tpu.memref_slice %arg7[%add3A_270, %dma_start3A_293] : memref<160x128xi32, #tpu.memory_space<vmem>> -> memref<1x128xi32, #tpu.memory_space<vmem>>
        %dma_start3A_295 = tpu.memref_squeeze %dma_start3A_294 : memref<1x128xi32, #tpu.memory_space<vmem>> -> memref<128xi32, #tpu.memory_space<vmem>>
        %dma_start3A_296 = arith.constant 0 : i32
        %dma_start3A_297 = arith.constant 0 : i32
        %dma_start3A_298 = tpu.memref_slice %arg10[%dma_start3A_296, %dma_start3A_297] : memref<10112x64xf32, #tpu.memory_space<vmem_shared>> -> memref<10112x64xf32, #tpu.memory_space<vmem_shared>>
        tpu.enqueue_indirect_dma source(%dma_start3A_292 : memref<128x64xf32, #tpu.memory_space<vmem>>) target(%dma_start3A_298 : memref<10112x64xf32, #tpu.memory_space<vmem_shared>>) offsets(%dma_start3A_295 : memref<128xi32, #tpu.memory_space<vmem>>) semaphore(%run_scoped3A : memref<!tpu.dma_semaphore, #tpu.memory_space<semaphore_mem>>) {add = true}
        %dma_wait3A_299 = arith.constant 0 : i32
        %dma_wait3A_300 = arith.constant 0 : i32
        %dma_wait3A_301 = tpu.memref_slice %arg8[%scan3A_202, %dma_wait3A_299, %dma_wait3A_300] : memref<4x128x64xf32, #tpu.memory_space<vmem>> -> memref<1x128x64xf32, #tpu.memory_space<vmem>>
        %dma_wait3A_302 = tpu.memref_squeeze %dma_wait3A_301 : memref<1x128x64xf32, #tpu.memory_space<vmem>> -> memref<128x64xf32, #tpu.memory_space<vmem>>
        %dma_wait3A_303 = arith.constant 0 : i32
        %dma_wait3A_304 = tpu.memref_slice %arg7[%add3A_270, %dma_wait3A_303] : memref<160x128xi32, #tpu.memory_space<vmem>> -> memref<1x128xi32, #tpu.memory_space<vmem>>
        %dma_wait3A_305 = tpu.memref_squeeze %dma_wait3A_304 : memref<1x128xi32, #tpu.memory_space<vmem>> -> memref<128xi32, #tpu.memory_space<vmem>>
        %dma_wait3A_306 = arith.constant 0 : i32
        %dma_wait3A_307 = arith.constant 0 : i32
        %dma_wait3A_308 = tpu.memref_slice %arg10[%dma_wait3A_306, %dma_wait3A_307] : memref<10112x64xf32, #tpu.memory_space<vmem_shared>> -> memref<10112x64xf32, #tpu.memory_space<vmem_shared>>
        tpu.wait_indirect_dma semaphore(%run_scoped3A : memref<!tpu.dma_semaphore, #tpu.memory_space<semaphore_mem>>) src(%dma_wait3A_302 : memref<128x64xf32, #tpu.memory_space<vmem>>) dst(%dma_wait3A_308 : memref<10112x64xf32, #tpu.memory_space<vmem_shared>>)
        tpu.yield
      }) : () -> ()
      %lt3A_283 = arith.constant 39 : i32
      %lt3A_284 = arith.cmpi slt, %scan3A_212, %lt3A_283 : i32
      %convert_element_type3A_285 = arith.extui %lt3A_284 : i1 to i32
      %cond3A_286 = arith.constant 0 : i32
      %cond3A_287 = arith.cmpi ne, %convert_element_type3A_285, %cond3A_286 : i32
      scf.if %cond3A_287 {
        %add3A_289 = arith.constant 4 : i32
        %add3A_290 = arith.addi %add3A_270, %add3A_289 : i32
        %dma_start3A_291 = arith.constant 0 : i32
        %dma_start3A_292 = arith.constant 0 : i32
        %dma_start3A_293 = tpu.memref_slice %arg8[%scan3A_202, %dma_start3A_291, %dma_start3A_292] : memref<4x128x64xf32, #tpu.memory_space<vmem>> -> memref<1x128x64xf32, #tpu.memory_space<vmem>>
        %dma_start3A_294 = tpu.memref_squeeze %dma_start3A_293 : memref<1x128x64xf32, #tpu.memory_space<vmem>> -> memref<128x64xf32, #tpu.memory_space<vmem>>
        %dma_start3A_295 = arith.constant 0 : i32
        %dma_start3A_296 = tpu.memref_slice %arg6[%add3A_290, %dma_start3A_295] : memref<160x128xi32, #tpu.memory_space<vmem>> -> memref<1x128xi32, #tpu.memory_space<vmem>>
        %dma_start3A_297 = tpu.memref_squeeze %dma_start3A_296 : memref<1x128xi32, #tpu.memory_space<vmem>> -> memref<128xi32, #tpu.memory_space<vmem>>
        %dma_start3A_298 = arith.constant 0 : i32
        %dma_start3A_299 = arith.constant 0 : i32
        %dma_start3A_300 = tpu.memref_slice %arg2[%dma_start3A_298, %dma_start3A_299] : memref<40000x64xf32, #tpu.memory_space<hbm>> -> memref<40000x64xf32, #tpu.memory_space<hbm>>
        %dma_start3A_301 = tpu.memref_slice %arg11[%scan3A_203] : memref<4x!tpu.dma_semaphore, #tpu.memory_space<semaphore_mem>> -> memref<1x!tpu.dma_semaphore, #tpu.memory_space<semaphore_mem>>
        %dma_start3A_302 = tpu.memref_squeeze %dma_start3A_301 : memref<1x!tpu.dma_semaphore, #tpu.memory_space<semaphore_mem>> -> memref<!tpu.dma_semaphore, #tpu.memory_space<semaphore_mem>>
        tpu.enqueue_indirect_dma source(%dma_start3A_300 : memref<40000x64xf32, #tpu.memory_space<hbm>>) target(%dma_start3A_294 : memref<128x64xf32, #tpu.memory_space<vmem>>) offsets(%dma_start3A_297 : memref<128xi32, #tpu.memory_space<vmem>>) semaphore(%dma_start3A_302 : memref<!tpu.dma_semaphore, #tpu.memory_space<semaphore_mem>>)
      } else {
      }
      %scan3A_288 = arith.constant 0 : i32
      scf.yield %scan3A_288 : i32
    }
    %scan3A_210 = arith.constant 40 : i32
    %barrier3A_211 = arith.constant 0 : index
    tpu.barrier barrier_id(%barrier3A_211)
    "tpu.region"() ({
      %run_scoped3A = tpu.sem_alloc : memref<!tpu.dma_semaphore, #tpu.memory_space<semaphore_mem>>
      %dma_start3A_212 = arith.constant 0 : i32
      %dma_start3A_213 = tpu.memref_slice %arg5[%add3A_132, %mul3A_8, %dma_start3A_212] : memref<4x10112x64xf32, #tpu.memory_space<hbm>> -> memref<1x632x64xf32, #tpu.memory_space<hbm>>
      %dma_start3A_214 = tpu.memref_squeeze %dma_start3A_213 : memref<1x632x64xf32, #tpu.memory_space<hbm>> -> memref<632x64xf32, #tpu.memory_space<hbm>>
      %dma_start3A_215 = arith.constant 0 : i32
      %dma_start3A_216 = tpu.memref_slice %arg10[%mul3A_8, %dma_start3A_215] : memref<10112x64xf32, #tpu.memory_space<vmem_shared>> -> memref<632x64xf32, #tpu.memory_space<vmem_shared>>
      tpu.enqueue_dma source(%dma_start3A_216 : memref<632x64xf32, #tpu.memory_space<vmem_shared>>) target(%dma_start3A_214 : memref<632x64xf32, #tpu.memory_space<hbm>>) target_semaphore(%run_scoped3A : memref<!tpu.dma_semaphore, #tpu.memory_space<semaphore_mem>>)
      %dma_wait3A = arith.constant 0 : i32
      %dma_wait3A_217 = tpu.memref_slice %arg5[%add3A_132, %mul3A_8, %dma_wait3A] : memref<4x10112x64xf32, #tpu.memory_space<hbm>> -> memref<1x632x64xf32, #tpu.memory_space<hbm>>
      %dma_wait3A_218 = tpu.memref_squeeze %dma_wait3A_217 : memref<1x632x64xf32, #tpu.memory_space<hbm>> -> memref<632x64xf32, #tpu.memory_space<hbm>>
      %dma_wait3A_219 = arith.constant 0 : i32
      %dma_wait3A_220 = tpu.memref_slice %arg10[%mul3A_8, %dma_wait3A_219] : memref<10112x64xf32, #tpu.memory_space<vmem_shared>> -> memref<632x64xf32, #tpu.memory_space<vmem_shared>>
      tpu.wait_dma2 semaphore(%run_scoped3A : memref<!tpu.dma_semaphore, #tpu.memory_space<semaphore_mem>>) src(%dma_wait3A_220 : memref<632x64xf32, #tpu.memory_space<vmem_shared>>) dst(%dma_wait3A_218 : memref<632x64xf32, #tpu.memory_space<hbm>>)
      tpu.yield
    }) : () -> ()
    return
  }
}

module attributes {stable_mosaic.version = 14 : i64} {
  func.func @_mm1_body(%arg0: i32, %arg1: i32, %arg2: memref<2000x128xf32, #tpu.memory_space<vmem>>, %arg3: memref<1x128x64xf32, #tpu.memory_space<vmem>>, %arg4: memref<2x2000x16xf32, #tpu.memory_space<vmem>>, %arg5: memref<1x2000x64xf32, #tpu.memory_space<vmem>>) attributes {dimension_semantics = [#tpu.dimension_semantics<arbitrary>, #tpu.dimension_semantics<arbitrary>], iteration_bounds = array<i64: 5, 4>, scalar_prefetch = 0 : i64, scratch_operands = 0 : i64, tpu.core_type = #tpu.core_type<tc>, window_params = [{transform_indices = @transform_0, window_bounds = array<i64: 2000, 128>}, {transform_indices = @transform_1, window_bounds = array<i64: 1, 128, 64>}, {transform_indices = @transform_2, window_bounds = array<i64: 2, 2000, 16>}, {transform_indices = @transform_3, window_bounds = array<i64: 1, 2000, 64>}]} {
    %get3A = arith.constant 0 : index
    %get3A_0 = arith.constant 0 : index
    %get3A_1 = arith.constant 0 : index
    %get3A_2 = vector.load %arg4[%get3A, %get3A_0, %get3A_1] : memref<2x2000x16xf32, #tpu.memory_space<vmem>>, vector<2x2000x16xf32>
    %slice3A = vector.extract_strided_slice %get3A_2 {offsets = [0, 0, 0], sizes = [1, 2000, 1], strides = [1, 1, 1]} : vector<2x2000x16xf32> to vector<1x2000x1xf32>
    %squeeze3A = vector.shape_cast %slice3A : vector<1x2000x1xf32> to vector<2000xf32>
    %add3A = arith.constant 1.000000e+00 : f32
    %add3A_3 = vector.broadcast %add3A : f32 to vector<2000xf32>
    %add3A_4 = arith.addf %add3A_3, %squeeze3A : vector<2000xf32>
    %slice3A_5 = vector.extract_strided_slice %get3A_2 {offsets = [1, 0, 0], sizes = [1, 2000, 1], strides = [1, 1, 1]} : vector<2x2000x16xf32> to vector<1x2000x1xf32>
    %squeeze3A_6 = vector.shape_cast %slice3A_5 : vector<1x2000x1xf32> to vector<2000xf32>
    %add3A_7 = arith.addf %add3A_4, %squeeze3A_6 : vector<2000xf32>
    %rsqrt3A = math.rsqrt %add3A_7 : vector<2000xf32>
    %get3A_8 = arith.constant 0 : index
    %get3A_9 = arith.constant 0 : index
    %get3A_10 = vector.load %arg2[%get3A_8, %get3A_9] : memref<2000x128xf32, #tpu.memory_space<vmem>>, vector<2000x128xf32>
    %get3A_11 = arith.constant 0 : index
    %get3A_12 = arith.constant 0 : index
    %get3A_13 = arith.constant 0 : index
    %get3A_14 = vector.load %arg3[%get3A_11, %get3A_12, %get3A_13] : memref<1x128x64xf32, #tpu.memory_space<vmem>>, vector<1x128x64xf32>
    %get3A_15 = vector.shape_cast %get3A_14 : vector<1x128x64xf32> to vector<128x64xf32>
    %dot_general3A = arith.constant dense<0.000000e+00> : vector<2000x64xf32>
    %dot_general3A_16 = tpu.matmul %get3A_10, %get3A_15, %dot_general3A {dimension_numbers = #tpu.dot_dimension_numbers<[1], [0], [0], [1], [0, 0, 1, 1], [], []>, transpose_lhs_hint = false} : vector<2000x128xf32>, vector<128x64xf32>, vector<2000x64xf32> -> vector<2000x64xf32>
    %broadcast_in_dim3A = vector.shape_cast %rsqrt3A : vector<2000xf32> to vector<2000x1xf32>
    %mul3A = vector.broadcast %broadcast_in_dim3A : vector<2000x1xf32> to vector<2000x64xf32>
    %mul3A_17 = arith.mulf %mul3A, %dot_general3A_16 : vector<2000x64xf32>
    %swap3A = arith.constant 0 : index
    %swap3A_18 = arith.constant 0 : index
    %swap3A_19 = arith.constant 0 : index
    %swap3A_20 = vector.load %arg5[%swap3A, %swap3A_18, %swap3A_19] : memref<1x2000x64xf32, #tpu.memory_space<vmem>>, vector<1x2000x64xf32>
    %swap3A_21 = vector.shape_cast %swap3A_20 : vector<1x2000x64xf32> to vector<2000x64xf32>
    %swap3A_22 = vector.shape_cast %mul3A_17 : vector<2000x64xf32> to vector<1x2000x64xf32>
    tpu.vector_store %arg5[%swap3A, %swap3A_18, %swap3A_19], %swap3A_22 {strides = array<i32>} : memref<1x2000x64xf32, #tpu.memory_space<vmem>>, vector<1x2000x64xf32>,
    return
  }
  func.func @transform_0(%arg0: i32, %arg1: i32) -> (i32, i32) {
    %c0_i32 = arith.constant 0 : i32
    %c0_i32_0 = arith.constant 0 : i32
    return %arg0, %c0_i32 : i32, i32
  }
  func.func @transform_1(%arg0: i32, %arg1: i32) -> (i32, i32, i32) {
    %c0_i32 = arith.constant 0 : i32
    %c0_i32_0 = arith.constant 0 : i32
    %c0_i32_1 = arith.constant 0 : i32
    return %arg1, %c0_i32, %c0_i32_0 : i32, i32, i32
  }
  func.func @transform_2(%arg0: i32, %arg1: i32) -> (i32, i32, i32) {
    %c0_i32 = arith.constant 0 : i32
    %c0_i32_0 = arith.constant 0 : i32
    %c0_i32_1 = arith.constant 0 : i32
    return %c0_i32, %arg0, %c0_i32_0 : i32, i32, i32
  }
  func.func @transform_3(%arg0: i32, %arg1: i32) -> (i32, i32, i32) {
    %c0_i32 = arith.constant 0 : i32
    %c0_i32_0 = arith.constant 0 : i32
    return %arg1, %arg0, %c0_i32 : i32, i32, i32
  }
}

module attributes {stable_mosaic.version = 14 : i64} {
  func.func @_mm2_body(%arg0: i32, %arg1: i32, %arg2: memref<4x2000x64xf32, #tpu.memory_space<vmem>>, %arg3: memref<4x2000x64xf32, #tpu.memory_space<vmem>>, %arg4: memref<2x2000x16xf32, #tpu.memory_space<vmem>>, %arg5: memref<4x64xf32, #tpu.memory_space<vmem>>, %arg6: memref<1x256x64xf32, #tpu.memory_space<vmem>>, %arg7: memref<1x2000x64xf32, #tpu.memory_space<vmem>>) attributes {dimension_semantics = [#tpu.dimension_semantics<arbitrary>, #tpu.dimension_semantics<arbitrary>], iteration_bounds = array<i64: 5, 4>, scalar_prefetch = 0 : i64, scratch_operands = 0 : i64, tpu.core_type = #tpu.core_type<tc>, window_params = [{transform_indices = @transform_0, window_bounds = array<i64: 4, 2000, 64>}, {transform_indices = @transform_1, window_bounds = array<i64: 4, 2000, 64>}, {transform_indices = @transform_2, window_bounds = array<i64: 2, 2000, 16>}, {pipeline_mode = #tpu.pipeline_mode<synchronous>, transform_indices = @transform_3, window_bounds = array<i64: 4, 64>}, {transform_indices = @transform_4, window_bounds = array<i64: 1, 256, 64>}, {transform_indices = @transform_5, window_bounds = array<i64: 1, 2000, 64>}]} {
    %get3A = arith.constant 0 : index
    %get3A_0 = arith.constant 0 : index
    %get3A_1 = arith.constant 0 : index
    %get3A_2 = vector.load %arg4[%get3A, %get3A_0, %get3A_1] : memref<2x2000x16xf32, #tpu.memory_space<vmem>>, vector<2x2000x16xf32>
    %slice3A = vector.extract_strided_slice %get3A_2 {offsets = [0, 0, 0], sizes = [1, 2000, 1], strides = [1, 1, 1]} : vector<2x2000x16xf32> to vector<1x2000x1xf32>
    %squeeze3A = vector.shape_cast %slice3A : vector<1x2000x1xf32> to vector<2000xf32>
    %add3A = arith.constant 1.000000e+00 : f32
    %add3A_3 = vector.broadcast %add3A : f32 to vector<2000xf32>
    %add3A_4 = arith.addf %add3A_3, %squeeze3A : vector<2000xf32>
    %slice3A_5 = vector.extract_strided_slice %get3A_2 {offsets = [1, 0, 0], sizes = [1, 2000, 1], strides = [1, 1, 1]} : vector<2x2000x16xf32> to vector<1x2000x1xf32>
    %squeeze3A_6 = vector.shape_cast %slice3A_5 : vector<1x2000x1xf32> to vector<2000xf32>
    %add3A_7 = arith.addf %add3A_4, %squeeze3A_6 : vector<2000xf32>
    %rsqrt3A = math.rsqrt %add3A_7 : vector<2000xf32>
    %get3A_8 = arith.constant 0 : index
    %get3A_9 = arith.constant 0 : index
    %get3A_10 = arith.constant 0 : index
    %get3A_11 = vector.load %arg2[%get3A_8, %get3A_9, %get3A_10] : memref<4x2000x64xf32, #tpu.memory_space<vmem>>, vector<1x2000x64xf32>
    %get3A_12 = vector.shape_cast %get3A_11 : vector<1x2000x64xf32> to vector<2000x64xf32>
    %get3A_13 = arith.constant 0 : index
    %get3A_14 = arith.constant 0 : index
    %get3A_15 = arith.constant 0 : index
    %get3A_16 = vector.load %arg3[%get3A_13, %get3A_14, %get3A_15] : memref<4x2000x64xf32, #tpu.memory_space<vmem>>, vector<1x2000x64xf32>
    %get3A_17 = vector.shape_cast %get3A_16 : vector<1x2000x64xf32> to vector<2000x64xf32>
    %add3A_18 = arith.addf %get3A_12, %get3A_17 : vector<2000x64xf32>
    %get3A_19 = arith.constant 1 : index
    %get3A_20 = arith.constant 0 : index
    %get3A_21 = arith.constant 0 : index
    %get3A_22 = vector.load %arg2[%get3A_19, %get3A_20, %get3A_21] : memref<4x2000x64xf32, #tpu.memory_space<vmem>>, vector<1x2000x64xf32>
    %get3A_23 = vector.shape_cast %get3A_22 : vector<1x2000x64xf32> to vector<2000x64xf32>
    %get3A_24 = arith.constant 1 : index
    %get3A_25 = arith.constant 0 : index
    %get3A_26 = arith.constant 0 : index
    %get3A_27 = vector.load %arg3[%get3A_24, %get3A_25, %get3A_26] : memref<4x2000x64xf32, #tpu.memory_space<vmem>>, vector<1x2000x64xf32>
    %get3A_28 = vector.shape_cast %get3A_27 : vector<1x2000x64xf32> to vector<2000x64xf32>
    %add3A_29 = arith.addf %get3A_23, %get3A_28 : vector<2000x64xf32>
    %get3A_30 = arith.constant 2 : index
    %get3A_31 = arith.constant 0 : index
    %get3A_32 = arith.constant 0 : index
    %get3A_33 = vector.load %arg2[%get3A_30, %get3A_31, %get3A_32] : memref<4x2000x64xf32, #tpu.memory_space<vmem>>, vector<1x2000x64xf32>
    %get3A_34 = vector.shape_cast %get3A_33 : vector<1x2000x64xf32> to vector<2000x64xf32>
    %get3A_35 = arith.constant 2 : index
    %get3A_36 = arith.constant 0 : index
    %get3A_37 = arith.constant 0 : index
    %get3A_38 = vector.load %arg3[%get3A_35, %get3A_36, %get3A_37] : memref<4x2000x64xf32, #tpu.memory_space<vmem>>, vector<1x2000x64xf32>
    %get3A_39 = vector.shape_cast %get3A_38 : vector<1x2000x64xf32> to vector<2000x64xf32>
    %add3A_40 = arith.addf %get3A_34, %get3A_39 : vector<2000x64xf32>
    %get3A_41 = arith.constant 3 : index
    %get3A_42 = arith.constant 0 : index
    %get3A_43 = arith.constant 0 : index
    %get3A_44 = vector.load %arg2[%get3A_41, %get3A_42, %get3A_43] : memref<4x2000x64xf32, #tpu.memory_space<vmem>>, vector<1x2000x64xf32>
    %get3A_45 = vector.shape_cast %get3A_44 : vector<1x2000x64xf32> to vector<2000x64xf32>
    %get3A_46 = arith.constant 3 : index
    %get3A_47 = arith.constant 0 : index
    %get3A_48 = arith.constant 0 : index
    %get3A_49 = vector.load %arg3[%get3A_46, %get3A_47, %get3A_48] : memref<4x2000x64xf32, #tpu.memory_space<vmem>>, vector<1x2000x64xf32>
    %get3A_50 = vector.shape_cast %get3A_49 : vector<1x2000x64xf32> to vector<2000x64xf32>
    %add3A_51 = arith.addf %get3A_45, %get3A_50 : vector<2000x64xf32>
    %concatenate3A = tpu.concatenate %add3A_18, %add3A_29, %add3A_40, %add3A_51 in 1 : vector<2000x64xf32>, vector<2000x64xf32>, vector<2000x64xf32>, vector<2000x64xf32> -> vector<2000x256xf32>
    %get3A_52 = arith.constant 0 : index
    %get3A_53 = arith.constant 0 : index
    %get3A_54 = vector.load %arg5[%get3A_52, %get3A_53] : memref<4x64xf32, #tpu.memory_space<vmem>>, vector<1x64xf32>
    %get3A_55 = vector.shape_cast %get3A_54 : vector<1x64xf32> to vector<64xf32>
    %get3A_56 = arith.constant 1 : index
    %get3A_57 = arith.constant 0 : index
    %get3A_58 = vector.load %arg5[%get3A_56, %get3A_57] : memref<4x64xf32, #tpu.memory_space<vmem>>, vector<1x64xf32>
    %get3A_59 = vector.shape_cast %get3A_58 : vector<1x64xf32> to vector<64xf32>
    %get3A_60 = arith.constant 2 : index
    %get3A_61 = arith.constant 0 : index
    %get3A_62 = vector.load %arg5[%get3A_60, %get3A_61] : memref<4x64xf32, #tpu.memory_space<vmem>>, vector<1x64xf32>
    %get3A_63 = vector.shape_cast %get3A_62 : vector<1x64xf32> to vector<64xf32>
    %get3A_64 = arith.constant 3 : index
    %get3A_65 = arith.constant 0 : index
    %get3A_66 = vector.load %arg5[%get3A_64, %get3A_65] : memref<4x64xf32, #tpu.memory_space<vmem>>, vector<1x64xf32>
    %get3A_67 = vector.shape_cast %get3A_66 : vector<1x64xf32> to vector<64xf32>
    %concatenate3A_68 = tpu.concatenate %get3A_55, %get3A_59, %get3A_63, %get3A_67 in 0 : vector<64xf32>, vector<64xf32>, vector<64xf32>, vector<64xf32> -> vector<256xf32>
    %broadcast_in_dim3A = vector.shape_cast %rsqrt3A : vector<2000xf32> to vector<2000x1xf32>
    %mul3A = vector.broadcast %broadcast_in_dim3A : vector<2000x1xf32> to vector<2000x256xf32>
    %mul3A_69 = arith.mulf %mul3A, %concatenate3A : vector<2000x256xf32>
    %broadcast_in_dim3A_70 = vector.shape_cast %concatenate3A_68 : vector<256xf32> to vector<1x256xf32>
    %add3A_71 = vector.broadcast %broadcast_in_dim3A_70 : vector<1x256xf32> to vector<2000x256xf32>
    %add3A_72 = arith.addf %mul3A_69, %add3A_71 : vector<2000x256xf32>
    %max3A = arith.constant 0.000000e+00 : f32
    %max3A_73 = vector.broadcast %max3A : f32 to vector<2000x256xf32>
    %max3A_74 = arith.maximumf %add3A_72, %max3A_73 : vector<2000x256xf32>
    %get3A_75 = arith.constant 0 : index
    %get3A_76 = arith.constant 0 : index
    %get3A_77 = arith.constant 0 : index
    %get3A_78 = vector.load %arg6[%get3A_75, %get3A_76, %get3A_77] : memref<1x256x64xf32, #tpu.memory_space<vmem>>, vector<1x256x64xf32>
    %get3A_79 = vector.shape_cast %get3A_78 : vector<1x256x64xf32> to vector<256x64xf32>
    %dot_general3A = arith.constant dense<0.000000e+00> : vector<2000x64xf32>
    %dot_general3A_80 = tpu.matmul %max3A_74, %get3A_79, %dot_general3A {dimension_numbers = #tpu.dot_dimension_numbers<[1], [0], [0], [1], [0, 0, 1, 1], [], []>, transpose_lhs_hint = false} : vector<2000x256xf32>, vector<256x64xf32>, vector<2000x64xf32> -> vector<2000x64xf32>
    %broadcast_in_dim3A_81 = vector.shape_cast %rsqrt3A : vector<2000xf32> to vector<2000x1xf32>
    %mul3A_82 = vector.broadcast %broadcast_in_dim3A_81 : vector<2000x1xf32> to vector<2000x64xf32>
    %mul3A_83 = arith.mulf %mul3A_82, %dot_general3A_80 : vector<2000x64xf32>
    %swap3A = arith.constant 0 : index
    %swap3A_84 = arith.constant 0 : index
    %swap3A_85 = arith.constant 0 : index
    %swap3A_86 = vector.load %arg7[%swap3A, %swap3A_84, %swap3A_85] : memref<1x2000x64xf32, #tpu.memory_space<vmem>>, vector<1x2000x64xf32>
    %swap3A_87 = vector.shape_cast %swap3A_86 : vector<1x2000x64xf32> to vector<2000x64xf32>
    %swap3A_88 = vector.shape_cast %mul3A_83 : vector<2000x64xf32> to vector<1x2000x64xf32>
    tpu.vector_store %arg7[%swap3A, %swap3A_84, %swap3A_85], %swap3A_88 {strides = array<i32>} : memref<1x2000x64xf32, #tpu.memory_space<vmem>>, vector<1x2000x64xf32>,
    return
  }
  func.func @transform_0(%arg0: i32, %arg1: i32) -> (i32, i32, i32) {
    %c0_i32 = arith.constant 0 : i32
    %c0_i32_0 = arith.constant 0 : i32
    %c0_i32_1 = arith.constant 0 : i32
    return %c0_i32, %arg0, %c0_i32_0 : i32, i32, i32
  }
  func.func @transform_1(%arg0: i32, %arg1: i32) -> (i32, i32, i32) {
    %c0_i32 = arith.constant 0 : i32
    %c0_i32_0 = arith.constant 0 : i32
    %c0_i32_1 = arith.constant 0 : i32
    return %c0_i32, %arg0, %c0_i32_0 : i32, i32, i32
  }
  func.func @transform_2(%arg0: i32, %arg1: i32) -> (i32, i32, i32) {
    %c0_i32 = arith.constant 0 : i32
    %c0_i32_0 = arith.constant 0 : i32
    %c0_i32_1 = arith.constant 0 : i32
    return %c0_i32, %arg0, %c0_i32_0 : i32, i32, i32
  }
  func.func @transform_3(%arg0: i32, %arg1: i32) -> (i32, i32) {
    %c0_i32 = arith.constant 0 : i32
    %c0_i32_0 = arith.constant 0 : i32
    %c0_i32_1 = arith.constant 0 : i32
    return %c0_i32, %c0_i32_0 : i32, i32
  }
  func.func @transform_4(%arg0: i32, %arg1: i32) -> (i32, i32, i32) {
    %c0_i32 = arith.constant 0 : i32
    %c0_i32_0 = arith.constant 0 : i32
    %c0_i32_1 = arith.constant 0 : i32
    return %arg1, %c0_i32, %c0_i32_0 : i32, i32, i32
  }
  func.func @transform_5(%arg0: i32, %arg1: i32) -> (i32, i32, i32) {
    %c0_i32 = arith.constant 0 : i32
    %c0_i32_0 = arith.constant 0 : i32
    return %arg1, %arg0, %c0_i32 : i32, i32, i32
  }
}

module attributes {stable_mosaic.version = 14 : i64} {
  func.func @_zred_body(%arg0: i32, %arg1: memref<4x2000x64xf32, #tpu.memory_space<vmem>>, %arg2: memref<4x2000x64xf32, #tpu.memory_space<vmem>>, %arg3: memref<2x2000x16xf32, #tpu.memory_space<vmem>>, %arg4: memref<4x64xf32, #tpu.memory_space<vmem>>, %arg5: memref<1x1x2000xf32, #tpu.memory_space<vmem>>, %arg6: memref<1x256xf32, #tpu.memory_space<vmem>>) attributes {dimension_semantics = [#tpu.dimension_semantics<arbitrary>], iteration_bounds = array<i64: 5>, scalar_prefetch = 0 : i64, scratch_operands = 0 : i64, tpu.core_type = #tpu.core_type<tc>, window_params = [{transform_indices = @transform_0, window_bounds = array<i64: 4, 2000, 64>}, {transform_indices = @transform_1, window_bounds = array<i64: 4, 2000, 64>}, {transform_indices = @transform_2, window_bounds = array<i64: 2, 2000, 16>}, {pipeline_mode = #tpu.pipeline_mode<synchronous>, transform_indices = @transform_3, window_bounds = array<i64: 4, 64>}, {transform_indices = @transform_4, window_bounds = array<i64: 1, 1, 2000>}, {pipeline_mode = #tpu.pipeline_mode<synchronous>, transform_indices = @transform_5, window_bounds = array<i64: 1, 256>}]} {
    %get3A = arith.constant 0 : index
    %get3A_0 = arith.constant 0 : index
    %get3A_1 = arith.constant 0 : index
    %get3A_2 = vector.load %arg3[%get3A, %get3A_0, %get3A_1] : memref<2x2000x16xf32, #tpu.memory_space<vmem>>, vector<2x2000x16xf32>
    %slice3A = vector.extract_strided_slice %get3A_2 {offsets = [0, 0, 0], sizes = [1, 2000, 1], strides = [1, 1, 1]} : vector<2x2000x16xf32> to vector<1x2000x1xf32>
    %squeeze3A = vector.shape_cast %slice3A : vector<1x2000x1xf32> to vector<2000xf32>
    %add3A = arith.constant 1.000000e+00 : f32
    %add3A_3 = vector.broadcast %add3A : f32 to vector<2000xf32>
    %add3A_4 = arith.addf %add3A_3, %squeeze3A : vector<2000xf32>
    %slice3A_5 = vector.extract_strided_slice %get3A_2 {offsets = [1, 0, 0], sizes = [1, 2000, 1], strides = [1, 1, 1]} : vector<2x2000x16xf32> to vector<1x2000x1xf32>
    %squeeze3A_6 = vector.shape_cast %slice3A_5 : vector<1x2000x1xf32> to vector<2000xf32>
    %add3A_7 = arith.addf %add3A_4, %squeeze3A_6 : vector<2000xf32>
    %rsqrt3A = math.rsqrt %add3A_7 : vector<2000xf32>
    %get3A_8 = arith.constant 0 : index
    %get3A_9 = arith.constant 0 : index
    %get3A_10 = arith.constant 0 : index
    %get3A_11 = vector.load %arg1[%get3A_8, %get3A_9, %get3A_10] : memref<4x2000x64xf32, #tpu.memory_space<vmem>>, vector<1x2000x64xf32>
    %get3A_12 = vector.shape_cast %get3A_11 : vector<1x2000x64xf32> to vector<2000x64xf32>
    %get3A_13 = arith.constant 0 : index
    %get3A_14 = arith.constant 0 : index
    %get3A_15 = arith.constant 0 : index
    %get3A_16 = vector.load %arg2[%get3A_13, %get3A_14, %get3A_15] : memref<4x2000x64xf32, #tpu.memory_space<vmem>>, vector<1x2000x64xf32>
    %get3A_17 = vector.shape_cast %get3A_16 : vector<1x2000x64xf32> to vector<2000x64xf32>
    %add3A_18 = arith.addf %get3A_12, %get3A_17 : vector<2000x64xf32>
    %get3A_19 = arith.constant 1 : index
    %get3A_20 = arith.constant 0 : index
    %get3A_21 = arith.constant 0 : index
    %get3A_22 = vector.load %arg1[%get3A_19, %get3A_20, %get3A_21] : memref<4x2000x64xf32, #tpu.memory_space<vmem>>, vector<1x2000x64xf32>
    %get3A_23 = vector.shape_cast %get3A_22 : vector<1x2000x64xf32> to vector<2000x64xf32>
    %get3A_24 = arith.constant 1 : index
    %get3A_25 = arith.constant 0 : index
    %get3A_26 = arith.constant 0 : index
    %get3A_27 = vector.load %arg2[%get3A_24, %get3A_25, %get3A_26] : memref<4x2000x64xf32, #tpu.memory_space<vmem>>, vector<1x2000x64xf32>
    %get3A_28 = vector.shape_cast %get3A_27 : vector<1x2000x64xf32> to vector<2000x64xf32>
    %add3A_29 = arith.addf %get3A_23, %get3A_28 : vector<2000x64xf32>
    %get3A_30 = arith.constant 2 : index
    %get3A_31 = arith.constant 0 : index
    %get3A_32 = arith.constant 0 : index
    %get3A_33 = vector.load %arg1[%get3A_30, %get3A_31, %get3A_32] : memref<4x2000x64xf32, #tpu.memory_space<vmem>>, vector<1x2000x64xf32>
    %get3A_34 = vector.shape_cast %get3A_33 : vector<1x2000x64xf32> to vector<2000x64xf32>
    %get3A_35 = arith.constant 2 : index
    %get3A_36 = arith.constant 0 : index
    %get3A_37 = arith.constant 0 : index
    %get3A_38 = vector.load %arg2[%get3A_35, %get3A_36, %get3A_37] : memref<4x2000x64xf32, #tpu.memory_space<vmem>>, vector<1x2000x64xf32>
    %get3A_39 = vector.shape_cast %get3A_38 : vector<1x2000x64xf32> to vector<2000x64xf32>
    %add3A_40 = arith.addf %get3A_34, %get3A_39 : vector<2000x64xf32>
    %get3A_41 = arith.constant 3 : index
    %get3A_42 = arith.constant 0 : index
    %get3A_43 = arith.constant 0 : index
    %get3A_44 = vector.load %arg1[%get3A_41, %get3A_42, %get3A_43] : memref<4x2000x64xf32, #tpu.memory_space<vmem>>, vector<1x2000x64xf32>
    %get3A_45 = vector.shape_cast %get3A_44 : vector<1x2000x64xf32> to vector<2000x64xf32>
    %get3A_46 = arith.constant 3 : index
    %get3A_47 = arith.constant 0 : index
    %get3A_48 = arith.constant 0 : index
    %get3A_49 = vector.load %arg2[%get3A_46, %get3A_47, %get3A_48] : memref<4x2000x64xf32, #tpu.memory_space<vmem>>, vector<1x2000x64xf32>
    %get3A_50 = vector.shape_cast %get3A_49 : vector<1x2000x64xf32> to vector<2000x64xf32>
    %add3A_51 = arith.addf %get3A_45, %get3A_50 : vector<2000x64xf32>
    %concatenate3A = tpu.concatenate %add3A_18, %add3A_29, %add3A_40, %add3A_51 in 1 : vector<2000x64xf32>, vector<2000x64xf32>, vector<2000x64xf32>, vector<2000x64xf32> -> vector<2000x256xf32>
    %get3A_52 = arith.constant 0 : index
    %get3A_53 = arith.constant 0 : index
    %get3A_54 = vector.load %arg4[%get3A_52, %get3A_53] : memref<4x64xf32, #tpu.memory_space<vmem>>, vector<1x64xf32>
    %get3A_55 = vector.shape_cast %get3A_54 : vector<1x64xf32> to vector<64xf32>
    %get3A_56 = arith.constant 1 : index
    %get3A_57 = arith.constant 0 : index
    %get3A_58 = vector.load %arg4[%get3A_56, %get3A_57] : memref<4x64xf32, #tpu.memory_space<vmem>>, vector<1x64xf32>
    %get3A_59 = vector.shape_cast %get3A_58 : vector<1x64xf32> to vector<64xf32>
    %get3A_60 = arith.constant 2 : index
    %get3A_61 = arith.constant 0 : index
    %get3A_62 = vector.load %arg4[%get3A_60, %get3A_61] : memref<4x64xf32, #tpu.memory_space<vmem>>, vector<1x64xf32>
    %get3A_63 = vector.shape_cast %get3A_62 : vector<1x64xf32> to vector<64xf32>
    %get3A_64 = arith.constant 3 : index
    %get3A_65 = arith.constant 0 : index
    %get3A_66 = vector.load %arg4[%get3A_64, %get3A_65] : memref<4x64xf32, #tpu.memory_space<vmem>>, vector<1x64xf32>
    %get3A_67 = vector.shape_cast %get3A_66 : vector<1x64xf32> to vector<64xf32>
    %concatenate3A_68 = tpu.concatenate %get3A_55, %get3A_59, %get3A_63, %get3A_67 in 0 : vector<64xf32>, vector<64xf32>, vector<64xf32>, vector<64xf32> -> vector<256xf32>
    %broadcast_in_dim3A = vector.shape_cast %rsqrt3A : vector<2000xf32> to vector<2000x1xf32>
    %mul3A = vector.broadcast %broadcast_in_dim3A : vector<2000x1xf32> to vector<2000x256xf32>
    %mul3A_69 = arith.mulf %mul3A, %concatenate3A : vector<2000x256xf32>
    %broadcast_in_dim3A_70 = vector.shape_cast %concatenate3A_68 : vector<256xf32> to vector<1x256xf32>
    %add3A_71 = vector.broadcast %broadcast_in_dim3A_70 : vector<1x256xf32> to vector<2000x256xf32>
    %add3A_72 = arith.addf %mul3A_69, %add3A_71 : vector<2000x256xf32>
    %max3A = arith.constant 0.000000e+00 : f32
    %max3A_73 = vector.broadcast %max3A : f32 to vector<2000x256xf32>
    %max3A_74 = arith.maximumf %add3A_72, %max3A_73 : vector<2000x256xf32>
    %get3A_75 = arith.constant 0 : index
    %get3A_76 = arith.constant 0 : index
    %get3A_77 = arith.constant 0 : index
    %get3A_78 = vector.load %arg5[%get3A_75, %get3A_76, %get3A_77] : memref<1x1x2000xf32, #tpu.memory_space<vmem>>, vector<1x1x2000xf32>
    %get3A_79 = vector.shape_cast %get3A_78 : vector<1x1x2000xf32> to vector<2000xf32>
    %broadcast_in_dim3A_80 = vector.shape_cast %get3A_79 : vector<2000xf32> to vector<2000x1xf32>
    %mul3A_81 = vector.broadcast %broadcast_in_dim3A_80 : vector<2000x1xf32> to vector<2000x256xf32>
    %mul3A_82 = arith.mulf %mul3A_81, %max3A_74 : vector<2000x256xf32>
    %reduce_sum3A = arith.constant dense<0.000000e+00> : vector<256xf32>
    %reduce_sum3A_83 = vector.multi_reduction <add>, %mul3A_82, %reduce_sum3A [0] : vector<2000x256xf32> to vector<256xf32>
    %eq3A = arith.constant 0 : i32
    %eq3A_84 = arith.cmpi eq, %arg0, %eq3A : i32
    %convert_element_type3A = arith.extui %eq3A_84 : i1 to i32
    %cond3A = arith.constant 0 : i32
    %cond3A_85 = arith.cmpi ne, %convert_element_type3A, %cond3A : i32
    scf.if %cond3A_85 {
      %broadcast_in_dim3A_93 = arith.constant 0.000000e+00 : f32
      %broadcast_in_dim3A_94 = vector.broadcast %broadcast_in_dim3A_93 : f32 to vector<1x256xf32>
      %swap3A_95 = arith.constant 0 : index
      %swap3A_96 = arith.constant 0 : index
      %swap3A_97 = vector.load %arg6[%swap3A_95, %swap3A_96] : memref<1x256xf32, #tpu.memory_space<vmem>>, vector<1x256xf32>
      tpu.vector_store %arg6[%swap3A_95, %swap3A_96], %broadcast_in_dim3A_94 {strides = array<i32>} : memref<1x256xf32, #tpu.memory_space<vmem>>, vector<1x256xf32>,
    } else {
    }
    %get3A_86 = arith.constant 0 : index
    %get3A_87 = arith.constant 0 : index
    %get3A_88 = vector.load %arg6[%get3A_86, %get3A_87] : memref<1x256xf32, #tpu.memory_space<vmem>>, vector<1x256xf32>
    %broadcast_in_dim3A_89 = vector.shape_cast %reduce_sum3A_83 : vector<256xf32> to vector<1x256xf32>
    %add3A_90 = arith.addf %get3A_88, %broadcast_in_dim3A_89 : vector<1x256xf32>
    %swap3A = arith.constant 0 : index
    %swap3A_91 = arith.constant 0 : index
    %swap3A_92 = vector.load %arg6[%swap3A, %swap3A_91] : memref<1x256xf32, #tpu.memory_space<vmem>>, vector<1x256xf32>
    tpu.vector_store %arg6[%swap3A, %swap3A_91], %add3A_90 {strides = array<i32>} : memref<1x256xf32, #tpu.memory_space<vmem>>, vector<1x256xf32>,
    return
  }
  func.func @transform_0(%arg0: i32) -> (i32, i32, i32) {
    %c0_i32 = arith.constant 0 : i32
    %c0_i32_0 = arith.constant 0 : i32
    %c0_i32_1 = arith.constant 0 : i32
    return %c0_i32, %arg0, %c0_i32_0 : i32, i32, i32
  }
  func.func @transform_1(%arg0: i32) -> (i32, i32, i32) {
    %c0_i32 = arith.constant 0 : i32
    %c0_i32_0 = arith.constant 0 : i32
    %c0_i32_1 = arith.constant 0 : i32
    return %c0_i32, %arg0, %c0_i32_0 : i32, i32, i32
  }
  func.func @transform_2(%arg0: i32) -> (i32, i32, i32) {
    %c0_i32 = arith.constant 0 : i32
    %c0_i32_0 = arith.constant 0 : i32
    %c0_i32_1 = arith.constant 0 : i32
    return %c0_i32, %arg0, %c0_i32_0 : i32, i32, i32
  }
  func.func @transform_3(%arg0: i32) -> (i32, i32) {
    %c0_i32 = arith.constant 0 : i32
    %c0_i32_0 = arith.constant 0 : i32
    %c0_i32_1 = arith.constant 0 : i32
    return %c0_i32, %c0_i32_0 : i32, i32
  }
  func.func @transform_4(%arg0: i32) -> (i32, i32, i32) {
    %c0_i32 = arith.constant 0 : i32
    %c0_i32_0 = arith.constant 0 : i32
    %c0_i32_1 = arith.constant 0 : i32
    return %arg0, %c0_i32, %c0_i32_0 : i32, i32, i32
  }
  func.func @transform_5(%arg0: i32) -> (i32, i32) {
    %c0_i32 = arith.constant 0 : i32
    %c0_i32_0 = arith.constant 0 : i32
    %c0_i32_1 = arith.constant 0 : i32
    return %c0_i32, %c0_i32_0 : i32, i32
  }
}

module attributes {stable_mosaic.version = 14 : i64} {
  func.func @_head_body(%arg0: memref<1x256xf32, #tpu.memory_space<vmem>>, %arg1: memref<1x10000xf32, #tpu.memory_space<vmem>>, %arg2: memref<1x1xi32, #tpu.memory_space<vmem>>, %arg3: memref<1x1xi32, #tpu.memory_space<vmem>>, %arg4: memref<32x64xf32, #tpu.memory_space<vmem>>, %arg5: memref<512x32xf32, #tpu.memory_space<vmem>>, %arg6: memref<480x512xf32, #tpu.memory_space<vmem>>, %arg7: memref<1x512xf32, #tpu.memory_space<vmem>>, %arg8: memref<512x128xf32, #tpu.memory_space<vmem>>, %arg9: memref<1x128xf32, #tpu.memory_space<vmem>>, %arg10: memref<1x128xf32, #tpu.memory_space<vmem>>, %arg11: memref<1x1xf32, #tpu.memory_space<vmem>>, %arg12: memref<1x1xf32, #tpu.memory_space<vmem>>) attributes {dimension_semantics = [], scalar_prefetch = 0 : i64, scratch_operands = 0 : i64, tpu.core_type = #tpu.core_type<tc>} {
    %get3A = arith.constant 0 : index
    %get3A_0 = arith.constant 0 : index
    %get3A_1 = vector.load %arg1[%get3A, %get3A_0] : memref<1x10000xf32, #tpu.memory_space<vmem>>, vector<1x10000xf32>
    %get3A_2 = vector.shape_cast %get3A_1 : vector<1x10000xf32> to vector<10000xf32>
    %argmax3A = vector.shape_cast %get3A_2 : vector<10000xf32> to vector<1x10000xf32>
    %argmax3A_3 = tpu.reduce_index %argmax3A {axis = 1 : i32, kind = #tpu.reduction_kind<arg_max>} : vector<1x10000xf32> -> vector<1xi32>
    %argmax3A_4 = vector.extract %argmax3A_3[0] : i32 from vector<1xi32>
    %min3A = arith.constant 511 : i32
    %min3A_5 = arith.minsi %argmax3A_4, %min3A : i32
    %get3A_6 = arith.constant 0 : index
    %get3A_7 = arith.constant 0 : index
    %get3A_8 = vector.load %arg2[%get3A_6, %get3A_7] : memref<1x1xi32, #tpu.memory_space<vmem>>, vector<1x1xi32>
    %get3A_9 = vector.extract %get3A_8[0, 0] : i32 from vector<1x1xi32>
    %get3A_10 = arith.constant 0 : index
    %get3A_11 = arith.constant 0 : index
    %get3A_12 = vector.load %arg3[%get3A_10, %get3A_11] : memref<1x1xi32, #tpu.memory_space<vmem>>, vector<1x1xi32>
    %get3A_13 = vector.extract %get3A_12[0, 0] : i32 from vector<1x1xi32>
    %iota3A = tpu.iota {dimensions = array<i32: 0>} : vector<32x64xi32>
    %get3A_14 = arith.constant 0 : index
    %get3A_15 = arith.constant 0 : index
    %get3A_16 = vector.load %arg4[%get3A_14, %get3A_15] : memref<32x64xf32, #tpu.memory_space<vmem>>, vector<32x64xf32>
    %eq3A = vector.broadcast %get3A_9 : i32 to vector<32x64xi32>
    %eq3A_17 = arith.cmpi eq, %iota3A, %eq3A : vector<32x64xi32>
    %jit3A = arith.constant 0.000000e+00 : f32
    %broadcast_in_dim3A = vector.broadcast %jit3A : f32 to vector<32x64xf32>
    %select_n3A = arith.select %eq3A_17, %get3A_16, %broadcast_in_dim3A : vector<32x64xi1>, vector<32x64xf32>
    %reduce_sum3A = arith.constant dense<0.000000e+00> : vector<64xf32>
    %reduce_sum3A_18 = vector.multi_reduction <add>, %select_n3A, %reduce_sum3A [0] : vector<32x64xf32> to vector<64xf32>
    %eq3A_19 = vector.broadcast %get3A_13 : i32 to vector<32x64xi32>
    %eq3A_20 = arith.cmpi eq, %iota3A, %eq3A_19 : vector<32x64xi32>
    %jit3A_21 = arith.constant 0.000000e+00 : f32
    %broadcast_in_dim3A_22 = vector.broadcast %jit3A_21 : f32 to vector<32x64xf32>
    %select_n3A_23 = arith.select %eq3A_20, %get3A_16, %broadcast_in_dim3A_22 : vector<32x64xi1>, vector<32x64xf32>
    %reduce_sum3A_24 = arith.constant dense<0.000000e+00> : vector<64xf32>
    %reduce_sum3A_25 = vector.multi_reduction <add>, %select_n3A_23, %reduce_sum3A_24 [0] : vector<32x64xf32> to vector<64xf32>
    %iota3A_26 = tpu.iota {dimensions = array<i32: 0>} : vector<512x32xi32>
    %eq3A_27 = vector.broadcast %min3A_5 : i32 to vector<512x32xi32>
    %eq3A_28 = arith.cmpi eq, %iota3A_26, %eq3A_27 : vector<512x32xi32>
    %get3A_29 = arith.constant 0 : index
    %get3A_30 = arith.constant 0 : index
    %get3A_31 = vector.load %arg5[%get3A_29, %get3A_30] : memref<512x32xf32, #tpu.memory_space<vmem>>, vector<512x32xf32>
    %jit3A_32 = arith.constant 0.000000e+00 : f32
    %broadcast_in_dim3A_33 = vector.broadcast %jit3A_32 : f32 to vector<512x32xf32>
    %select_n3A_34 = arith.select %eq3A_28, %get3A_31, %broadcast_in_dim3A_33 : vector<512x32xi1>, vector<512x32xf32>
    %reduce_sum3A_35 = arith.constant dense<0.000000e+00> : vector<32xf32>
    %reduce_sum3A_36 = vector.multi_reduction <add>, %select_n3A_34, %reduce_sum3A_35 [0] : vector<512x32xf32> to vector<32xf32>
    %get3A_37 = arith.constant 0 : index
    %get3A_38 = arith.constant 0 : index
    %get3A_39 = vector.load %arg0[%get3A_37, %get3A_38] : memref<1x256xf32, #tpu.memory_space<vmem>>, vector<1x256xf32>
    %get3A_40 = vector.shape_cast %get3A_39 : vector<1x256xf32> to vector<256xf32>
    %sub3A = arith.subf %reduce_sum3A_25, %reduce_sum3A_18 : vector<64xf32>
    %concatenate3A = tpu.concatenate %get3A_40, %reduce_sum3A_18, %reduce_sum3A_25, %sub3A, %reduce_sum3A_36 in 0 : vector<256xf32>, vector<64xf32>, vector<64xf32>, vector<64xf32>, vector<32xf32> -> vector<480xf32>
    %broadcast_in_dim3A_41 = vector.shape_cast %concatenate3A : vector<480xf32> to vector<1x480xf32>
    %get3A_42 = arith.constant 0 : index
    %get3A_43 = arith.constant 0 : index
    %get3A_44 = vector.load %arg6[%get3A_42, %get3A_43] : memref<480x512xf32, #tpu.memory_space<vmem>>, vector<480x512xf32>
    %dot_general3A = arith.constant dense<0.000000e+00> : vector<1x512xf32>
    %dot_general3A_45 = tpu.matmul %broadcast_in_dim3A_41, %get3A_44, %dot_general3A {dimension_numbers = #tpu.dot_dimension_numbers<[1], [0], [0], [1], [0, 0, 1, 1], [], []>, transpose_lhs_hint = false} : vector<1x480xf32>, vector<480x512xf32>, vector<1x512xf32> -> vector<1x512xf32>
    %get3A_46 = arith.constant 0 : index
    %get3A_47 = arith.constant 0 : index
    %get3A_48 = vector.load %arg7[%get3A_46, %get3A_47] : memref<1x512xf32, #tpu.memory_space<vmem>>, vector<1x512xf32>
    %add3A = arith.addf %dot_general3A_45, %get3A_48 : vector<1x512xf32>
    %max3A = arith.constant 0.000000e+00 : f32
    %max3A_49 = vector.broadcast %max3A : f32 to vector<1x512xf32>
    %max3A_50 = arith.maximumf %add3A, %max3A_49 : vector<1x512xf32>
    %get3A_51 = arith.constant 0 : index
    %get3A_52 = arith.constant 0 : index
    %get3A_53 = vector.load %arg8[%get3A_51, %get3A_52] : memref<512x128xf32, #tpu.memory_space<vmem>>, vector<512x128xf32>
    %dot_general3A_54 = arith.constant dense<0.000000e+00> : vector<1x128xf32>
    %dot_general3A_55 = tpu.matmul %max3A_50, %get3A_53, %dot_general3A_54 {dimension_numbers = #tpu.dot_dimension_numbers<[1], [0], [0], [1], [0, 0, 1, 1], [], []>, transpose_lhs_hint = false} : vector<1x512xf32>, vector<512x128xf32>, vector<1x128xf32> -> vector<1x128xf32>
    %get3A_56 = arith.constant 0 : index
    %get3A_57 = arith.constant 0 : index
    %get3A_58 = vector.load %arg9[%get3A_56, %get3A_57] : memref<1x128xf32, #tpu.memory_space<vmem>>, vector<1x128xf32>
    %add3A_59 = arith.addf %dot_general3A_55, %get3A_58 : vector<1x128xf32>
    %max3A_60 = arith.constant 0.000000e+00 : f32
    %max3A_61 = vector.broadcast %max3A_60 : f32 to vector<1x128xf32>
    %max3A_62 = arith.maximumf %add3A_59, %max3A_61 : vector<1x128xf32>
    %get3A_63 = arith.constant 0 : index
    %get3A_64 = arith.constant 0 : index
    %get3A_65 = vector.load %arg10[%get3A_63, %get3A_64] : memref<1x128xf32, #tpu.memory_space<vmem>>, vector<1x128xf32>
    %mul3A = arith.mulf %max3A_62, %get3A_65 : vector<1x128xf32>
    %reduce_sum3A_66 = arith.constant dense<0.000000e+00> : vector<1xf32>
    %reduce_sum3A_67 = vector.multi_reduction <add>, %mul3A, %reduce_sum3A_66 [1] : vector<1x128xf32> to vector<1xf32>
    %broadcast_in_dim3A_68 = vector.shape_cast %reduce_sum3A_67 : vector<1xf32> to vector<1x1xf32>
    %get3A_69 = arith.constant 0 : index
    %get3A_70 = arith.constant 0 : index
    %get3A_71 = vector.load %arg11[%get3A_69, %get3A_70] : memref<1x1xf32, #tpu.memory_space<vmem>>, vector<1x1xf32>
    %add3A_72 = arith.addf %broadcast_in_dim3A_68, %get3A_71 : vector<1x1xf32>
    %swap3A = arith.constant 0 : index
    %swap3A_73 = arith.constant 0 : index
    %swap3A_74 = vector.load %arg12[%swap3A, %swap3A_73] : memref<1x1xf32, #tpu.memory_space<vmem>>, vector<1x1xf32>
    tpu.vector_store %arg12[%swap3A, %swap3A_73], %add3A_72 {strides = array<i32>} : memref<1x1xf32, #tpu.memory_space<vmem>>, vector<1x1xf32>,
    return
  }
}

</mosaic_0001>

<sc_bundles>
// kernel: kernel.12.cloned.1.call-start
scs
__scs_entry_jumppad:
0x0: {  	(pc) =	sbr.rel $0x88, $3  }
0x1: {  	(tag) =	ssettag $0x0;
	lr =	simm.s32 $0x1  }
0x2: {  	[smem:$0x3F90] =	sst lr;
	_ =	strace $0xD0000000  }
0x3: {  	_ = 	snop  }
0x4: {  	_ = 	snop  }
0x5: {  	_ = 	snop  }
0x6: {  	_ = 	snop  }
0x7: {  	_ = 	snop  }
__scs_overlays_trampoline_lowered:
0x8: {  	[smem:$0x3F9F] =	sst s0  }
0x9: {  	[smem:$0x3FA0] =	sst s1  }
0xa: {  	[smem:$0x3FA1] =	sst s2  }
0xb: {  	[smem:$0x3FA2] =	sst s3  }
0xc: {  	[smem:$0x3FA3] =	sst s4  }
0xd: {  	[smem:$0x3FA4] =	sst s5  }
0xe: {  	[smem:$0x3FA5] =	sst s6  }
0xf: {  	[smem:$0x3FA6] =	sst s7  }
0x10: {  	[smem:$0x3FA7] =	sst s8  }
0x11: {  	[smem:$0x3FA8] =	sst s9;
	s0 =	simm.s32 @!p0 $0x0  }
0x12: {  	s1 =	sld [smem:$0x3F8E];
	s0 =	simm.s32 @p0 $0x1  }
0x13: {  	[smem:$0x3FA9] =	sst s0;
	s0 =	simm.s32 @!p1 $0x0  }
0x14: {  	s2 =	sld [smem:$0x3F8D];
	s0 =	simm.s32 @p1 $0x1  }
0x15: {  	[smem:$0x3FAA] =	sst s0;
	s0 =	simm.s32 @!p2 $0x0  }
0x16: {  	s3 =	sld [smem:$0x3FDB];
	s0 =	simm.s32 @p2 $0x1  }
0x17: {  	s4 =	simm.s32 $0x1BF5;
	[smem:$0x3FAC] =	sst s0  }
0x18: {  	s0 =	sld [smem:$0x3F8F];
	_ =	swait.ge [sflag:s4], $0x0  }
0x19: {  	s7 =	sld [smem:$0x3F90]  }
0x1a: {  	s8 =	sadd.s32 $0xFFFFE003, lr  }
0x1b: {  	s9 =	sadd.s32 $0xFFFFFEF7, lr;
	s5 =	simm.s32 $0xFFFFFFFF;
	p2 =	slt.u32 s8, $0xFFFFF086  }
0x1c: {  	p1 =	slt.u32 s9, $0xF7A;
	s5 =	simm.s32 @!p2 $0x0  }
0x1d: {  	s5 =	simm.s32 @p1 $0x1;
	p0 =	seq.s32 s7, s2  }
0x1e: {  	s7 =	smul.u32 @!p0 $0xF7A, s2;
	p2 =	seq.s32 @!p0 s5, $0x0  }
0x1f: {  	s9 =	smul.u32 $0xF7A, s1;
	s8 =	simm.s32 @!p0 $0x1BF5;
	p2 =	por !p2, p0  }
0x20: {  	[sflag:s8] =	ssyncset.s32 @!p0 $0xFFFFF086;
	s6 =	sadd.s32 @!p0 s3, s7;
	s7 =	simm.s32 @!p0 $0x108  }
0x21: {  	s3 =	sadd.s32 s3, s9;
	s6 =	sadd.s32 @!p0 $0x88, s6;
	s7 =	simm.s32 @p2 $0x1082  }
0x22: {  	[simem:s7], [sflag:s8] =	dma.local @!p0 [hbm:s6], $0xF7A  }
0x23: {  	s9 =	sor.u32 $0xD0000000, s2;
	s6 =	simm.s32 $0x108;
	_ =	swait.ge @!p0 [sflag:s8], $0x0  }
0x24: {  	s3 =	sadd.s32 $0x88, s3;
	s6 =	simm.s32 @!p1 $0x1082;
	[sflag:s4] =	ssyncset.s32 $0xFFFFF086  }
0x25: {  	[simem:s6], [sflag:s4] =	dma.local [hbm:s3], $0xF7A  }
0x26: {  	[smem:$0x3F90] =	sst s1;
	(tag) =	ssettag s2;
	_ =	strace s9  }
0x27: {  	s1 =	sld [smem:$0x3FA0]  }
0x28: {  	s2 =	sld [smem:$0x3FA1]  }
0x29: {  	s4 =	sld [smem:$0x3FA3]  }
0x2a: {  	p0 =	seq.s32 s5, $0x0;
	s5 =	sld [smem:$0x3FA4]  }
0x2b: {  	s6 =	sld [smem:$0x3FA5]  }
0x2c: {  	s7 =	sld [smem:$0x3FA6]  }
0x2d: {  	s3 =	simm.s32 $0x108;
	s8 =	sld [smem:$0x3FA7]  }
0x2e: {  	s3 =	simm.s32 @!p0 $0x1082;
	s9 =	sld [smem:$0x3FA8]  }
0x2f: {  	lr =	sadd.s32 s0, s3;
	s0 =	sld [smem:$0x3F9F]  }
0x30: {  	s3 =	sld [smem:$0x3FA2]  }
0x31: {  	[smem:$0x3FAB] =	sst s10  }
0x32: {  	s10 =	sld [smem:$0x3FA9];
	_ =	sdelay $0x3  }
0x33: {  	p0 =	seq.s32 s10, $0x1;
	s10 =	sld [smem:$0x3FAB];
	_ =	sdelay $0x3  }
0x34: {  	[smem:$0x3FAB] =	sst s10  }
0x35: {  	s10 =	sld [smem:$0x3FAA];
	_ =	sdelay $0x3  }
0x36: {  	p1 =	seq.s32 s10, $0x1;
	s10 =	sld [smem:$0x3FAB];
	_ =	sdelay $0x3  }
0x37: {  	[smem:$0x3FAB] =	sst s10  }
0x38: {  	s10 =	sld [smem:$0x3FAC]  }
0x39: {  	_ = 	snop;
	(pc) =	sbr.ind lr, $3  }
0x3a: {  	_ = 	snop  }
0x3b: {  	_ = 	snop  }
0x3c: {  	p2 =	seq.s32 s10, $0x1;
	s10 =	sld [smem:$0x3FAB]  }
0x3d: {  	_ =	shalt  }
0x3e: {  	_ =	shalt  }
0x3f: {  	_ =	shalt  }
0x40: {  	_ =	shalt  }
0x41: {  	_ =	shalt  }
0x42: {  	_ =	shalt  }
0x43: {  	_ =	shalt  }
0x44: {  	_ =	shalt  }
0x45: {  	_ =	shalt  }
0x46: {  	_ =	shalt  }
0x47: {  	_ =	shalt  }
0x48: {  	_ =	shalt  }
0x49: {  	_ =	shalt  }
0x4a: {  	_ =	shalt  }
0x4b: {  	_ =	shalt  }
0x4c: {  	_ =	shalt  }
0x4d: {  	_ =	shalt  }
0x4e: {  	_ =	shalt  }
0x4f: {  	_ =	shalt  }
0x50: {  	_ =	shalt  }
0x51: {  	_ =	shalt  }
0x52: {  	_ =	shalt  }
0x53: {  	_ =	shalt  }
0x54: {  	_ =	shalt  }
0x55: {  	_ =	shalt  }
0x56: {  	_ =	shalt  }
0x57: {  	_ =	shalt  }
0x58: {  	_ =	shalt  }
0x59: {  	_ =	shalt  }
0x5a: {  	_ =	shalt  }
0x5b: {  	_ =	shalt  }
0x5c: {  	_ =	shalt  }
0x5d: {  	_ =	shalt  }
0x5e: {  	_ =	shalt  }
0x5f: {  	_ =	shalt  }
0x60: {  	_ =	shalt  }
0x61: {  	_ =	shalt  }
0x62: {  	_ =	shalt  }
0x63: {  	_ =	shalt  }
0x64: {  	_ =	shalt  }
0x65: {  	_ =	shalt  }
0x66: {  	_ =	shalt  }
0x67: {  	_ =	shalt  }
0x68: {  	_ =	shalt  }
0x69: {  	_ =	shalt  }
0x6a: {  	_ =	shalt  }
0x6b: {  	_ =	shalt  }
0x6c: {  	_ =	shalt  }
0x6d: {  	_ =	shalt  }
0x6e: {  	_ =	shalt  }
0x6f: {  	_ =	shalt  }
0x70: {  	_ =	shalt  }
0x71: {  	_ =	shalt  }
0x72: {  	_ =	shalt  }
0x73: {  	_ =	shalt  }
0x74: {  	_ =	shalt  }
0x75: {  	_ =	shalt  }
0x76: {  	_ =	shalt  }
0x77: {  	_ =	shalt  }
0x78: {  	_ =	shalt  }
0x79: {  	_ =	shalt  }
0x7a: {  	_ =	shalt  }
0x7b: {  	_ =	shalt  }
0x7c: {  	_ =	shalt  }
0x7d: {  	_ =	shalt  }
0x7e: {  	_ =	shalt  }
0x7f: {  	_ =	shalt  }
0x80: {  	_ =	shalt  }
0x81: {  	_ =	shalt  }
0x82: {  	_ =	shalt  }
0x83: {  	_ =	shalt  }
0x84: {  	_ =	shalt  }
0x85: {  	_ =	shalt  }
0x86: {  	_ =	shalt  }
0x87: {  	_ =	shalt  }
.Lfunc_end0:
.L_simem_size_0:
called_computation.1_lowered:
.L_overlay_start_0:
0x88: {  	s2 =	sld [smem:$0x3FD9]  }
0x89: {  	s3 =	sld [smem:$0x3FFE];
	_ =	sdelay $0x1  }
0x8a: {  	s1 =	srdreg.scid  }
0x8b: {  	s0 =	sand.u32 $0x1, s1  }
0x8c: {  	s16 =	sshll.u32 s0, $0xA;
	s2 =	sadd.s32 s3, s2  }
0x8d: {  	s2 =	sadd.s32 s2, s16  }
0x8e: {  	[smem:$0x3FB7] =	sst s2  }
0x8f: {  	_ = 	snop  }
0x90: {  	(tm) =	ssettm $0x1  }
0x91: {  	s17 =	sld [smem:$0x3FFB];
	_ =	sdelay $0x3  }
0x92: {  	_ =	strace s17  }
0x93: {  	s2 =	sld [smem:$0x3FFC];
	_ =	sdelay $0x3  }
0x94: {  	_ =	strace s2  }
0x95: {  	s2 =	sld [smem:$0x3FFD];
	_ =	sdelay $0x3  }
0x96: {  	_ =	strace s2  }
0x97: {  	_ =	strace $0x8FFFFFFF  }
0x98: {  	s18 =	sld [smem:$0x3FDB];
	_ =	sdelay $0x1  }
0x99: {  	s19 =	simm.s32 $_scs_section_size  }
0x9a: {  	s4 =	simm.s32 $_size__tile_overlayer_lowered;
	s5 =	simm.s32 $_tile_overlayer_lowered  }
0x9b: {  	s22 =	simm.s32 $0x1BFF;
	s21 =	sshll.u32 s5, $0x1;
	s2 =	sadd.s32 s19, s18  }
0x9c: {  	s6 =	simm.s32 $0x0;
	s20 =	sshll.u32 s4, $0x1;
	s4 =	sadd.s32 s21, s2  }
0x9d: {  	[timem:s6], [sflag:s22] =	dma.local [hbm:s4], s20  }
0x9e: {  	_ =	swait.ge [sflag:s22], s20  }
0x9f: {  	s3 =	ssub.s32 $0x0, s20;
	[sflag:s22] =	ssyncset.done $0x0  }
0xa0: {  	[sflag:s22] =	ssyncadd.s32 s3;
	_ =	sdelay $0x1  }
0xa1: {  	s23 =	simm.s32 $0x1B8B  }
0xa2: {  	_ =	swait.ge [sflag:s23], $0x1  }
0xa3: {  	[sflag:s23] =	ssyncset.done $0x0  }
0xa4: {  	s25 =	simm.s32 $0x1B8E;
	s24 =	sld [smem:$0x3FFE];
	[sflag:s23] =	ssyncadd.s32 $0xFFFFFFFF  }
0xa5: {  	s26 =	simm.s32 $execute0_lowered;
	[smem:$0x3FD2] =	sst s25  }
0xa6: {  	s4 =	sshll.u32 s26, $0x1;
	_ =	strace $0x80000049;
	[dreg:$0x1] =	wrdreg $0xFFFFFFFF  }
0xa7: {  	s28 =	simm.s32 $_size_execute0_lowered;
	s2 =	sadd.s32 s2, s4;
	[dreg:$0x0] =	wrdreg $0x0  }
0xa8: {  	s4 =	sshll.u32 s28, $0x1;
	[dreg:$0x2] =	wrdreg s2  }
0xa9: {  	[dreg:$0x3] =	wrdreg s4  }
0xaa: {  	[dreg:$0x4] =	wrdreg $0xC0  }
0xab: {  	_ =	task [dreg:s6], $0x5FFFF  }
0xac: {  	[dreg:$0x1] =	wrdreg $0xFFFFFFFF  }
0xad: {  	[dreg:$0x0] =	wrdreg $0x60  }
0xae: {  	[dreg:$0x2] =	wrdreg s24  }
0xaf: {  	[dreg:$0x3] =	wrdreg $0x130000  }
0xb0: {  	[dreg:$0x4] =	wrdreg $0x9  }
0xb1: {  	_ =	task.clear_ibuf [dreg:s6], $0x5FFFF;
	_ =	strace $0x90000049  }
0xb2: {  	s29 =	simm.s32 $0x9;
	_ =	strace $0x8000004B  }
0xb3: {  	_ =	swait.ge [sflag:s29], $0x1  }
0xb4: {  	[sflag:s29] =	ssyncadd.s32 $0xFFFFFFFF  }
0xb5: {  	_ =	strace $0x9000004B  }
0xb6: {  	_ =	sfence  }
0xb7: {  	s30 =	sld [smem:$0x0];
	_ =	sdelay $0x2  }
0xb8: {  	s31 =	sshll.u32 s1, $0xD;
	s1 =	sshrl.u32 s1, $0x2  }
0xb9: {  	s3 =	sand.u32 $0x4000, s31;
	s1 =	sadd.s32 s1, s30  }
0xba: {  	s0 =	sor.u32 s3, s0;
	s1 =	sshll.u32 s1, $0x11  }
0xbb: {  	s0 =	sor.u32 s1, s0  }
0xbc: {  	s0 =	sadd.s32 $0x8F2B, s0  }
0xbd: {  	[sflag:s0] =	ssyncadd.remote.s32 $0x1  }
0xbe: {  	_ =	sfence.sel $0xFFFF  }
0xbf: {  	[dreg:$0x0] =	wrdreg $0xFFFFFFFF;
	(pc) =	sbr.abs _section_cstart, $3  }
0xc0: {  	[dreg:$0x1] =	wrdreg $0xFFFFFFFF  }
0xc1: {  	_ =	task.clear_ibuf [dreg:s6], $0x2FFFF;
	_ =	strace $0x9FFFFFFF  }
0xc2: {  	(tm) =	ssettm $0x7FFFFFFF  }
0xc3: {  	_ =	shalt  }
tec
execute0_lowered:
.L_overlay_start_1:
0x0: {  	(tag) =	ssettag $0x1  }
0x1: {  	s0 =	rddreg [dreg:$0x0]  }
0x2: {  	s2 =	rddreg [dreg:$0x1];
	s3 =	simm.s32 $0x0;
	s10 =	stileid.u32  }
0x3: {  	s5 =	srdreg.scid;
	s22 =	simm.s32 $0x5;
	s23 =	simm.s32 $0x12000  }
0x4: {  	s24 =	simm.s32 $0x80;
	s30 =	simm.s32 $0x100;
	s1 =	smul.u32 $0x5000, s10  }
0x5: {  	s29 =	simm.s32 $0xE000;
	s31 =	simm.s32 $0x10000;
	s8 =	smul.u32 $0x27800, s10  }
0x6: {  	[smem:$0x7FF] =	sst s3;
	s5 =	sand.u32 $0x1, s5;
	s17 =	smul.u32 $0x9E00, s10  }
0x7: {  	s4 =	sadd.s32 $0xDA800, s0;
	s16 =	sadd.s32 $0x16400, s0;
	s14 =	smul.u32 $0xA0000, s5  }
0x8: {  	s7 =	ssub.s32 $0x2, s5;
	s19 =	smul.u32 $0x13C000, s5;
	s5 =	sshllo.u32 s5, $0x1  }
0x9: {  	_ =	strace $0x8000004A;
	s6 =	sshrl.u32 s1, $0x3;
	s21 =	smul.u32 $0x50000, s5  }
0xa: {  	s9 =	sshrl.u32 s7, $0x1;
	s25 =	sshrl.u32 s8, $0x2;
	s5 =	smul.u32 $0x9E000, s5  }
0xb: {  	s6 =	sadd.s32 s6, s0;
	s0 =	sadd.s32 $0x128A00, s0;
	s18 =	ssub.s32 s7, s9  }
0xc: {  	s15 =	sadd.s32 s25, s2;
	s20 =	sadd.s32 s1, s14;
	s19 =	sadd.s32 s17, s19  }
0xd: {  	s25 =	simm.s32 $0xA000;
	s6 =	sadd.s32 $0x2600, s6;
	s7 =	sadd.s32 $0x1000, s15  }
0xe: {  	s8 =	sadd.s32 $0x2000, s15;
	s9 =	sadd.s32 $0x3000, s15;
	s10 =	sadd.s32 $0x4000, s15  }
0xf: {  	s11 =	sadd.s32 $0x5000, s15;
	s12 =	sadd.s32 $0x6000, s15;
	s13 =	sadd.s32 $0x7000, s15  }
0x10: {  	s14 =	sadd.s32 $0x8000, s15;
	s20 =	sshrl.u32 s20, $0x3;
	s15 =	sadd.s32 $0x9000, s15  }
0x11: {  	s19 =	sshrl.u32 s19, $0x3;
	s1 =	sadd.s32 s1, s21;
	s5 =	sadd.s32 s17, s5  }
0x12: {  	s28 =	smax.u32 s18, $0x1;
	s21 =	simm.s32 $0x2;
	s18 =	simm.s32 $0x9F00  }
0x13: {  	[dreg:$0x3] =	wrdreg s6;
	s6 =	sadd.s32 s17, s2;
	s20 =	sadd.s32 s16, s20  }
0x14: {  	s26 =	sadd.s32 s0, s19;
	s1 =	sshrl.u32 s1, $0x3;
	[dreg:$0x8] =	wrdreg s28  }
0x15: {  	s5 =	sshrl.u32 s5, $0x3;
	s19 =	simm.s32 $0x9F80;
	[dreg:$0x4] =	wrdreg s20  }
0x16: {  	[dreg:$0x5] =	wrdreg s26;
	s1 =	sadd.s32 s16, s1;
	s0 =	sadd.s32 s0, s5  }
0x17: {  	s26 =	simm.s32 $0xC000;
	s5 =	simm.s32 $0x4;
	[dreg:$0x6] =	wrdreg s1  }
0x18: {  	v0 =	vimm.f32 $0.0e+00;
	[dreg:$0x7] =	wrdreg s0;
	s0 =	simm.s32 $0x1;
	s1 =	simm.s32 $0x3  }
.LBB2_1:
0x19: {  	s20 =	simm.s32 $0x100;
	s16 =	simm.s32 $0x0  }
.LBB2_2:
0x1a: {  	p0 =	sne.s32 s20, $0x3F00;
	[tilespmem:s16+$0x12030] =	vst v0;
	s28 =	smov.u32 s20;
	s20 =	sadd.s32 $0x100, s20  }
.Ltmp0:
0x1b: {  	[tilespmem:s16+$0x12020] =	vst v0;
	(pc) =	sbr.rel @p0 .LBB2_2-.Ltmp0, $3  }
0x1c: {  	[tilespmem:s16+$0x12000] =	vst v0  }
0x1d: {  	[tilespmem:s16+$0x12010] =	vst v0;
	_ =	sdelay $0x1  }
0x1e: {  	s16 =	sshra.s32 s28, $0x2  }
0x1f: {  	[tilespmem:s16+$0x12030] =	vst v0  }
0x20: {  	[tilespmem:s16+$0x12020] =	vst v0  }
0x21: {  	[tilespmem:s16+$0x12000] =	vst v0  }
0x22: {  	[tilespmem:s16+$0x12010] =	vst v0;
	s16 =	simm.s32 $0x0;
	s17 =	rddreg [dreg:$0x3];
	s20 =	simm.s32 $0x5000  }
0x23: {  	[tilespmem:s20], [sflag:$0x5] =	stream.linear.gather [hbm4b:s17+s16], $0x5000, $0x38;
	[tilespmem:$0x1CE00] =	vst v63  }
0x24: {  	_ =	swait.ge [sflag:s22], $0x5000  }
0x25: {  	[sflag:s22] =	ssyncset.done $0x0  }
0x26: {  	[sflag:s22] =	ssyncadd.s32 $0xFFFFB000  }
0x27: {  	[spmem:s6] =	stream.linear.scatter [tilespmem:s23], [sflag:$0x5], $0x1000, $0x38;
	[tilespmem:$0x1CE00] =	vst v63  }
0x28: {  	_ =	swait.ge [sflag:s22], $0x1000  }
0x29: {  	[sflag:s22] =	ssyncset.done $0x0  }
0x2a: {  	[sflag:s22] =	ssyncadd.s32 $0xFFFFF000  }
0x2b: {  	[spmem:s7] =	stream.linear.scatter [tilespmem:s23], [sflag:$0x5], $0x1000, $0x38;
	[tilespmem:$0x1CE00] =	vst v63  }
0x2c: {  	_ =	swait.ge [sflag:s22], $0x1000  }
0x2d: {  	[sflag:s22] =	ssyncset.done $0x0  }
0x2e: {  	[sflag:s22] =	ssyncadd.s32 $0xFFFFF000  }
0x2f: {  	[spmem:s8] =	stream.linear.scatter [tilespmem:s23], [sflag:$0x5], $0x1000, $0x38;
	[tilespmem:$0x1CE00] =	vst v63  }
0x30: {  	_ =	swait.ge [sflag:s22], $0x1000  }
0x31: {  	[sflag:s22] =	ssyncset.done $0x0  }
0x32: {  	[sflag:s22] =	ssyncadd.s32 $0xFFFFF000  }
0x33: {  	[spmem:s9] =	stream.linear.scatter [tilespmem:s23], [sflag:$0x5], $0x1000, $0x38;
	[tilespmem:$0x1CE00] =	vst v63  }
0x34: {  	_ =	swait.ge [sflag:s22], $0x1000  }
0x35: {  	[sflag:s22] =	ssyncset.done $0x0  }
0x36: {  	[sflag:s22] =	ssyncadd.s32 $0xFFFFF000  }
0x37: {  	[spmem:s10] =	stream.linear.scatter [tilespmem:s23], [sflag:$0x5], $0x1000, $0x38;
	[tilespmem:$0x1CE00] =	vst v63  }
0x38: {  	_ =	swait.ge [sflag:s22], $0x1000  }
0x39: {  	[sflag:s22] =	ssyncset.done $0x0  }
0x3a: {  	[sflag:s22] =	ssyncadd.s32 $0xFFFFF000  }
0x3b: {  	[spmem:s11] =	stream.linear.scatter [tilespmem:s23], [sflag:$0x5], $0x1000, $0x38;
	[tilespmem:$0x1CE00] =	vst v63  }
0x3c: {  	_ =	swait.ge [sflag:s22], $0x1000  }
0x3d: {  	[sflag:s22] =	ssyncset.done $0x0  }
0x3e: {  	[sflag:s22] =	ssyncadd.s32 $0xFFFFF000  }
0x3f: {  	[spmem:s12] =	stream.linear.scatter [tilespmem:s23], [sflag:$0x5], $0x1000, $0x38;
	[tilespmem:$0x1CE00] =	vst v63  }
0x40: {  	_ =	swait.ge [sflag:s22], $0x1000  }
0x41: {  	[sflag:s22] =	ssyncset.done $0x0  }
0x42: {  	[sflag:s22] =	ssyncadd.s32 $0xFFFFF000  }
0x43: {  	[spmem:s13] =	stream.linear.scatter [tilespmem:s23], [sflag:$0x5], $0x1000, $0x38;
	[tilespmem:$0x1CE00] =	vst v63  }
0x44: {  	_ =	swait.ge [sflag:s22], $0x1000  }
0x45: {  	[sflag:s22] =	ssyncset.done $0x0  }
0x46: {  	[sflag:s22] =	ssyncadd.s32 $0xFFFFF000  }
0x47: {  	[spmem:s14] =	stream.linear.scatter [tilespmem:s23], [sflag:$0x5], $0x1000, $0x38;
	[tilespmem:$0x1CE00] =	vst v63  }
0x48: {  	_ =	swait.ge [sflag:s22], $0x1000  }
0x49: {  	[sflag:s22] =	ssyncset.done $0x0  }
0x4a: {  	[sflag:s22] =	ssyncadd.s32 $0xFFFFF000  }
0x4b: {  	[spmem:s15] =	stream.linear.scatter [tilespmem:s23], [sflag:$0x5], $0xE00, $0x38;
	[tilespmem:$0x1CE00] =	vst v63  }
0x4c: {  	_ =	swait.ge [sflag:s22], $0xE00  }
0x4d: {  	[sflag:s22] =	ssyncset.done $0x0  }
0x4e: {  	s28 =	rddreg [dreg:$0x4];
	[sflag:s22] =	ssyncadd.s32 $0xFFFFF200  }
0x4f: {  	[tilespmem:s16], [sflag:$0x5] =	stream.linear.gather [hbm4b:s28+s16], $0x5000, $0x38;
	[tilespmem:$0x1CE00] =	vst v63  }
0x50: {  	_ =	swait.ge [sflag:s22], $0x5000  }
0x51: {  	[sflag:s22] =	ssyncset.done $0x0  }
0x52: {  	[sflag:s22] =	ssyncadd.s32 $0xFFFFB000  }
0x53: {  	[bflag:$0x0] =	sbarrier.arrive $0xFFFF  }
0x54: {  	[tilespmem:s25], [sflag:$0x1] =	stream.indirect.gather [hbm4b:s4+s24], $0x40, s16, s24, $0xb8;
	[tilespmem:$0x1CE00] =	vst v63  }
0x55: {  	_ = 	snop  }
0x56: {  	[tilespmem:s26], [sflag:$0x2] =	stream.indirect.gather [hbm4b:s4+s24], $0x40, s24, s24, $0xb8;
	[tilespmem:$0x1CE00] =	vst v63  }
0x57: {  	_ = 	snop  }
0x58: {  	[tilespmem:s29], [sflag:$0x3] =	stream.indirect.gather [hbm4b:s4+s24], $0x40, s30, s24, $0xb8;
	[tilespmem:$0x1CE00] =	vst v63  }
0x59: {  	s20 =	simm.s32 $0x180  }
0x5a: {  	[tilespmem:s31], [sflag:$0x4] =	stream.indirect.gather [hbm4b:s4+s24], $0x40, s20, s24, $0xb8;
	[tilespmem:$0x1CE00] =	vst v63  }
0x5b: {  	_ =	swait.ge [sflag:s0], $0x2000  }
0x5c: {  	[sflag:s0] =	ssyncset.done $0x0  }
0x5d: {  	s28 =	simm.s32 $0x5000;
	[sflag:s0] =	ssyncadd.s32 $0xFFFFE000  }
0x5e: {  	[spmem:s2] =	stream.indirect.scatter.add.f32 [tilespmem:s25], [sflag:$0x5], $0x40, s28, s24, $0xb8;
	[tilespmem:$0x1CE00] =	vst v63  }
0x5f: {  	_ =	swait.ge [sflag:s22], $0x2000  }
0x60: {  	[sflag:s22] =	ssyncset.done $0x0  }
0x61: {  	s17 =	simm.s32 $0x200;
	[sflag:s22] =	ssyncadd.s32 $0xFFFFE000  }
0x62: {  	[tilespmem:s25], [sflag:$0x1] =	stream.indirect.gather [hbm4b:s4+s24], $0x40, s17, s24, $0xb8;
	[tilespmem:$0x1CE00] =	vst v63  }
0x63: {  	_ =	swait.ge [sflag:s21], $0x2000  }
0x64: {  	[sflag:s21] =	ssyncset.done $0x0  }
0x65: {  	s20 =	simm.s32 $0x5080;
	[sflag:s21] =	ssyncadd.s32 $0xFFFFE000  }
0x66: {  	[spmem:s2] =	stream.indirect.scatter.add.f32 [tilespmem:s26], [sflag:$0x5], $0x40, s20, s24, $0xb8;
	[tilespmem:$0x1CE00] =	vst v63  }
0x67: {  	_ =	swait.ge [sflag:s22], $0x2000  }
0x68: {  	[sflag:s22] =	ssyncset.done $0x0  }
0x69: {  	s28 =	simm.s32 $0x280;
	[sflag:s22] =	ssyncadd.s32 $0xFFFFE000  }
0x6a: {  	[tilespmem:s26], [sflag:$0x2] =	stream.indirect.gather [hbm4b:s4+s24], $0x40, s28, s24, $0xb8;
	[tilespmem:$0x1CE00] =	vst v63  }
0x6b: {  	_ =	swait.ge [sflag:s1], $0x2000  }
0x6c: {  	[sflag:s1] =	ssyncset.done $0x0  }
0x6d: {  	s17 =	simm.s32 $0x5100;
	[sflag:s1] =	ssyncadd.s32 $0xFFFFE000  }
0x6e: {  	[spmem:s2] =	stream.indirect.scatter.add.f32 [tilespmem:s29], [sflag:$0x5], $0x40, s17, s24, $0xb8;
	[tilespmem:$0x1CE00] =	vst v63  }
0x6f: {  	_ =	swait.ge [sflag:s22], $0x2000  }
0x70: {  	[sflag:s22] =	ssyncset.done $0x0  }
0x71: {  	s20 =	simm.s32 $0x300;
	[sflag:s22] =	ssyncadd.s32 $0xFFFFE000  }
0x72: {  	[tilespmem:s29], [sflag:$0x3] =	stream.indirect.gather [hbm4b:s4+s24], $0x40, s20, s24, $0xb8;
	[tilespmem:$0x1CE00] =	vst v63  }
0x73: {  	_ =	swait.ge [sflag:s5], $0x2000  }
0x74: {  	[sflag:s5] =	ssyncset.done $0x0  }
0x75: {  	s28 =	simm.s32 $0x5180;
	[sflag:s5] =	ssyncadd.s32 $0xFFFFE000  }
0x76: {  	[spmem:s2] =	stream.indirect.scatter.add.f32 [tilespmem:s31], [sflag:$0x5], $0x40, s28, s24, $0xb8;
	[tilespmem:$0x1CE00] =	vst v63  }
0x77: {  	_ =	swait.ge [sflag:s22], $0x2000  }
0x78: {  	[sflag:s22] =	ssyncset.done $0x0  }
0x79: {  	s16 =	simm.s32 $0x380;
	s20 =	simm.s32 $0x800;
	[sflag:s22] =	ssyncadd.s32 $0xFFFFE000  }
.LBB2_4:
0x7a: {  	[tilespmem:s31], [sflag:$0x4] =	stream.indirect.gather [hbm4b:s4+s24], $0x40, s16, s24, $0xb8;
	[tilespmem:$0x1CE00] =	vst v63  }
0x7b: {  	s16 =	smov.u32 s20  }
0x7c: {  	p0 =	sne.s32 s20, $0x13000;
	s20 =	sadd.s32 $0x800, s20;
	_ =	swait.ge [sflag:s0], $0x2000  }
0x7d: {  	s28 =	sshra.s32 s16, $0x2;
	[sflag:s0] =	ssyncset.done $0x0  }
0x7e: {  	s16 =	sadd.s32 $0x5000, s28;
	[sflag:s0] =	ssyncadd.s32 $0xFFFFE000  }
0x7f: {  	[spmem:s2] =	stream.indirect.scatter.add.f32 [tilespmem:s25], [sflag:$0x5], $0x40, s16, s24, $0xb8;
	[tilespmem:$0x1CE00] =	vst v63  }
0x80: {  	_ =	swait.ge [sflag:s22], $0x2000  }
0x81: {  	[sflag:s22] =	ssyncset.done $0x0  }
0x82: {  	s16 =	sadd.s32 $0x200, s28;
	[sflag:s22] =	ssyncadd.s32 $0xFFFFE000  }
0x83: {  	[tilespmem:s25], [sflag:$0x1] =	stream.indirect.gather [hbm4b:s4+s24], $0x40, s16, s24, $0xb8;
	[tilespmem:$0x1CE00] =	vst v63  }
0x84: {  	_ =	swait.ge [sflag:s21], $0x2000  }
0x85: {  	[sflag:s21] =	ssyncset.done $0x0  }
0x86: {  	s16 =	sadd.s32 $0x5080, s28;
	[sflag:s21] =	ssyncadd.s32 $0xFFFFE000  }
0x87: {  	[spmem:s2] =	stream.indirect.scatter.add.f32 [tilespmem:s26], [sflag:$0x5], $0x40, s16, s24, $0xb8;
	[tilespmem:$0x1CE00] =	vst v63  }
0x88: {  	_ =	swait.ge [sflag:s22], $0x2000  }
0x89: {  	[sflag:s22] =	ssyncset.done $0x0  }
0x8a: {  	s16 =	sadd.s32 $0x280, s28;
	[sflag:s22] =	ssyncadd.s32 $0xFFFFE000  }
0x8b: {  	[tilespmem:s26], [sflag:$0x2] =	stream.indirect.gather [hbm4b:s4+s24], $0x40, s16, s24, $0xb8;
	[tilespmem:$0x1CE00] =	vst v63  }
0x8c: {  	_ =	swait.ge [sflag:s1], $0x2000  }
0x8d: {  	[sflag:s1] =	ssyncset.done $0x0  }
0x8e: {  	s16 =	sadd.s32 $0x5100, s28;
	[sflag:s1] =	ssyncadd.s32 $0xFFFFE000  }
0x8f: {  	[spmem:s2] =	stream.indirect.scatter.add.f32 [tilespmem:s29], [sflag:$0x5], $0x40, s16, s24, $0xb8;
	[tilespmem:$0x1CE00] =	vst v63  }
0x90: {  	_ =	swait.ge [sflag:s22], $0x2000  }
0x91: {  	[sflag:s22] =	ssyncset.done $0x0  }
0x92: {  	s16 =	sadd.s32 $0x300, s28;
	[sflag:s22] =	ssyncadd.s32 $0xFFFFE000  }
0x93: {  	[tilespmem:s29], [sflag:$0x3] =	stream.indirect.gather [hbm4b:s4+s24], $0x40, s16, s24, $0xb8;
	[tilespmem:$0x1CE00] =	vst v63  }
0x94: {  	_ =	swait.ge [sflag:s5], $0x2000  }
0x95: {  	[sflag:s5] =	ssyncset.done $0x0  }
.Ltmp1:
0x96: {  	s16 =	sadd.s32 $0x5180, s28;
	[sflag:s5] =	ssyncadd.s32 $0xFFFFE000;
	(pc) =	sbr.rel @p0 .LBB2_4-.Ltmp1, $4  }
0x97: {  	[spmem:s2] =	stream.indirect.scatter.add.f32 [tilespmem:s31], [sflag:$0x5], $0x40, s16, s24, $0xb8;
	[tilespmem:$0x1CE00] =	vst v63  }
0x98: {  	_ =	swait.ge [sflag:s22], $0x2000  }
0x99: {  	[sflag:s22] =	ssyncset.done $0x0  }
0x9a: {  	s16 =	sadd.s32 $0x380, s28;
	[sflag:s22] =	ssyncadd.s32 $0xFFFFE000  }
0x9b: {  	[tilespmem:s31], [sflag:$0x4] =	stream.indirect.gather [hbm4b:s4+s24], $0x40, s16, s24, $0xb8;
	[tilespmem:$0x1CE00] =	vst v63  }
0x9c: {  	_ =	swait.ge [sflag:s0], $0x2000  }
0x9d: {  	[sflag:s0] =	ssyncset.done $0x0  }
0x9e: {  	s20 =	simm.s32 $0x9E00;
	[sflag:s0] =	ssyncadd.s32 $0xFFFFE000  }
0x9f: {  	[spmem:s2] =	stream.indirect.scatter.add.f32 [tilespmem:s25], [sflag:$0x5], $0x40, s20, s24, $0xb8;
	[tilespmem:$0x1CE00] =	vst v63  }
0xa0: {  	_ =	swait.ge [sflag:s22], $0x2000  }
0xa1: {  	[sflag:s22] =	ssyncset.done $0x0  }
0xa2: {  	[sflag:s22] =	ssyncadd.s32 $0xFFFFE000  }
0xa3: {  	_ =	swait.ge [sflag:s21], $0x2000  }
0xa4: {  	[sflag:s21] =	ssyncset.done $0x0  }
0xa5: {  	s17 =	simm.s32 $0x9E80;
	[sflag:s21] =	ssyncadd.s32 $0xFFFFE000  }
0xa6: {  	[spmem:s2] =	stream.indirect.scatter.add.f32 [tilespmem:s26], [sflag:$0x5], $0x40, s17, s24, $0xb8;
	[tilespmem:$0x1CE00] =	vst v63  }
0xa7: {  	_ =	swait.ge [sflag:s22], $0x2000  }
0xa8: {  	[sflag:s22] =	ssyncset.done $0x0  }
0xa9: {  	[sflag:s22] =	ssyncadd.s32 $0xFFFFE000  }
0xaa: {  	_ =	swait.ge [sflag:s1], $0x2000  }
0xab: {  	[sflag:s1] =	ssyncset.done $0x0  }
0xac: {  	[sflag:s1] =	ssyncadd.s32 $0xFFFFE000  }
0xad: {  	[spmem:s2] =	stream.indirect.scatter.add.f32 [tilespmem:s29], [sflag:$0x5], $0x40, s18, s24, $0xb8;
	[tilespmem:$0x1CE00] =	vst v63  }
0xae: {  	_ =	swait.ge [sflag:s22], $0x2000  }
0xaf: {  	[sflag:s22] =	ssyncset.done $0x0  }
0xb0: {  	[sflag:s22] =	ssyncadd.s32 $0xFFFFE000  }
0xb1: {  	_ =	swait.ge [sflag:s5], $0x2000  }
0xb2: {  	[sflag:s5] =	ssyncset.done $0x0  }
0xb3: {  	[sflag:s5] =	ssyncadd.s32 $0xFFFFE000  }
0xb4: {  	[spmem:s2] =	stream.indirect.scatter.add.f32 [tilespmem:s31], [sflag:$0x5], $0x40, s19, s24, $0xb8;
	[tilespmem:$0x1CE00] =	vst v63  }
0xb5: {  	_ =	swait.ge [sflag:s22], $0x2000  }
0xb6: {  	[sflag:s22] =	ssyncset.done $0x0  }
0xb7: {  	s20 =	stileid.u32;
	[sflag:s22] =	ssyncadd.s32 $0xFFFFE000  }
0xb8: {  	s16 =	sshll.u32 s20, $0x6;
	[bflag:$0x0] =	sbarrier.arrive $0xFFFF  }
0xb9: {  	s20 =	sshrl.u32 s6, $0x3;
	s28 =	sor.u32 $0x1C05, s16;
	s17 =	rddreg [dreg:$0x5]  }
0xba: {  	[hbm:s17], [sflag:s28] =	dma.local [spmem:s20], $0x13C0  }
0xbb: {  	_ =	swait.ge [sflag:s22], $0x13C0  }
0xbc: {  	[sflag:s22] =	ssyncset.done $0x0  }
0xbd: {  	[sflag:s22] =	ssyncadd.s32 $0xFFFFEC40  }
0xbe: {  	[spmem:s6] =	stream.linear.scatter [tilespmem:s23], [sflag:$0x5], $0x1000, $0x38;
	[tilespmem:$0x1CE00] =	vst v63  }
0xbf: {  	_ =	swait.ge [sflag:s22], $0x1000  }
0xc0: {  	[sflag:s22] =	ssyncset.done $0x0  }
0xc1: {  	[sflag:s22] =	ssyncadd.s32 $0xFFFFF000  }
0xc2: {  	[spmem:s7] =	stream.linear.scatter [tilespmem:s23], [sflag:$0x5], $0x1000, $0x38;
	[tilespmem:$0x1CE00] =	vst v63  }
0xc3: {  	_ =	swait.ge [sflag:s22], $0x1000  }
0xc4: {  	[sflag:s22] =	ssyncset.done $0x0  }
0xc5: {  	[sflag:s22] =	ssyncadd.s32 $0xFFFFF000  }
0xc6: {  	[spmem:s8] =	stream.linear.scatter [tilespmem:s23], [sflag:$0x5], $0x1000, $0x38;
	[tilespmem:$0x1CE00] =	vst v63  }
0xc7: {  	_ =	swait.ge [sflag:s22], $0x1000  }
0xc8: {  	[sflag:s22] =	ssyncset.done $0x0  }
0xc9: {  	[sflag:s22] =	ssyncadd.s32 $0xFFFFF000  }
0xca: {  	[spmem:s9] =	stream.linear.scatter [tilespmem:s23], [sflag:$0x5], $0x1000, $0x38;
	[tilespmem:$0x1CE00] =	vst v63  }
0xcb: {  	_ =	swait.ge [sflag:s22], $0x1000  }
0xcc: {  	[sflag:s22] =	ssyncset.done $0x0  }
0xcd: {  	[sflag:s22] =	ssyncadd.s32 $0xFFFFF000  }
0xce: {  	[spmem:s10] =	stream.linear.scatter [tilespmem:s23], [sflag:$0x5], $0x1000, $0x38;
	[tilespmem:$0x1CE00] =	vst v63  }
0xcf: {  	_ =	swait.ge [sflag:s22], $0x1000  }
0xd0: {  	[sflag:s22] =	ssyncset.done $0x0  }
0xd1: {  	[sflag:s22] =	ssyncadd.s32 $0xFFFFF000  }
0xd2: {  	[spmem:s11] =	stream.linear.scatter [tilespmem:s23], [sflag:$0x5], $0x1000, $0x38;
	[tilespmem:$0x1CE00] =	vst v63  }
0xd3: {  	_ =	swait.ge [sflag:s22], $0x1000  }
0xd4: {  	[sflag:s22] =	ssyncset.done $0x0  }
0xd5: {  	[sflag:s22] =	ssyncadd.s32 $0xFFFFF000  }
0xd6: {  	[spmem:s12] =	stream.linear.scatter [tilespmem:s23], [sflag:$0x5], $0x1000, $0x38;
	[tilespmem:$0x1CE00] =	vst v63  }
0xd7: {  	_ =	swait.ge [sflag:s22], $0x1000  }
0xd8: {  	[sflag:s22] =	ssyncset.done $0x0  }
0xd9: {  	[sflag:s22] =	ssyncadd.s32 $0xFFFFF000  }
0xda: {  	[spmem:s13] =	stream.linear.scatter [tilespmem:s23], [sflag:$0x5], $0x1000, $0x38;
	[tilespmem:$0x1CE00] =	vst v63  }
0xdb: {  	_ =	swait.ge [sflag:s22], $0x1000  }
0xdc: {  	[sflag:s22] =	ssyncset.done $0x0  }
0xdd: {  	[sflag:s22] =	ssyncadd.s32 $0xFFFFF000  }
0xde: {  	[spmem:s14] =	stream.linear.scatter [tilespmem:s23], [sflag:$0x5], $0x1000, $0x38;
	[tilespmem:$0x1CE00] =	vst v63  }
0xdf: {  	_ =	swait.ge [sflag:s22], $0x1000  }
0xe0: {  	[sflag:s22] =	ssyncset.done $0x0  }
0xe1: {  	[sflag:s22] =	ssyncadd.s32 $0xFFFFF000  }
0xe2: {  	[spmem:s15] =	stream.linear.scatter [tilespmem:s23], [sflag:$0x5], $0xE00, $0x38;
	[tilespmem:$0x1CE00] =	vst v63  }
0xe3: {  	_ =	swait.ge [sflag:s22], $0xE00  }
0xe4: {  	[sflag:s22] =	ssyncset.done $0x0  }
0xe5: {  	s16 =	simm.s32 $0x0;
	s17 =	rddreg [dreg:$0x6];
	[sflag:s22] =	ssyncadd.s32 $0xFFFFF200  }
0xe6: {  	[tilespmem:s16], [sflag:$0x5] =	stream.linear.gather [hbm4b:s17+s16], $0x5000, $0x38;
	[tilespmem:$0x1CE00] =	vst v63  }
0xe7: {  	_ =	swait.ge [sflag:s22], $0x5000  }
0xe8: {  	[sflag:s22] =	ssyncset.done $0x0  }
0xe9: {  	[sflag:s22] =	ssyncadd.s32 $0xFFFFB000  }
0xea: {  	[bflag:$0x0] =	sbarrier.arrive $0xFFFF  }
0xeb: {  	[tilespmem:s25], [sflag:$0x1] =	stream.indirect.gather [hbm4b:s4+s24], $0x40, s16, s24, $0xb8;
	[tilespmem:$0x1CE00] =	vst v63  }
0xec: {  	_ = 	snop  }
0xed: {  	[tilespmem:s26], [sflag:$0x2] =	stream.indirect.gather [hbm4b:s4+s24], $0x40, s24, s24, $0xb8;
	[tilespmem:$0x1CE00] =	vst v63  }
0xee: {  	_ = 	snop  }
0xef: {  	[tilespmem:s29], [sflag:$0x3] =	stream.indirect.gather [hbm4b:s4+s24], $0x40, s30, s24, $0xb8;
	[tilespmem:$0x1CE00] =	vst v63  }
0xf0: {  	s17 =	simm.s32 $0x180  }
0xf1: {  	[tilespmem:s31], [sflag:$0x4] =	stream.indirect.gather [hbm4b:s4+s24], $0x40, s17, s24, $0xb8;
	[tilespmem:$0x1CE00] =	vst v63  }
0xf2: {  	_ =	swait.ge [sflag:s0], $0x2000  }
0xf3: {  	[sflag:s0] =	ssyncset.done $0x0  }
0xf4: {  	s17 =	simm.s32 $0x5000;
	[sflag:s0] =	ssyncadd.s32 $0xFFFFE000  }
0xf5: {  	[spmem:s2] =	stream.indirect.scatter.add.f32 [tilespmem:s25], [sflag:$0x5], $0x40, s17, s24, $0xb8;
	[tilespmem:$0x1CE00] =	vst v63  }
0xf6: {  	_ =	swait.ge [sflag:s22], $0x2000  }
0xf7: {  	[sflag:s22] =	ssyncset.done $0x0  }
0xf8: {  	s17 =	simm.s32 $0x200;
	[sflag:s22] =	ssyncadd.s32 $0xFFFFE000  }
0xf9: {  	[tilespmem:s25], [sflag:$0x1] =	stream.indirect.gather [hbm4b:s4+s24], $0x40, s17, s24, $0xb8;
	[tilespmem:$0x1CE00] =	vst v63  }
0xfa: {  	_ =	swait.ge [sflag:s21], $0x2000  }
0xfb: {  	[sflag:s21] =	ssyncset.done $0x0  }
0xfc: {  	s17 =	simm.s32 $0x5080;
	[sflag:s21] =	ssyncadd.s32 $0xFFFFE000  }
0xfd: {  	[spmem:s2] =	stream.indirect.scatter.add.f32 [tilespmem:s26], [sflag:$0x5], $0x40, s17, s24, $0xb8;
	[tilespmem:$0x1CE00] =	vst v63  }
0xfe: {  	_ =	swait.ge [sflag:s22], $0x2000  }
0xff: {  	[sflag:s22] =	ssyncset.done $0x0  }
0x100: {  	s17 =	simm.s32 $0x280;
	[sflag:s22] =	ssyncadd.s32 $0xFFFFE000  }
0x101: {  	[tilespmem:s26], [sflag:$0x2] =	stream.indirect.gather [hbm4b:s4+s24], $0x40, s17, s24, $0xb8;
	[tilespmem:$0x1CE00] =	vst v63  }
0x102: {  	_ =	swait.ge [sflag:s1], $0x2000  }
0x103: {  	[sflag:s1] =	ssyncset.done $0x0  }
0x104: {  	s17 =	simm.s32 $0x5100;
	[sflag:s1] =	ssyncadd.s32 $0xFFFFE000  }
0x105: {  	[spmem:s2] =	stream.indirect.scatter.add.f32 [tilespmem:s29], [sflag:$0x5], $0x40, s17, s24, $0xb8;
	[tilespmem:$0x1CE00] =	vst v63  }
0x106: {  	_ =	swait.ge [sflag:s22], $0x2000  }
0x107: {  	[sflag:s22] =	ssyncset.done $0x0  }
0x108: {  	s17 =	simm.s32 $0x300;
	[sflag:s22] =	ssyncadd.s32 $0xFFFFE000  }
0x109: {  	[tilespmem:s29], [sflag:$0x3] =	stream.indirect.gather [hbm4b:s4+s24], $0x40, s17, s24, $0xb8;
	[tilespmem:$0x1CE00] =	vst v63  }
0x10a: {  	_ =	swait.ge [sflag:s5], $0x2000  }
0x10b: {  	[sflag:s5] =	ssyncset.done $0x0  }
0x10c: {  	s17 =	simm.s32 $0x5180;
	[sflag:s5] =	ssyncadd.s32 $0xFFFFE000  }
0x10d: {  	[spmem:s2] =	stream.indirect.scatter.add.f32 [tilespmem:s31], [sflag:$0x5], $0x40, s17, s24, $0xb8;
	[tilespmem:$0x1CE00] =	vst v63  }
0x10e: {  	_ =	swait.ge [sflag:s22], $0x2000  }
0x10f: {  	[sflag:s22] =	ssyncset.done $0x0  }
0x110: {  	s16 =	simm.s32 $0x380;
	s30 =	simm.s32 $0x800;
	[sflag:s22] =	ssyncadd.s32 $0xFFFFE000  }
.LBB2_6:
0x111: {  	[tilespmem:s31], [sflag:$0x4] =	stream.indirect.gather [hbm4b:s4+s24], $0x40, s16, s24, $0xb8;
	[tilespmem:$0x1CE00] =	vst v63  }
0x112: {  	s16 =	smov.u32 s30  }
0x113: {  	p0 =	sne.s32 s30, $0x13000;
	s30 =	sadd.s32 $0x800, s30;
	_ =	swait.ge [sflag:s0], $0x2000  }
0x114: {  	s16 =	sshra.s32 s16, $0x2;
	[sflag:s0] =	ssyncset.done $0x0  }
0x115: {  	s17 =	sadd.s32 $0x5000, s16;
	[sflag:s0] =	ssyncadd.s32 $0xFFFFE000  }
0x116: {  	[spmem:s2] =	stream.indirect.scatter.add.f32 [tilespmem:s25], [sflag:$0x5], $0x40, s17, s24, $0xb8;
	[tilespmem:$0x1CE00] =	vst v63  }
0x117: {  	_ =	swait.ge [sflag:s22], $0x2000  }
0x118: {  	[sflag:s22] =	ssyncset.done $0x0  }
0x119: {  	s17 =	sadd.s32 $0x200, s16;
	[sflag:s22] =	ssyncadd.s32 $0xFFFFE000  }
0x11a: {  	[tilespmem:s25], [sflag:$0x1] =	stream.indirect.gather [hbm4b:s4+s24], $0x40, s17, s24, $0xb8;
	[tilespmem:$0x1CE00] =	vst v63  }
0x11b: {  	_ =	swait.ge [sflag:s21], $0x2000  }
0x11c: {  	[sflag:s21] =	ssyncset.done $0x0  }
0x11d: {  	s17 =	sadd.s32 $0x5080, s16;
	[sflag:s21] =	ssyncadd.s32 $0xFFFFE000  }
0x11e: {  	[spmem:s2] =	stream.indirect.scatter.add.f32 [tilespmem:s26], [sflag:$0x5], $0x40, s17, s24, $0xb8;
	[tilespmem:$0x1CE00] =	vst v63  }
0x11f: {  	_ =	swait.ge [sflag:s22], $0x2000  }
0x120: {  	[sflag:s22] =	ssyncset.done $0x0  }
0x121: {  	s17 =	sadd.s32 $0x280, s16;
	[sflag:s22] =	ssyncadd.s32 $0xFFFFE000  }
0x122: {  	[tilespmem:s26], [sflag:$0x2] =	stream.indirect.gather [hbm4b:s4+s24], $0x40, s17, s24, $0xb8;
	[tilespmem:$0x1CE00] =	vst v63  }
0x123: {  	_ =	swait.ge [sflag:s1], $0x2000  }
0x124: {  	[sflag:s1] =	ssyncset.done $0x0  }
0x125: {  	s17 =	sadd.s32 $0x5100, s16;
	[sflag:s1] =	ssyncadd.s32 $0xFFFFE000  }
0x126: {  	[spmem:s2] =	stream.indirect.scatter.add.f32 [tilespmem:s29], [sflag:$0x5], $0x40, s17, s24, $0xb8;
	[tilespmem:$0x1CE00] =	vst v63  }
0x127: {  	_ =	swait.ge [sflag:s22], $0x2000  }
0x128: {  	[sflag:s22] =	ssyncset.done $0x0  }
0x129: {  	s17 =	sadd.s32 $0x300, s16;
	[sflag:s22] =	ssyncadd.s32 $0xFFFFE000  }
0x12a: {  	[tilespmem:s29], [sflag:$0x3] =	stream.indirect.gather [hbm4b:s4+s24], $0x40, s17, s24, $0xb8;
	[tilespmem:$0x1CE00] =	vst v63  }
0x12b: {  	_ =	swait.ge [sflag:s5], $0x2000  }
0x12c: {  	[sflag:s5] =	ssyncset.done $0x0  }
.Ltmp2:
0x12d: {  	s17 =	sadd.s32 $0x5180, s16;
	[sflag:s5] =	ssyncadd.s32 $0xFFFFE000;
	(pc) =	sbr.rel @p0 .LBB2_6-.Ltmp2, $4  }
0x12e: {  	[spmem:s2] =	stream.indirect.scatter.add.f32 [tilespmem:s31], [sflag:$0x5], $0x40, s17, s24, $0xb8;
	[tilespmem:$0x1CE00] =	vst v63  }
0x12f: {  	_ =	swait.ge [sflag:s22], $0x2000  }
0x130: {  	[sflag:s22] =	ssyncset.done $0x0  }
0x131: {  	s16 =	sadd.s32 $0x380, s16;
	[sflag:s22] =	ssyncadd.s32 $0xFFFFE000  }
0x132: {  	[tilespmem:s31], [sflag:$0x4] =	stream.indirect.gather [hbm4b:s4+s24], $0x40, s16, s24, $0xb8;
	[tilespmem:$0x1CE00] =	vst v63  }
0x133: {  	_ =	swait.ge [sflag:s0], $0x2000  }
0x134: {  	[sflag:s0] =	ssyncset.done $0x0  }
0x135: {  	s17 =	simm.s32 $0x9E00;
	[sflag:s0] =	ssyncadd.s32 $0xFFFFE000  }
0x136: {  	[spmem:s2] =	stream.indirect.scatter.add.f32 [tilespmem:s25], [sflag:$0x5], $0x40, s17, s24, $0xb8;
	[tilespmem:$0x1CE00] =	vst v63  }
0x137: {  	_ =	swait.ge [sflag:s22], $0x2000  }
0x138: {  	[sflag:s22] =	ssyncset.done $0x0  }
0x139: {  	[sflag:s22] =	ssyncadd.s32 $0xFFFFE000  }
0x13a: {  	_ =	swait.ge [sflag:s21], $0x2000  }
0x13b: {  	[sflag:s21] =	ssyncset.done $0x0  }
0x13c: {  	s17 =	simm.s32 $0x9E80;
	[sflag:s21] =	ssyncadd.s32 $0xFFFFE000  }
0x13d: {  	[spmem:s2] =	stream.indirect.scatter.add.f32 [tilespmem:s26], [sflag:$0x5], $0x40, s17, s24, $0xb8;
	[tilespmem:$0x1CE00] =	vst v63  }
0x13e: {  	_ =	swait.ge [sflag:s22], $0x2000  }
0x13f: {  	[sflag:s22] =	ssyncset.done $0x0  }
0x140: {  	[sflag:s22] =	ssyncadd.s32 $0xFFFFE000  }
0x141: {  	_ =	swait.ge [sflag:s1], $0x2000  }
0x142: {  	[sflag:s1] =	ssyncset.done $0x0  }
0x143: {  	[sflag:s1] =	ssyncadd.s32 $0xFFFFE000  }
0x144: {  	[spmem:s2] =	stream.indirect.scatter.add.f32 [tilespmem:s29], [sflag:$0x5], $0x40, s18, s24, $0xb8;
	[tilespmem:$0x1CE00] =	vst v63  }
0x145: {  	_ =	swait.ge [sflag:s22], $0x2000  }
0x146: {  	[sflag:s22] =	ssyncset.done $0x0  }
0x147: {  	[sflag:s22] =	ssyncadd.s32 $0xFFFFE000  }
0x148: {  	_ =	swait.ge [sflag:s5], $0x2000  }
0x149: {  	[sflag:s5] =	ssyncset.done $0x0  }
0x14a: {  	[sflag:s5] =	ssyncadd.s32 $0xFFFFE000  }
0x14b: {  	[spmem:s2] =	stream.indirect.scatter.add.f32 [tilespmem:s31], [sflag:$0x5], $0x40, s19, s24, $0xb8;
	[tilespmem:$0x1CE00] =	vst v63  }
0x14c: {  	_ =	swait.ge [sflag:s22], $0x2000  }
0x14d: {  	[sflag:s22] =	ssyncset.done $0x0  }
0x14e: {  	[sflag:s22] =	ssyncadd.s32 $0xFFFFE000  }
0x14f: {  	[bflag:$0x0] =	sbarrier.arrive $0xFFFF  }
0x150: {  	s17 =	rddreg [dreg:$0x7]  }
0x151: {  	[hbm:s17], [sflag:s28] =	dma.local [spmem:s20], $0x13C0  }
0x152: {  	_ =	swait.ge [sflag:s22], $0x13C0  }
0x153: {  	s3 =	sadd.s32 $0x1, s3;
	s28 =	rddreg [dreg:$0x8]  }
0x154: {  	p0 =	sne.s32 s3, s28  }
.Ltmp3:
0x155: {  	_ = 	snop;
	(pc) =	sbr.rel @p0 .LBB2_1-.Ltmp3, $3  }
0x156: {  	_ =	sdelay $0x1  }
0x157: {  	[sflag:s22] =	ssyncset.done $0x0  }
0x158: {  	s30 =	simm.s32 $0x100;
	[sflag:s22] =	ssyncadd.s32 $0xFFFFEC40  }
0x159: {  	_ =	sfence.sel $0x180000  }
0x15a: {  	[bflag:$0x0] =	sbarrier.arrive $0xFFFF  }
0x15b: {  	_ =	strace $0x9000004A  }
0x15c: {  	s0 =	stileid.u32;
	[bflag:$0x2] =	sbarrier.arrive $0xFFFF  }
0x15d: {  	p0 =	sne.s32 s0, $0x0;
	s0 =	rddreg [dreg:$0x2]  }
0x15e: {  	s0 =	sadd.s32 @!p0 $0x100000, s0  }
0x15f: {  	[sflag:s0] =	ssyncadd.tile.s32 @!p0 $0x1;
	_ =	shalt  }
.Lfunc_end2:
_tile_overlayer_lowered:
.L_overlay_start_2:
0x160: {  	(tag) =	ssettag $0x2  }
0x161: {  	s0 =	rddreg [dreg:$0x0];
	s2 =	stileid.u32  }
0x162: {  	s1 =	rddreg [dreg:$0x1];
	p0 =	sne.s32 s2, $0x0  }
0x163: {  	s3 =	rddreg [dreg:$0x2];
	[bflag:$0x3] =	sbarrier.arrive $0xFFFF;
	s2 =	simm.s32 @!p0 $0x1C05  }
0x164: {  	[timem:s3], [sflag:s2] =	dma.local @!p0 [hbm:s0], s1  }
0x165: {  	s0 =	simm.s32 @!p0 $0x5  }
0x166: {  	_ =	swait.ge @!p0 [sflag:s0], s1  }
0x167: {  	s1 =	ssub.s32 @!p0 $0x0, s1;
	[sflag:s0] =	ssyncset.done @!p0 $0x0  }
0x168: {  	[sflag:s0] =	ssyncadd.s32 @!p0 s1  }
0x169: {  	[bflag:$0x3] =	sbarrier.arrive $0xFFFF  }
0x16a: {  	_ =	shalt  }

// kernel: kernel.15.cloned.1.call-start
scs
__scs_entry_jumppad:
0x0: {  	(pc) =	sbr.rel $0x88, $3  }
0x1: {  	(tag) =	ssettag $0x0;
	lr =	simm.s32 $0x1  }
0x2: {  	[smem:$0x3F90] =	sst lr;
	_ =	strace $0xD0000000  }
0x3: {  	_ = 	snop  }
0x4: {  	_ = 	snop  }
0x5: {  	_ = 	snop  }
0x6: {  	_ = 	snop  }
0x7: {  	_ = 	snop  }
__scs_overlays_trampoline_lowered:
0x8: {  	[smem:$0x3F9F] =	sst s0  }
0x9: {  	[smem:$0x3FA0] =	sst s1  }
0xa: {  	[smem:$0x3FA1] =	sst s2  }
0xb: {  	[smem:$0x3FA2] =	sst s3  }
0xc: {  	[smem:$0x3FA3] =	sst s4  }
0xd: {  	[smem:$0x3FA4] =	sst s5  }
0xe: {  	[smem:$0x3FA5] =	sst s6  }
0xf: {  	[smem:$0x3FA6] =	sst s7  }
0x10: {  	[smem:$0x3FA7] =	sst s8  }
0x11: {  	[smem:$0x3FA8] =	sst s9;
	s0 =	simm.s32 @!p0 $0x0  }
0x12: {  	s1 =	sld [smem:$0x3F8E];
	s0 =	simm.s32 @p0 $0x1  }
0x13: {  	[smem:$0x3FA9] =	sst s0;
	s0 =	simm.s32 @!p1 $0x0  }
0x14: {  	s2 =	sld [smem:$0x3F8D];
	s0 =	simm.s32 @p1 $0x1  }
0x15: {  	[smem:$0x3FAA] =	sst s0;
	s0 =	simm.s32 @!p2 $0x0  }
0x16: {  	s3 =	sld [smem:$0x3FDB];
	s0 =	simm.s32 @p2 $0x1  }
0x17: {  	s4 =	simm.s32 $0x1BF5;
	[smem:$0x3FAC] =	sst s0  }
0x18: {  	s0 =	sld [smem:$0x3F8F];
	_ =	swait.ge [sflag:s4], $0x0  }
0x19: {  	s7 =	sld [smem:$0x3F90]  }
0x1a: {  	s8 =	sadd.s32 $0xFFFFE003, lr  }
0x1b: {  	s9 =	sadd.s32 $0xFFFFFEF7, lr;
	s5 =	simm.s32 $0xFFFFFFFF;
	p2 =	slt.u32 s8, $0xFFFFF086  }
0x1c: {  	p1 =	slt.u32 s9, $0xF7A;
	s5 =	simm.s32 @!p2 $0x0  }
0x1d: {  	s5 =	simm.s32 @p1 $0x1;
	p0 =	seq.s32 s7, s2  }
0x1e: {  	s7 =	smul.u32 @!p0 $0xF7A, s2;
	p2 =	seq.s32 @!p0 s5, $0x0  }
0x1f: {  	s9 =	smul.u32 $0xF7A, s1;
	s8 =	simm.s32 @!p0 $0x1BF5;
	p2 =	por !p2, p0  }
0x20: {  	[sflag:s8] =	ssyncset.s32 @!p0 $0xFFFFF086;
	s6 =	sadd.s32 @!p0 s3, s7;
	s7 =	simm.s32 @!p0 $0x108  }
0x21: {  	s3 =	sadd.s32 s3, s9;
	s6 =	sadd.s32 @!p0 $0x88, s6;
	s7 =	simm.s32 @p2 $0x1082  }
0x22: {  	[simem:s7], [sflag:s8] =	dma.local @!p0 [hbm:s6], $0xF7A  }
0x23: {  	s9 =	sor.u32 $0xD0000000, s2;
	s6 =	simm.s32 $0x108;
	_ =	swait.ge @!p0 [sflag:s8], $0x0  }
0x24: {  	s3 =	sadd.s32 $0x88, s3;
	s6 =	simm.s32 @!p1 $0x1082;
	[sflag:s4] =	ssyncset.s32 $0xFFFFF086  }
0x25: {  	[simem:s6], [sflag:s4] =	dma.local [hbm:s3], $0xF7A  }
0x26: {  	[smem:$0x3F90] =	sst s1;
	(tag) =	ssettag s2;
	_ =	strace s9  }
0x27: {  	s1 =	sld [smem:$0x3FA0]  }
0x28: {  	s2 =	sld [smem:$0x3FA1]  }
0x29: {  	s4 =	sld [smem:$0x3FA3]  }
0x2a: {  	p0 =	seq.s32 s5, $0x0;
	s5 =	sld [smem:$0x3FA4]  }
0x2b: {  	s6 =	sld [smem:$0x3FA5]  }
0x2c: {  	s7 =	sld [smem:$0x3FA6]  }
0x2d: {  	s3 =	simm.s32 $0x108;
	s8 =	sld [smem:$0x3FA7]  }
0x2e: {  	s3 =	simm.s32 @!p0 $0x1082;
	s9 =	sld [smem:$0x3FA8]  }
0x2f: {  	lr =	sadd.s32 s0, s3;
	s0 =	sld [smem:$0x3F9F]  }
0x30: {  	s3 =	sld [smem:$0x3FA2]  }
0x31: {  	[smem:$0x3FAB] =	sst s10  }
0x32: {  	s10 =	sld [smem:$0x3FA9];
	_ =	sdelay $0x3  }
0x33: {  	p0 =	seq.s32 s10, $0x1;
	s10 =	sld [smem:$0x3FAB];
	_ =	sdelay $0x3  }
0x34: {  	[smem:$0x3FAB] =	sst s10  }
0x35: {  	s10 =	sld [smem:$0x3FAA];
	_ =	sdelay $0x3  }
0x36: {  	p1 =	seq.s32 s10, $0x1;
	s10 =	sld [smem:$0x3FAB];
	_ =	sdelay $0x3  }
0x37: {  	[smem:$0x3FAB] =	sst s10  }
0x38: {  	s10 =	sld [smem:$0x3FAC]  }
0x39: {  	_ = 	snop;
	(pc) =	sbr.ind lr, $3  }
0x3a: {  	_ = 	snop  }
0x3b: {  	_ = 	snop  }
0x3c: {  	p2 =	seq.s32 s10, $0x1;
	s10 =	sld [smem:$0x3FAB]  }
0x3d: {  	_ =	shalt  }
0x3e: {  	_ =	shalt  }
0x3f: {  	_ =	shalt  }
0x40: {  	_ =	shalt  }
0x41: {  	_ =	shalt  }
0x42: {  	_ =	shalt  }
0x43: {  	_ =	shalt  }
0x44: {  	_ =	shalt  }
0x45: {  	_ =	shalt  }
0x46: {  	_ =	shalt  }
0x47: {  	_ =	shalt  }
0x48: {  	_ =	shalt  }
0x49: {  	_ =	shalt  }
0x4a: {  	_ =	shalt  }
0x4b: {  	_ =	shalt  }
0x4c: {  	_ =	shalt  }
0x4d: {  	_ =	shalt  }
0x4e: {  	_ =	shalt  }
0x4f: {  	_ =	shalt  }
0x50: {  	_ =	shalt  }
0x51: {  	_ =	shalt  }
0x52: {  	_ =	shalt  }
0x53: {  	_ =	shalt  }
0x54: {  	_ =	shalt  }
0x55: {  	_ =	shalt  }
0x56: {  	_ =	shalt  }
0x57: {  	_ =	shalt  }
0x58: {  	_ =	shalt  }
0x59: {  	_ =	shalt  }
0x5a: {  	_ =	shalt  }
0x5b: {  	_ =	shalt  }
0x5c: {  	_ =	shalt  }
0x5d: {  	_ =	shalt  }
0x5e: {  	_ =	shalt  }
0x5f: {  	_ =	shalt  }
0x60: {  	_ =	shalt  }
0x61: {  	_ =	shalt  }
0x62: {  	_ =	shalt  }
0x63: {  	_ =	shalt  }
0x64: {  	_ =	shalt  }
0x65: {  	_ =	shalt  }
0x66: {  	_ =	shalt  }
0x67: {  	_ =	shalt  }
0x68: {  	_ =	shalt  }
0x69: {  	_ =	shalt  }
0x6a: {  	_ =	shalt  }
0x6b: {  	_ =	shalt  }
0x6c: {  	_ =	shalt  }
0x6d: {  	_ =	shalt  }
0x6e: {  	_ =	shalt  }
0x6f: {  	_ =	shalt  }
0x70: {  	_ =	shalt  }
0x71: {  	_ =	shalt  }
0x72: {  	_ =	shalt  }
0x73: {  	_ =	shalt  }
0x74: {  	_ =	shalt  }
0x75: {  	_ =	shalt  }
0x76: {  	_ =	shalt  }
0x77: {  	_ =	shalt  }
0x78: {  	_ =	shalt  }
0x79: {  	_ =	shalt  }
0x7a: {  	_ =	shalt  }
0x7b: {  	_ =	shalt  }
0x7c: {  	_ =	shalt  }
0x7d: {  	_ =	shalt  }
0x7e: {  	_ =	shalt  }
0x7f: {  	_ =	shalt  }
0x80: {  	_ =	shalt  }
0x81: {  	_ =	shalt  }
0x82: {  	_ =	shalt  }
0x83: {  	_ =	shalt  }
0x84: {  	_ =	shalt  }
0x85: {  	_ =	shalt  }
0x86: {  	_ =	shalt  }
0x87: {  	_ =	shalt  }
.Lfunc_end0:
.L_simem_size_0:
called_computation.2_lowered:
.L_overlay_start_0:
0x88: {  	s2 =	sld [smem:$0x3FD9]  }
0x89: {  	s3 =	sld [smem:$0x3FFE];
	_ =	sdelay $0x1  }
0x8a: {  	s1 =	srdreg.scid  }
0x8b: {  	s0 =	sand.u32 $0x1, s1  }
0x8c: {  	s16 =	sshll.u32 s0, $0xA;
	s2 =	sadd.s32 s3, s2  }
0x8d: {  	s2 =	sadd.s32 s2, s16  }
0x8e: {  	[smem:$0x3FB7] =	sst s2  }
0x8f: {  	_ = 	snop  }
0x90: {  	(tm) =	ssettm $0x1  }
0x91: {  	s17 =	sld [smem:$0x3FFB];
	_ =	sdelay $0x3  }
0x92: {  	_ =	strace s17  }
0x93: {  	s2 =	sld [smem:$0x3FFC];
	_ =	sdelay $0x3  }
0x94: {  	_ =	strace s2  }
0x95: {  	s2 =	sld [smem:$0x3FFD];
	_ =	sdelay $0x3  }
0x96: {  	_ =	strace s2  }
0x97: {  	_ =	strace $0x8FFFFFFF  }
0x98: {  	s18 =	sld [smem:$0x3FDB];
	_ =	sdelay $0x1  }
0x99: {  	s19 =	simm.s32 $_scs_section_size  }
0x9a: {  	s4 =	simm.s32 $_size__tile_overlayer_lowered;
	s5 =	simm.s32 $_tile_overlayer_lowered  }
0x9b: {  	s22 =	simm.s32 $0x1BFF;
	s21 =	sshll.u32 s5, $0x1;
	s2 =	sadd.s32 s19, s18  }
0x9c: {  	s6 =	simm.s32 $0x0;
	s20 =	sshll.u32 s4, $0x1;
	s4 =	sadd.s32 s21, s2  }
0x9d: {  	[timem:s6], [sflag:s22] =	dma.local [hbm:s4], s20  }
0x9e: {  	_ =	swait.ge [sflag:s22], s20  }
0x9f: {  	s3 =	ssub.s32 $0x0, s20;
	[sflag:s22] =	ssyncset.done $0x0  }
0xa0: {  	[sflag:s22] =	ssyncadd.s32 s3;
	_ =	sdelay $0x1  }
0xa1: {  	s23 =	simm.s32 $0x1B8B  }
0xa2: {  	_ =	swait.ge [sflag:s23], $0x1  }
0xa3: {  	[sflag:s23] =	ssyncset.done $0x0  }
0xa4: {  	s25 =	simm.s32 $0x1B8E;
	s24 =	sld [smem:$0x3FFE];
	[sflag:s23] =	ssyncadd.s32 $0xFFFFFFFF  }
0xa5: {  	s26 =	simm.s32 $execute0_lowered;
	[smem:$0x3FD2] =	sst s25  }
0xa6: {  	s4 =	sshll.u32 s26, $0x1;
	_ =	strace $0x8000004C;
	[dreg:$0x1] =	wrdreg $0xFFFFFFFF  }
0xa7: {  	s28 =	simm.s32 $_size_execute0_lowered;
	s2 =	sadd.s32 s2, s4;
	[dreg:$0x0] =	wrdreg $0x0  }
0xa8: {  	s4 =	sshll.u32 s28, $0x1;
	[dreg:$0x2] =	wrdreg s2  }
0xa9: {  	[dreg:$0x3] =	wrdreg s4  }
0xaa: {  	[dreg:$0x4] =	wrdreg $0xC0  }
0xab: {  	_ =	task [dreg:s6], $0x5FFFF  }
0xac: {  	[dreg:$0x1] =	wrdreg $0xFFFFFFFF  }
0xad: {  	[dreg:$0x0] =	wrdreg $0x60  }
0xae: {  	[dreg:$0x2] =	wrdreg s24  }
0xaf: {  	[dreg:$0x3] =	wrdreg $0x130000  }
0xb0: {  	[dreg:$0x4] =	wrdreg $0x9  }
0xb1: {  	_ =	task.clear_ibuf [dreg:s6], $0x5FFFF;
	_ =	strace $0x9000004C  }
0xb2: {  	s29 =	simm.s32 $0x9;
	_ =	strace $0x8000004E  }
0xb3: {  	_ =	swait.ge [sflag:s29], $0x1  }
0xb4: {  	[sflag:s29] =	ssyncadd.s32 $0xFFFFFFFF  }
0xb5: {  	_ =	strace $0x9000004E  }
0xb6: {  	_ =	sfence  }
0xb7: {  	s30 =	sld [smem:$0x0];
	_ =	sdelay $0x2  }
0xb8: {  	s31 =	sshll.u32 s1, $0xD;
	s1 =	sshrl.u32 s1, $0x2  }
0xb9: {  	s3 =	sand.u32 $0x4000, s31;
	s1 =	sadd.s32 s1, s30  }
0xba: {  	s0 =	sor.u32 s3, s0;
	s1 =	sshll.u32 s1, $0x11  }
0xbb: {  	s0 =	sor.u32 s1, s0  }
0xbc: {  	s0 =	sadd.s32 $0x8F2B, s0  }
0xbd: {  	[sflag:s0] =	ssyncadd.remote.s32 $0x1  }
0xbe: {  	_ =	sfence.sel $0xFFFF  }
0xbf: {  	[dreg:$0x0] =	wrdreg $0xFFFFFFFF;
	(pc) =	sbr.abs _section_cstart, $3  }
0xc0: {  	[dreg:$0x1] =	wrdreg $0xFFFFFFFF  }
0xc1: {  	_ =	task.clear_ibuf [dreg:s6], $0x2FFFF;
	_ =	strace $0x9FFFFFFF  }
0xc2: {  	(tm) =	ssettm $0x7FFFFFFF  }
0xc3: {  	_ =	shalt  }
tec
execute0_lowered:
.L_overlay_start_1:
0x0: {  	(tag) =	ssettag $0x1  }
0x1: {  	s0 =	rddreg [dreg:$0x0]  }
0x2: {  	s2 =	rddreg [dreg:$0x1];
	s3 =	simm.s32 $0x0;
	s10 =	stileid.u32  }
0x3: {  	s5 =	srdreg.scid;
	s22 =	simm.s32 $0x5;
	s23 =	simm.s32 $0x12000  }
0x4: {  	s24 =	simm.s32 $0x80;
	s30 =	simm.s32 $0x100;
	s1 =	smul.u32 $0x5000, s10  }
0x5: {  	s29 =	simm.s32 $0xE000;
	s31 =	simm.s32 $0x10000;
	s8 =	smul.u32 $0x27800, s10  }
0x6: {  	[smem:$0x7FF] =	sst s3;
	s5 =	sand.u32 $0x1, s5;
	s17 =	smul.u32 $0x9E00, s10  }
0x7: {  	s4 =	sadd.s32 $0x3E400, s0;
	s16 =	sadd.s32 $0x16400, s0;
	s14 =	smul.u32 $0xA0000, s5  }
0x8: {  	s7 =	ssub.s32 $0x2, s5;
	s19 =	smul.u32 $0x13C000, s5;
	s5 =	sshllo.u32 s5, $0x1  }
0x9: {  	_ =	strace $0x8000004D;
	s6 =	sshrl.u32 s1, $0x3;
	s21 =	smul.u32 $0x50000, s5  }
0xa: {  	s9 =	sshrl.u32 s7, $0x1;
	s25 =	sshrl.u32 s8, $0x2;
	s5 =	smul.u32 $0x9E000, s5  }
0xb: {  	s6 =	sadd.s32 s6, s0;
	s0 =	sadd.s32 $0x176C00, s0;
	s18 =	ssub.s32 s7, s9  }
0xc: {  	s15 =	sadd.s32 s25, s2;
	s20 =	sadd.s32 s1, s14;
	s19 =	sadd.s32 s17, s19  }
0xd: {  	s25 =	simm.s32 $0xA000;
	s6 =	sadd.s32 $0x2600, s6;
	s7 =	sadd.s32 $0x1000, s15  }
0xe: {  	s8 =	sadd.s32 $0x2000, s15;
	s9 =	sadd.s32 $0x3000, s15;
	s10 =	sadd.s32 $0x4000, s15  }
0xf: {  	s11 =	sadd.s32 $0x5000, s15;
	s12 =	sadd.s32 $0x6000, s15;
	s13 =	sadd.s32 $0x7000, s15  }
0x10: {  	s14 =	sadd.s32 $0x8000, s15;
	s20 =	sshrl.u32 s20, $0x3;
	s15 =	sadd.s32 $0x9000, s15  }
0x11: {  	s19 =	sshrl.u32 s19, $0x3;
	s1 =	sadd.s32 s1, s21;
	s5 =	sadd.s32 s17, s5  }
0x12: {  	s28 =	smax.u32 s18, $0x1;
	s21 =	simm.s32 $0x2;
	s18 =	simm.s32 $0x9F00  }
0x13: {  	[dreg:$0x3] =	wrdreg s6;
	s6 =	sadd.s32 s17, s2;
	s20 =	sadd.s32 s16, s20  }
0x14: {  	s26 =	sadd.s32 s0, s19;
	s1 =	sshrl.u32 s1, $0x3;
	[dreg:$0x8] =	wrdreg s28  }
0x15: {  	s5 =	sshrl.u32 s5, $0x3;
	s19 =	simm.s32 $0x9F80;
	[dreg:$0x4] =	wrdreg s20  }
0x16: {  	[dreg:$0x5] =	wrdreg s26;
	s1 =	sadd.s32 s16, s1;
	s0 =	sadd.s32 s0, s5  }
0x17: {  	s26 =	simm.s32 $0xC000;
	s5 =	simm.s32 $0x4;
	[dreg:$0x6] =	wrdreg s1  }
0x18: {  	v0 =	vimm.f32 $0.0e+00;
	[dreg:$0x7] =	wrdreg s0;
	s0 =	simm.s32 $0x1;
	s1 =	simm.s32 $0x3  }
.LBB2_1:
0x19: {  	s20 =	simm.s32 $0x100;
	s16 =	simm.s32 $0x0  }
.LBB2_2:
0x1a: {  	p0 =	sne.s32 s20, $0x3F00;
	[tilespmem:s16+$0x12030] =	vst v0;
	s28 =	smov.u32 s20;
	s20 =	sadd.s32 $0x100, s20  }
.Ltmp0:
0x1b: {  	[tilespmem:s16+$0x12020] =	vst v0;
	(pc) =	sbr.rel @p0 .LBB2_2-.Ltmp0, $3  }
0x1c: {  	[tilespmem:s16+$0x12000] =	vst v0  }
0x1d: {  	[tilespmem:s16+$0x12010] =	vst v0;
	_ =	sdelay $0x1  }
0x1e: {  	s16 =	sshra.s32 s28, $0x2  }
0x1f: {  	[tilespmem:s16+$0x12030] =	vst v0  }
0x20: {  	[tilespmem:s16+$0x12020] =	vst v0  }
0x21: {  	[tilespmem:s16+$0x12000] =	vst v0  }
0x22: {  	[tilespmem:s16+$0x12010] =	vst v0;
	s16 =	simm.s32 $0x0;
	s17 =	rddreg [dreg:$0x3];
	s20 =	simm.s32 $0x5000  }
0x23: {  	[tilespmem:s20], [sflag:$0x5] =	stream.linear.gather [hbm4b:s17+s16], $0x5000, $0x38;
	[tilespmem:$0x1CE00] =	vst v63  }
0x24: {  	_ =	swait.ge [sflag:s22], $0x5000  }
0x25: {  	[sflag:s22] =	ssyncset.done $0x0  }
0x26: {  	[sflag:s22] =	ssyncadd.s32 $0xFFFFB000  }
0x27: {  	[spmem:s6] =	stream.linear.scatter [tilespmem:s23], [sflag:$0x5], $0x1000, $0x38;
	[tilespmem:$0x1CE00] =	vst v63  }
0x28: {  	_ =	swait.ge [sflag:s22], $0x1000  }
0x29: {  	[sflag:s22] =	ssyncset.done $0x0  }
0x2a: {  	[sflag:s22] =	ssyncadd.s32 $0xFFFFF000  }
0x2b: {  	[spmem:s7] =	stream.linear.scatter [tilespmem:s23], [sflag:$0x5], $0x1000, $0x38;
	[tilespmem:$0x1CE00] =	vst v63  }
0x2c: {  	_ =	swait.ge [sflag:s22], $0x1000  }
0x2d: {  	[sflag:s22] =	ssyncset.done $0x0  }
0x2e: {  	[sflag:s22] =	ssyncadd.s32 $0xFFFFF000  }
0x2f: {  	[spmem:s8] =	stream.linear.scatter [tilespmem:s23], [sflag:$0x5], $0x1000, $0x38;
	[tilespmem:$0x1CE00] =	vst v63  }
0x30: {  	_ =	swait.ge [sflag:s22], $0x1000  }
0x31: {  	[sflag:s22] =	ssyncset.done $0x0  }
0x32: {  	[sflag:s22] =	ssyncadd.s32 $0xFFFFF000  }
0x33: {  	[spmem:s9] =	stream.linear.scatter [tilespmem:s23], [sflag:$0x5], $0x1000, $0x38;
	[tilespmem:$0x1CE00] =	vst v63  }
0x34: {  	_ =	swait.ge [sflag:s22], $0x1000  }
0x35: {  	[sflag:s22] =	ssyncset.done $0x0  }
0x36: {  	[sflag:s22] =	ssyncadd.s32 $0xFFFFF000  }
0x37: {  	[spmem:s10] =	stream.linear.scatter [tilespmem:s23], [sflag:$0x5], $0x1000, $0x38;
	[tilespmem:$0x1CE00] =	vst v63  }
0x38: {  	_ =	swait.ge [sflag:s22], $0x1000  }
0x39: {  	[sflag:s22] =	ssyncset.done $0x0  }
0x3a: {  	[sflag:s22] =	ssyncadd.s32 $0xFFFFF000  }
0x3b: {  	[spmem:s11] =	stream.linear.scatter [tilespmem:s23], [sflag:$0x5], $0x1000, $0x38;
	[tilespmem:$0x1CE00] =	vst v63  }
0x3c: {  	_ =	swait.ge [sflag:s22], $0x1000  }
0x3d: {  	[sflag:s22] =	ssyncset.done $0x0  }
0x3e: {  	[sflag:s22] =	ssyncadd.s32 $0xFFFFF000  }
0x3f: {  	[spmem:s12] =	stream.linear.scatter [tilespmem:s23], [sflag:$0x5], $0x1000, $0x38;
	[tilespmem:$0x1CE00] =	vst v63  }
0x40: {  	_ =	swait.ge [sflag:s22], $0x1000  }
0x41: {  	[sflag:s22] =	ssyncset.done $0x0  }
0x42: {  	[sflag:s22] =	ssyncadd.s32 $0xFFFFF000  }
0x43: {  	[spmem:s13] =	stream.linear.scatter [tilespmem:s23], [sflag:$0x5], $0x1000, $0x38;
	[tilespmem:$0x1CE00] =	vst v63  }
0x44: {  	_ =	swait.ge [sflag:s22], $0x1000  }
0x45: {  	[sflag:s22] =	ssyncset.done $0x0  }
0x46: {  	[sflag:s22] =	ssyncadd.s32 $0xFFFFF000  }
0x47: {  	[spmem:s14] =	stream.linear.scatter [tilespmem:s23], [sflag:$0x5], $0x1000, $0x38;
	[tilespmem:$0x1CE00] =	vst v63  }
0x48: {  	_ =	swait.ge [sflag:s22], $0x1000  }
0x49: {  	[sflag:s22] =	ssyncset.done $0x0  }
0x4a: {  	[sflag:s22] =	ssyncadd.s32 $0xFFFFF000  }
0x4b: {  	[spmem:s15] =	stream.linear.scatter [tilespmem:s23], [sflag:$0x5], $0xE00, $0x38;
	[tilespmem:$0x1CE00] =	vst v63  }
0x4c: {  	_ =	swait.ge [sflag:s22], $0xE00  }
0x4d: {  	[sflag:s22] =	ssyncset.done $0x0  }
0x4e: {  	s28 =	rddreg [dreg:$0x4];
	[sflag:s22] =	ssyncadd.s32 $0xFFFFF200  }
0x4f: {  	[tilespmem:s16], [sflag:$0x5] =	stream.linear.gather [hbm4b:s28+s16], $0x5000, $0x38;
	[tilespmem:$0x1CE00] =	vst v63  }
0x50: {  	_ =	swait.ge [sflag:s22], $0x5000  }
0x51: {  	[sflag:s22] =	ssyncset.done $0x0  }
0x52: {  	[sflag:s22] =	ssyncadd.s32 $0xFFFFB000  }
0x53: {  	[bflag:$0x0] =	sbarrier.arrive $0xFFFF  }
0x54: {  	[tilespmem:s25], [sflag:$0x1] =	stream.indirect.gather [hbm4b:s4+s24], $0x40, s16, s24, $0xb8;
	[tilespmem:$0x1CE00] =	vst v63  }
0x55: {  	_ = 	snop  }
0x56: {  	[tilespmem:s26], [sflag:$0x2] =	stream.indirect.gather [hbm4b:s4+s24], $0x40, s24, s24, $0xb8;
	[tilespmem:$0x1CE00] =	vst v63  }
0x57: {  	_ = 	snop  }
0x58: {  	[tilespmem:s29], [sflag:$0x3] =	stream.indirect.gather [hbm4b:s4+s24], $0x40, s30, s24, $0xb8;
	[tilespmem:$0x1CE00] =	vst v63  }
0x59: {  	s20 =	simm.s32 $0x180  }
0x5a: {  	[tilespmem:s31], [sflag:$0x4] =	stream.indirect.gather [hbm4b:s4+s24], $0x40, s20, s24, $0xb8;
	[tilespmem:$0x1CE00] =	vst v63  }
0x5b: {  	_ =	swait.ge [sflag:s0], $0x2000  }
0x5c: {  	[sflag:s0] =	ssyncset.done $0x0  }
0x5d: {  	s28 =	simm.s32 $0x5000;
	[sflag:s0] =	ssyncadd.s32 $0xFFFFE000  }
0x5e: {  	[spmem:s2] =	stream.indirect.scatter.add.f32 [tilespmem:s25], [sflag:$0x5], $0x40, s28, s24, $0xb8;
	[tilespmem:$0x1CE00] =	vst v63  }
0x5f: {  	_ =	swait.ge [sflag:s22], $0x2000  }
0x60: {  	[sflag:s22] =	ssyncset.done $0x0  }
0x61: {  	s17 =	simm.s32 $0x200;
	[sflag:s22] =	ssyncadd.s32 $0xFFFFE000  }
0x62: {  	[tilespmem:s25], [sflag:$0x1] =	stream.indirect.gather [hbm4b:s4+s24], $0x40, s17, s24, $0xb8;
	[tilespmem:$0x1CE00] =	vst v63  }
0x63: {  	_ =	swait.ge [sflag:s21], $0x2000  }
0x64: {  	[sflag:s21] =	ssyncset.done $0x0  }
0x65: {  	s20 =	simm.s32 $0x5080;
	[sflag:s21] =	ssyncadd.s32 $0xFFFFE000  }
0x66: {  	[spmem:s2] =	stream.indirect.scatter.add.f32 [tilespmem:s26], [sflag:$0x5], $0x40, s20, s24, $0xb8;
	[tilespmem:$0x1CE00] =	vst v63  }
0x67: {  	_ =	swait.ge [sflag:s22], $0x2000  }
0x68: {  	[sflag:s22] =	ssyncset.done $0x0  }
0x69: {  	s28 =	simm.s32 $0x280;
	[sflag:s22] =	ssyncadd.s32 $0xFFFFE000  }
0x6a: {  	[tilespmem:s26], [sflag:$0x2] =	stream.indirect.gather [hbm4b:s4+s24], $0x40, s28, s24, $0xb8;
	[tilespmem:$0x1CE00] =	vst v63  }
0x6b: {  	_ =	swait.ge [sflag:s1], $0x2000  }
0x6c: {  	[sflag:s1] =	ssyncset.done $0x0  }
0x6d: {  	s17 =	simm.s32 $0x5100;
	[sflag:s1] =	ssyncadd.s32 $0xFFFFE000  }
0x6e: {  	[spmem:s2] =	stream.indirect.scatter.add.f32 [tilespmem:s29], [sflag:$0x5], $0x40, s17, s24, $0xb8;
	[tilespmem:$0x1CE00] =	vst v63  }
0x6f: {  	_ =	swait.ge [sflag:s22], $0x2000  }
0x70: {  	[sflag:s22] =	ssyncset.done $0x0  }
0x71: {  	s20 =	simm.s32 $0x300;
	[sflag:s22] =	ssyncadd.s32 $0xFFFFE000  }
0x72: {  	[tilespmem:s29], [sflag:$0x3] =	stream.indirect.gather [hbm4b:s4+s24], $0x40, s20, s24, $0xb8;
	[tilespmem:$0x1CE00] =	vst v63  }
0x73: {  	_ =	swait.ge [sflag:s5], $0x2000  }
0x74: {  	[sflag:s5] =	ssyncset.done $0x0  }
0x75: {  	s28 =	simm.s32 $0x5180;
	[sflag:s5] =	ssyncadd.s32 $0xFFFFE000  }
0x76: {  	[spmem:s2] =	stream.indirect.scatter.add.f32 [tilespmem:s31], [sflag:$0x5], $0x40, s28, s24, $0xb8;
	[tilespmem:$0x1CE00] =	vst v63  }
0x77: {  	_ =	swait.ge [sflag:s22], $0x2000  }
0x78: {  	[sflag:s22] =	ssyncset.done $0x0  }
0x79: {  	s16 =	simm.s32 $0x380;
	s20 =	simm.s32 $0x800;
	[sflag:s22] =	ssyncadd.s32 $0xFFFFE000  }
.LBB2_4:
0x7a: {  	[tilespmem:s31], [sflag:$0x4] =	stream.indirect.gather [hbm4b:s4+s24], $0x40, s16, s24, $0xb8;
	[tilespmem:$0x1CE00] =	vst v63  }
0x7b: {  	s16 =	smov.u32 s20  }
0x7c: {  	p0 =	sne.s32 s20, $0x13000;
	s20 =	sadd.s32 $0x800, s20;
	_ =	swait.ge [sflag:s0], $0x2000  }
0x7d: {  	s28 =	sshra.s32 s16, $0x2;
	[sflag:s0] =	ssyncset.done $0x0  }
0x7e: {  	s16 =	sadd.s32 $0x5000, s28;
	[sflag:s0] =	ssyncadd.s32 $0xFFFFE000  }
0x7f: {  	[spmem:s2] =	stream.indirect.scatter.add.f32 [tilespmem:s25], [sflag:$0x5], $0x40, s16, s24, $0xb8;
	[tilespmem:$0x1CE00] =	vst v63  }
0x80: {  	_ =	swait.ge [sflag:s22], $0x2000  }
0x81: {  	[sflag:s22] =	ssyncset.done $0x0  }
0x82: {  	s16 =	sadd.s32 $0x200, s28;
	[sflag:s22] =	ssyncadd.s32 $0xFFFFE000  }
0x83: {  	[tilespmem:s25], [sflag:$0x1] =	stream.indirect.gather [hbm4b:s4+s24], $0x40, s16, s24, $0xb8;
	[tilespmem:$0x1CE00] =	vst v63  }
0x84: {  	_ =	swait.ge [sflag:s21], $0x2000  }
0x85: {  	[sflag:s21] =	ssyncset.done $0x0  }
0x86: {  	s16 =	sadd.s32 $0x5080, s28;
	[sflag:s21] =	ssyncadd.s32 $0xFFFFE000  }
0x87: {  	[spmem:s2] =	stream.indirect.scatter.add.f32 [tilespmem:s26], [sflag:$0x5], $0x40, s16, s24, $0xb8;
	[tilespmem:$0x1CE00] =	vst v63  }
0x88: {  	_ =	swait.ge [sflag:s22], $0x2000  }
0x89: {  	[sflag:s22] =	ssyncset.done $0x0  }
0x8a: {  	s16 =	sadd.s32 $0x280, s28;
	[sflag:s22] =	ssyncadd.s32 $0xFFFFE000  }
0x8b: {  	[tilespmem:s26], [sflag:$0x2] =	stream.indirect.gather [hbm4b:s4+s24], $0x40, s16, s24, $0xb8;
	[tilespmem:$0x1CE00] =	vst v63  }
0x8c: {  	_ =	swait.ge [sflag:s1], $0x2000  }
0x8d: {  	[sflag:s1] =	ssyncset.done $0x0  }
0x8e: {  	s16 =	sadd.s32 $0x5100, s28;
	[sflag:s1] =	ssyncadd.s32 $0xFFFFE000  }
0x8f: {  	[spmem:s2] =	stream.indirect.scatter.add.f32 [tilespmem:s29], [sflag:$0x5], $0x40, s16, s24, $0xb8;
	[tilespmem:$0x1CE00] =	vst v63  }
0x90: {  	_ =	swait.ge [sflag:s22], $0x2000  }
0x91: {  	[sflag:s22] =	ssyncset.done $0x0  }
0x92: {  	s16 =	sadd.s32 $0x300, s28;
	[sflag:s22] =	ssyncadd.s32 $0xFFFFE000  }
0x93: {  	[tilespmem:s29], [sflag:$0x3] =	stream.indirect.gather [hbm4b:s4+s24], $0x40, s16, s24, $0xb8;
	[tilespmem:$0x1CE00] =	vst v63  }
0x94: {  	_ =	swait.ge [sflag:s5], $0x2000  }
0x95: {  	[sflag:s5] =	ssyncset.done $0x0  }
.Ltmp1:
0x96: {  	s16 =	sadd.s32 $0x5180, s28;
	[sflag:s5] =	ssyncadd.s32 $0xFFFFE000;
	(pc) =	sbr.rel @p0 .LBB2_4-.Ltmp1, $4  }
0x97: {  	[spmem:s2] =	stream.indirect.scatter.add.f32 [tilespmem:s31], [sflag:$0x5], $0x40, s16, s24, $0xb8;
	[tilespmem:$0x1CE00] =	vst v63  }
0x98: {  	_ =	swait.ge [sflag:s22], $0x2000  }
0x99: {  	[sflag:s22] =	ssyncset.done $0x0  }
0x9a: {  	s16 =	sadd.s32 $0x380, s28;
	[sflag:s22] =	ssyncadd.s32 $0xFFFFE000  }
0x9b: {  	[tilespmem:s31], [sflag:$0x4] =	stream.indirect.gather [hbm4b:s4+s24], $0x40, s16, s24, $0xb8;
	[tilespmem:$0x1CE00] =	vst v63  }
0x9c: {  	_ =	swait.ge [sflag:s0], $0x2000  }
0x9d: {  	[sflag:s0] =	ssyncset.done $0x0  }
0x9e: {  	s20 =	simm.s32 $0x9E00;
	[sflag:s0] =	ssyncadd.s32 $0xFFFFE000  }
0x9f: {  	[spmem:s2] =	stream.indirect.scatter.add.f32 [tilespmem:s25], [sflag:$0x5], $0x40, s20, s24, $0xb8;
	[tilespmem:$0x1CE00] =	vst v63  }
0xa0: {  	_ =	swait.ge [sflag:s22], $0x2000  }
0xa1: {  	[sflag:s22] =	ssyncset.done $0x0  }
0xa2: {  	[sflag:s22] =	ssyncadd.s32 $0xFFFFE000  }
0xa3: {  	_ =	swait.ge [sflag:s21], $0x2000  }
0xa4: {  	[sflag:s21] =	ssyncset.done $0x0  }
0xa5: {  	s17 =	simm.s32 $0x9E80;
	[sflag:s21] =	ssyncadd.s32 $0xFFFFE000  }
0xa6: {  	[spmem:s2] =	stream.indirect.scatter.add.f32 [tilespmem:s26], [sflag:$0x5], $0x40, s17, s24, $0xb8;
	[tilespmem:$0x1CE00] =	vst v63  }
0xa7: {  	_ =	swait.ge [sflag:s22], $0x2000  }
0xa8: {  	[sflag:s22] =	ssyncset.done $0x0  }
0xa9: {  	[sflag:s22] =	ssyncadd.s32 $0xFFFFE000  }
0xaa: {  	_ =	swait.ge [sflag:s1], $0x2000  }
0xab: {  	[sflag:s1] =	ssyncset.done $0x0  }
0xac: {  	[sflag:s1] =	ssyncadd.s32 $0xFFFFE000  }
0xad: {  	[spmem:s2] =	stream.indirect.scatter.add.f32 [tilespmem:s29], [sflag:$0x5], $0x40, s18, s24, $0xb8;
	[tilespmem:$0x1CE00] =	vst v63  }
0xae: {  	_ =	swait.ge [sflag:s22], $0x2000  }
0xaf: {  	[sflag:s22] =	ssyncset.done $0x0  }
0xb0: {  	[sflag:s22] =	ssyncadd.s32 $0xFFFFE000  }
0xb1: {  	_ =	swait.ge [sflag:s5], $0x2000  }
0xb2: {  	[sflag:s5] =	ssyncset.done $0x0  }
0xb3: {  	[sflag:s5] =	ssyncadd.s32 $0xFFFFE000  }
0xb4: {  	[spmem:s2] =	stream.indirect.scatter.add.f32 [tilespmem:s31], [sflag:$0x5], $0x40, s19, s24, $0xb8;
	[tilespmem:$0x1CE00] =	vst v63  }
0xb5: {  	_ =	swait.ge [sflag:s22], $0x2000  }
0xb6: {  	[sflag:s22] =	ssyncset.done $0x0  }
0xb7: {  	s20 =	stileid.u32;
	[sflag:s22] =	ssyncadd.s32 $0xFFFFE000  }
0xb8: {  	s16 =	sshll.u32 s20, $0x6;
	[bflag:$0x0] =	sbarrier.arrive $0xFFFF  }
0xb9: {  	s20 =	sshrl.u32 s6, $0x3;
	s28 =	sor.u32 $0x1C05, s16;
	s17 =	rddreg [dreg:$0x5]  }
0xba: {  	[hbm:s17], [sflag:s28] =	dma.local [spmem:s20], $0x13C0  }
0xbb: {  	_ =	swait.ge [sflag:s22], $0x13C0  }
0xbc: {  	[sflag:s22] =	ssyncset.done $0x0  }
0xbd: {  	[sflag:s22] =	ssyncadd.s32 $0xFFFFEC40  }
0xbe: {  	[spmem:s6] =	stream.linear.scatter [tilespmem:s23], [sflag:$0x5], $0x1000, $0x38;
	[tilespmem:$0x1CE00] =	vst v63  }
0xbf: {  	_ =	swait.ge [sflag:s22], $0x1000  }
0xc0: {  	[sflag:s22] =	ssyncset.done $0x0  }
0xc1: {  	[sflag:s22] =	ssyncadd.s32 $0xFFFFF000  }
0xc2: {  	[spmem:s7] =	stream.linear.scatter [tilespmem:s23], [sflag:$0x5], $0x1000, $0x38;
	[tilespmem:$0x1CE00] =	vst v63  }
0xc3: {  	_ =	swait.ge [sflag:s22], $0x1000  }
0xc4: {  	[sflag:s22] =	ssyncset.done $0x0  }
0xc5: {  	[sflag:s22] =	ssyncadd.s32 $0xFFFFF000  }
0xc6: {  	[spmem:s8] =	stream.linear.scatter [tilespmem:s23], [sflag:$0x5], $0x1000, $0x38;
	[tilespmem:$0x1CE00] =	vst v63  }
0xc7: {  	_ =	swait.ge [sflag:s22], $0x1000  }
0xc8: {  	[sflag:s22] =	ssyncset.done $0x0  }
0xc9: {  	[sflag:s22] =	ssyncadd.s32 $0xFFFFF000  }
0xca: {  	[spmem:s9] =	stream.linear.scatter [tilespmem:s23], [sflag:$0x5], $0x1000, $0x38;
	[tilespmem:$0x1CE00] =	vst v63  }
0xcb: {  	_ =	swait.ge [sflag:s22], $0x1000  }
0xcc: {  	[sflag:s22] =	ssyncset.done $0x0  }
0xcd: {  	[sflag:s22] =	ssyncadd.s32 $0xFFFFF000  }
0xce: {  	[spmem:s10] =	stream.linear.scatter [tilespmem:s23], [sflag:$0x5], $0x1000, $0x38;
	[tilespmem:$0x1CE00] =	vst v63  }
0xcf: {  	_ =	swait.ge [sflag:s22], $0x1000  }
0xd0: {  	[sflag:s22] =	ssyncset.done $0x0  }
0xd1: {  	[sflag:s22] =	ssyncadd.s32 $0xFFFFF000  }
0xd2: {  	[spmem:s11] =	stream.linear.scatter [tilespmem:s23], [sflag:$0x5], $0x1000, $0x38;
	[tilespmem:$0x1CE00] =	vst v63  }
0xd3: {  	_ =	swait.ge [sflag:s22], $0x1000  }
0xd4: {  	[sflag:s22] =	ssyncset.done $0x0  }
0xd5: {  	[sflag:s22] =	ssyncadd.s32 $0xFFFFF000  }
0xd6: {  	[spmem:s12] =	stream.linear.scatter [tilespmem:s23], [sflag:$0x5], $0x1000, $0x38;
	[tilespmem:$0x1CE00] =	vst v63  }
0xd7: {  	_ =	swait.ge [sflag:s22], $0x1000  }
0xd8: {  	[sflag:s22] =	ssyncset.done $0x0  }
0xd9: {  	[sflag:s22] =	ssyncadd.s32 $0xFFFFF000  }
0xda: {  	[spmem:s13] =	stream.linear.scatter [tilespmem:s23], [sflag:$0x5], $0x1000, $0x38;
	[tilespmem:$0x1CE00] =	vst v63  }
0xdb: {  	_ =	swait.ge [sflag:s22], $0x1000  }
0xdc: {  	[sflag:s22] =	ssyncset.done $0x0  }
0xdd: {  	[sflag:s22] =	ssyncadd.s32 $0xFFFFF000  }
0xde: {  	[spmem:s14] =	stream.linear.scatter [tilespmem:s23], [sflag:$0x5], $0x1000, $0x38;
	[tilespmem:$0x1CE00] =	vst v63  }
0xdf: {  	_ =	swait.ge [sflag:s22], $0x1000  }
0xe0: {  	[sflag:s22] =	ssyncset.done $0x0  }
0xe1: {  	[sflag:s22] =	ssyncadd.s32 $0xFFFFF000  }
0xe2: {  	[spmem:s15] =	stream.linear.scatter [tilespmem:s23], [sflag:$0x5], $0xE00, $0x38;
	[tilespmem:$0x1CE00] =	vst v63  }
0xe3: {  	_ =	swait.ge [sflag:s22], $0xE00  }
0xe4: {  	[sflag:s22] =	ssyncset.done $0x0  }
0xe5: {  	s16 =	simm.s32 $0x0;
	s17 =	rddreg [dreg:$0x6];
	[sflag:s22] =	ssyncadd.s32 $0xFFFFF200  }
0xe6: {  	[tilespmem:s16], [sflag:$0x5] =	stream.linear.gather [hbm4b:s17+s16], $0x5000, $0x38;
	[tilespmem:$0x1CE00] =	vst v63  }
0xe7: {  	_ =	swait.ge [sflag:s22], $0x5000  }
0xe8: {  	[sflag:s22] =	ssyncset.done $0x0  }
0xe9: {  	[sflag:s22] =	ssyncadd.s32 $0xFFFFB000  }
0xea: {  	[bflag:$0x0] =	sbarrier.arrive $0xFFFF  }
0xeb: {  	[tilespmem:s25], [sflag:$0x1] =	stream.indirect.gather [hbm4b:s4+s24], $0x40, s16, s24, $0xb8;
	[tilespmem:$0x1CE00] =	vst v63  }
0xec: {  	_ = 	snop  }
0xed: {  	[tilespmem:s26], [sflag:$0x2] =	stream.indirect.gather [hbm4b:s4+s24], $0x40, s24, s24, $0xb8;
	[tilespmem:$0x1CE00] =	vst v63  }
0xee: {  	_ = 	snop  }
0xef: {  	[tilespmem:s29], [sflag:$0x3] =	stream.indirect.gather [hbm4b:s4+s24], $0x40, s30, s24, $0xb8;
	[tilespmem:$0x1CE00] =	vst v63  }
0xf0: {  	s17 =	simm.s32 $0x180  }
0xf1: {  	[tilespmem:s31], [sflag:$0x4] =	stream.indirect.gather [hbm4b:s4+s24], $0x40, s17, s24, $0xb8;
	[tilespmem:$0x1CE00] =	vst v63  }
0xf2: {  	_ =	swait.ge [sflag:s0], $0x2000  }
0xf3: {  	[sflag:s0] =	ssyncset.done $0x0  }
0xf4: {  	s17 =	simm.s32 $0x5000;
	[sflag:s0] =	ssyncadd.s32 $0xFFFFE000  }
0xf5: {  	[spmem:s2] =	stream.indirect.scatter.add.f32 [tilespmem:s25], [sflag:$0x5], $0x40, s17, s24, $0xb8;
	[tilespmem:$0x1CE00] =	vst v63  }
0xf6: {  	_ =	swait.ge [sflag:s22], $0x2000  }
0xf7: {  	[sflag:s22] =	ssyncset.done $0x0  }
0xf8: {  	s17 =	simm.s32 $0x200;
	[sflag:s22] =	ssyncadd.s32 $0xFFFFE000  }
0xf9: {  	[tilespmem:s25], [sflag:$0x1] =	stream.indirect.gather [hbm4b:s4+s24], $0x40, s17, s24, $0xb8;
	[tilespmem:$0x1CE00] =	vst v63  }
0xfa: {  	_ =	swait.ge [sflag:s21], $0x2000  }
0xfb: {  	[sflag:s21] =	ssyncset.done $0x0  }
0xfc: {  	s17 =	simm.s32 $0x5080;
	[sflag:s21] =	ssyncadd.s32 $0xFFFFE000  }
0xfd: {  	[spmem:s2] =	stream.indirect.scatter.add.f32 [tilespmem:s26], [sflag:$0x5], $0x40, s17, s24, $0xb8;
	[tilespmem:$0x1CE00] =	vst v63  }
0xfe: {  	_ =	swait.ge [sflag:s22], $0x2000  }
0xff: {  	[sflag:s22] =	ssyncset.done $0x0  }
0x100: {  	s17 =	simm.s32 $0x280;
	[sflag:s22] =	ssyncadd.s32 $0xFFFFE000  }
0x101: {  	[tilespmem:s26], [sflag:$0x2] =	stream.indirect.gather [hbm4b:s4+s24], $0x40, s17, s24, $0xb8;
	[tilespmem:$0x1CE00] =	vst v63  }
0x102: {  	_ =	swait.ge [sflag:s1], $0x2000  }
0x103: {  	[sflag:s1] =	ssyncset.done $0x0  }
0x104: {  	s17 =	simm.s32 $0x5100;
	[sflag:s1] =	ssyncadd.s32 $0xFFFFE000  }
0x105: {  	[spmem:s2] =	stream.indirect.scatter.add.f32 [tilespmem:s29], [sflag:$0x5], $0x40, s17, s24, $0xb8;
	[tilespmem:$0x1CE00] =	vst v63  }
0x106: {  	_ =	swait.ge [sflag:s22], $0x2000  }
0x107: {  	[sflag:s22] =	ssyncset.done $0x0  }
0x108: {  	s17 =	simm.s32 $0x300;
	[sflag:s22] =	ssyncadd.s32 $0xFFFFE000  }
0x109: {  	[tilespmem:s29], [sflag:$0x3] =	stream.indirect.gather [hbm4b:s4+s24], $0x40, s17, s24, $0xb8;
	[tilespmem:$0x1CE00] =	vst v63  }
0x10a: {  	_ =	swait.ge [sflag:s5], $0x2000  }
0x10b: {  	[sflag:s5] =	ssyncset.done $0x0  }
0x10c: {  	s17 =	simm.s32 $0x5180;
	[sflag:s5] =	ssyncadd.s32 $0xFFFFE000  }
0x10d: {  	[spmem:s2] =	stream.indirect.scatter.add.f32 [tilespmem:s31], [sflag:$0x5], $0x40, s17, s24, $0xb8;
	[tilespmem:$0x1CE00] =	vst v63  }
0x10e: {  	_ =	swait.ge [sflag:s22], $0x2000  }
0x10f: {  	[sflag:s22] =	ssyncset.done $0x0  }
0x110: {  	s16 =	simm.s32 $0x380;
	s30 =	simm.s32 $0x800;
	[sflag:s22] =	ssyncadd.s32 $0xFFFFE000  }
.LBB2_6:
0x111: {  	[tilespmem:s31], [sflag:$0x4] =	stream.indirect.gather [hbm4b:s4+s24], $0x40, s16, s24, $0xb8;
	[tilespmem:$0x1CE00] =	vst v63  }
0x112: {  	s16 =	smov.u32 s30  }
0x113: {  	p0 =	sne.s32 s30, $0x13000;
	s30 =	sadd.s32 $0x800, s30;
	_ =	swait.ge [sflag:s0], $0x2000  }
0x114: {  	s16 =	sshra.s32 s16, $0x2;
	[sflag:s0] =	ssyncset.done $0x0  }
0x115: {  	s17 =	sadd.s32 $0x5000, s16;
	[sflag:s0] =	ssyncadd.s32 $0xFFFFE000  }
0x116: {  	[spmem:s2] =	stream.indirect.scatter.add.f32 [tilespmem:s25], [sflag:$0x5], $0x40, s17, s24, $0xb8;
	[tilespmem:$0x1CE00] =	vst v63  }
0x117: {  	_ =	swait.ge [sflag:s22], $0x2000  }
0x118: {  	[sflag:s22] =	ssyncset.done $0x0  }
0x119: {  	s17 =	sadd.s32 $0x200, s16;
	[sflag:s22] =	ssyncadd.s32 $0xFFFFE000  }
0x11a: {  	[tilespmem:s25], [sflag:$0x1] =	stream.indirect.gather [hbm4b:s4+s24], $0x40, s17, s24, $0xb8;
	[tilespmem:$0x1CE00] =	vst v63  }
0x11b: {  	_ =	swait.ge [sflag:s21], $0x2000  }
0x11c: {  	[sflag:s21] =	ssyncset.done $0x0  }
0x11d: {  	s17 =	sadd.s32 $0x5080, s16;
	[sflag:s21] =	ssyncadd.s32 $0xFFFFE000  }
0x11e: {  	[spmem:s2] =	stream.indirect.scatter.add.f32 [tilespmem:s26], [sflag:$0x5], $0x40, s17, s24, $0xb8;
	[tilespmem:$0x1CE00] =	vst v63  }
0x11f: {  	_ =	swait.ge [sflag:s22], $0x2000  }
0x120: {  	[sflag:s22] =	ssyncset.done $0x0  }
0x121: {  	s17 =	sadd.s32 $0x280, s16;
	[sflag:s22] =	ssyncadd.s32 $0xFFFFE000  }
0x122: {  	[tilespmem:s26], [sflag:$0x2] =	stream.indirect.gather [hbm4b:s4+s24], $0x40, s17, s24, $0xb8;
	[tilespmem:$0x1CE00] =	vst v63  }
0x123: {  	_ =	swait.ge [sflag:s1], $0x2000  }
0x124: {  	[sflag:s1] =	ssyncset.done $0x0  }
0x125: {  	s17 =	sadd.s32 $0x5100, s16;
	[sflag:s1] =	ssyncadd.s32 $0xFFFFE000  }
0x126: {  	[spmem:s2] =	stream.indirect.scatter.add.f32 [tilespmem:s29], [sflag:$0x5], $0x40, s17, s24, $0xb8;
	[tilespmem:$0x1CE00] =	vst v63  }
0x127: {  	_ =	swait.ge [sflag:s22], $0x2000  }
0x128: {  	[sflag:s22] =	ssyncset.done $0x0  }
0x129: {  	s17 =	sadd.s32 $0x300, s16;
	[sflag:s22] =	ssyncadd.s32 $0xFFFFE000  }
0x12a: {  	[tilespmem:s29], [sflag:$0x3] =	stream.indirect.gather [hbm4b:s4+s24], $0x40, s17, s24, $0xb8;
	[tilespmem:$0x1CE00] =	vst v63  }
0x12b: {  	_ =	swait.ge [sflag:s5], $0x2000  }
0x12c: {  	[sflag:s5] =	ssyncset.done $0x0  }
.Ltmp2:
0x12d: {  	s17 =	sadd.s32 $0x5180, s16;
	[sflag:s5] =	ssyncadd.s32 $0xFFFFE000;
	(pc) =	sbr.rel @p0 .LBB2_6-.Ltmp2, $4  }
0x12e: {  	[spmem:s2] =	stream.indirect.scatter.add.f32 [tilespmem:s31], [sflag:$0x5], $0x40, s17, s24, $0xb8;
	[tilespmem:$0x1CE00] =	vst v63  }
0x12f: {  	_ =	swait.ge [sflag:s22], $0x2000  }
0x130: {  	[sflag:s22] =	ssyncset.done $0x0  }
0x131: {  	s16 =	sadd.s32 $0x380, s16;
	[sflag:s22] =	ssyncadd.s32 $0xFFFFE000  }
0x132: {  	[tilespmem:s31], [sflag:$0x4] =	stream.indirect.gather [hbm4b:s4+s24], $0x40, s16, s24, $0xb8;
	[tilespmem:$0x1CE00] =	vst v63  }
0x133: {  	_ =	swait.ge [sflag:s0], $0x2000  }
0x134: {  	[sflag:s0] =	ssyncset.done $0x0  }
0x135: {  	s17 =	simm.s32 $0x9E00;
	[sflag:s0] =	ssyncadd.s32 $0xFFFFE000  }
0x136: {  	[spmem:s2] =	stream.indirect.scatter.add.f32 [tilespmem:s25], [sflag:$0x5], $0x40, s17, s24, $0xb8;
	[tilespmem:$0x1CE00] =	vst v63  }
0x137: {  	_ =	swait.ge [sflag:s22], $0x2000  }
0x138: {  	[sflag:s22] =	ssyncset.done $0x0  }
0x139: {  	[sflag:s22] =	ssyncadd.s32 $0xFFFFE000  }
0x13a: {  	_ =	swait.ge [sflag:s21], $0x2000  }
0x13b: {  	[sflag:s21] =	ssyncset.done $0x0  }
0x13c: {  	s17 =	simm.s32 $0x9E80;
	[sflag:s21] =	ssyncadd.s32 $0xFFFFE000  }
0x13d: {  	[spmem:s2] =	stream.indirect.scatter.add.f32 [tilespmem:s26], [sflag:$0x5], $0x40, s17, s24, $0xb8;
	[tilespmem:$0x1CE00] =	vst v63  }
0x13e: {  	_ =	swait.ge [sflag:s22], $0x2000  }
0x13f: {  	[sflag:s22] =	ssyncset.done $0x0  }
0x140: {  	[sflag:s22] =	ssyncadd.s32 $0xFFFFE000  }
0x141: {  	_ =	swait.ge [sflag:s1], $0x2000  }
0x142: {  	[sflag:s1] =	ssyncset.done $0x0  }
0x143: {  	[sflag:s1] =	ssyncadd.s32 $0xFFFFE000  }
0x144: {  	[spmem:s2] =	stream.indirect.scatter.add.f32 [tilespmem:s29], [sflag:$0x5], $0x40, s18, s24, $0xb8;
	[tilespmem:$0x1CE00] =	vst v63  }
0x145: {  	_ =	swait.ge [sflag:s22], $0x2000  }
0x146: {  	[sflag:s22] =	ssyncset.done $0x0  }
0x147: {  	[sflag:s22] =	ssyncadd.s32 $0xFFFFE000  }
0x148: {  	_ =	swait.ge [sflag:s5], $0x2000  }
0x149: {  	[sflag:s5] =	ssyncset.done $0x0  }
0x14a: {  	[sflag:s5] =	ssyncadd.s32 $0xFFFFE000  }
0x14b: {  	[spmem:s2] =	stream.indirect.scatter.add.f32 [tilespmem:s31], [sflag:$0x5], $0x40, s19, s24, $0xb8;
	[tilespmem:$0x1CE00] =	vst v63  }
0x14c: {  	_ =	swait.ge [sflag:s22], $0x2000  }
0x14d: {  	[sflag:s22] =	ssyncset.done $0x0  }
0x14e: {  	[sflag:s22] =	ssyncadd.s32 $0xFFFFE000  }
0x14f: {  	[bflag:$0x0] =	sbarrier.arrive $0xFFFF  }
0x150: {  	s17 =	rddreg [dreg:$0x7]  }
0x151: {  	[hbm:s17], [sflag:s28] =	dma.local [spmem:s20], $0x13C0  }
0x152: {  	_ =	swait.ge [sflag:s22], $0x13C0  }
0x153: {  	s3 =	sadd.s32 $0x1, s3;
	s28 =	rddreg [dreg:$0x8]  }
0x154: {  	p0 =	sne.s32 s3, s28  }
.Ltmp3:
0x155: {  	_ = 	snop;
	(pc) =	sbr.rel @p0 .LBB2_1-.Ltmp3, $3  }
0x156: {  	_ =	sdelay $0x1  }
0x157: {  	[sflag:s22] =	ssyncset.done $0x0  }
0x158: {  	s30 =	simm.s32 $0x100;
	[sflag:s22] =	ssyncadd.s32 $0xFFFFEC40  }
0x159: {  	_ =	sfence.sel $0x180000  }
0x15a: {  	[bflag:$0x0] =	sbarrier.arrive $0xFFFF  }
0x15b: {  	_ =	strace $0x9000004D  }
0x15c: {  	s0 =	stileid.u32;
	[bflag:$0x2] =	sbarrier.arrive $0xFFFF  }
0x15d: {  	p0 =	sne.s32 s0, $0x0;
	s0 =	rddreg [dreg:$0x2]  }
0x15e: {  	s0 =	sadd.s32 @!p0 $0x100000, s0  }
0x15f: {  	[sflag:s0] =	ssyncadd.tile.s32 @!p0 $0x1;
	_ =	shalt  }
.Lfunc_end2:
_tile_overlayer_lowered:
.L_overlay_start_2:
0x160: {  	(tag) =	ssettag $0x2  }
0x161: {  	s0 =	rddreg [dreg:$0x0];
	s2 =	stileid.u32  }
0x162: {  	s1 =	rddreg [dreg:$0x1];
	p0 =	sne.s32 s2, $0x0  }
0x163: {  	s3 =	rddreg [dreg:$0x2];
	[bflag:$0x3] =	sbarrier.arrive $0xFFFF;
	s2 =	simm.s32 @!p0 $0x1C05  }
0x164: {  	[timem:s3], [sflag:s2] =	dma.local @!p0 [hbm:s0], s1  }
0x165: {  	s0 =	simm.s32 @!p0 $0x5  }
0x166: {  	_ =	swait.ge @!p0 [sflag:s0], s1  }
0x167: {  	s1 =	ssub.s32 @!p0 $0x0, s1;
	[sflag:s0] =	ssyncset.done @!p0 $0x0  }
0x168: {  	[sflag:s0] =	ssyncadd.s32 @!p0 s1  }
0x169: {  	[bflag:$0x3] =	sbarrier.arrive $0xFFFF  }
0x16a: {  	_ =	shalt  }

// kernel: kernel.9.cloned.1.call-start
scs
__scs_entry_jumppad:
0x0: {  	(pc) =	sbr.rel $0x88, $3  }
0x1: {  	(tag) =	ssettag $0x0;
	lr =	simm.s32 $0x1  }
0x2: {  	[smem:$0x3F90] =	sst lr;
	_ =	strace $0xD0000000  }
0x3: {  	_ = 	snop  }
0x4: {  	_ = 	snop  }
0x5: {  	_ = 	snop  }
0x6: {  	_ = 	snop  }
0x7: {  	_ = 	snop  }
__scs_overlays_trampoline_lowered:
0x8: {  	[smem:$0x3F9F] =	sst s0  }
0x9: {  	[smem:$0x3FA0] =	sst s1  }
0xa: {  	[smem:$0x3FA1] =	sst s2  }
0xb: {  	[smem:$0x3FA2] =	sst s3  }
0xc: {  	[smem:$0x3FA3] =	sst s4  }
0xd: {  	[smem:$0x3FA4] =	sst s5  }
0xe: {  	[smem:$0x3FA5] =	sst s6  }
0xf: {  	[smem:$0x3FA6] =	sst s7  }
0x10: {  	[smem:$0x3FA7] =	sst s8  }
0x11: {  	[smem:$0x3FA8] =	sst s9;
	s0 =	simm.s32 @!p0 $0x0  }
0x12: {  	s1 =	sld [smem:$0x3F8E];
	s0 =	simm.s32 @p0 $0x1  }
0x13: {  	[smem:$0x3FA9] =	sst s0;
	s0 =	simm.s32 @!p1 $0x0  }
0x14: {  	s2 =	sld [smem:$0x3F8D];
	s0 =	simm.s32 @p1 $0x1  }
0x15: {  	[smem:$0x3FAA] =	sst s0;
	s0 =	simm.s32 @!p2 $0x0  }
0x16: {  	s3 =	sld [smem:$0x3FDB];
	s0 =	simm.s32 @p2 $0x1  }
0x17: {  	s4 =	simm.s32 $0x1BF5;
	[smem:$0x3FAC] =	sst s0  }
0x18: {  	s0 =	sld [smem:$0x3F8F];
	_ =	swait.ge [sflag:s4], $0x0  }
0x19: {  	s7 =	sld [smem:$0x3F90]  }
0x1a: {  	s8 =	sadd.s32 $0xFFFFE003, lr  }
0x1b: {  	s9 =	sadd.s32 $0xFFFFFEF7, lr;
	s5 =	simm.s32 $0xFFFFFFFF;
	p2 =	slt.u32 s8, $0xFFFFF086  }
0x1c: {  	p1 =	slt.u32 s9, $0xF7A;
	s5 =	simm.s32 @!p2 $0x0  }
0x1d: {  	s5 =	simm.s32 @p1 $0x1;
	p0 =	seq.s32 s7, s2  }
0x1e: {  	s7 =	smul.u32 @!p0 $0xF7A, s2;
	p2 =	seq.s32 @!p0 s5, $0x0  }
0x1f: {  	s9 =	smul.u32 $0xF7A, s1;
	s8 =	simm.s32 @!p0 $0x1BF5;
	p2 =	por !p2, p0  }
0x20: {  	[sflag:s8] =	ssyncset.s32 @!p0 $0xFFFFF086;
	s6 =	sadd.s32 @!p0 s3, s7;
	s7 =	simm.s32 @!p0 $0x108  }
0x21: {  	s3 =	sadd.s32 s3, s9;
	s6 =	sadd.s32 @!p0 $0x88, s6;
	s7 =	simm.s32 @p2 $0x1082  }
0x22: {  	[simem:s7], [sflag:s8] =	dma.local @!p0 [hbm:s6], $0xF7A  }
0x23: {  	s9 =	sor.u32 $0xD0000000, s2;
	s6 =	simm.s32 $0x108;
	_ =	swait.ge @!p0 [sflag:s8], $0x0  }
0x24: {  	s3 =	sadd.s32 $0x88, s3;
	s6 =	simm.s32 @!p1 $0x1082;
	[sflag:s4] =	ssyncset.s32 $0xFFFFF086  }
0x25: {  	[simem:s6], [sflag:s4] =	dma.local [hbm:s3], $0xF7A  }
0x26: {  	[smem:$0x3F90] =	sst s1;
	(tag) =	ssettag s2;
	_ =	strace s9  }
0x27: {  	s1 =	sld [smem:$0x3FA0]  }
0x28: {  	s2 =	sld [smem:$0x3FA1]  }
0x29: {  	s4 =	sld [smem:$0x3FA3]  }
0x2a: {  	p0 =	seq.s32 s5, $0x0;
	s5 =	sld [smem:$0x3FA4]  }
0x2b: {  	s6 =	sld [smem:$0x3FA5]  }
0x2c: {  	s7 =	sld [smem:$0x3FA6]  }
0x2d: {  	s3 =	simm.s32 $0x108;
	s8 =	sld [smem:$0x3FA7]  }
0x2e: {  	s3 =	simm.s32 @!p0 $0x1082;
	s9 =	sld [smem:$0x3FA8]  }
0x2f: {  	lr =	sadd.s32 s0, s3;
	s0 =	sld [smem:$0x3F9F]  }
0x30: {  	s3 =	sld [smem:$0x3FA2]  }
0x31: {  	[smem:$0x3FAB] =	sst s10  }
0x32: {  	s10 =	sld [smem:$0x3FA9];
	_ =	sdelay $0x3  }
0x33: {  	p0 =	seq.s32 s10, $0x1;
	s10 =	sld [smem:$0x3FAB];
	_ =	sdelay $0x3  }
0x34: {  	[smem:$0x3FAB] =	sst s10  }
0x35: {  	s10 =	sld [smem:$0x3FAA];
	_ =	sdelay $0x3  }
0x36: {  	p1 =	seq.s32 s10, $0x1;
	s10 =	sld [smem:$0x3FAB];
	_ =	sdelay $0x3  }
0x37: {  	[smem:$0x3FAB] =	sst s10  }
0x38: {  	s10 =	sld [smem:$0x3FAC]  }
0x39: {  	_ = 	snop;
	(pc) =	sbr.ind lr, $3  }
0x3a: {  	_ = 	snop  }
0x3b: {  	_ = 	snop  }
0x3c: {  	p2 =	seq.s32 s10, $0x1;
	s10 =	sld [smem:$0x3FAB]  }
0x3d: {  	_ =	shalt  }
0x3e: {  	_ =	shalt  }
0x3f: {  	_ =	shalt  }
0x40: {  	_ =	shalt  }
0x41: {  	_ =	shalt  }
0x42: {  	_ =	shalt  }
0x43: {  	_ =	shalt  }
0x44: {  	_ =	shalt  }
0x45: {  	_ =	shalt  }
0x46: {  	_ =	shalt  }
0x47: {  	_ =	shalt  }
0x48: {  	_ =	shalt  }
0x49: {  	_ =	shalt  }
0x4a: {  	_ =	shalt  }
0x4b: {  	_ =	shalt  }
0x4c: {  	_ =	shalt  }
0x4d: {  	_ =	shalt  }
0x4e: {  	_ =	shalt  }
0x4f: {  	_ =	shalt  }
0x50: {  	_ =	shalt  }
0x51: {  	_ =	shalt  }
0x52: {  	_ =	shalt  }
0x53: {  	_ =	shalt  }
0x54: {  	_ =	shalt  }
0x55: {  	_ =	shalt  }
0x56: {  	_ =	shalt  }
0x57: {  	_ =	shalt  }
0x58: {  	_ =	shalt  }
0x59: {  	_ =	shalt  }
0x5a: {  	_ =	shalt  }
0x5b: {  	_ =	shalt  }
0x5c: {  	_ =	shalt  }
0x5d: {  	_ =	shalt  }
0x5e: {  	_ =	shalt  }
0x5f: {  	_ =	shalt  }
0x60: {  	_ =	shalt  }
0x61: {  	_ =	shalt  }
0x62: {  	_ =	shalt  }
0x63: {  	_ =	shalt  }
0x64: {  	_ =	shalt  }
0x65: {  	_ =	shalt  }
0x66: {  	_ =	shalt  }
0x67: {  	_ =	shalt  }
0x68: {  	_ =	shalt  }
0x69: {  	_ =	shalt  }
0x6a: {  	_ =	shalt  }
0x6b: {  	_ =	shalt  }
0x6c: {  	_ =	shalt  }
0x6d: {  	_ =	shalt  }
0x6e: {  	_ =	shalt  }
0x6f: {  	_ =	shalt  }
0x70: {  	_ =	shalt  }
0x71: {  	_ =	shalt  }
0x72: {  	_ =	shalt  }
0x73: {  	_ =	shalt  }
0x74: {  	_ =	shalt  }
0x75: {  	_ =	shalt  }
0x76: {  	_ =	shalt  }
0x77: {  	_ =	shalt  }
0x78: {  	_ =	shalt  }
0x79: {  	_ =	shalt  }
0x7a: {  	_ =	shalt  }
0x7b: {  	_ =	shalt  }
0x7c: {  	_ =	shalt  }
0x7d: {  	_ =	shalt  }
0x7e: {  	_ =	shalt  }
0x7f: {  	_ =	shalt  }
0x80: {  	_ =	shalt  }
0x81: {  	_ =	shalt  }
0x82: {  	_ =	shalt  }
0x83: {  	_ =	shalt  }
0x84: {  	_ =	shalt  }
0x85: {  	_ =	shalt  }
0x86: {  	_ =	shalt  }
0x87: {  	_ =	shalt  }
.Lfunc_end0:
.L_simem_size_0:
called_computation_lowered:
.L_overlay_start_0:
0x88: {  	s2 =	sld [smem:$0x3FD9]  }
0x89: {  	s3 =	sld [smem:$0x3FFE];
	_ =	sdelay $0x1  }
0x8a: {  	s1 =	srdreg.scid  }
0x8b: {  	s0 =	sand.u32 $0x1, s1  }
0x8c: {  	s16 =	sshll.u32 s0, $0xA;
	s2 =	sadd.s32 s3, s2  }
0x8d: {  	s2 =	sadd.s32 s2, s16  }
0x8e: {  	[smem:$0x3FB7] =	sst s2  }
0x8f: {  	_ = 	snop  }
0x90: {  	(tm) =	ssettm $0x1  }
0x91: {  	s17 =	sld [smem:$0x3FFB];
	_ =	sdelay $0x3  }
0x92: {  	_ =	strace s17  }
0x93: {  	s2 =	sld [smem:$0x3FFC];
	_ =	sdelay $0x3  }
0x94: {  	_ =	strace s2  }
0x95: {  	s2 =	sld [smem:$0x3FFD];
	_ =	sdelay $0x3  }
0x96: {  	_ =	strace s2  }
0x97: {  	_ =	strace $0x8FFFFFFF  }
0x98: {  	s18 =	sld [smem:$0x3FDB];
	_ =	sdelay $0x1  }
0x99: {  	s19 =	simm.s32 $_scs_section_size  }
0x9a: {  	s4 =	simm.s32 $_size__tile_overlayer_lowered;
	s5 =	simm.s32 $_tile_overlayer_lowered  }
0x9b: {  	s22 =	simm.s32 $0x1BFF;
	s21 =	sshll.u32 s5, $0x1;
	s2 =	sadd.s32 s19, s18  }
0x9c: {  	s6 =	simm.s32 $0x0;
	s20 =	sshll.u32 s4, $0x1;
	s4 =	sadd.s32 s21, s2  }
0x9d: {  	[timem:s6], [sflag:s22] =	dma.local [hbm:s4], s20  }
0x9e: {  	_ =	swait.ge [sflag:s22], s20  }
0x9f: {  	s3 =	ssub.s32 $0x0, s20;
	[sflag:s22] =	ssyncset.done $0x0  }
0xa0: {  	[sflag:s22] =	ssyncadd.s32 s3;
	_ =	sdelay $0x1  }
0xa1: {  	s23 =	simm.s32 $0x1B8B  }
0xa2: {  	_ =	swait.ge [sflag:s23], $0x1  }
0xa3: {  	[sflag:s23] =	ssyncset.done $0x0  }
0xa4: {  	s25 =	simm.s32 $0x1B8E;
	s24 =	sld [smem:$0x3FFE];
	[sflag:s23] =	ssyncadd.s32 $0xFFFFFFFF  }
0xa5: {  	s26 =	simm.s32 $execute0_lowered;
	[smem:$0x3FD2] =	sst s25  }
0xa6: {  	s4 =	sshll.u32 s26, $0x1;
	_ =	strace $0x80000046;
	[dreg:$0x1] =	wrdreg $0xFFFFFFFF  }
0xa7: {  	s28 =	simm.s32 $_size_execute0_lowered;
	s2 =	sadd.s32 s2, s4;
	[dreg:$0x0] =	wrdreg $0x0  }
0xa8: {  	s4 =	sshll.u32 s28, $0x1;
	[dreg:$0x2] =	wrdreg s2  }
0xa9: {  	[dreg:$0x3] =	wrdreg s4  }
0xaa: {  	[dreg:$0x4] =	wrdreg $0xC0  }
0xab: {  	_ =	task [dreg:s6], $0x5FFFF  }
0xac: {  	[dreg:$0x1] =	wrdreg $0xFFFFFFFF  }
0xad: {  	[dreg:$0x0] =	wrdreg $0x60  }
0xae: {  	[dreg:$0x2] =	wrdreg s24  }
0xaf: {  	[dreg:$0x3] =	wrdreg $0x57800  }
0xb0: {  	[dreg:$0x4] =	wrdreg $0x9  }
0xb1: {  	_ =	task.clear_ibuf [dreg:s6], $0x5FFFF;
	_ =	strace $0x90000046  }
0xb2: {  	s29 =	simm.s32 $0x9;
	_ =	strace $0x80000048  }
0xb3: {  	_ =	swait.ge [sflag:s29], $0x1  }
0xb4: {  	[sflag:s29] =	ssyncadd.s32 $0xFFFFFFFF  }
0xb5: {  	_ =	strace $0x90000048  }
0xb6: {  	_ =	sfence  }
0xb7: {  	s30 =	sld [smem:$0x0];
	_ =	sdelay $0x2  }
0xb8: {  	s31 =	sshll.u32 s1, $0xD;
	s1 =	sshrl.u32 s1, $0x2  }
0xb9: {  	s3 =	sand.u32 $0x4000, s31;
	s1 =	sadd.s32 s1, s30  }
0xba: {  	s0 =	sor.u32 s3, s0;
	s1 =	sshll.u32 s1, $0x11  }
0xbb: {  	s0 =	sor.u32 s1, s0  }
0xbc: {  	s0 =	sadd.s32 $0x8F2B, s0  }
0xbd: {  	[sflag:s0] =	ssyncadd.remote.s32 $0x1  }
0xbe: {  	_ =	sfence.sel $0xFFFF  }
0xbf: {  	[dreg:$0x0] =	wrdreg $0xFFFFFFFF;
	(pc) =	sbr.abs _section_cstart, $3  }
0xc0: {  	[dreg:$0x1] =	wrdreg $0xFFFFFFFF  }
0xc1: {  	_ =	task.clear_ibuf [dreg:s6], $0x2FFFF;
	_ =	strace $0x9FFFFFFF  }
0xc2: {  	(tm) =	ssettm $0x7FFFFFFF  }
0xc3: {  	_ =	shalt  }
tec
execute0_lowered:
.L_overlay_start_1:
0x0: {  	(tag) =	ssettag $0x1  }
0x1: {  	s0 =	srdreg.scid;
	s4 =	rddreg [dreg:$0x0]  }
0x2: {  	s2 =	rddreg [dreg:$0x1];
	s5 =	sand.u32 $0x1, s0  }
0x3: {  	s0 =	stileid.u32;
	s6 =	smul.u32 $0x5000, s5  }
0x4: {  	s1 =	rddreg [dreg:$0x2];
	s7 =	smul.u32 $0x2780, s0  }
0x5: {  	s3 =	simm.s32 $0x0;
	s10 =	simm.s32 $0x80;
	s8 =	smul.u32 $0x27800, s5  }
0x6: {  	s11 =	simm.s32 $0x2800;
	[smem:$0x7FF] =	sst s3;
	s9 =	smul.u32 $0x500, s0  }
0x7: {  	_ =	strace $0x80000047;
	s5 =	ssub.s32 $0x2, s5;
	s12 =	sshll.u32 s0, $0x6  }
0x8: {  	s30 =	sshrl.u32 s5, $0x1;
	s12 =	sor.u32 $0x1C01, s12;
	s8 =	sadd.s32 s7, s8  }
0x9: {  	s6 =	sadd.s32 s9, s6;
	s31 =	ssub.s32 s5, s30;
	s8 =	sshrl.u32 s8, $0x3  }
0xa: {  	s9 =	simm.s32 $0x1;
	s6 =	sadd.s32 s6, s4;
	s8 =	sadd.s32 s8, s4  }
0xb: {  	s4 =	sadd.s32 s7, s2;
	s5 =	sadd.s32 $0x2600, s6;
	s7 =	smax.u32 s31, $0x1  }
0xc: {  	v0 =	vimm.f32 $1.000000000e+00;
	v1 =	vimm.f32 $0.0e+00;
	s6 =	sadd.s32 $0xC600, s8;
	s8 =	simm.s32 $0x3000;
	s13 =	sshrl.u32 s4, $0x3  }
.LBB2_1:
0xd: {  	s14 =	simm.s32 $0x0  }
.LBB2_2:
0xe: {  	p0 =	sne.s32 s14, $0x1FC0  }
.Ltmp0:
0xf: {  	_ = 	snop;
	(pc) =	sbr.rel @p0 .LBB2_2-.Ltmp0, $3  }
0x10: {  	_ =	sdelay $0x1  }
0x11: {  	s15 =	sshra.s32 s14, $0x2  }
0x12: {  	s14 =	sadd.s32 $0x40, s14;
	[tilespmem:s15+$0x2800] =	vst v0  }
0x13: {  	s14 =	simm.s32 $0x40;
	s15 =	simm.s32 $0x0  }
.LBB2_4:
0x14: {  	p0 =	sne.s32 s14, $0x9DC0;
	[tilespmem:s15+$0x3000] =	vst v1;
	s15 =	smov.u32 s14;
	s14 =	sadd.s32 $0x40, s14  }
.Ltmp1:
0x15: {  	(pc) =	sbr.rel @p0 .LBB2_4-.Ltmp1, $2  }
0x16: {  	_ =	sdelay $0x2  }
0x17: {  	s15 =	sshra.s32 s15, $0x2  }
0x18: {  	[tilespmem:s15+$0x3000] =	vst v1  }
0x19: {  	[spmem:s4] =	stream.linear.scatter [tilespmem:s8], [sflag:$0x1], $0x2780, $0x38;
	[tilespmem:$0x7F00] =	vst v63  }
0x1a: {  	_ =	swait.ge [sflag:s9], $0x2780  }
0x1b: {  	[sflag:s9] =	ssyncset.done $0x0  }
0x1c: {  	[sflag:s9] =	ssyncadd.s32 $0xFFFFD880  }
0x1d: {  	s14 =	simm.s32 $0x0;
	[bflag:$0x0] =	sbarrier.arrive $0xFFFF  }
0x1e: {  	[tilespmem:s14], [sflag:$0x1] =	stream.linear.gather [hbm4b:s5+s14], $0x2800, $0x38;
	[tilespmem:$0x7F00] =	vst v63  }
0x1f: {  	_ =	swait.ge [sflag:s9], $0x2800  }
0x20: {  	[sflag:s9] =	ssyncset.done $0x0  }
0x21: {  	s31 =	simm.s32 $0x0;
	[sflag:s9] =	ssyncadd.s32 $0xFFFFD800  }
0x22: {  	[spmem:s2] =	stream.indirect.scatter.add.f32 [tilespmem:s11], [sflag:$0x1], $0x10, s31, s10, $0xb8;
	[tilespmem:$0x7F00] =	vst v63  }
0x23: {  	_ =	swait.ge [sflag:s9], $0x800  }
0x24: {  	s14 =	simm.s32 $0x200;
	[sflag:s9] =	ssyncset.done $0x0  }
.LBB2_6:
0x25: {  	s15 =	sshra.s32 s14, $0x2;
	[sflag:s9] =	ssyncadd.s32 $0xFFFFF800;
	p0 =	sne.s32 s14, $0x9E00  }
0x26: {  	[spmem:s2] =	stream.indirect.scatter.add.f32 [tilespmem:s11], [sflag:$0x1], $0x10, s15, s10, $0xb8;
	[tilespmem:$0x7F00] =	vst v63  }
.Ltmp2:
0x27: {  	_ = 	snop;
	(pc) =	sbr.rel @p0 .LBB2_6-.Ltmp2, $4  }
0x28: {  	_ = 	snop  }
0x29: {  	s14 =	sadd.s32 $0x200, s14  }
0x2a: {  	_ =	swait.ge [sflag:s9], $0x800  }
0x2b: {  	[sflag:s9] =	ssyncset.done $0x0  }
0x2c: {  	s3 =	sadd.s32 $0x1, s3  }
0x2d: {  	[sflag:s9] =	ssyncadd.s32 $0xFFFFF800;
	p0 =	sne.s32 s3, s7  }
.Ltmp3:
0x2e: {  	[bflag:$0x0] =	sbarrier.arrive $0xFFFF;
	(pc) =	sbr.rel @p0 .LBB2_1-.Ltmp3, $4  }
0x2f: {  	[hbm:s6], [sflag:s12] =	dma.local [spmem:s13], $0x4F0  }
0x30: {  	_ =	swait.ge [sflag:s9], $0x4F0  }
0x31: {  	[sflag:s9] =	ssyncset.done $0x0  }
0x32: {  	[sflag:s9] =	ssyncadd.s32 $0xFFFFFB10  }
0x33: {  	_ =	sfence.sel $0x180000  }
0x34: {  	[bflag:$0x0] =	sbarrier.arrive $0xFFFF  }
0x35: {  	p0 =	sne.s32 s0, $0x0;
	_ =	strace $0x90000047  }
0x36: {  	s0 =	sadd.s32 @!p0 $0x100000, s1;
	[bflag:$0x2] =	sbarrier.arrive $0xFFFF  }
0x37: {  	[sflag:s0] =	ssyncadd.tile.s32 @!p0 $0x1;
	_ =	shalt  }
.Lfunc_end2:
_tile_overlayer_lowered:
.L_overlay_start_2:
0x38: {  	(tag) =	ssettag $0x2  }
0x39: {  	s0 =	rddreg [dreg:$0x0];
	s2 =	stileid.u32  }
0x3a: {  	s1 =	rddreg [dreg:$0x1];
	p0 =	sne.s32 s2, $0x0  }
0x3b: {  	s3 =	rddreg [dreg:$0x2];
	[bflag:$0x3] =	sbarrier.arrive $0xFFFF;
	s2 =	simm.s32 @!p0 $0x1C01  }
0x3c: {  	[timem:s3], [sflag:s2] =	dma.local @!p0 [hbm:s0], s1  }
0x3d: {  	s0 =	simm.s32 @!p0 $0x1  }
0x3e: {  	_ =	swait.ge @!p0 [sflag:s0], s1  }
0x3f: {  	s1 =	ssub.s32 @!p0 $0x0, s1;
	[sflag:s0] =	ssyncset.done @!p0 $0x0  }
0x40: {  	[sflag:s0] =	ssyncadd.s32 @!p0 s1  }
0x41: {  	[bflag:$0x3] =	sbarrier.arrive $0xFFFF  }
0x42: {  	_ =	shalt  }

</sc_bundles>
